<compile_context>
chip_gen: v7x
topology: tpu7x:2x2x1
jax: 0.10.2.dev20260603
libtpu: 0.0.44.dev20260713+nightly
codegen_flags: <defaults>
</compile_context>

<pallas_src>
import functools

import jax
import jax.numpy as jnp
from jax import lax
from jax.experimental import pallas as pl
from jax.experimental.pallas import tpu as pltpu
from jax.experimental.pallas import tpu_sc as plsc

_B, _N, _K, _CIN, _COUT = 2, 4096, 16, 128, 128
_D = 2 * _COUT
_W = _D // 2
_CP = 3 + _CIN + 1
_EPS = 1e-5

_NC, _NS = 2, 16
_NW = _NC * _NS
_PTS = _B * _N
_PW = _PTS // _NW
_P = 8
_NCHUNK = _PW // _P

_BLKA = 512


def _mm_body(p_ref, w_ref, nbr_ref, ctr_ref):
    r = jnp.dot(p_ref[...], w_ref[...], preferred_element_type=jnp.float32)
    fb = lax.bitcast_convert_type(r[:, :_D], jnp.int32)
    key = fb ^ ((fb >> 31) & jnp.int32(0x7FFFFFFF))
    k16 = (key + jnp.int32(0x8000)) >> 16
    nbr_ref[...] = (k16[:, _W:] << 16) | (k16[:, :_W] & jnp.int32(0xFFFF))
    ctr_ref[...] = r[:, _D:]


def _tables(p_all, w_comb):
    grid = _PTS // _BLKA
    return pl.pallas_call(
        _mm_body,
        grid=(grid,),
        in_specs=[
            pl.BlockSpec((_BLKA, _CP), lambda i: (i, 0)),
            pl.BlockSpec((_CP, 2 * _D), lambda i: (0, 0)),
        ],
        out_specs=[
            pl.BlockSpec((_BLKA, _W), lambda i: (i, 0)),
            pl.BlockSpec((_BLKA, _D), lambda i: (i, 0)),
        ],
        out_shape=[
            jax.ShapeDtypeStruct((_PTS, _W), jnp.int32),
            jax.ShapeDtypeStruct((_PTS, _D), jnp.float32),
        ],
    )(p_all, w_comb)


_NBUF = 4


def _sc_body(nbr_hbm, idx_hbm, out_hbm, idx_all,
             rows0, rows1, rows2, rows3, out0, out1,
             gsem0, gsem1, gsem2, gsem3, osem0, osem1):
    wid = lax.axis_index("s") * _NC + lax.axis_index("c")
    pbase0 = wid * _PW
    rows = (rows0, rows1, rows2, rows3)
    out = (out0, out1)
    gsem = (gsem0, gsem1, gsem2, gsem3)
    osem = (osem0, osem1)

    pltpu.sync_copy(idx_hbm.at[wid], idx_all)

    def fetch(g, buf):
        pltpu.async_copy(nbr_hbm.at[idx_all.at[g]], rows[buf], gsem[buf])

    for g in range(_NBUF - 1):
        fetch(g, g)

    def chunk_body(g, cur, cur_o):
        @pl.when(g + _NBUF - 1 < _NCHUNK)
        def _():
            fetch(g + _NBUF - 1, (cur + _NBUF - 1) % _NBUF)

        pltpu.make_async_copy(nbr_hbm.at[idx_all.at[g]], rows[cur],
                              gsem[cur]).wait()

        @pl.when(g >= 2)
        def _():
            pltpu.make_async_copy(out[cur_o], out_hbm.at[pl.ds(0, _P)],
                                  osem[cur_o]).wait()

        def tree_max(vs):
            while len(vs) > 1:
                vs = [jnp.maximum(vs[i], vs[i + 1])
                      for i in range(0, len(vs) - 1, 2)] + (
                          [vs[-1]] if len(vs) % 2 else [])
            return vs[0]

        @plsc.parallel_loop(0, _P * (_W // 16), unroll=4)
        def _(i):
            p = i // (_W // 16)
            c = i % (_W // 16)
            slw = pl.ds(c * 16, 16)
            ws = [rows[cur][p * _K + r, slw] for r in range(_K)]
            acc_lo = tree_max([w << 16 for w in ws])
            acc_hi = tree_max(ws)
            out[cur_o][p, slw] = (
                (acc_hi >> 16) << 16
            ) | lax.shift_right_logical(acc_lo, 16)
        pltpu.async_copy(out[cur_o], out_hbm.at[pl.ds(pbase0 + g * _P, _P)],
                         osem[cur_o])

    def quad_body(go, carry):
        for b in range(_NBUF):
            chunk_body(_NBUF * go + b, b, b % 2)
        return carry

    lax.fori_loop(0, _NCHUNK // _NBUF, quad_body, 0)

    for b in range(2):
        pltpu.make_async_copy(out[b], out_hbm.at[pl.ds(0, _P)],
                              osem[b]).wait()


def _gather_max(t_nbr, idx_by_worker):
    mesh = plsc.VectorSubcoreMesh(
        core_axis_name="c", subcore_axis_name="s", num_cores=_NC,
        num_subcores=_NS,
    )
    fn = pl.kernel(
        _sc_body,
        out_type=jax.ShapeDtypeStruct((_PTS, _W), jnp.int32),
        mesh=mesh,
        scratch_types=[
            pltpu.VMEM((_NCHUNK, _P * _K), jnp.int32),
            pltpu.VMEM((_P * _K, _W), jnp.int32),
            pltpu.VMEM((_P * _K, _W), jnp.int32),
            pltpu.VMEM((_P * _K, _W), jnp.int32),
            pltpu.VMEM((_P * _K, _W), jnp.int32),
            pltpu.VMEM((_P, _W), jnp.int32),
            pltpu.VMEM((_P, _W), jnp.int32),
            pltpu.SemaphoreType.DMA,
            pltpu.SemaphoreType.DMA,
            pltpu.SemaphoreType.DMA,
            pltpu.SemaphoreType.DMA,
            pltpu.SemaphoreType.DMA,
            pltpu.SemaphoreType.DMA,
        ],
    )
    return fn(t_nbr, idx_by_worker)


def _fin_body(m_ref, ctr_ref, o_ref):
    pk = m_ref[0]
    klo = pk << 16
    khi = (pk >> 16) << 16

    def inv(k):
        fb = (k ^ ((k >> 31) & jnp.int32(0x7FFFFFFF))) & jnp.int32(-65536)
        return lax.bitcast_convert_type(fb, jnp.float32)

    olo = jnp.maximum(inv(klo) + ctr_ref[0, :, :_W], 0.0).T
    ohi = jnp.maximum(inv(khi) + ctr_ref[0, :, _W:], 0.0).T
    for c in range(_W // 16):
        o_ref[0, pl.ds(c * 32, 16), :] = olo[c * 16:(c + 1) * 16, :]
        o_ref[0, pl.ds(c * 32 + 16, 16), :] = ohi[c * 16:(c + 1) * 16, :]


def _finish(m, t_ctr):
    blk = 512
    return pl.pallas_call(
        _fin_body,
        grid=(_B, _N // blk),
        in_specs=[
            pl.BlockSpec((1, blk, _W), lambda b, j: (b, j, 0)),
            pl.BlockSpec((1, blk, _D), lambda b, j: (b, j, 0)),
        ],
        out_specs=pl.BlockSpec((1, _D, blk), lambda b, j: (b, 0, j)),
        out_shape=jax.ShapeDtypeStruct((_B, _D, _N), jnp.float32),
    )(m.reshape(_B, _N, _W), t_ctr.reshape(_B, _N, _D))


@jax.jit
def kernel(fea, x, idx, W1, g1, b1, W2, g2, b2):
    inv = 1.0 / jnp.sqrt(1.0 + _EPS)
    s1 = (g1 * inv)[:, None]
    s2 = (g2 * inv)[:, None]
    w1n = (W1[:, 3:] * s1).T
    w1c = ((W1[:, :3] - W1[:, 3:]) * s1).T
    w2n = (W2[:, _CIN:] * s2).T
    w2c = ((W2[:, :_CIN] - W2[:, _CIN:]) * s2).T

    z31 = jnp.zeros((3, _COUT), jnp.float32)
    z131 = jnp.zeros((_CIN, _COUT), jnp.float32)
    zD = jnp.zeros((_D,), jnp.float32)
    w_nbr = jnp.concatenate(
        [
            jnp.concatenate([w1n, z31], axis=1),
            jnp.concatenate([z131, w2n], axis=1),
            zD[None, :],
        ],
        axis=0,
    )
    w_ctr = jnp.concatenate(
        [
            jnp.concatenate([w1c, z31], axis=1),
            jnp.concatenate([z131, w2c], axis=1),
            jnp.concatenate([b1, b2])[None, :],
        ],
        axis=0,
    )
    j = jnp.arange(_W)
    lo_logical = (j // 16) * 32 + j % 16
    perm = jnp.concatenate([lo_logical, lo_logical + 16])
    w_comb = jnp.concatenate([w_nbr[:, perm], w_ctr[:, perm]], axis=1)

    p_all = jnp.concatenate(
        [
            jnp.swapaxes(x, 1, 2),
            jnp.swapaxes(fea, 1, 2),
            jnp.ones((_B, _N, 1), jnp.float32),
        ],
        axis=2,
    ).reshape(_PTS, _CP)

    t_nbr, t_ctr = _tables(p_all, w_comb)

    idx_by_worker = (
        jnp.swapaxes(idx, 1, 2) + (jnp.arange(_B, dtype=jnp.int32) * _N)[:, None, None]
    ).reshape(_NW, _NCHUNK, _P * _K)

    m = _gather_max(t_nbr, idx_by_worker)
    return _finish(m, t_ctr)

# --- scband reference (transcript-rebuilt; emitter-appended) ---
"""Pipeline reference for scband-fea-fuse-30219389895251 (READ-ONLY COPY).

The authoritative reference and input builder live on the scoring server;
editing this copy changes nothing except your own understanding.
"""

import jax, jax.numpy as jnp
import numpy as np

B, N, K, CIN, COUT = 2, 4096, 16, 128, 128
EPS = 1e-5


def setup_inputs(seed: int = 0) -> dict:
    key = jax.random.key(seed)
    ks = jax.random.split(key, 6)
    fea = jax.random.normal(ks[0], (B, CIN, N), dtype=jnp.float32)
    x = jax.random.normal(ks[1], (B, 3, N), dtype=jnp.float32)
    idx = jax.random.randint(ks[2], (B, K, N), 0, N, dtype=jnp.int32)
    # Conv2d(6, COUT, 1, bias=False) weight -> [COUT, 6]; Conv2d(2*CIN, COUT, 1, bias=False) -> [COUT, 2*CIN]
    W1 = jax.random.normal(ks[3], (COUT, 6), dtype=jnp.float32) * 0.05
    W2 = jax.random.normal(ks[4], (COUT, 2 * CIN), dtype=jnp.float32) * 0.05
    # BatchNorm (eval mode): running_mean=0, running_var=1, gamma=1, beta=0 (torch defaults)
    g1 = jnp.ones((COUT,), dtype=jnp.float32)
    b1 = jnp.zeros((COUT,), dtype=jnp.float32)
    g2 = jnp.ones((COUT,), dtype=jnp.float32)
    b2 = jnp.zeros((COUT,), dtype=jnp.float32)
    return {"fea": fea, "x": x, "idx": idx, "W1": W1, "g1": g1, "b1": b1, "W2": W2, "g2": g2, "b2": b2}


def _grouping(t, idx):
    # t: [B, C, N], idx: [B, K, N] -> out[b, c, i, j] = t[b, c, idx[b, i, j]]  => [B, C, K, N]
    return jax.vmap(lambda tb, ib: tb[:, ib])(t, idx)


def _bn_eval(z, gamma, beta):
    # eval-mode BatchNorm2d with running_mean=0, running_var=1
    inv = 1.0 / jnp.sqrt(1.0 + EPS)
    return z * inv * gamma[None, :, None, None] + beta[None, :, None, None]


def reference(fea, x, idx, W1, g1, b1, W2, g2, b2):
    k = idx.shape[1]
    # geometric branch
    pn = _grouping(x, idx)                              # [B, 3, K, N]
    pc = jnp.repeat(x[:, :, None, :], k, axis=2)        # [B, 3, K, N]
    point_real = jnp.concatenate([pc, pn - pc], axis=1) # [B, 6, K, N]
    geo = jnp.einsum('oc,bckn->bokn', W1, point_real)   # 1x1 conv
    geo = jax.nn.relu(_bn_eval(geo, g1, b1))
    # feature branch
    fn = _grouping(fea, idx)                            # [B, CIN, K, N]
    fc = jnp.repeat(fea[:, :, None, :], k, axis=2)
    fea_ral = jnp.concatenate([fc, fn - fc], axis=1)    # [B, 2*CIN, K, N]
    ff = jnp.einsum('oc,bckn->bokn', W2, fea_ral)
    ff = jax.nn.relu(_bn_eval(ff, g2, b2))
    res = jnp.concatenate([geo, ff], axis=1)            # [B, 2*COUT, K, N]
    res = jnp.max(res, axis=2)                          # [B, 2*COUT, N]
    return res

if __name__ == "__main__":
    import jax
    _d = setup_inputs()
    print(jax.jit(kernel)(*tuple(_d.values())))

</pallas_src>

<mosaic_0001>
#map = affine_map<(d0, d1) -> (0, 0)>
#map1 = affine_map<(d0, d1) -> (0, 0, 0)>
module attributes {stable_mosaic.version = 14 : i64} {
  func.func @_sc_body(%arg0: i32, %arg1: i32, %arg2: memref<8192x128xi32, #tpu.memory_space<hbm>>, %arg3: memref<32x32x128xi32, #tpu.memory_space<hbm>>, %arg4: memref<8192x128xi32, #tpu.memory_space<hbm>>, %arg5: memref<32x128xi32, #tpu.memory_space<vmem>>, %arg6: memref<128x128xi32, #tpu.memory_space<vmem>>, %arg7: memref<128x128xi32, #tpu.memory_space<vmem>>, %arg8: memref<128x128xi32, #tpu.memory_space<vmem>>, %arg9: memref<128x128xi32, #tpu.memory_space<vmem>>, %arg10: memref<8x128xi32, #tpu.memory_space<vmem>>, %arg11: memref<8x128xi32, #tpu.memory_space<vmem>>, %arg12: memref<!tpu.dma_semaphore, #tpu.memory_space<semaphore_mem>>, %arg13: memref<!tpu.dma_semaphore, #tpu.memory_space<semaphore_mem>>, %arg14: memref<!tpu.dma_semaphore, #tpu.memory_space<semaphore_mem>>, %arg15: memref<!tpu.dma_semaphore, #tpu.memory_space<semaphore_mem>>, %arg16: memref<!tpu.dma_semaphore, #tpu.memory_space<semaphore_mem>>, %arg17: memref<!tpu.dma_semaphore, #tpu.memory_space<semaphore_mem>>) attributes {dimension_semantics = [#tpu.dimension_semantics<core_parallel>, #tpu.dimension_semantics<subcore_parallel>], iteration_bounds = array<i64: 2, 16>, scalar_prefetch = 0 : i64, scratch_operands = 13 : i64, tpu.core_type = #tpu.core_type<sc_vector_subcore>, window_params = [{transform_indices = #map}, {transform_indices = #map1}, {transform_indices = #map}]} {
    %mul3A = arith.constant 2 : i32
    %mul3A_0 = arith.muli %arg1, %mul3A : i32
    %add3A = arith.addi %mul3A_0, %arg0 : i32
    %mul3A_1 = arith.constant 256 : i32
    %mul3A_2 = arith.muli %add3A, %mul3A_1 : i32
    "tpu.region"() ({
      %run_scoped3A = tpu.sem_alloc : memref<!tpu.dma_semaphore, #tpu.memory_space<semaphore_mem>>
      %dma_start3A_39 = arith.constant 0 : i32
      %dma_start3A_40 = arith.constant 0 : i32
      %dma_start3A_41 = tpu.memref_slice %arg3[%add3A, %dma_start3A_39, %dma_start3A_40] : memref<32x32x128xi32, #tpu.memory_space<hbm>> -> memref<1x32x128xi32, #tpu.memory_space<hbm>>
      %dma_start3A_42 = tpu.memref_squeeze %dma_start3A_41 : memref<1x32x128xi32, #tpu.memory_space<hbm>> -> memref<32x128xi32, #tpu.memory_space<hbm>>
      %dma_start3A_43 = arith.constant 0 : i32
      %dma_start3A_44 = arith.constant 0 : i32
      %dma_start3A_45 = tpu.memref_slice %arg3[%add3A, %dma_start3A_43, %dma_start3A_44] : memref<32x32x128xi32, #tpu.memory_space<hbm>> -> memref<1x32x128xi32, #tpu.memory_space<hbm>>
      %dma_start3A_46 = tpu.memref_squeeze %dma_start3A_45 : memref<1x32x128xi32, #tpu.memory_space<hbm>> -> memref<32x128xi32, #tpu.memory_space<hbm>>
      tpu.enqueue_dma source(%dma_start3A_46 : memref<32x128xi32, #tpu.memory_space<hbm>>) target(%arg5 : memref<32x128xi32, #tpu.memory_space<vmem>>) target_semaphore(%run_scoped3A : memref<!tpu.dma_semaphore, #tpu.memory_space<semaphore_mem>>)
      %dma_wait3A_47 = arith.constant 0 : i32
      %dma_wait3A_48 = arith.constant 0 : i32
      %dma_wait3A_49 = tpu.memref_slice %arg3[%add3A, %dma_wait3A_47, %dma_wait3A_48] : memref<32x32x128xi32, #tpu.memory_space<hbm>> -> memref<1x32x128xi32, #tpu.memory_space<hbm>>
      %dma_wait3A_50 = tpu.memref_squeeze %dma_wait3A_49 : memref<1x32x128xi32, #tpu.memory_space<hbm>> -> memref<32x128xi32, #tpu.memory_space<hbm>>
      %dma_wait3A_51 = arith.constant 0 : i32
      %dma_wait3A_52 = arith.constant 0 : i32
      %dma_wait3A_53 = tpu.memref_slice %arg3[%add3A, %dma_wait3A_51, %dma_wait3A_52] : memref<32x32x128xi32, #tpu.memory_space<hbm>> -> memref<1x32x128xi32, #tpu.memory_space<hbm>>
      %dma_wait3A_54 = tpu.memref_squeeze %dma_wait3A_53 : memref<1x32x128xi32, #tpu.memory_space<hbm>> -> memref<32x128xi32, #tpu.memory_space<hbm>>
      tpu.wait_dma2 semaphore(%run_scoped3A : memref<!tpu.dma_semaphore, #tpu.memory_space<semaphore_mem>>) src(%dma_wait3A_54 : memref<32x128xi32, #tpu.memory_space<hbm>>) dst(%arg5 : memref<32x128xi32, #tpu.memory_space<vmem>>)
      tpu.yield
    }) : () -> ()
    %dma_start3A = arith.constant 0 : i32
    %dma_start3A_3 = arith.constant 0 : i32
    %dma_start3A_4 = tpu.memref_slice %arg5[%dma_start3A, %dma_start3A_3] : memref<32x128xi32, #tpu.memory_space<vmem>> -> memref<1x128xi32, #tpu.memory_space<vmem>>
    %dma_start3A_5 = tpu.memref_squeeze %dma_start3A_4 : memref<1x128xi32, #tpu.memory_space<vmem>> -> memref<128xi32, #tpu.memory_space<vmem>>
    %dma_start3A_6 = arith.constant 0 : i32
    %dma_start3A_7 = arith.constant 0 : i32
    %dma_start3A_8 = tpu.memref_slice %arg2[%dma_start3A_6, %dma_start3A_7] : memref<8192x128xi32, #tpu.memory_space<hbm>> -> memref<8192x128xi32, #tpu.memory_space<hbm>>
    tpu.enqueue_indirect_dma source(%dma_start3A_8 : memref<8192x128xi32, #tpu.memory_space<hbm>>) target(%arg6 : memref<128x128xi32, #tpu.memory_space<vmem>>) offsets(%dma_start3A_5 : memref<128xi32, #tpu.memory_space<vmem>>) semaphore(%arg12 : memref<!tpu.dma_semaphore, #tpu.memory_space<semaphore_mem>>)
    %dma_start3A_9 = arith.constant 1 : i32
    %dma_start3A_10 = arith.constant 0 : i32
    %dma_start3A_11 = tpu.memref_slice %arg5[%dma_start3A_9, %dma_start3A_10] : memref<32x128xi32, #tpu.memory_space<vmem>> -> memref<1x128xi32, #tpu.memory_space<vmem>>
    %dma_start3A_12 = tpu.memref_squeeze %dma_start3A_11 : memref<1x128xi32, #tpu.memory_space<vmem>> -> memref<128xi32, #tpu.memory_space<vmem>>
    %dma_start3A_13 = arith.constant 0 : i32
    %dma_start3A_14 = arith.constant 0 : i32
    %dma_start3A_15 = tpu.memref_slice %arg2[%dma_start3A_13, %dma_start3A_14] : memref<8192x128xi32, #tpu.memory_space<hbm>> -> memref<8192x128xi32, #tpu.memory_space<hbm>>
    tpu.enqueue_indirect_dma source(%dma_start3A_15 : memref<8192x128xi32, #tpu.memory_space<hbm>>) target(%arg7 : memref<128x128xi32, #tpu.memory_space<vmem>>) offsets(%dma_start3A_12 : memref<128xi32, #tpu.memory_space<vmem>>) semaphore(%arg13 : memref<!tpu.dma_semaphore, #tpu.memory_space<semaphore_mem>>)
    %dma_start3A_16 = arith.constant 2 : i32
    %dma_start3A_17 = arith.constant 0 : i32
    %dma_start3A_18 = tpu.memref_slice %arg5[%dma_start3A_16, %dma_start3A_17] : memref<32x128xi32, #tpu.memory_space<vmem>> -> memref<1x128xi32, #tpu.memory_space<vmem>>
    %dma_start3A_19 = tpu.memref_squeeze %dma_start3A_18 : memref<1x128xi32, #tpu.memory_space<vmem>> -> memref<128xi32, #tpu.memory_space<vmem>>
    %dma_start3A_20 = arith.constant 0 : i32
    %dma_start3A_21 = arith.constant 0 : i32
    %dma_start3A_22 = tpu.memref_slice %arg2[%dma_start3A_20, %dma_start3A_21] : memref<8192x128xi32, #tpu.memory_space<hbm>> -> memref<8192x128xi32, #tpu.memory_space<hbm>>
    tpu.enqueue_indirect_dma source(%dma_start3A_22 : memref<8192x128xi32, #tpu.memory_space<hbm>>) target(%arg8 : memref<128x128xi32, #tpu.memory_space<vmem>>) offsets(%dma_start3A_19 : memref<128xi32, #tpu.memory_space<vmem>>) semaphore(%arg14 : memref<!tpu.dma_semaphore, #tpu.memory_space<semaphore_mem>>)
    %scan3A = arith.constant 0 : i32
    %scan3A_23 = arith.constant 0 : i32
    %scan3A_24 = arith.constant 8 : i32
    %scan3A_25 = arith.addi %scan3A_23, %scan3A_24 : i32
    %scan3A_26 = arith.constant 1 : i32
    scf.for %scan3A_39 = %scan3A_23 to %scan3A_25 step %scan3A_26  : i32 {
      %mul3A_40 = arith.constant 4 : i32
      %mul3A_41 = arith.muli %mul3A_40, %scan3A_39 : i32
      %add3A_42 = arith.constant 0 : i32
      %add3A_43 = arith.addi %mul3A_41, %add3A_42 : i32
      %add3A_44 = arith.constant 4 : i32
      %add3A_45 = arith.addi %add3A_43, %add3A_44 : i32
      %sub3A = arith.constant 1 : i32
      %sub3A_46 = arith.subi %add3A_45, %sub3A : i32
      %lt3A = arith.constant 32 : i32
      %lt3A_47 = arith.cmpi slt, %sub3A_46, %lt3A : i32
      %convert_element_type3A = arith.extui %lt3A_47 : i1 to i32
      %cond3A = arith.constant 0 : i32
      %cond3A_48 = arith.cmpi ne, %convert_element_type3A, %cond3A : i32
      scf.if %cond3A_48 {
        %add3A_170 = arith.constant 4 : i32
        %add3A_171 = arith.addi %add3A_43, %add3A_170 : i32
        %sub3A_172 = arith.constant 1 : i32
        %sub3A_173 = arith.subi %add3A_171, %sub3A_172 : i32
        %dma_start3A_174 = arith.constant 0 : i32
        %dma_start3A_175 = tpu.memref_slice %arg5[%sub3A_173, %dma_start3A_174] : memref<32x128xi32, #tpu.memory_space<vmem>> -> memref<1x128xi32, #tpu.memory_space<vmem>>
        %dma_start3A_176 = tpu.memref_squeeze %dma_start3A_175 : memref<1x128xi32, #tpu.memory_space<vmem>> -> memref<128xi32, #tpu.memory_space<vmem>>
        %dma_start3A_177 = arith.constant 0 : i32
        %dma_start3A_178 = arith.constant 0 : i32
        %dma_start3A_179 = tpu.memref_slice %arg2[%dma_start3A_177, %dma_start3A_178] : memref<8192x128xi32, #tpu.memory_space<hbm>> -> memref<8192x128xi32, #tpu.memory_space<hbm>>
        tpu.enqueue_indirect_dma source(%dma_start3A_179 : memref<8192x128xi32, #tpu.memory_space<hbm>>) target(%arg9 : memref<128x128xi32, #tpu.memory_space<vmem>>) offsets(%dma_start3A_176 : memref<128xi32, #tpu.memory_space<vmem>>) semaphore(%arg15 : memref<!tpu.dma_semaphore, #tpu.memory_space<semaphore_mem>>)
      } else {
      }
      %dma_wait3A_49 = arith.constant 0 : i32
      %dma_wait3A_50 = tpu.memref_slice %arg5[%add3A_43, %dma_wait3A_49] : memref<32x128xi32, #tpu.memory_space<vmem>> -> memref<1x128xi32, #tpu.memory_space<vmem>>
      %dma_wait3A_51 = tpu.memref_squeeze %dma_wait3A_50 : memref<1x128xi32, #tpu.memory_space<vmem>> -> memref<128xi32, #tpu.memory_space<vmem>>
      %dma_wait3A_52 = arith.constant 0 : i32
      %dma_wait3A_53 = arith.constant 0 : i32
      %dma_wait3A_54 = tpu.memref_slice %arg2[%dma_wait3A_52, %dma_wait3A_53] : memref<8192x128xi32, #tpu.memory_space<hbm>> -> memref<8192x128xi32, #tpu.memory_space<hbm>>
      tpu.wait_indirect_dma semaphore(%arg12 : memref<!tpu.dma_semaphore, #tpu.memory_space<semaphore_mem>>) src(%dma_wait3A_54 : memref<8192x128xi32, #tpu.memory_space<hbm>>) dst(%arg6 : memref<128x128xi32, #tpu.memory_space<vmem>>)
      %ge3A = arith.constant 2 : i32
      %ge3A_55 = arith.cmpi sge, %add3A_43, %ge3A : i32
      %convert_element_type3A_56 = arith.extui %ge3A_55 : i1 to i32
      %cond3A_57 = arith.constant 0 : i32
      %cond3A_58 = arith.cmpi ne, %convert_element_type3A_56, %cond3A_57 : i32
      scf.if %cond3A_58 {
        %dma_wait3A_170 = arith.constant 0 : i32
        %dma_wait3A_171 = arith.constant 0 : i32
        %dma_wait3A_172 = tpu.memref_slice %arg4[%dma_wait3A_170, %dma_wait3A_171] : memref<8192x128xi32, #tpu.memory_space<hbm>> -> memref<8x128xi32, #tpu.memory_space<hbm>>
        %dma_wait3A_173 = arith.constant 0 : i32
        %dma_wait3A_174 = arith.constant 0 : i32
        %dma_wait3A_175 = tpu.memref_slice %arg4[%dma_wait3A_173, %dma_wait3A_174] : memref<8192x128xi32, #tpu.memory_space<hbm>> -> memref<8x128xi32, #tpu.memory_space<hbm>>
        tpu.wait_dma2 semaphore(%arg16 : memref<!tpu.dma_semaphore, #tpu.memory_space<semaphore_mem>>) src(%arg10 : memref<8x128xi32, #tpu.memory_space<vmem>>) dst(%dma_wait3A_175 : memref<8x128xi32, #tpu.memory_space<hbm>>)
      } else {
      }
      %parallel_loop3A = arith.constant 0 : i32
      %parallel_loop3A_59 = arith.constant 64 : i32
      %parallel_loop3A_60 = arith.constant 1 : i32
      scf.for %parallel_loop3A_170 = %parallel_loop3A to %parallel_loop3A_59 step %parallel_loop3A_60  : i32 {
        %parallel_loop3A_171 = arith.constant 8 : i32
        %parallel_loop3A_172 = arith.divsi %parallel_loop3A_170, %parallel_loop3A_171 : i32
        %parallel_loop3A_173 = arith.constant 0 : i32
        %parallel_loop3A_174 = arith.cmpi sgt, %parallel_loop3A_170, %parallel_loop3A_173 : i32
        %parallel_loop3A_175 = arith.extui %parallel_loop3A_174 : i1 to i32
        %parallel_loop3A_176 = arith.constant 0 : i32
        %parallel_loop3A_177 = arith.cmpi slt, %parallel_loop3A_170, %parallel_loop3A_176 : i32
        %parallel_loop3A_178 = arith.extui %parallel_loop3A_177 : i1 to i32
        %parallel_loop3A_179 = arith.subi %parallel_loop3A_175, %parallel_loop3A_178 : i32
        %parallel_loop3A_180 = arith.constant 0 : i32
        %parallel_loop3A_181 = arith.cmpi sgt, %parallel_loop3A_171, %parallel_loop3A_180 : i32
        %parallel_loop3A_182 = arith.extui %parallel_loop3A_181 : i1 to i32
        %parallel_loop3A_183 = arith.constant 0 : i32
        %parallel_loop3A_184 = arith.cmpi slt, %parallel_loop3A_171, %parallel_loop3A_183 : i32
        %parallel_loop3A_185 = arith.extui %parallel_loop3A_184 : i1 to i32
        %parallel_loop3A_186 = arith.subi %parallel_loop3A_182, %parallel_loop3A_185 : i32
        %parallel_loop3A_187 = arith.cmpi ne, %parallel_loop3A_179, %parallel_loop3A_186 : i32
        %parallel_loop3A_188 = arith.remsi %parallel_loop3A_170, %parallel_loop3A_171 : i32
        %parallel_loop3A_189 = arith.constant 0 : i32
        %parallel_loop3A_190 = arith.cmpi ne, %parallel_loop3A_188, %parallel_loop3A_189 : i32
        %parallel_loop3A_191 = arith.andi %parallel_loop3A_187, %parallel_loop3A_190 : i1
        %parallel_loop3A_192 = arith.constant 1 : i32
        %parallel_loop3A_193 = arith.subi %parallel_loop3A_172, %parallel_loop3A_192 : i32
        %parallel_loop3A_194 = arith.select %parallel_loop3A_191, %parallel_loop3A_193, %parallel_loop3A_172 : i32
        %parallel_loop3A_195 = arith.constant 8 : i32
        %parallel_loop3A_196 = arith.constant 0 : i32
        %parallel_loop3A_197 = arith.cmpi eq, %parallel_loop3A_195, %parallel_loop3A_196 : i32
        %parallel_loop3A_198 = arith.constant 1 : i32
        %parallel_loop3A_199 = arith.select %parallel_loop3A_197, %parallel_loop3A_198, %parallel_loop3A_195 : i32
        %parallel_loop3A_200 = arith.remsi %parallel_loop3A_170, %parallel_loop3A_199 : i32
        %parallel_loop3A_201 = arith.constant 0 : i32
        %parallel_loop3A_202 = arith.cmpi ne, %parallel_loop3A_200, %parallel_loop3A_201 : i32
        %parallel_loop3A_203 = arith.constant 0 : i32
        %parallel_loop3A_204 = arith.cmpi slt, %parallel_loop3A_200, %parallel_loop3A_203 : i32
        %parallel_loop3A_205 = arith.constant 0 : i32
        %parallel_loop3A_206 = arith.cmpi slt, %parallel_loop3A_199, %parallel_loop3A_205 : i32
        %parallel_loop3A_207 = arith.xori %parallel_loop3A_204, %parallel_loop3A_206 : i1
        %parallel_loop3A_208 = arith.andi %parallel_loop3A_207, %parallel_loop3A_202 : i1
        %parallel_loop3A_209 = arith.addi %parallel_loop3A_200, %parallel_loop3A_199 : i32
        %parallel_loop3A_210 = arith.select %parallel_loop3A_208, %parallel_loop3A_209, %parallel_loop3A_200 : i32
        %parallel_loop3A_211 = arith.constant 16 : i32
        %parallel_loop3A_212 = arith.muli %parallel_loop3A_210, %parallel_loop3A_211 : i32
        %parallel_loop3A_213 = arith.constant 16 : i32
        %parallel_loop3A_214 = arith.muli %parallel_loop3A_194, %parallel_loop3A_213 : i32
        %parallel_loop3A_215 = arith.constant 0 : i32
        %parallel_loop3A_216 = arith.addi %parallel_loop3A_214, %parallel_loop3A_215 : i32
        %parallel_loop3A_217 = arith.index_cast %parallel_loop3A_216 : i32 to index
        %parallel_loop3A_218 = arith.index_cast %parallel_loop3A_212 : i32 to index
        %parallel_loop3A_219 = tpu.vector_load %arg6[%parallel_loop3A_217, %parallel_loop3A_218] {strides = array<i32>} : memref<128x128xi32, #tpu.memory_space<vmem>>, vector<1x16xi32>,
        %parallel_loop3A_220 = vector.shape_cast %parallel_loop3A_219 : vector<1x16xi32> to vector<16xi32>
        %parallel_loop3A_221 = arith.constant 16 : i32
        %parallel_loop3A_222 = arith.muli %parallel_loop3A_194, %parallel_loop3A_221 : i32
        %parallel_loop3A_223 = arith.constant 1 : i32
        %parallel_loop3A_224 = arith.addi %parallel_loop3A_222, %parallel_loop3A_223 : i32
        %parallel_loop3A_225 = arith.index_cast %parallel_loop3A_224 : i32 to index
        %parallel_loop3A_226 = arith.index_cast %parallel_loop3A_212 : i32 to index
        %parallel_loop3A_227 = tpu.vector_load %arg6[%parallel_loop3A_225, %parallel_loop3A_226] {strides = array<i32>} : memref<128x128xi32, #tpu.memory_space<vmem>>, vector<1x16xi32>,
        %parallel_loop3A_228 = vector.shape_cast %parallel_loop3A_227 : vector<1x16xi32> to vector<16xi32>
        %parallel_loop3A_229 = arith.constant 16 : i32
        %parallel_loop3A_230 = arith.muli %parallel_loop3A_194, %parallel_loop3A_229 : i32
        %parallel_loop3A_231 = arith.constant 2 : i32
        %parallel_loop3A_232 = arith.addi %parallel_loop3A_230, %parallel_loop3A_231 : i32
        %parallel_loop3A_233 = arith.index_cast %parallel_loop3A_232 : i32 to index
        %parallel_loop3A_234 = arith.index_cast %parallel_loop3A_212 : i32 to index
        %parallel_loop3A_235 = tpu.vector_load %arg6[%parallel_loop3A_233, %parallel_loop3A_234] {strides = array<i32>} : memref<128x128xi32, #tpu.memory_space<vmem>>, vector<1x16xi32>,
        %parallel_loop3A_236 = vector.shape_cast %parallel_loop3A_235 : vector<1x16xi32> to vector<16xi32>
        %parallel_loop3A_237 = arith.constant 16 : i32
        %parallel_loop3A_238 = arith.muli %parallel_loop3A_194, %parallel_loop3A_237 : i32
        %parallel_loop3A_239 = arith.constant 3 : i32
        %parallel_loop3A_240 = arith.addi %parallel_loop3A_238, %parallel_loop3A_239 : i32
        %parallel_loop3A_241 = arith.index_cast %parallel_loop3A_240 : i32 to index
        %parallel_loop3A_242 = arith.index_cast %parallel_loop3A_212 : i32 to index
        %parallel_loop3A_243 = tpu.vector_load %arg6[%parallel_loop3A_241, %parallel_loop3A_242] {strides = array<i32>} : memref<128x128xi32, #tpu.memory_space<vmem>>, vector<1x16xi32>,
        %parallel_loop3A_244 = vector.shape_cast %parallel_loop3A_243 : vector<1x16xi32> to vector<16xi32>
        %parallel_loop3A_245 = arith.constant 16 : i32
        %parallel_loop3A_246 = arith.muli %parallel_loop3A_194, %parallel_loop3A_245 : i32
        %parallel_loop3A_247 = arith.constant 4 : i32
        %parallel_loop3A_248 = arith.addi %parallel_loop3A_246, %parallel_loop3A_247 : i32
        %parallel_loop3A_249 = arith.index_cast %parallel_loop3A_248 : i32 to index
        %parallel_loop3A_250 = arith.index_cast %parallel_loop3A_212 : i32 to index
        %parallel_loop3A_251 = tpu.vector_load %arg6[%parallel_loop3A_249, %parallel_loop3A_250] {strides = array<i32>} : memref<128x128xi32, #tpu.memory_space<vmem>>, vector<1x16xi32>,
        %parallel_loop3A_252 = vector.shape_cast %parallel_loop3A_251 : vector<1x16xi32> to vector<16xi32>
        %parallel_loop3A_253 = arith.constant 16 : i32
        %parallel_loop3A_254 = arith.muli %parallel_loop3A_194, %parallel_loop3A_253 : i32
        %parallel_loop3A_255 = arith.constant 5 : i32
        %parallel_loop3A_256 = arith.addi %parallel_loop3A_254, %parallel_loop3A_255 : i32
        %parallel_loop3A_257 = arith.index_cast %parallel_loop3A_256 : i32 to index
        %parallel_loop3A_258 = arith.index_cast %parallel_loop3A_212 : i32 to index
        %parallel_loop3A_259 = tpu.vector_load %arg6[%parallel_loop3A_257, %parallel_loop3A_258] {strides = array<i32>} : memref<128x128xi32, #tpu.memory_space<vmem>>, vector<1x16xi32>,
        %parallel_loop3A_260 = vector.shape_cast %parallel_loop3A_259 : vector<1x16xi32> to vector<16xi32>
        %parallel_loop3A_261 = arith.constant 16 : i32
        %parallel_loop3A_262 = arith.muli %parallel_loop3A_194, %parallel_loop3A_261 : i32
        %parallel_loop3A_263 = arith.constant 6 : i32
        %parallel_loop3A_264 = arith.addi %parallel_loop3A_262, %parallel_loop3A_263 : i32
        %parallel_loop3A_265 = arith.index_cast %parallel_loop3A_264 : i32 to index
        %parallel_loop3A_266 = arith.index_cast %parallel_loop3A_212 : i32 to index
        %parallel_loop3A_267 = tpu.vector_load %arg6[%parallel_loop3A_265, %parallel_loop3A_266] {strides = array<i32>} : memref<128x128xi32, #tpu.memory_space<vmem>>, vector<1x16xi32>,
        %parallel_loop3A_268 = vector.shape_cast %parallel_loop3A_267 : vector<1x16xi32> to vector<16xi32>
        %parallel_loop3A_269 = arith.constant 16 : i32
        %parallel_loop3A_270 = arith.muli %parallel_loop3A_194, %parallel_loop3A_269 : i32
        %parallel_loop3A_271 = arith.constant 7 : i32
        %parallel_loop3A_272 = arith.addi %parallel_loop3A_270, %parallel_loop3A_271 : i32
        %parallel_loop3A_273 = arith.index_cast %parallel_loop3A_272 : i32 to index
        %parallel_loop3A_274 = arith.index_cast %parallel_loop3A_212 : i32 to index
        %parallel_loop3A_275 = tpu.vector_load %arg6[%parallel_loop3A_273, %parallel_loop3A_274] {strides = array<i32>} : memref<128x128xi32, #tpu.memory_space<vmem>>, vector<1x16xi32>,
        %parallel_loop3A_276 = vector.shape_cast %parallel_loop3A_275 : vector<1x16xi32> to vector<16xi32>
        %parallel_loop3A_277 = arith.constant 16 : i32
        %parallel_loop3A_278 = arith.muli %parallel_loop3A_194, %parallel_loop3A_277 : i32
        %parallel_loop3A_279 = arith.constant 8 : i32
        %parallel_loop3A_280 = arith.addi %parallel_loop3A_278, %parallel_loop3A_279 : i32
        %parallel_loop3A_281 = arith.index_cast %parallel_loop3A_280 : i32 to index
        %parallel_loop3A_282 = arith.index_cast %parallel_loop3A_212 : i32 to index
        %parallel_loop3A_283 = tpu.vector_load %arg6[%parallel_loop3A_281, %parallel_loop3A_282] {strides = array<i32>} : memref<128x128xi32, #tpu.memory_space<vmem>>, vector<1x16xi32>,
        %parallel_loop3A_284 = vector.shape_cast %parallel_loop3A_283 : vector<1x16xi32> to vector<16xi32>
        %parallel_loop3A_285 = arith.constant 16 : i32
        %parallel_loop3A_286 = arith.muli %parallel_loop3A_194, %parallel_loop3A_285 : i32
        %parallel_loop3A_287 = arith.constant 9 : i32
        %parallel_loop3A_288 = arith.addi %parallel_loop3A_286, %parallel_loop3A_287 : i32
        %parallel_loop3A_289 = arith.index_cast %parallel_loop3A_288 : i32 to index
        %parallel_loop3A_290 = arith.index_cast %parallel_loop3A_212 : i32 to index
        %parallel_loop3A_291 = tpu.vector_load %arg6[%parallel_loop3A_289, %parallel_loop3A_290] {strides = array<i32>} : memref<128x128xi32, #tpu.memory_space<vmem>>, vector<1x16xi32>,
        %parallel_loop3A_292 = vector.shape_cast %parallel_loop3A_291 : vector<1x16xi32> to vector<16xi32>
        %parallel_loop3A_293 = arith.constant 16 : i32
        %parallel_loop3A_294 = arith.muli %parallel_loop3A_194, %parallel_loop3A_293 : i32
        %parallel_loop3A_295 = arith.constant 10 : i32
        %parallel_loop3A_296 = arith.addi %parallel_loop3A_294, %parallel_loop3A_295 : i32
        %parallel_loop3A_297 = arith.index_cast %parallel_loop3A_296 : i32 to index
        %parallel_loop3A_298 = arith.index_cast %parallel_loop3A_212 : i32 to index
        %parallel_loop3A_299 = tpu.vector_load %arg6[%parallel_loop3A_297, %parallel_loop3A_298] {strides = array<i32>} : memref<128x128xi32, #tpu.memory_space<vmem>>, vector<1x16xi32>,
        %parallel_loop3A_300 = vector.shape_cast %parallel_loop3A_299 : vector<1x16xi32> to vector<16xi32>
        %parallel_loop3A_301 = arith.constant 16 : i32
        %parallel_loop3A_302 = arith.muli %parallel_loop3A_194, %parallel_loop3A_301 : i32
        %parallel_loop3A_303 = arith.constant 11 : i32
        %parallel_loop3A_304 = arith.addi %parallel_loop3A_302, %parallel_loop3A_303 : i32
        %parallel_loop3A_305 = arith.index_cast %parallel_loop3A_304 : i32 to index
        %parallel_loop3A_306 = arith.index_cast %parallel_loop3A_212 : i32 to index
        %parallel_loop3A_307 = tpu.vector_load %arg6[%parallel_loop3A_305, %parallel_loop3A_306] {strides = array<i32>} : memref<128x128xi32, #tpu.memory_space<vmem>>, vector<1x16xi32>,
        %parallel_loop3A_308 = vector.shape_cast %parallel_loop3A_307 : vector<1x16xi32> to vector<16xi32>
        %parallel_loop3A_309 = arith.constant 16 : i32
        %parallel_loop3A_310 = arith.muli %parallel_loop3A_194, %parallel_loop3A_309 : i32
        %parallel_loop3A_311 = arith.constant 12 : i32
        %parallel_loop3A_312 = arith.addi %parallel_loop3A_310, %parallel_loop3A_311 : i32
        %parallel_loop3A_313 = arith.index_cast %parallel_loop3A_312 : i32 to index
        %parallel_loop3A_314 = arith.index_cast %parallel_loop3A_212 : i32 to index
        %parallel_loop3A_315 = tpu.vector_load %arg6[%parallel_loop3A_313, %parallel_loop3A_314] {strides = array<i32>} : memref<128x128xi32, #tpu.memory_space<vmem>>, vector<1x16xi32>,
        %parallel_loop3A_316 = vector.shape_cast %parallel_loop3A_315 : vector<1x16xi32> to vector<16xi32>
        %parallel_loop3A_317 = arith.constant 16 : i32
        %parallel_loop3A_318 = arith.muli %parallel_loop3A_194, %parallel_loop3A_317 : i32
        %parallel_loop3A_319 = arith.constant 13 : i32
        %parallel_loop3A_320 = arith.addi %parallel_loop3A_318, %parallel_loop3A_319 : i32
        %parallel_loop3A_321 = arith.index_cast %parallel_loop3A_320 : i32 to index
        %parallel_loop3A_322 = arith.index_cast %parallel_loop3A_212 : i32 to index
        %parallel_loop3A_323 = tpu.vector_load %arg6[%parallel_loop3A_321, %parallel_loop3A_322] {strides = array<i32>} : memref<128x128xi32, #tpu.memory_space<vmem>>, vector<1x16xi32>,
        %parallel_loop3A_324 = vector.shape_cast %parallel_loop3A_323 : vector<1x16xi32> to vector<16xi32>
        %parallel_loop3A_325 = arith.constant 16 : i32
        %parallel_loop3A_326 = arith.muli %parallel_loop3A_194, %parallel_loop3A_325 : i32
        %parallel_loop3A_327 = arith.constant 14 : i32
        %parallel_loop3A_328 = arith.addi %parallel_loop3A_326, %parallel_loop3A_327 : i32
        %parallel_loop3A_329 = arith.index_cast %parallel_loop3A_328 : i32 to index
        %parallel_loop3A_330 = arith.index_cast %parallel_loop3A_212 : i32 to index
        %parallel_loop3A_331 = tpu.vector_load %arg6[%parallel_loop3A_329, %parallel_loop3A_330] {strides = array<i32>} : memref<128x128xi32, #tpu.memory_space<vmem>>, vector<1x16xi32>,
        %parallel_loop3A_332 = vector.shape_cast %parallel_loop3A_331 : vector<1x16xi32> to vector<16xi32>
        %parallel_loop3A_333 = arith.constant 16 : i32
        %parallel_loop3A_334 = arith.muli %parallel_loop3A_194, %parallel_loop3A_333 : i32
        %parallel_loop3A_335 = arith.constant 15 : i32
        %parallel_loop3A_336 = arith.addi %parallel_loop3A_334, %parallel_loop3A_335 : i32
        %parallel_loop3A_337 = arith.index_cast %parallel_loop3A_336 : i32 to index
        %parallel_loop3A_338 = arith.index_cast %parallel_loop3A_212 : i32 to index
        %parallel_loop3A_339 = tpu.vector_load %arg6[%parallel_loop3A_337, %parallel_loop3A_338] {strides = array<i32>} : memref<128x128xi32, #tpu.memory_space<vmem>>, vector<1x16xi32>,
        %parallel_loop3A_340 = vector.shape_cast %parallel_loop3A_339 : vector<1x16xi32> to vector<16xi32>
        %parallel_loop3A_341 = arith.constant 16 : i32
        %parallel_loop3A_342 = vector.broadcast %parallel_loop3A_341 : i32 to vector<16xi32>
        %parallel_loop3A_343 = arith.shli %parallel_loop3A_220, %parallel_loop3A_342 : vector<16xi32>
        %parallel_loop3A_344 = arith.constant 16 : i32
        %parallel_loop3A_345 = vector.broadcast %parallel_loop3A_344 : i32 to vector<16xi32>
        %parallel_loop3A_346 = arith.shli %parallel_loop3A_228, %parallel_loop3A_345 : vector<16xi32>
        %parallel_loop3A_347 = arith.constant 16 : i32
        %parallel_loop3A_348 = vector.broadcast %parallel_loop3A_347 : i32 to vector<16xi32>
        %parallel_loop3A_349 = arith.shli %parallel_loop3A_236, %parallel_loop3A_348 : vector<16xi32>
        %parallel_loop3A_350 = arith.constant 16 : i32
        %parallel_loop3A_351 = vector.broadcast %parallel_loop3A_350 : i32 to vector<16xi32>
        %parallel_loop3A_352 = arith.shli %parallel_loop3A_244, %parallel_loop3A_351 : vector<16xi32>
        %parallel_loop3A_353 = arith.constant 16 : i32
        %parallel_loop3A_354 = vector.broadcast %parallel_loop3A_353 : i32 to vector<16xi32>
        %parallel_loop3A_355 = arith.shli %parallel_loop3A_252, %parallel_loop3A_354 : vector<16xi32>
        %parallel_loop3A_356 = arith.constant 16 : i32
        %parallel_loop3A_357 = vector.broadcast %parallel_loop3A_356 : i32 to vector<16xi32>
        %parallel_loop3A_358 = arith.shli %parallel_loop3A_260, %parallel_loop3A_357 : vector<16xi32>
        %parallel_loop3A_359 = arith.constant 16 : i32
        %parallel_loop3A_360 = vector.broadcast %parallel_loop3A_359 : i32 to vector<16xi32>
        %parallel_loop3A_361 = arith.shli %parallel_loop3A_268, %parallel_loop3A_360 : vector<16xi32>
        %parallel_loop3A_362 = arith.constant 16 : i32
        %parallel_loop3A_363 = vector.broadcast %parallel_loop3A_362 : i32 to vector<16xi32>
        %parallel_loop3A_364 = arith.shli %parallel_loop3A_276, %parallel_loop3A_363 : vector<16xi32>
        %parallel_loop3A_365 = arith.constant 16 : i32
        %parallel_loop3A_366 = vector.broadcast %parallel_loop3A_365 : i32 to vector<16xi32>
        %parallel_loop3A_367 = arith.shli %parallel_loop3A_284, %parallel_loop3A_366 : vector<16xi32>
        %parallel_loop3A_368 = arith.constant 16 : i32
        %parallel_loop3A_369 = vector.broadcast %parallel_loop3A_368 : i32 to vector<16xi32>
        %parallel_loop3A_370 = arith.shli %parallel_loop3A_292, %parallel_loop3A_369 : vector<16xi32>
        %parallel_loop3A_371 = arith.constant 16 : i32
        %parallel_loop3A_372 = vector.broadcast %parallel_loop3A_371 : i32 to vector<16xi32>
        %parallel_loop3A_373 = arith.shli %parallel_loop3A_300, %parallel_loop3A_372 : vector<16xi32>
        %parallel_loop3A_374 = arith.constant 16 : i32
        %parallel_loop3A_375 = vector.broadcast %parallel_loop3A_374 : i32 to vector<16xi32>
        %parallel_loop3A_376 = arith.shli %parallel_loop3A_308, %parallel_loop3A_375 : vector<16xi32>
        %parallel_loop3A_377 = arith.constant 16 : i32
        %parallel_loop3A_378 = vector.broadcast %parallel_loop3A_377 : i32 to vector<16xi32>
        %parallel_loop3A_379 = arith.shli %parallel_loop3A_316, %parallel_loop3A_378 : vector<16xi32>
        %parallel_loop3A_380 = arith.constant 16 : i32
        %parallel_loop3A_381 = vector.broadcast %parallel_loop3A_380 : i32 to vector<16xi32>
        %parallel_loop3A_382 = arith.shli %parallel_loop3A_324, %parallel_loop3A_381 : vector<16xi32>
        %parallel_loop3A_383 = arith.constant 16 : i32
        %parallel_loop3A_384 = vector.broadcast %parallel_loop3A_383 : i32 to vector<16xi32>
        %parallel_loop3A_385 = arith.shli %parallel_loop3A_332, %parallel_loop3A_384 : vector<16xi32>
        %parallel_loop3A_386 = arith.constant 16 : i32
        %parallel_loop3A_387 = vector.broadcast %parallel_loop3A_386 : i32 to vector<16xi32>
        %parallel_loop3A_388 = arith.shli %parallel_loop3A_340, %parallel_loop3A_387 : vector<16xi32>
        %parallel_loop3A_389 = arith.maxsi %parallel_loop3A_343, %parallel_loop3A_346 : vector<16xi32>
        %parallel_loop3A_390 = arith.maxsi %parallel_loop3A_349, %parallel_loop3A_352 : vector<16xi32>
        %parallel_loop3A_391 = arith.maxsi %parallel_loop3A_355, %parallel_loop3A_358 : vector<16xi32>
        %parallel_loop3A_392 = arith.maxsi %parallel_loop3A_361, %parallel_loop3A_364 : vector<16xi32>
        %parallel_loop3A_393 = arith.maxsi %parallel_loop3A_367, %parallel_loop3A_370 : vector<16xi32>
        %parallel_loop3A_394 = arith.maxsi %parallel_loop3A_373, %parallel_loop3A_376 : vector<16xi32>
        %parallel_loop3A_395 = arith.maxsi %parallel_loop3A_379, %parallel_loop3A_382 : vector<16xi32>
        %parallel_loop3A_396 = arith.maxsi %parallel_loop3A_385, %parallel_loop3A_388 : vector<16xi32>
        %parallel_loop3A_397 = arith.maxsi %parallel_loop3A_389, %parallel_loop3A_390 : vector<16xi32>
        %parallel_loop3A_398 = arith.maxsi %parallel_loop3A_391, %parallel_loop3A_392 : vector<16xi32>
        %parallel_loop3A_399 = arith.maxsi %parallel_loop3A_393, %parallel_loop3A_394 : vector<16xi32>
        %parallel_loop3A_400 = arith.maxsi %parallel_loop3A_395, %parallel_loop3A_396 : vector<16xi32>
        %parallel_loop3A_401 = arith.maxsi %parallel_loop3A_397, %parallel_loop3A_398 : vector<16xi32>
        %parallel_loop3A_402 = arith.maxsi %parallel_loop3A_399, %parallel_loop3A_400 : vector<16xi32>
        %parallel_loop3A_403 = arith.maxsi %parallel_loop3A_401, %parallel_loop3A_402 : vector<16xi32>
        %parallel_loop3A_404 = arith.maxsi %parallel_loop3A_220, %parallel_loop3A_228 : vector<16xi32>
        %parallel_loop3A_405 = arith.maxsi %parallel_loop3A_236, %parallel_loop3A_244 : vector<16xi32>
        %parallel_loop3A_406 = arith.maxsi %parallel_loop3A_252, %parallel_loop3A_260 : vector<16xi32>
        %parallel_loop3A_407 = arith.maxsi %parallel_loop3A_268, %parallel_loop3A_276 : vector<16xi32>
        %parallel_loop3A_408 = arith.maxsi %parallel_loop3A_284, %parallel_loop3A_292 : vector<16xi32>
        %parallel_loop3A_409 = arith.maxsi %parallel_loop3A_300, %parallel_loop3A_308 : vector<16xi32>
        %parallel_loop3A_410 = arith.maxsi %parallel_loop3A_316, %parallel_loop3A_324 : vector<16xi32>
        %parallel_loop3A_411 = arith.maxsi %parallel_loop3A_332, %parallel_loop3A_340 : vector<16xi32>
        %parallel_loop3A_412 = arith.maxsi %parallel_loop3A_404, %parallel_loop3A_405 : vector<16xi32>
        %parallel_loop3A_413 = arith.maxsi %parallel_loop3A_406, %parallel_loop3A_407 : vector<16xi32>
        %parallel_loop3A_414 = arith.maxsi %parallel_loop3A_408, %parallel_loop3A_409 : vector<16xi32>
        %parallel_loop3A_415 = arith.maxsi %parallel_loop3A_410, %parallel_loop3A_411 : vector<16xi32>
        %parallel_loop3A_416 = arith.maxsi %parallel_loop3A_412, %parallel_loop3A_413 : vector<16xi32>
        %parallel_loop3A_417 = arith.maxsi %parallel_loop3A_414, %parallel_loop3A_415 : vector<16xi32>
        %parallel_loop3A_418 = arith.maxsi %parallel_loop3A_416, %parallel_loop3A_417 : vector<16xi32>
        %parallel_loop3A_419 = arith.constant 16 : i32
        %parallel_loop3A_420 = vector.broadcast %parallel_loop3A_419 : i32 to vector<16xi32>
        %parallel_loop3A_421 = arith.shrsi %parallel_loop3A_418, %parallel_loop3A_420 : vector<16xi32>
        %parallel_loop3A_422 = arith.constant 16 : i32
        %parallel_loop3A_423 = vector.broadcast %parallel_loop3A_422 : i32 to vector<16xi32>
        %parallel_loop3A_424 = arith.shli %parallel_loop3A_421, %parallel_loop3A_423 : vector<16xi32>
        %parallel_loop3A_425 = arith.constant 16 : i32
        %parallel_loop3A_426 = vector.broadcast %parallel_loop3A_425 : i32 to vector<16xi32>
        %parallel_loop3A_427 = arith.shrui %parallel_loop3A_403, %parallel_loop3A_426 : vector<16xi32>
        %parallel_loop3A_428 = arith.ori %parallel_loop3A_424, %parallel_loop3A_427 : vector<16xi32>
        %parallel_loop3A_429 = arith.index_cast %parallel_loop3A_194 : i32 to index
        %parallel_loop3A_430 = arith.index_cast %parallel_loop3A_212 : i32 to index
        %parallel_loop3A_431 = tpu.vector_load %arg10[%parallel_loop3A_429, %parallel_loop3A_430] {strides = array<i32>} : memref<8x128xi32, #tpu.memory_space<vmem>>, vector<1x16xi32>,
        %parallel_loop3A_432 = vector.shape_cast %parallel_loop3A_431 : vector<1x16xi32> to vector<16xi32>
        %parallel_loop3A_433 = vector.shape_cast %parallel_loop3A_428 : vector<16xi32> to vector<1x16xi32>
        tpu.vector_store %arg10[%parallel_loop3A_429, %parallel_loop3A_430], %parallel_loop3A_433 {strides = array<i32>} : memref<8x128xi32, #tpu.memory_space<vmem>>, vector<1x16xi32>,
      } {sc.loop_unroll_factor = 4 : i64, sc.parallel_access}
      %mul3A_61 = arith.constant 8 : i32
      %mul3A_62 = arith.muli %add3A_43, %mul3A_61 : i32
      %add3A_63 = arith.addi %mul3A_2, %mul3A_62 : i32
      %dma_start3A_64 = arith.constant 0 : i32
      %dma_start3A_65 = tpu.memref_slice %arg4[%add3A_63, %dma_start3A_64] : memref<8192x128xi32, #tpu.memory_space<hbm>> -> memref<8x128xi32, #tpu.memory_space<hbm>>
      %dma_start3A_66 = arith.constant 0 : i32
      %dma_start3A_67 = tpu.memref_slice %arg4[%add3A_63, %dma_start3A_66] : memref<8192x128xi32, #tpu.memory_space<hbm>> -> memref<8x128xi32, #tpu.memory_space<hbm>>
      tpu.enqueue_dma source(%arg10 : memref<8x128xi32, #tpu.memory_space<vmem>>) target(%dma_start3A_67 : memref<8x128xi32, #tpu.memory_space<hbm>>) target_semaphore(%arg16 : memref<!tpu.dma_semaphore, #tpu.memory_space<semaphore_mem>>)
      %mul3A_68 = arith.constant 4 : i32
      %mul3A_69 = arith.muli %mul3A_68, %scan3A_39 : i32
      %add3A_70 = arith.constant 1 : i32
      %add3A_71 = arith.addi %mul3A_69, %add3A_70 : i32
      %add3A_72 = arith.constant 4 : i32
      %add3A_73 = arith.addi %add3A_71, %add3A_72 : i32
      %sub3A_74 = arith.constant 1 : i32
      %sub3A_75 = arith.subi %add3A_73, %sub3A_74 : i32
      %lt3A_76 = arith.constant 32 : i32
      %lt3A_77 = arith.cmpi slt, %sub3A_75, %lt3A_76 : i32
      %convert_element_type3A_78 = arith.extui %lt3A_77 : i1 to i32
      %cond3A_79 = arith.constant 0 : i32
      %cond3A_80 = arith.cmpi ne, %convert_element_type3A_78, %cond3A_79 : i32
      scf.if %cond3A_80 {
        %add3A_170 = arith.constant 4 : i32
        %add3A_171 = arith.addi %add3A_71, %add3A_170 : i32
        %sub3A_172 = arith.constant 1 : i32
        %sub3A_173 = arith.subi %add3A_171, %sub3A_172 : i32
        %dma_start3A_174 = arith.constant 0 : i32
        %dma_start3A_175 = tpu.memref_slice %arg5[%sub3A_173, %dma_start3A_174] : memref<32x128xi32, #tpu.memory_space<vmem>> -> memref<1x128xi32, #tpu.memory_space<vmem>>
        %dma_start3A_176 = tpu.memref_squeeze %dma_start3A_175 : memref<1x128xi32, #tpu.memory_space<vmem>> -> memref<128xi32, #tpu.memory_space<vmem>>
        %dma_start3A_177 = arith.constant 0 : i32
        %dma_start3A_178 = arith.constant 0 : i32
        %dma_start3A_179 = tpu.memref_slice %arg2[%dma_start3A_177, %dma_start3A_178] : memref<8192x128xi32, #tpu.memory_space<hbm>> -> memref<8192x128xi32, #tpu.memory_space<hbm>>
        tpu.enqueue_indirect_dma source(%dma_start3A_179 : memref<8192x128xi32, #tpu.memory_space<hbm>>) target(%arg6 : memref<128x128xi32, #tpu.memory_space<vmem>>) offsets(%dma_start3A_176 : memref<128xi32, #tpu.memory_space<vmem>>) semaphore(%arg12 : memref<!tpu.dma_semaphore, #tpu.memory_space<semaphore_mem>>)
      } else {
      }
      %dma_wait3A_81 = arith.constant 0 : i32
      %dma_wait3A_82 = tpu.memref_slice %arg5[%add3A_71, %dma_wait3A_81] : memref<32x128xi32, #tpu.memory_space<vmem>> -> memref<1x128xi32, #tpu.memory_space<vmem>>
      %dma_wait3A_83 = tpu.memref_squeeze %dma_wait3A_82 : memref<1x128xi32, #tpu.memory_space<vmem>> -> memref<128xi32, #tpu.memory_space<vmem>>
      %dma_wait3A_84 = arith.constant 0 : i32
      %dma_wait3A_85 = arith.constant 0 : i32
      %dma_wait3A_86 = tpu.memref_slice %arg2[%dma_wait3A_84, %dma_wait3A_85] : memref<8192x128xi32, #tpu.memory_space<hbm>> -> memref<8192x128xi32, #tpu.memory_space<hbm>>
      tpu.wait_indirect_dma semaphore(%arg13 : memref<!tpu.dma_semaphore, #tpu.memory_space<semaphore_mem>>) src(%dma_wait3A_86 : memref<8192x128xi32, #tpu.memory_space<hbm>>) dst(%arg7 : memref<128x128xi32, #tpu.memory_space<vmem>>)
      %ge3A_87 = arith.constant 2 : i32
      %ge3A_88 = arith.cmpi sge, %add3A_71, %ge3A_87 : i32
      %convert_element_type3A_89 = arith.extui %ge3A_88 : i1 to i32
      %cond3A_90 = arith.constant 0 : i32
      %cond3A_91 = arith.cmpi ne, %convert_element_type3A_89, %cond3A_90 : i32
      scf.if %cond3A_91 {
        %dma_wait3A_170 = arith.constant 0 : i32
        %dma_wait3A_171 = arith.constant 0 : i32
        %dma_wait3A_172 = tpu.memref_slice %arg4[%dma_wait3A_170, %dma_wait3A_171] : memref<8192x128xi32, #tpu.memory_space<hbm>> -> memref<8x128xi32, #tpu.memory_space<hbm>>
        %dma_wait3A_173 = arith.constant 0 : i32
        %dma_wait3A_174 = arith.constant 0 : i32
        %dma_wait3A_175 = tpu.memref_slice %arg4[%dma_wait3A_173, %dma_wait3A_174] : memref<8192x128xi32, #tpu.memory_space<hbm>> -> memref<8x128xi32, #tpu.memory_space<hbm>>
        tpu.wait_dma2 semaphore(%arg17 : memref<!tpu.dma_semaphore, #tpu.memory_space<semaphore_mem>>) src(%arg11 : memref<8x128xi32, #tpu.memory_space<vmem>>) dst(%dma_wait3A_175 : memref<8x128xi32, #tpu.memory_space<hbm>>)
      } else {
      }
      %parallel_loop3A_92 = arith.constant 0 : i32
      %parallel_loop3A_93 = arith.constant 64 : i32
      %parallel_loop3A_94 = arith.constant 1 : i32
      scf.for %parallel_loop3A_170 = %parallel_loop3A_92 to %parallel_loop3A_93 step %parallel_loop3A_94  : i32 {
        %parallel_loop3A_171 = arith.constant 8 : i32
        %parallel_loop3A_172 = arith.divsi %parallel_loop3A_170, %parallel_loop3A_171 : i32
        %parallel_loop3A_173 = arith.constant 0 : i32
        %parallel_loop3A_174 = arith.cmpi sgt, %parallel_loop3A_170, %parallel_loop3A_173 : i32
        %parallel_loop3A_175 = arith.extui %parallel_loop3A_174 : i1 to i32
        %parallel_loop3A_176 = arith.constant 0 : i32
        %parallel_loop3A_177 = arith.cmpi slt, %parallel_loop3A_170, %parallel_loop3A_176 : i32
        %parallel_loop3A_178 = arith.extui %parallel_loop3A_177 : i1 to i32
        %parallel_loop3A_179 = arith.subi %parallel_loop3A_175, %parallel_loop3A_178 : i32
        %parallel_loop3A_180 = arith.constant 0 : i32
        %parallel_loop3A_181 = arith.cmpi sgt, %parallel_loop3A_171, %parallel_loop3A_180 : i32
        %parallel_loop3A_182 = arith.extui %parallel_loop3A_181 : i1 to i32
        %parallel_loop3A_183 = arith.constant 0 : i32
        %parallel_loop3A_184 = arith.cmpi slt, %parallel_loop3A_171, %parallel_loop3A_183 : i32
        %parallel_loop3A_185 = arith.extui %parallel_loop3A_184 : i1 to i32
        %parallel_loop3A_186 = arith.subi %parallel_loop3A_182, %parallel_loop3A_185 : i32
        %parallel_loop3A_187 = arith.cmpi ne, %parallel_loop3A_179, %parallel_loop3A_186 : i32
        %parallel_loop3A_188 = arith.remsi %parallel_loop3A_170, %parallel_loop3A_171 : i32
        %parallel_loop3A_189 = arith.constant 0 : i32
        %parallel_loop3A_190 = arith.cmpi ne, %parallel_loop3A_188, %parallel_loop3A_189 : i32
        %parallel_loop3A_191 = arith.andi %parallel_loop3A_187, %parallel_loop3A_190 : i1
        %parallel_loop3A_192 = arith.constant 1 : i32
        %parallel_loop3A_193 = arith.subi %parallel_loop3A_172, %parallel_loop3A_192 : i32
        %parallel_loop3A_194 = arith.select %parallel_loop3A_191, %parallel_loop3A_193, %parallel_loop3A_172 : i32
        %parallel_loop3A_195 = arith.constant 8 : i32
        %parallel_loop3A_196 = arith.constant 0 : i32
        %parallel_loop3A_197 = arith.cmpi eq, %parallel_loop3A_195, %parallel_loop3A_196 : i32
        %parallel_loop3A_198 = arith.constant 1 : i32
        %parallel_loop3A_199 = arith.select %parallel_loop3A_197, %parallel_loop3A_198, %parallel_loop3A_195 : i32
        %parallel_loop3A_200 = arith.remsi %parallel_loop3A_170, %parallel_loop3A_199 : i32
        %parallel_loop3A_201 = arith.constant 0 : i32
        %parallel_loop3A_202 = arith.cmpi ne, %parallel_loop3A_200, %parallel_loop3A_201 : i32
        %parallel_loop3A_203 = arith.constant 0 : i32
        %parallel_loop3A_204 = arith.cmpi slt, %parallel_loop3A_200, %parallel_loop3A_203 : i32
        %parallel_loop3A_205 = arith.constant 0 : i32
        %parallel_loop3A_206 = arith.cmpi slt, %parallel_loop3A_199, %parallel_loop3A_205 : i32
        %parallel_loop3A_207 = arith.xori %parallel_loop3A_204, %parallel_loop3A_206 : i1
        %parallel_loop3A_208 = arith.andi %parallel_loop3A_207, %parallel_loop3A_202 : i1
        %parallel_loop3A_209 = arith.addi %parallel_loop3A_200, %parallel_loop3A_199 : i32
        %parallel_loop3A_210 = arith.select %parallel_loop3A_208, %parallel_loop3A_209, %parallel_loop3A_200 : i32
        %parallel_loop3A_211 = arith.constant 16 : i32
        %parallel_loop3A_212 = arith.muli %parallel_loop3A_210, %parallel_loop3A_211 : i32
        %parallel_loop3A_213 = arith.constant 16 : i32
        %parallel_loop3A_214 = arith.muli %parallel_loop3A_194, %parallel_loop3A_213 : i32
        %parallel_loop3A_215 = arith.constant 0 : i32
        %parallel_loop3A_216 = arith.addi %parallel_loop3A_214, %parallel_loop3A_215 : i32
        %parallel_loop3A_217 = arith.index_cast %parallel_loop3A_216 : i32 to index
        %parallel_loop3A_218 = arith.index_cast %parallel_loop3A_212 : i32 to index
        %parallel_loop3A_219 = tpu.vector_load %arg7[%parallel_loop3A_217, %parallel_loop3A_218] {strides = array<i32>} : memref<128x128xi32, #tpu.memory_space<vmem>>, vector<1x16xi32>,
        %parallel_loop3A_220 = vector.shape_cast %parallel_loop3A_219 : vector<1x16xi32> to vector<16xi32>
        %parallel_loop3A_221 = arith.constant 16 : i32
        %parallel_loop3A_222 = arith.muli %parallel_loop3A_194, %parallel_loop3A_221 : i32
        %parallel_loop3A_223 = arith.constant 1 : i32
        %parallel_loop3A_224 = arith.addi %parallel_loop3A_222, %parallel_loop3A_223 : i32
        %parallel_loop3A_225 = arith.index_cast %parallel_loop3A_224 : i32 to index
        %parallel_loop3A_226 = arith.index_cast %parallel_loop3A_212 : i32 to index
        %parallel_loop3A_227 = tpu.vector_load %arg7[%parallel_loop3A_225, %parallel_loop3A_226] {strides = array<i32>} : memref<128x128xi32, #tpu.memory_space<vmem>>, vector<1x16xi32>,
        %parallel_loop3A_228 = vector.shape_cast %parallel_loop3A_227 : vector<1x16xi32> to vector<16xi32>
        %parallel_loop3A_229 = arith.constant 16 : i32
        %parallel_loop3A_230 = arith.muli %parallel_loop3A_194, %parallel_loop3A_229 : i32
        %parallel_loop3A_231 = arith.constant 2 : i32
        %parallel_loop3A_232 = arith.addi %parallel_loop3A_230, %parallel_loop3A_231 : i32
        %parallel_loop3A_233 = arith.index_cast %parallel_loop3A_232 : i32 to index
        %parallel_loop3A_234 = arith.index_cast %parallel_loop3A_212 : i32 to index
        %parallel_loop3A_235 = tpu.vector_load %arg7[%parallel_loop3A_233, %parallel_loop3A_234] {strides = array<i32>} : memref<128x128xi32, #tpu.memory_space<vmem>>, vector<1x16xi32>,
        %parallel_loop3A_236 = vector.shape_cast %parallel_loop3A_235 : vector<1x16xi32> to vector<16xi32>
        %parallel_loop3A_237 = arith.constant 16 : i32
        %parallel_loop3A_238 = arith.muli %parallel_loop3A_194, %parallel_loop3A_237 : i32
        %parallel_loop3A_239 = arith.constant 3 : i32
        %parallel_loop3A_240 = arith.addi %parallel_loop3A_238, %parallel_loop3A_239 : i32
        %parallel_loop3A_241 = arith.index_cast %parallel_loop3A_240 : i32 to index
        %parallel_loop3A_242 = arith.index_cast %parallel_loop3A_212 : i32 to index
        %parallel_loop3A_243 = tpu.vector_load %arg7[%parallel_loop3A_241, %parallel_loop3A_242] {strides = array<i32>} : memref<128x128xi32, #tpu.memory_space<vmem>>, vector<1x16xi32>,
        %parallel_loop3A_244 = vector.shape_cast %parallel_loop3A_243 : vector<1x16xi32> to vector<16xi32>
        %parallel_loop3A_245 = arith.constant 16 : i32
        %parallel_loop3A_246 = arith.muli %parallel_loop3A_194, %parallel_loop3A_245 : i32
        %parallel_loop3A_247 = arith.constant 4 : i32
        %parallel_loop3A_248 = arith.addi %parallel_loop3A_246, %parallel_loop3A_247 : i32
        %parallel_loop3A_249 = arith.index_cast %parallel_loop3A_248 : i32 to index
        %parallel_loop3A_250 = arith.index_cast %parallel_loop3A_212 : i32 to index
        %parallel_loop3A_251 = tpu.vector_load %arg7[%parallel_loop3A_249, %parallel_loop3A_250] {strides = array<i32>} : memref<128x128xi32, #tpu.memory_space<vmem>>, vector<1x16xi32>,
        %parallel_loop3A_252 = vector.shape_cast %parallel_loop3A_251 : vector<1x16xi32> to vector<16xi32>
        %parallel_loop3A_253 = arith.constant 16 : i32
        %parallel_loop3A_254 = arith.muli %parallel_loop3A_194, %parallel_loop3A_253 : i32
        %parallel_loop3A_255 = arith.constant 5 : i32
        %parallel_loop3A_256 = arith.addi %parallel_loop3A_254, %parallel_loop3A_255 : i32
        %parallel_loop3A_257 = arith.index_cast %parallel_loop3A_256 : i32 to index
        %parallel_loop3A_258 = arith.index_cast %parallel_loop3A_212 : i32 to index
        %parallel_loop3A_259 = tpu.vector_load %arg7[%parallel_loop3A_257, %parallel_loop3A_258] {strides = array<i32>} : memref<128x128xi32, #tpu.memory_space<vmem>>, vector<1x16xi32>,
        %parallel_loop3A_260 = vector.shape_cast %parallel_loop3A_259 : vector<1x16xi32> to vector<16xi32>
        %parallel_loop3A_261 = arith.constant 16 : i32
        %parallel_loop3A_262 = arith.muli %parallel_loop3A_194, %parallel_loop3A_261 : i32
        %parallel_loop3A_263 = arith.constant 6 : i32
        %parallel_loop3A_264 = arith.addi %parallel_loop3A_262, %parallel_loop3A_263 : i32
        %parallel_loop3A_265 = arith.index_cast %parallel_loop3A_264 : i32 to index
        %parallel_loop3A_266 = arith.index_cast %parallel_loop3A_212 : i32 to index
        %parallel_loop3A_267 = tpu.vector_load %arg7[%parallel_loop3A_265, %parallel_loop3A_266] {strides = array<i32>} : memref<128x128xi32, #tpu.memory_space<vmem>>, vector<1x16xi32>,
        %parallel_loop3A_268 = vector.shape_cast %parallel_loop3A_267 : vector<1x16xi32> to vector<16xi32>
        %parallel_loop3A_269 = arith.constant 16 : i32
        %parallel_loop3A_270 = arith.muli %parallel_loop3A_194, %parallel_loop3A_269 : i32
        %parallel_loop3A_271 = arith.constant 7 : i32
        %parallel_loop3A_272 = arith.addi %parallel_loop3A_270, %parallel_loop3A_271 : i32
        %parallel_loop3A_273 = arith.index_cast %parallel_loop3A_272 : i32 to index
        %parallel_loop3A_274 = arith.index_cast %parallel_loop3A_212 : i32 to index
        %parallel_loop3A_275 = tpu.vector_load %arg7[%parallel_loop3A_273, %parallel_loop3A_274] {strides = array<i32>} : memref<128x128xi32, #tpu.memory_space<vmem>>, vector<1x16xi32>,
        %parallel_loop3A_276 = vector.shape_cast %parallel_loop3A_275 : vector<1x16xi32> to vector<16xi32>
        %parallel_loop3A_277 = arith.constant 16 : i32
        %parallel_loop3A_278 = arith.muli %parallel_loop3A_194, %parallel_loop3A_277 : i32
        %parallel_loop3A_279 = arith.constant 8 : i32
        %parallel_loop3A_280 = arith.addi %parallel_loop3A_278, %parallel_loop3A_279 : i32
        %parallel_loop3A_281 = arith.index_cast %parallel_loop3A_280 : i32 to index
        %parallel_loop3A_282 = arith.index_cast %parallel_loop3A_212 : i32 to index
        %parallel_loop3A_283 = tpu.vector_load %arg7[%parallel_loop3A_281, %parallel_loop3A_282] {strides = array<i32>} : memref<128x128xi32, #tpu.memory_space<vmem>>, vector<1x16xi32>,
        %parallel_loop3A_284 = vector.shape_cast %parallel_loop3A_283 : vector<1x16xi32> to vector<16xi32>
        %parallel_loop3A_285 = arith.constant 16 : i32
        %parallel_loop3A_286 = arith.muli %parallel_loop3A_194, %parallel_loop3A_285 : i32
        %parallel_loop3A_287 = arith.constant 9 : i32
        %parallel_loop3A_288 = arith.addi %parallel_loop3A_286, %parallel_loop3A_287 : i32
        %parallel_loop3A_289 = arith.index_cast %parallel_loop3A_288 : i32 to index
        %parallel_loop3A_290 = arith.index_cast %parallel_loop3A_212 : i32 to index
        %parallel_loop3A_291 = tpu.vector_load %arg7[%parallel_loop3A_289, %parallel_loop3A_290] {strides = array<i32>} : memref<128x128xi32, #tpu.memory_space<vmem>>, vector<1x16xi32>,
        %parallel_loop3A_292 = vector.shape_cast %parallel_loop3A_291 : vector<1x16xi32> to vector<16xi32>
        %parallel_loop3A_293 = arith.constant 16 : i32
        %parallel_loop3A_294 = arith.muli %parallel_loop3A_194, %parallel_loop3A_293 : i32
        %parallel_loop3A_295 = arith.constant 10 : i32
        %parallel_loop3A_296 = arith.addi %parallel_loop3A_294, %parallel_loop3A_295 : i32
        %parallel_loop3A_297 = arith.index_cast %parallel_loop3A_296 : i32 to index
        %parallel_loop3A_298 = arith.index_cast %parallel_loop3A_212 : i32 to index
        %parallel_loop3A_299 = tpu.vector_load %arg7[%parallel_loop3A_297, %parallel_loop3A_298] {strides = array<i32>} : memref<128x128xi32, #tpu.memory_space<vmem>>, vector<1x16xi32>,
        %parallel_loop3A_300 = vector.shape_cast %parallel_loop3A_299 : vector<1x16xi32> to vector<16xi32>
        %parallel_loop3A_301 = arith.constant 16 : i32
        %parallel_loop3A_302 = arith.muli %parallel_loop3A_194, %parallel_loop3A_301 : i32
        %parallel_loop3A_303 = arith.constant 11 : i32
        %parallel_loop3A_304 = arith.addi %parallel_loop3A_302, %parallel_loop3A_303 : i32
        %parallel_loop3A_305 = arith.index_cast %parallel_loop3A_304 : i32 to index
        %parallel_loop3A_306 = arith.index_cast %parallel_loop3A_212 : i32 to index
        %parallel_loop3A_307 = tpu.vector_load %arg7[%parallel_loop3A_305, %parallel_loop3A_306] {strides = array<i32>} : memref<128x128xi32, #tpu.memory_space<vmem>>, vector<1x16xi32>,
        %parallel_loop3A_308 = vector.shape_cast %parallel_loop3A_307 : vector<1x16xi32> to vector<16xi32>
        %parallel_loop3A_309 = arith.constant 16 : i32
        %parallel_loop3A_310 = arith.muli %parallel_loop3A_194, %parallel_loop3A_309 : i32
        %parallel_loop3A_311 = arith.constant 12 : i32
        %parallel_loop3A_312 = arith.addi %parallel_loop3A_310, %parallel_loop3A_311 : i32
        %parallel_loop3A_313 = arith.index_cast %parallel_loop3A_312 : i32 to index
        %parallel_loop3A_314 = arith.index_cast %parallel_loop3A_212 : i32 to index
        %parallel_loop3A_315 = tpu.vector_load %arg7[%parallel_loop3A_313, %parallel_loop3A_314] {strides = array<i32>} : memref<128x128xi32, #tpu.memory_space<vmem>>, vector<1x16xi32>,
        %parallel_loop3A_316 = vector.shape_cast %parallel_loop3A_315 : vector<1x16xi32> to vector<16xi32>
        %parallel_loop3A_317 = arith.constant 16 : i32
        %parallel_loop3A_318 = arith.muli %parallel_loop3A_194, %parallel_loop3A_317 : i32
        %parallel_loop3A_319 = arith.constant 13 : i32
        %parallel_loop3A_320 = arith.addi %parallel_loop3A_318, %parallel_loop3A_319 : i32
        %parallel_loop3A_321 = arith.index_cast %parallel_loop3A_320 : i32 to index
        %parallel_loop3A_322 = arith.index_cast %parallel_loop3A_212 : i32 to index
        %parallel_loop3A_323 = tpu.vector_load %arg7[%parallel_loop3A_321, %parallel_loop3A_322] {strides = array<i32>} : memref<128x128xi32, #tpu.memory_space<vmem>>, vector<1x16xi32>,
        %parallel_loop3A_324 = vector.shape_cast %parallel_loop3A_323 : vector<1x16xi32> to vector<16xi32>
        %parallel_loop3A_325 = arith.constant 16 : i32
        %parallel_loop3A_326 = arith.muli %parallel_loop3A_194, %parallel_loop3A_325 : i32
        %parallel_loop3A_327 = arith.constant 14 : i32
        %parallel_loop3A_328 = arith.addi %parallel_loop3A_326, %parallel_loop3A_327 : i32
        %parallel_loop3A_329 = arith.index_cast %parallel_loop3A_328 : i32 to index
        %parallel_loop3A_330 = arith.index_cast %parallel_loop3A_212 : i32 to index
        %parallel_loop3A_331 = tpu.vector_load %arg7[%parallel_loop3A_329, %parallel_loop3A_330] {strides = array<i32>} : memref<128x128xi32, #tpu.memory_space<vmem>>, vector<1x16xi32>,
        %parallel_loop3A_332 = vector.shape_cast %parallel_loop3A_331 : vector<1x16xi32> to vector<16xi32>
        %parallel_loop3A_333 = arith.constant 16 : i32
        %parallel_loop3A_334 = arith.muli %parallel_loop3A_194, %parallel_loop3A_333 : i32
        %parallel_loop3A_335 = arith.constant 15 : i32
        %parallel_loop3A_336 = arith.addi %parallel_loop3A_334, %parallel_loop3A_335 : i32
        %parallel_loop3A_337 = arith.index_cast %parallel_loop3A_336 : i32 to index
        %parallel_loop3A_338 = arith.index_cast %parallel_loop3A_212 : i32 to index
        %parallel_loop3A_339 = tpu.vector_load %arg7[%parallel_loop3A_337, %parallel_loop3A_338] {strides = array<i32>} : memref<128x128xi32, #tpu.memory_space<vmem>>, vector<1x16xi32>,
        %parallel_loop3A_340 = vector.shape_cast %parallel_loop3A_339 : vector<1x16xi32> to vector<16xi32>
        %parallel_loop3A_341 = arith.constant 16 : i32
        %parallel_loop3A_342 = vector.broadcast %parallel_loop3A_341 : i32 to vector<16xi32>
        %parallel_loop3A_343 = arith.shli %parallel_loop3A_220, %parallel_loop3A_342 : vector<16xi32>
        %parallel_loop3A_344 = arith.constant 16 : i32
        %parallel_loop3A_345 = vector.broadcast %parallel_loop3A_344 : i32 to vector<16xi32>
        %parallel_loop3A_346 = arith.shli %parallel_loop3A_228, %parallel_loop3A_345 : vector<16xi32>
        %parallel_loop3A_347 = arith.constant 16 : i32
        %parallel_loop3A_348 = vector.broadcast %parallel_loop3A_347 : i32 to vector<16xi32>
        %parallel_loop3A_349 = arith.shli %parallel_loop3A_236, %parallel_loop3A_348 : vector<16xi32>
        %parallel_loop3A_350 = arith.constant 16 : i32
        %parallel_loop3A_351 = vector.broadcast %parallel_loop3A_350 : i32 to vector<16xi32>
        %parallel_loop3A_352 = arith.shli %parallel_loop3A_244, %parallel_loop3A_351 : vector<16xi32>
        %parallel_loop3A_353 = arith.constant 16 : i32
        %parallel_loop3A_354 = vector.broadcast %parallel_loop3A_353 : i32 to vector<16xi32>
        %parallel_loop3A_355 = arith.shli %parallel_loop3A_252, %parallel_loop3A_354 : vector<16xi32>
        %parallel_loop3A_356 = arith.constant 16 : i32
        %parallel_loop3A_357 = vector.broadcast %parallel_loop3A_356 : i32 to vector<16xi32>
        %parallel_loop3A_358 = arith.shli %parallel_loop3A_260, %parallel_loop3A_357 : vector<16xi32>
        %parallel_loop3A_359 = arith.constant 16 : i32
        %parallel_loop3A_360 = vector.broadcast %parallel_loop3A_359 : i32 to vector<16xi32>
        %parallel_loop3A_361 = arith.shli %parallel_loop3A_268, %parallel_loop3A_360 : vector<16xi32>
        %parallel_loop3A_362 = arith.constant 16 : i32
        %parallel_loop3A_363 = vector.broadcast %parallel_loop3A_362 : i32 to vector<16xi32>
        %parallel_loop3A_364 = arith.shli %parallel_loop3A_276, %parallel_loop3A_363 : vector<16xi32>
        %parallel_loop3A_365 = arith.constant 16 : i32
        %parallel_loop3A_366 = vector.broadcast %parallel_loop3A_365 : i32 to vector<16xi32>
        %parallel_loop3A_367 = arith.shli %parallel_loop3A_284, %parallel_loop3A_366 : vector<16xi32>
        %parallel_loop3A_368 = arith.constant 16 : i32
        %parallel_loop3A_369 = vector.broadcast %parallel_loop3A_368 : i32 to vector<16xi32>
        %parallel_loop3A_370 = arith.shli %parallel_loop3A_292, %parallel_loop3A_369 : vector<16xi32>
        %parallel_loop3A_371 = arith.constant 16 : i32
        %parallel_loop3A_372 = vector.broadcast %parallel_loop3A_371 : i32 to vector<16xi32>
        %parallel_loop3A_373 = arith.shli %parallel_loop3A_300, %parallel_loop3A_372 : vector<16xi32>
        %parallel_loop3A_374 = arith.constant 16 : i32
        %parallel_loop3A_375 = vector.broadcast %parallel_loop3A_374 : i32 to vector<16xi32>
        %parallel_loop3A_376 = arith.shli %parallel_loop3A_308, %parallel_loop3A_375 : vector<16xi32>
        %parallel_loop3A_377 = arith.constant 16 : i32
        %parallel_loop3A_378 = vector.broadcast %parallel_loop3A_377 : i32 to vector<16xi32>
        %parallel_loop3A_379 = arith.shli %parallel_loop3A_316, %parallel_loop3A_378 : vector<16xi32>
        %parallel_loop3A_380 = arith.constant 16 : i32
        %parallel_loop3A_381 = vector.broadcast %parallel_loop3A_380 : i32 to vector<16xi32>
        %parallel_loop3A_382 = arith.shli %parallel_loop3A_324, %parallel_loop3A_381 : vector<16xi32>
        %parallel_loop3A_383 = arith.constant 16 : i32
        %parallel_loop3A_384 = vector.broadcast %parallel_loop3A_383 : i32 to vector<16xi32>
        %parallel_loop3A_385 = arith.shli %parallel_loop3A_332, %parallel_loop3A_384 : vector<16xi32>
        %parallel_loop3A_386 = arith.constant 16 : i32
        %parallel_loop3A_387 = vector.broadcast %parallel_loop3A_386 : i32 to vector<16xi32>
        %parallel_loop3A_388 = arith.shli %parallel_loop3A_340, %parallel_loop3A_387 : vector<16xi32>
        %parallel_loop3A_389 = arith.maxsi %parallel_loop3A_343, %parallel_loop3A_346 : vector<16xi32>
        %parallel_loop3A_390 = arith.maxsi %parallel_loop3A_349, %parallel_loop3A_352 : vector<16xi32>
        %parallel_loop3A_391 = arith.maxsi %parallel_loop3A_355, %parallel_loop3A_358 : vector<16xi32>
        %parallel_loop3A_392 = arith.maxsi %parallel_loop3A_361, %parallel_loop3A_364 : vector<16xi32>
        %parallel_loop3A_393 = arith.maxsi %parallel_loop3A_367, %parallel_loop3A_370 : vector<16xi32>
        %parallel_loop3A_394 = arith.maxsi %parallel_loop3A_373, %parallel_loop3A_376 : vector<16xi32>
        %parallel_loop3A_395 = arith.maxsi %parallel_loop3A_379, %parallel_loop3A_382 : vector<16xi32>
        %parallel_loop3A_396 = arith.maxsi %parallel_loop3A_385, %parallel_loop3A_388 : vector<16xi32>
        %parallel_loop3A_397 = arith.maxsi %parallel_loop3A_389, %parallel_loop3A_390 : vector<16xi32>
        %parallel_loop3A_398 = arith.maxsi %parallel_loop3A_391, %parallel_loop3A_392 : vector<16xi32>
        %parallel_loop3A_399 = arith.maxsi %parallel_loop3A_393, %parallel_loop3A_394 : vector<16xi32>
        %parallel_loop3A_400 = arith.maxsi %parallel_loop3A_395, %parallel_loop3A_396 : vector<16xi32>
        %parallel_loop3A_401 = arith.maxsi %parallel_loop3A_397, %parallel_loop3A_398 : vector<16xi32>
        %parallel_loop3A_402 = arith.maxsi %parallel_loop3A_399, %parallel_loop3A_400 : vector<16xi32>
        %parallel_loop3A_403 = arith.maxsi %parallel_loop3A_401, %parallel_loop3A_402 : vector<16xi32>
        %parallel_loop3A_404 = arith.maxsi %parallel_loop3A_220, %parallel_loop3A_228 : vector<16xi32>
        %parallel_loop3A_405 = arith.maxsi %parallel_loop3A_236, %parallel_loop3A_244 : vector<16xi32>
        %parallel_loop3A_406 = arith.maxsi %parallel_loop3A_252, %parallel_loop3A_260 : vector<16xi32>
        %parallel_loop3A_407 = arith.maxsi %parallel_loop3A_268, %parallel_loop3A_276 : vector<16xi32>
        %parallel_loop3A_408 = arith.maxsi %parallel_loop3A_284, %parallel_loop3A_292 : vector<16xi32>
        %parallel_loop3A_409 = arith.maxsi %parallel_loop3A_300, %parallel_loop3A_308 : vector<16xi32>
        %parallel_loop3A_410 = arith.maxsi %parallel_loop3A_316, %parallel_loop3A_324 : vector<16xi32>
        %parallel_loop3A_411 = arith.maxsi %parallel_loop3A_332, %parallel_loop3A_340 : vector<16xi32>
        %parallel_loop3A_412 = arith.maxsi %parallel_loop3A_404, %parallel_loop3A_405 : vector<16xi32>
        %parallel_loop3A_413 = arith.maxsi %parallel_loop3A_406, %parallel_loop3A_407 : vector<16xi32>
        %parallel_loop3A_414 = arith.maxsi %parallel_loop3A_408, %parallel_loop3A_409 : vector<16xi32>
        %parallel_loop3A_415 = arith.maxsi %parallel_loop3A_410, %parallel_loop3A_411 : vector<16xi32>
        %parallel_loop3A_416 = arith.maxsi %parallel_loop3A_412, %parallel_loop3A_413 : vector<16xi32>
        %parallel_loop3A_417 = arith.maxsi %parallel_loop3A_414, %parallel_loop3A_415 : vector<16xi32>
        %parallel_loop3A_418 = arith.maxsi %parallel_loop3A_416, %parallel_loop3A_417 : vector<16xi32>
        %parallel_loop3A_419 = arith.constant 16 : i32
        %parallel_loop3A_420 = vector.broadcast %parallel_loop3A_419 : i32 to vector<16xi32>
        %parallel_loop3A_421 = arith.shrsi %parallel_loop3A_418, %parallel_loop3A_420 : vector<16xi32>
        %parallel_loop3A_422 = arith.constant 16 : i32
        %parallel_loop3A_423 = vector.broadcast %parallel_loop3A_422 : i32 to vector<16xi32>
        %parallel_loop3A_424 = arith.shli %parallel_loop3A_421, %parallel_loop3A_423 : vector<16xi32>
        %parallel_loop3A_425 = arith.constant 16 : i32
        %parallel_loop3A_426 = vector.broadcast %parallel_loop3A_425 : i32 to vector<16xi32>
        %parallel_loop3A_427 = arith.shrui %parallel_loop3A_403, %parallel_loop3A_426 : vector<16xi32>
        %parallel_loop3A_428 = arith.ori %parallel_loop3A_424, %parallel_loop3A_427 : vector<16xi32>
        %parallel_loop3A_429 = arith.index_cast %parallel_loop3A_194 : i32 to index
        %parallel_loop3A_430 = arith.index_cast %parallel_loop3A_212 : i32 to index
        %parallel_loop3A_431 = tpu.vector_load %arg11[%parallel_loop3A_429, %parallel_loop3A_430] {strides = array<i32>} : memref<8x128xi32, #tpu.memory_space<vmem>>, vector<1x16xi32>,
        %parallel_loop3A_432 = vector.shape_cast %parallel_loop3A_431 : vector<1x16xi32> to vector<16xi32>
        %parallel_loop3A_433 = vector.shape_cast %parallel_loop3A_428 : vector<16xi32> to vector<1x16xi32>
        tpu.vector_store %arg11[%parallel_loop3A_429, %parallel_loop3A_430], %parallel_loop3A_433 {strides = array<i32>} : memref<8x128xi32, #tpu.memory_space<vmem>>, vector<1x16xi32>,
      } {sc.loop_unroll_factor = 4 : i64, sc.parallel_access}
      %mul3A_95 = arith.constant 8 : i32
      %mul3A_96 = arith.muli %add3A_71, %mul3A_95 : i32
      %add3A_97 = arith.addi %mul3A_2, %mul3A_96 : i32
      %dma_start3A_98 = arith.constant 0 : i32
      %dma_start3A_99 = tpu.memref_slice %arg4[%add3A_97, %dma_start3A_98] : memref<8192x128xi32, #tpu.memory_space<hbm>> -> memref<8x128xi32, #tpu.memory_space<hbm>>
      %dma_start3A_100 = arith.constant 0 : i32
      %dma_start3A_101 = tpu.memref_slice %arg4[%add3A_97, %dma_start3A_100] : memref<8192x128xi32, #tpu.memory_space<hbm>> -> memref<8x128xi32, #tpu.memory_space<hbm>>
      tpu.enqueue_dma source(%arg11 : memref<8x128xi32, #tpu.memory_space<vmem>>) target(%dma_start3A_101 : memref<8x128xi32, #tpu.memory_space<hbm>>) target_semaphore(%arg17 : memref<!tpu.dma_semaphore, #tpu.memory_space<semaphore_mem>>)
      %mul3A_102 = arith.constant 4 : i32
      %mul3A_103 = arith.muli %mul3A_102, %scan3A_39 : i32
      %add3A_104 = arith.constant 2 : i32
      %add3A_105 = arith.addi %mul3A_103, %add3A_104 : i32
      %add3A_106 = arith.constant 4 : i32
      %add3A_107 = arith.addi %add3A_105, %add3A_106 : i32
      %sub3A_108 = arith.constant 1 : i32
      %sub3A_109 = arith.subi %add3A_107, %sub3A_108 : i32
      %lt3A_110 = arith.constant 32 : i32
      %lt3A_111 = arith.cmpi slt, %sub3A_109, %lt3A_110 : i32
      %convert_element_type3A_112 = arith.extui %lt3A_111 : i1 to i32
      %cond3A_113 = arith.constant 0 : i32
      %cond3A_114 = arith.cmpi ne, %convert_element_type3A_112, %cond3A_113 : i32
      scf.if %cond3A_114 {
        %add3A_170 = arith.constant 4 : i32
        %add3A_171 = arith.addi %add3A_105, %add3A_170 : i32
        %sub3A_172 = arith.constant 1 : i32
        %sub3A_173 = arith.subi %add3A_171, %sub3A_172 : i32
        %dma_start3A_174 = arith.constant 0 : i32
        %dma_start3A_175 = tpu.memref_slice %arg5[%sub3A_173, %dma_start3A_174] : memref<32x128xi32, #tpu.memory_space<vmem>> -> memref<1x128xi32, #tpu.memory_space<vmem>>
        %dma_start3A_176 = tpu.memref_squeeze %dma_start3A_175 : memref<1x128xi32, #tpu.memory_space<vmem>> -> memref<128xi32, #tpu.memory_space<vmem>>
        %dma_start3A_177 = arith.constant 0 : i32
        %dma_start3A_178 = arith.constant 0 : i32
        %dma_start3A_179 = tpu.memref_slice %arg2[%dma_start3A_177, %dma_start3A_178] : memref<8192x128xi32, #tpu.memory_space<hbm>> -> memref<8192x128xi32, #tpu.memory_space<hbm>>
        tpu.enqueue_indirect_dma source(%dma_start3A_179 : memref<8192x128xi32, #tpu.memory_space<hbm>>) target(%arg7 : memref<128x128xi32, #tpu.memory_space<vmem>>) offsets(%dma_start3A_176 : memref<128xi32, #tpu.memory_space<vmem>>) semaphore(%arg13 : memref<!tpu.dma_semaphore, #tpu.memory_space<semaphore_mem>>)
      } else {
      }
      %dma_wait3A_115 = arith.constant 0 : i32
      %dma_wait3A_116 = tpu.memref_slice %arg5[%add3A_105, %dma_wait3A_115] : memref<32x128xi32, #tpu.memory_space<vmem>> -> memref<1x128xi32, #tpu.memory_space<vmem>>
      %dma_wait3A_117 = tpu.memref_squeeze %dma_wait3A_116 : memref<1x128xi32, #tpu.memory_space<vmem>> -> memref<128xi32, #tpu.memory_space<vmem>>
      %dma_wait3A_118 = arith.constant 0 : i32
      %dma_wait3A_119 = arith.constant 0 : i32
      %dma_wait3A_120 = tpu.memref_slice %arg2[%dma_wait3A_118, %dma_wait3A_119] : memref<8192x128xi32, #tpu.memory_space<hbm>> -> memref<8192x128xi32, #tpu.memory_space<hbm>>
      tpu.wait_indirect_dma semaphore(%arg14 : memref<!tpu.dma_semaphore, #tpu.memory_space<semaphore_mem>>) src(%dma_wait3A_120 : memref<8192x128xi32, #tpu.memory_space<hbm>>) dst(%arg8 : memref<128x128xi32, #tpu.memory_space<vmem>>)
      %ge3A_121 = arith.constant 2 : i32
      %ge3A_122 = arith.cmpi sge, %add3A_105, %ge3A_121 : i32
      %convert_element_type3A_123 = arith.extui %ge3A_122 : i1 to i32
      %cond3A_124 = arith.constant 0 : i32
      %cond3A_125 = arith.cmpi ne, %convert_element_type3A_123, %cond3A_124 : i32
      scf.if %cond3A_125 {
        %dma_wait3A_170 = arith.constant 0 : i32
        %dma_wait3A_171 = arith.constant 0 : i32
        %dma_wait3A_172 = tpu.memref_slice %arg4[%dma_wait3A_170, %dma_wait3A_171] : memref<8192x128xi32, #tpu.memory_space<hbm>> -> memref<8x128xi32, #tpu.memory_space<hbm>>
        %dma_wait3A_173 = arith.constant 0 : i32
        %dma_wait3A_174 = arith.constant 0 : i32
        %dma_wait3A_175 = tpu.memref_slice %arg4[%dma_wait3A_173, %dma_wait3A_174] : memref<8192x128xi32, #tpu.memory_space<hbm>> -> memref<8x128xi32, #tpu.memory_space<hbm>>
        tpu.wait_dma2 semaphore(%arg16 : memref<!tpu.dma_semaphore, #tpu.memory_space<semaphore_mem>>) src(%arg10 : memref<8x128xi32, #tpu.memory_space<vmem>>) dst(%dma_wait3A_175 : memref<8x128xi32, #tpu.memory_space<hbm>>)
      } else {
      }
      %parallel_loop3A_126 = arith.constant 0 : i32
      %parallel_loop3A_127 = arith.constant 64 : i32
      %parallel_loop3A_128 = arith.constant 1 : i32
      scf.for %parallel_loop3A_170 = %parallel_loop3A_126 to %parallel_loop3A_127 step %parallel_loop3A_128  : i32 {
        %parallel_loop3A_171 = arith.constant 8 : i32
        %parallel_loop3A_172 = arith.divsi %parallel_loop3A_170, %parallel_loop3A_171 : i32
        %parallel_loop3A_173 = arith.constant 0 : i32
        %parallel_loop3A_174 = arith.cmpi sgt, %parallel_loop3A_170, %parallel_loop3A_173 : i32
        %parallel_loop3A_175 = arith.extui %parallel_loop3A_174 : i1 to i32
        %parallel_loop3A_176 = arith.constant 0 : i32
        %parallel_loop3A_177 = arith.cmpi slt, %parallel_loop3A_170, %parallel_loop3A_176 : i32
        %parallel_loop3A_178 = arith.extui %parallel_loop3A_177 : i1 to i32
        %parallel_loop3A_179 = arith.subi %parallel_loop3A_175, %parallel_loop3A_178 : i32
        %parallel_loop3A_180 = arith.constant 0 : i32
        %parallel_loop3A_181 = arith.cmpi sgt, %parallel_loop3A_171, %parallel_loop3A_180 : i32
        %parallel_loop3A_182 = arith.extui %parallel_loop3A_181 : i1 to i32
        %parallel_loop3A_183 = arith.constant 0 : i32
        %parallel_loop3A_184 = arith.cmpi slt, %parallel_loop3A_171, %parallel_loop3A_183 : i32
        %parallel_loop3A_185 = arith.extui %parallel_loop3A_184 : i1 to i32
        %parallel_loop3A_186 = arith.subi %parallel_loop3A_182, %parallel_loop3A_185 : i32
        %parallel_loop3A_187 = arith.cmpi ne, %parallel_loop3A_179, %parallel_loop3A_186 : i32
        %parallel_loop3A_188 = arith.remsi %parallel_loop3A_170, %parallel_loop3A_171 : i32
        %parallel_loop3A_189 = arith.constant 0 : i32
        %parallel_loop3A_190 = arith.cmpi ne, %parallel_loop3A_188, %parallel_loop3A_189 : i32
        %parallel_loop3A_191 = arith.andi %parallel_loop3A_187, %parallel_loop3A_190 : i1
        %parallel_loop3A_192 = arith.constant 1 : i32
        %parallel_loop3A_193 = arith.subi %parallel_loop3A_172, %parallel_loop3A_192 : i32
        %parallel_loop3A_194 = arith.select %parallel_loop3A_191, %parallel_loop3A_193, %parallel_loop3A_172 : i32
        %parallel_loop3A_195 = arith.constant 8 : i32
        %parallel_loop3A_196 = arith.constant 0 : i32
        %parallel_loop3A_197 = arith.cmpi eq, %parallel_loop3A_195, %parallel_loop3A_196 : i32
        %parallel_loop3A_198 = arith.constant 1 : i32
        %parallel_loop3A_199 = arith.select %parallel_loop3A_197, %parallel_loop3A_198, %parallel_loop3A_195 : i32
        %parallel_loop3A_200 = arith.remsi %parallel_loop3A_170, %parallel_loop3A_199 : i32
        %parallel_loop3A_201 = arith.constant 0 : i32
        %parallel_loop3A_202 = arith.cmpi ne, %parallel_loop3A_200, %parallel_loop3A_201 : i32
        %parallel_loop3A_203 = arith.constant 0 : i32
        %parallel_loop3A_204 = arith.cmpi slt, %parallel_loop3A_200, %parallel_loop3A_203 : i32
        %parallel_loop3A_205 = arith.constant 0 : i32
        %parallel_loop3A_206 = arith.cmpi slt, %parallel_loop3A_199, %parallel_loop3A_205 : i32
        %parallel_loop3A_207 = arith.xori %parallel_loop3A_204, %parallel_loop3A_206 : i1
        %parallel_loop3A_208 = arith.andi %parallel_loop3A_207, %parallel_loop3A_202 : i1
        %parallel_loop3A_209 = arith.addi %parallel_loop3A_200, %parallel_loop3A_199 : i32
        %parallel_loop3A_210 = arith.select %parallel_loop3A_208, %parallel_loop3A_209, %parallel_loop3A_200 : i32
        %parallel_loop3A_211 = arith.constant 16 : i32
        %parallel_loop3A_212 = arith.muli %parallel_loop3A_210, %parallel_loop3A_211 : i32
        %parallel_loop3A_213 = arith.constant 16 : i32
        %parallel_loop3A_214 = arith.muli %parallel_loop3A_194, %parallel_loop3A_213 : i32
        %parallel_loop3A_215 = arith.constant 0 : i32
        %parallel_loop3A_216 = arith.addi %parallel_loop3A_214, %parallel_loop3A_215 : i32
        %parallel_loop3A_217 = arith.index_cast %parallel_loop3A_216 : i32 to index
        %parallel_loop3A_218 = arith.index_cast %parallel_loop3A_212 : i32 to index
        %parallel_loop3A_219 = tpu.vector_load %arg8[%parallel_loop3A_217, %parallel_loop3A_218] {strides = array<i32>} : memref<128x128xi32, #tpu.memory_space<vmem>>, vector<1x16xi32>,
        %parallel_loop3A_220 = vector.shape_cast %parallel_loop3A_219 : vector<1x16xi32> to vector<16xi32>
        %parallel_loop3A_221 = arith.constant 16 : i32
        %parallel_loop3A_222 = arith.muli %parallel_loop3A_194, %parallel_loop3A_221 : i32
        %parallel_loop3A_223 = arith.constant 1 : i32
        %parallel_loop3A_224 = arith.addi %parallel_loop3A_222, %parallel_loop3A_223 : i32
        %parallel_loop3A_225 = arith.index_cast %parallel_loop3A_224 : i32 to index
        %parallel_loop3A_226 = arith.index_cast %parallel_loop3A_212 : i32 to index
        %parallel_loop3A_227 = tpu.vector_load %arg8[%parallel_loop3A_225, %parallel_loop3A_226] {strides = array<i32>} : memref<128x128xi32, #tpu.memory_space<vmem>>, vector<1x16xi32>,
        %parallel_loop3A_228 = vector.shape_cast %parallel_loop3A_227 : vector<1x16xi32> to vector<16xi32>
        %parallel_loop3A_229 = arith.constant 16 : i32
        %parallel_loop3A_230 = arith.muli %parallel_loop3A_194, %parallel_loop3A_229 : i32
        %parallel_loop3A_231 = arith.constant 2 : i32
        %parallel_loop3A_232 = arith.addi %parallel_loop3A_230, %parallel_loop3A_231 : i32
        %parallel_loop3A_233 = arith.index_cast %parallel_loop3A_232 : i32 to index
        %parallel_loop3A_234 = arith.index_cast %parallel_loop3A_212 : i32 to index
        %parallel_loop3A_235 = tpu.vector_load %arg8[%parallel_loop3A_233, %parallel_loop3A_234] {strides = array<i32>} : memref<128x128xi32, #tpu.memory_space<vmem>>, vector<1x16xi32>,
        %parallel_loop3A_236 = vector.shape_cast %parallel_loop3A_235 : vector<1x16xi32> to vector<16xi32>
        %parallel_loop3A_237 = arith.constant 16 : i32
        %parallel_loop3A_238 = arith.muli %parallel_loop3A_194, %parallel_loop3A_237 : i32
        %parallel_loop3A_239 = arith.constant 3 : i32
        %parallel_loop3A_240 = arith.addi %parallel_loop3A_238, %parallel_loop3A_239 : i32
        %parallel_loop3A_241 = arith.index_cast %parallel_loop3A_240 : i32 to index
        %parallel_loop3A_242 = arith.index_cast %parallel_loop3A_212 : i32 to index
        %parallel_loop3A_243 = tpu.vector_load %arg8[%parallel_loop3A_241, %parallel_loop3A_242] {strides = array<i32>} : memref<128x128xi32, #tpu.memory_space<vmem>>, vector<1x16xi32>,
        %parallel_loop3A_244 = vector.shape_cast %parallel_loop3A_243 : vector<1x16xi32> to vector<16xi32>
        %parallel_loop3A_245 = arith.constant 16 : i32
        %parallel_loop3A_246 = arith.muli %parallel_loop3A_194, %parallel_loop3A_245 : i32
        %parallel_loop3A_247 = arith.constant 4 : i32
        %parallel_loop3A_248 = arith.addi %parallel_loop3A_246, %parallel_loop3A_247 : i32
        %parallel_loop3A_249 = arith.index_cast %parallel_loop3A_248 : i32 to index
        %parallel_loop3A_250 = arith.index_cast %parallel_loop3A_212 : i32 to index
        %parallel_loop3A_251 = tpu.vector_load %arg8[%parallel_loop3A_249, %parallel_loop3A_250] {strides = array<i32>} : memref<128x128xi32, #tpu.memory_space<vmem>>, vector<1x16xi32>,
        %parallel_loop3A_252 = vector.shape_cast %parallel_loop3A_251 : vector<1x16xi32> to vector<16xi32>
        %parallel_loop3A_253 = arith.constant 16 : i32
        %parallel_loop3A_254 = arith.muli %parallel_loop3A_194, %parallel_loop3A_253 : i32
        %parallel_loop3A_255 = arith.constant 5 : i32
        %parallel_loop3A_256 = arith.addi %parallel_loop3A_254, %parallel_loop3A_255 : i32
        %parallel_loop3A_257 = arith.index_cast %parallel_loop3A_256 : i32 to index
        %parallel_loop3A_258 = arith.index_cast %parallel_loop3A_212 : i32 to index
        %parallel_loop3A_259 = tpu.vector_load %arg8[%parallel_loop3A_257, %parallel_loop3A_258] {strides = array<i32>} : memref<128x128xi32, #tpu.memory_space<vmem>>, vector<1x16xi32>,
        %parallel_loop3A_260 = vector.shape_cast %parallel_loop3A_259 : vector<1x16xi32> to vector<16xi32>
        %parallel_loop3A_261 = arith.constant 16 : i32
        %parallel_loop3A_262 = arith.muli %parallel_loop3A_194, %parallel_loop3A_261 : i32
        %parallel_loop3A_263 = arith.constant 6 : i32
        %parallel_loop3A_264 = arith.addi %parallel_loop3A_262, %parallel_loop3A_263 : i32
        %parallel_loop3A_265 = arith.index_cast %parallel_loop3A_264 : i32 to index
        %parallel_loop3A_266 = arith.index_cast %parallel_loop3A_212 : i32 to index
        %parallel_loop3A_267 = tpu.vector_load %arg8[%parallel_loop3A_265, %parallel_loop3A_266] {strides = array<i32>} : memref<128x128xi32, #tpu.memory_space<vmem>>, vector<1x16xi32>,
        %parallel_loop3A_268 = vector.shape_cast %parallel_loop3A_267 : vector<1x16xi32> to vector<16xi32>
        %parallel_loop3A_269 = arith.constant 16 : i32
        %parallel_loop3A_270 = arith.muli %parallel_loop3A_194, %parallel_loop3A_269 : i32
        %parallel_loop3A_271 = arith.constant 7 : i32
        %parallel_loop3A_272 = arith.addi %parallel_loop3A_270, %parallel_loop3A_271 : i32
        %parallel_loop3A_273 = arith.index_cast %parallel_loop3A_272 : i32 to index
        %parallel_loop3A_274 = arith.index_cast %parallel_loop3A_212 : i32 to index
        %parallel_loop3A_275 = tpu.vector_load %arg8[%parallel_loop3A_273, %parallel_loop3A_274] {strides = array<i32>} : memref<128x128xi32, #tpu.memory_space<vmem>>, vector<1x16xi32>,
        %parallel_loop3A_276 = vector.shape_cast %parallel_loop3A_275 : vector<1x16xi32> to vector<16xi32>
        %parallel_loop3A_277 = arith.constant 16 : i32
        %parallel_loop3A_278 = arith.muli %parallel_loop3A_194, %parallel_loop3A_277 : i32
        %parallel_loop3A_279 = arith.constant 8 : i32
        %parallel_loop3A_280 = arith.addi %parallel_loop3A_278, %parallel_loop3A_279 : i32
        %parallel_loop3A_281 = arith.index_cast %parallel_loop3A_280 : i32 to index
        %parallel_loop3A_282 = arith.index_cast %parallel_loop3A_212 : i32 to index
        %parallel_loop3A_283 = tpu.vector_load %arg8[%parallel_loop3A_281, %parallel_loop3A_282] {strides = array<i32>} : memref<128x128xi32, #tpu.memory_space<vmem>>, vector<1x16xi32>,
        %parallel_loop3A_284 = vector.shape_cast %parallel_loop3A_283 : vector<1x16xi32> to vector<16xi32>
        %parallel_loop3A_285 = arith.constant 16 : i32
        %parallel_loop3A_286 = arith.muli %parallel_loop3A_194, %parallel_loop3A_285 : i32
        %parallel_loop3A_287 = arith.constant 9 : i32
        %parallel_loop3A_288 = arith.addi %parallel_loop3A_286, %parallel_loop3A_287 : i32
        %parallel_loop3A_289 = arith.index_cast %parallel_loop3A_288 : i32 to index
        %parallel_loop3A_290 = arith.index_cast %parallel_loop3A_212 : i32 to index
        %parallel_loop3A_291 = tpu.vector_load %arg8[%parallel_loop3A_289, %parallel_loop3A_290] {strides = array<i32>} : memref<128x128xi32, #tpu.memory_space<vmem>>, vector<1x16xi32>,
        %parallel_loop3A_292 = vector.shape_cast %parallel_loop3A_291 : vector<1x16xi32> to vector<16xi32>
        %parallel_loop3A_293 = arith.constant 16 : i32
        %parallel_loop3A_294 = arith.muli %parallel_loop3A_194, %parallel_loop3A_293 : i32
        %parallel_loop3A_295 = arith.constant 10 : i32
        %parallel_loop3A_296 = arith.addi %parallel_loop3A_294, %parallel_loop3A_295 : i32
        %parallel_loop3A_297 = arith.index_cast %parallel_loop3A_296 : i32 to index
        %parallel_loop3A_298 = arith.index_cast %parallel_loop3A_212 : i32 to index
        %parallel_loop3A_299 = tpu.vector_load %arg8[%parallel_loop3A_297, %parallel_loop3A_298] {strides = array<i32>} : memref<128x128xi32, #tpu.memory_space<vmem>>, vector<1x16xi32>,
        %parallel_loop3A_300 = vector.shape_cast %parallel_loop3A_299 : vector<1x16xi32> to vector<16xi32>
        %parallel_loop3A_301 = arith.constant 16 : i32
        %parallel_loop3A_302 = arith.muli %parallel_loop3A_194, %parallel_loop3A_301 : i32
        %parallel_loop3A_303 = arith.constant 11 : i32
        %parallel_loop3A_304 = arith.addi %parallel_loop3A_302, %parallel_loop3A_303 : i32
        %parallel_loop3A_305 = arith.index_cast %parallel_loop3A_304 : i32 to index
        %parallel_loop3A_306 = arith.index_cast %parallel_loop3A_212 : i32 to index
        %parallel_loop3A_307 = tpu.vector_load %arg8[%parallel_loop3A_305, %parallel_loop3A_306] {strides = array<i32>} : memref<128x128xi32, #tpu.memory_space<vmem>>, vector<1x16xi32>,
        %parallel_loop3A_308 = vector.shape_cast %parallel_loop3A_307 : vector<1x16xi32> to vector<16xi32>
        %parallel_loop3A_309 = arith.constant 16 : i32
        %parallel_loop3A_310 = arith.muli %parallel_loop3A_194, %parallel_loop3A_309 : i32
        %parallel_loop3A_311 = arith.constant 12 : i32
        %parallel_loop3A_312 = arith.addi %parallel_loop3A_310, %parallel_loop3A_311 : i32
        %parallel_loop3A_313 = arith.index_cast %parallel_loop3A_312 : i32 to index
        %parallel_loop3A_314 = arith.index_cast %parallel_loop3A_212 : i32 to index
        %parallel_loop3A_315 = tpu.vector_load %arg8[%parallel_loop3A_313, %parallel_loop3A_314] {strides = array<i32>} : memref<128x128xi32, #tpu.memory_space<vmem>>, vector<1x16xi32>,
        %parallel_loop3A_316 = vector.shape_cast %parallel_loop3A_315 : vector<1x16xi32> to vector<16xi32>
        %parallel_loop3A_317 = arith.constant 16 : i32
        %parallel_loop3A_318 = arith.muli %parallel_loop3A_194, %parallel_loop3A_317 : i32
        %parallel_loop3A_319 = arith.constant 13 : i32
        %parallel_loop3A_320 = arith.addi %parallel_loop3A_318, %parallel_loop3A_319 : i32
        %parallel_loop3A_321 = arith.index_cast %parallel_loop3A_320 : i32 to index
        %parallel_loop3A_322 = arith.index_cast %parallel_loop3A_212 : i32 to index
        %parallel_loop3A_323 = tpu.vector_load %arg8[%parallel_loop3A_321, %parallel_loop3A_322] {strides = array<i32>} : memref<128x128xi32, #tpu.memory_space<vmem>>, vector<1x16xi32>,
        %parallel_loop3A_324 = vector.shape_cast %parallel_loop3A_323 : vector<1x16xi32> to vector<16xi32>
        %parallel_loop3A_325 = arith.constant 16 : i32
        %parallel_loop3A_326 = arith.muli %parallel_loop3A_194, %parallel_loop3A_325 : i32
        %parallel_loop3A_327 = arith.constant 14 : i32
        %parallel_loop3A_328 = arith.addi %parallel_loop3A_326, %parallel_loop3A_327 : i32
        %parallel_loop3A_329 = arith.index_cast %parallel_loop3A_328 : i32 to index
        %parallel_loop3A_330 = arith.index_cast %parallel_loop3A_212 : i32 to index
        %parallel_loop3A_331 = tpu.vector_load %arg8[%parallel_loop3A_329, %parallel_loop3A_330] {strides = array<i32>} : memref<128x128xi32, #tpu.memory_space<vmem>>, vector<1x16xi32>,
        %parallel_loop3A_332 = vector.shape_cast %parallel_loop3A_331 : vector<1x16xi32> to vector<16xi32>
        %parallel_loop3A_333 = arith.constant 16 : i32
        %parallel_loop3A_334 = arith.muli %parallel_loop3A_194, %parallel_loop3A_333 : i32
        %parallel_loop3A_335 = arith.constant 15 : i32
        %parallel_loop3A_336 = arith.addi %parallel_loop3A_334, %parallel_loop3A_335 : i32
        %parallel_loop3A_337 = arith.index_cast %parallel_loop3A_336 : i32 to index
        %parallel_loop3A_338 = arith.index_cast %parallel_loop3A_212 : i32 to index
        %parallel_loop3A_339 = tpu.vector_load %arg8[%parallel_loop3A_337, %parallel_loop3A_338] {strides = array<i32>} : memref<128x128xi32, #tpu.memory_space<vmem>>, vector<1x16xi32>,
        %parallel_loop3A_340 = vector.shape_cast %parallel_loop3A_339 : vector<1x16xi32> to vector<16xi32>
        %parallel_loop3A_341 = arith.constant 16 : i32
        %parallel_loop3A_342 = vector.broadcast %parallel_loop3A_341 : i32 to vector<16xi32>
        %parallel_loop3A_343 = arith.shli %parallel_loop3A_220, %parallel_loop3A_342 : vector<16xi32>
        %parallel_loop3A_344 = arith.constant 16 : i32
        %parallel_loop3A_345 = vector.broadcast %parallel_loop3A_344 : i32 to vector<16xi32>
        %parallel_loop3A_346 = arith.shli %parallel_loop3A_228, %parallel_loop3A_345 : vector<16xi32>
        %parallel_loop3A_347 = arith.constant 16 : i32
        %parallel_loop3A_348 = vector.broadcast %parallel_loop3A_347 : i32 to vector<16xi32>
        %parallel_loop3A_349 = arith.shli %parallel_loop3A_236, %parallel_loop3A_348 : vector<16xi32>
        %parallel_loop3A_350 = arith.constant 16 : i32
        %parallel_loop3A_351 = vector.broadcast %parallel_loop3A_350 : i32 to vector<16xi32>
        %parallel_loop3A_352 = arith.shli %parallel_loop3A_244, %parallel_loop3A_351 : vector<16xi32>
        %parallel_loop3A_353 = arith.constant 16 : i32
        %parallel_loop3A_354 = vector.broadcast %parallel_loop3A_353 : i32 to vector<16xi32>
        %parallel_loop3A_355 = arith.shli %parallel_loop3A_252, %parallel_loop3A_354 : vector<16xi32>
        %parallel_loop3A_356 = arith.constant 16 : i32
        %parallel_loop3A_357 = vector.broadcast %parallel_loop3A_356 : i32 to vector<16xi32>
        %parallel_loop3A_358 = arith.shli %parallel_loop3A_260, %parallel_loop3A_357 : vector<16xi32>
        %parallel_loop3A_359 = arith.constant 16 : i32
        %parallel_loop3A_360 = vector.broadcast %parallel_loop3A_359 : i32 to vector<16xi32>
        %parallel_loop3A_361 = arith.shli %parallel_loop3A_268, %parallel_loop3A_360 : vector<16xi32>
        %parallel_loop3A_362 = arith.constant 16 : i32
        %parallel_loop3A_363 = vector.broadcast %parallel_loop3A_362 : i32 to vector<16xi32>
        %parallel_loop3A_364 = arith.shli %parallel_loop3A_276, %parallel_loop3A_363 : vector<16xi32>
        %parallel_loop3A_365 = arith.constant 16 : i32
        %parallel_loop3A_366 = vector.broadcast %parallel_loop3A_365 : i32 to vector<16xi32>
        %parallel_loop3A_367 = arith.shli %parallel_loop3A_284, %parallel_loop3A_366 : vector<16xi32>
        %parallel_loop3A_368 = arith.constant 16 : i32
        %parallel_loop3A_369 = vector.broadcast %parallel_loop3A_368 : i32 to vector<16xi32>
        %parallel_loop3A_370 = arith.shli %parallel_loop3A_292, %parallel_loop3A_369 : vector<16xi32>
        %parallel_loop3A_371 = arith.constant 16 : i32
        %parallel_loop3A_372 = vector.broadcast %parallel_loop3A_371 : i32 to vector<16xi32>
        %parallel_loop3A_373 = arith.shli %parallel_loop3A_300, %parallel_loop3A_372 : vector<16xi32>
        %parallel_loop3A_374 = arith.constant 16 : i32
        %parallel_loop3A_375 = vector.broadcast %parallel_loop3A_374 : i32 to vector<16xi32>
        %parallel_loop3A_376 = arith.shli %parallel_loop3A_308, %parallel_loop3A_375 : vector<16xi32>
        %parallel_loop3A_377 = arith.constant 16 : i32
        %parallel_loop3A_378 = vector.broadcast %parallel_loop3A_377 : i32 to vector<16xi32>
        %parallel_loop3A_379 = arith.shli %parallel_loop3A_316, %parallel_loop3A_378 : vector<16xi32>
        %parallel_loop3A_380 = arith.constant 16 : i32
        %parallel_loop3A_381 = vector.broadcast %parallel_loop3A_380 : i32 to vector<16xi32>
        %parallel_loop3A_382 = arith.shli %parallel_loop3A_324, %parallel_loop3A_381 : vector<16xi32>
        %parallel_loop3A_383 = arith.constant 16 : i32
        %parallel_loop3A_384 = vector.broadcast %parallel_loop3A_383 : i32 to vector<16xi32>
        %parallel_loop3A_385 = arith.shli %parallel_loop3A_332, %parallel_loop3A_384 : vector<16xi32>
        %parallel_loop3A_386 = arith.constant 16 : i32
        %parallel_loop3A_387 = vector.broadcast %parallel_loop3A_386 : i32 to vector<16xi32>
        %parallel_loop3A_388 = arith.shli %parallel_loop3A_340, %parallel_loop3A_387 : vector<16xi32>
        %parallel_loop3A_389 = arith.maxsi %parallel_loop3A_343, %parallel_loop3A_346 : vector<16xi32>
        %parallel_loop3A_390 = arith.maxsi %parallel_loop3A_349, %parallel_loop3A_352 : vector<16xi32>
        %parallel_loop3A_391 = arith.maxsi %parallel_loop3A_355, %parallel_loop3A_358 : vector<16xi32>
        %parallel_loop3A_392 = arith.maxsi %parallel_loop3A_361, %parallel_loop3A_364 : vector<16xi32>
        %parallel_loop3A_393 = arith.maxsi %parallel_loop3A_367, %parallel_loop3A_370 : vector<16xi32>
        %parallel_loop3A_394 = arith.maxsi %parallel_loop3A_373, %parallel_loop3A_376 : vector<16xi32>
        %parallel_loop3A_395 = arith.maxsi %parallel_loop3A_379, %parallel_loop3A_382 : vector<16xi32>
        %parallel_loop3A_396 = arith.maxsi %parallel_loop3A_385, %parallel_loop3A_388 : vector<16xi32>
        %parallel_loop3A_397 = arith.maxsi %parallel_loop3A_389, %parallel_loop3A_390 : vector<16xi32>
        %parallel_loop3A_398 = arith.maxsi %parallel_loop3A_391, %parallel_loop3A_392 : vector<16xi32>
        %parallel_loop3A_399 = arith.maxsi %parallel_loop3A_393, %parallel_loop3A_394 : vector<16xi32>
        %parallel_loop3A_400 = arith.maxsi %parallel_loop3A_395, %parallel_loop3A_396 : vector<16xi32>
        %parallel_loop3A_401 = arith.maxsi %parallel_loop3A_397, %parallel_loop3A_398 : vector<16xi32>
        %parallel_loop3A_402 = arith.maxsi %parallel_loop3A_399, %parallel_loop3A_400 : vector<16xi32>
        %parallel_loop3A_403 = arith.maxsi %parallel_loop3A_401, %parallel_loop3A_402 : vector<16xi32>
        %parallel_loop3A_404 = arith.maxsi %parallel_loop3A_220, %parallel_loop3A_228 : vector<16xi32>
        %parallel_loop3A_405 = arith.maxsi %parallel_loop3A_236, %parallel_loop3A_244 : vector<16xi32>
        %parallel_loop3A_406 = arith.maxsi %parallel_loop3A_252, %parallel_loop3A_260 : vector<16xi32>
        %parallel_loop3A_407 = arith.maxsi %parallel_loop3A_268, %parallel_loop3A_276 : vector<16xi32>
        %parallel_loop3A_408 = arith.maxsi %parallel_loop3A_284, %parallel_loop3A_292 : vector<16xi32>
        %parallel_loop3A_409 = arith.maxsi %parallel_loop3A_300, %parallel_loop3A_308 : vector<16xi32>
        %parallel_loop3A_410 = arith.maxsi %parallel_loop3A_316, %parallel_loop3A_324 : vector<16xi32>
        %parallel_loop3A_411 = arith.maxsi %parallel_loop3A_332, %parallel_loop3A_340 : vector<16xi32>
        %parallel_loop3A_412 = arith.maxsi %parallel_loop3A_404, %parallel_loop3A_405 : vector<16xi32>
        %parallel_loop3A_413 = arith.maxsi %parallel_loop3A_406, %parallel_loop3A_407 : vector<16xi32>
        %parallel_loop3A_414 = arith.maxsi %parallel_loop3A_408, %parallel_loop3A_409 : vector<16xi32>
        %parallel_loop3A_415 = arith.maxsi %parallel_loop3A_410, %parallel_loop3A_411 : vector<16xi32>
        %parallel_loop3A_416 = arith.maxsi %parallel_loop3A_412, %parallel_loop3A_413 : vector<16xi32>
        %parallel_loop3A_417 = arith.maxsi %parallel_loop3A_414, %parallel_loop3A_415 : vector<16xi32>
        %parallel_loop3A_418 = arith.maxsi %parallel_loop3A_416, %parallel_loop3A_417 : vector<16xi32>
        %parallel_loop3A_419 = arith.constant 16 : i32
        %parallel_loop3A_420 = vector.broadcast %parallel_loop3A_419 : i32 to vector<16xi32>
        %parallel_loop3A_421 = arith.shrsi %parallel_loop3A_418, %parallel_loop3A_420 : vector<16xi32>
        %parallel_loop3A_422 = arith.constant 16 : i32
        %parallel_loop3A_423 = vector.broadcast %parallel_loop3A_422 : i32 to vector<16xi32>
        %parallel_loop3A_424 = arith.shli %parallel_loop3A_421, %parallel_loop3A_423 : vector<16xi32>
        %parallel_loop3A_425 = arith.constant 16 : i32
        %parallel_loop3A_426 = vector.broadcast %parallel_loop3A_425 : i32 to vector<16xi32>
        %parallel_loop3A_427 = arith.shrui %parallel_loop3A_403, %parallel_loop3A_426 : vector<16xi32>
        %parallel_loop3A_428 = arith.ori %parallel_loop3A_424, %parallel_loop3A_427 : vector<16xi32>
        %parallel_loop3A_429 = arith.index_cast %parallel_loop3A_194 : i32 to index
        %parallel_loop3A_430 = arith.index_cast %parallel_loop3A_212 : i32 to index
        %parallel_loop3A_431 = tpu.vector_load %arg10[%parallel_loop3A_429, %parallel_loop3A_430] {strides = array<i32>} : memref<8x128xi32, #tpu.memory_space<vmem>>, vector<1x16xi32>,
        %parallel_loop3A_432 = vector.shape_cast %parallel_loop3A_431 : vector<1x16xi32> to vector<16xi32>
        %parallel_loop3A_433 = vector.shape_cast %parallel_loop3A_428 : vector<16xi32> to vector<1x16xi32>
        tpu.vector_store %arg10[%parallel_loop3A_429, %parallel_loop3A_430], %parallel_loop3A_433 {strides = array<i32>} : memref<8x128xi32, #tpu.memory_space<vmem>>, vector<1x16xi32>,
      } {sc.loop_unroll_factor = 4 : i64, sc.parallel_access}
      %mul3A_129 = arith.constant 8 : i32
      %mul3A_130 = arith.muli %add3A_105, %mul3A_129 : i32
      %add3A_131 = arith.addi %mul3A_2, %mul3A_130 : i32
      %dma_start3A_132 = arith.constant 0 : i32
      %dma_start3A_133 = tpu.memref_slice %arg4[%add3A_131, %dma_start3A_132] : memref<8192x128xi32, #tpu.memory_space<hbm>> -> memref<8x128xi32, #tpu.memory_space<hbm>>
      %dma_start3A_134 = arith.constant 0 : i32
      %dma_start3A_135 = tpu.memref_slice %arg4[%add3A_131, %dma_start3A_134] : memref<8192x128xi32, #tpu.memory_space<hbm>> -> memref<8x128xi32, #tpu.memory_space<hbm>>
      tpu.enqueue_dma source(%arg10 : memref<8x128xi32, #tpu.memory_space<vmem>>) target(%dma_start3A_135 : memref<8x128xi32, #tpu.memory_space<hbm>>) target_semaphore(%arg16 : memref<!tpu.dma_semaphore, #tpu.memory_space<semaphore_mem>>)
      %mul3A_136 = arith.constant 4 : i32
      %mul3A_137 = arith.muli %mul3A_136, %scan3A_39 : i32
      %add3A_138 = arith.constant 3 : i32
      %add3A_139 = arith.addi %mul3A_137, %add3A_138 : i32
      %add3A_140 = arith.constant 4 : i32
      %add3A_141 = arith.addi %add3A_139, %add3A_140 : i32
      %sub3A_142 = arith.constant 1 : i32
      %sub3A_143 = arith.subi %add3A_141, %sub3A_142 : i32
      %lt3A_144 = arith.constant 32 : i32
      %lt3A_145 = arith.cmpi slt, %sub3A_143, %lt3A_144 : i32
      %convert_element_type3A_146 = arith.extui %lt3A_145 : i1 to i32
      %cond3A_147 = arith.constant 0 : i32
      %cond3A_148 = arith.cmpi ne, %convert_element_type3A_146, %cond3A_147 : i32
      scf.if %cond3A_148 {
        %add3A_170 = arith.constant 4 : i32
        %add3A_171 = arith.addi %add3A_139, %add3A_170 : i32
        %sub3A_172 = arith.constant 1 : i32
        %sub3A_173 = arith.subi %add3A_171, %sub3A_172 : i32
        %dma_start3A_174 = arith.constant 0 : i32
        %dma_start3A_175 = tpu.memref_slice %arg5[%sub3A_173, %dma_start3A_174] : memref<32x128xi32, #tpu.memory_space<vmem>> -> memref<1x128xi32, #tpu.memory_space<vmem>>
        %dma_start3A_176 = tpu.memref_squeeze %dma_start3A_175 : memref<1x128xi32, #tpu.memory_space<vmem>> -> memref<128xi32, #tpu.memory_space<vmem>>
        %dma_start3A_177 = arith.constant 0 : i32
        %dma_start3A_178 = arith.constant 0 : i32
        %dma_start3A_179 = tpu.memref_slice %arg2[%dma_start3A_177, %dma_start3A_178] : memref<8192x128xi32, #tpu.memory_space<hbm>> -> memref<8192x128xi32, #tpu.memory_space<hbm>>
        tpu.enqueue_indirect_dma source(%dma_start3A_179 : memref<8192x128xi32, #tpu.memory_space<hbm>>) target(%arg8 : memref<128x128xi32, #tpu.memory_space<vmem>>) offsets(%dma_start3A_176 : memref<128xi32, #tpu.memory_space<vmem>>) semaphore(%arg14 : memref<!tpu.dma_semaphore, #tpu.memory_space<semaphore_mem>>)
      } else {
      }
      %dma_wait3A_149 = arith.constant 0 : i32
      %dma_wait3A_150 = tpu.memref_slice %arg5[%add3A_139, %dma_wait3A_149] : memref<32x128xi32, #tpu.memory_space<vmem>> -> memref<1x128xi32, #tpu.memory_space<vmem>>
      %dma_wait3A_151 = tpu.memref_squeeze %dma_wait3A_150 : memref<1x128xi32, #tpu.memory_space<vmem>> -> memref<128xi32, #tpu.memory_space<vmem>>
      %dma_wait3A_152 = arith.constant 0 : i32
      %dma_wait3A_153 = arith.constant 0 : i32
      %dma_wait3A_154 = tpu.memref_slice %arg2[%dma_wait3A_152, %dma_wait3A_153] : memref<8192x128xi32, #tpu.memory_space<hbm>> -> memref<8192x128xi32, #tpu.memory_space<hbm>>
      tpu.wait_indirect_dma semaphore(%arg15 : memref<!tpu.dma_semaphore, #tpu.memory_space<semaphore_mem>>) src(%dma_wait3A_154 : memref<8192x128xi32, #tpu.memory_space<hbm>>) dst(%arg9 : memref<128x128xi32, #tpu.memory_space<vmem>>)
      %ge3A_155 = arith.constant 2 : i32
      %ge3A_156 = arith.cmpi sge, %add3A_139, %ge3A_155 : i32
      %convert_element_type3A_157 = arith.extui %ge3A_156 : i1 to i32
      %cond3A_158 = arith.constant 0 : i32
      %cond3A_159 = arith.cmpi ne, %convert_element_type3A_157, %cond3A_158 : i32
      scf.if %cond3A_159 {
        %dma_wait3A_170 = arith.constant 0 : i32
        %dma_wait3A_171 = arith.constant 0 : i32
        %dma_wait3A_172 = tpu.memref_slice %arg4[%dma_wait3A_170, %dma_wait3A_171] : memref<8192x128xi32, #tpu.memory_space<hbm>> -> memref<8x128xi32, #tpu.memory_space<hbm>>
        %dma_wait3A_173 = arith.constant 0 : i32
        %dma_wait3A_174 = arith.constant 0 : i32
        %dma_wait3A_175 = tpu.memref_slice %arg4[%dma_wait3A_173, %dma_wait3A_174] : memref<8192x128xi32, #tpu.memory_space<hbm>> -> memref<8x128xi32, #tpu.memory_space<hbm>>
        tpu.wait_dma2 semaphore(%arg17 : memref<!tpu.dma_semaphore, #tpu.memory_space<semaphore_mem>>) src(%arg11 : memref<8x128xi32, #tpu.memory_space<vmem>>) dst(%dma_wait3A_175 : memref<8x128xi32, #tpu.memory_space<hbm>>)
      } else {
      }
      %parallel_loop3A_160 = arith.constant 0 : i32
      %parallel_loop3A_161 = arith.constant 64 : i32
      %parallel_loop3A_162 = arith.constant 1 : i32
      scf.for %parallel_loop3A_170 = %parallel_loop3A_160 to %parallel_loop3A_161 step %parallel_loop3A_162  : i32 {
        %parallel_loop3A_171 = arith.constant 8 : i32
        %parallel_loop3A_172 = arith.divsi %parallel_loop3A_170, %parallel_loop3A_171 : i32
        %parallel_loop3A_173 = arith.constant 0 : i32
        %parallel_loop3A_174 = arith.cmpi sgt, %parallel_loop3A_170, %parallel_loop3A_173 : i32
        %parallel_loop3A_175 = arith.extui %parallel_loop3A_174 : i1 to i32
        %parallel_loop3A_176 = arith.constant 0 : i32
        %parallel_loop3A_177 = arith.cmpi slt, %parallel_loop3A_170, %parallel_loop3A_176 : i32
        %parallel_loop3A_178 = arith.extui %parallel_loop3A_177 : i1 to i32
        %parallel_loop3A_179 = arith.subi %parallel_loop3A_175, %parallel_loop3A_178 : i32
        %parallel_loop3A_180 = arith.constant 0 : i32
        %parallel_loop3A_181 = arith.cmpi sgt, %parallel_loop3A_171, %parallel_loop3A_180 : i32
        %parallel_loop3A_182 = arith.extui %parallel_loop3A_181 : i1 to i32
        %parallel_loop3A_183 = arith.constant 0 : i32
        %parallel_loop3A_184 = arith.cmpi slt, %parallel_loop3A_171, %parallel_loop3A_183 : i32
        %parallel_loop3A_185 = arith.extui %parallel_loop3A_184 : i1 to i32
        %parallel_loop3A_186 = arith.subi %parallel_loop3A_182, %parallel_loop3A_185 : i32
        %parallel_loop3A_187 = arith.cmpi ne, %parallel_loop3A_179, %parallel_loop3A_186 : i32
        %parallel_loop3A_188 = arith.remsi %parallel_loop3A_170, %parallel_loop3A_171 : i32
        %parallel_loop3A_189 = arith.constant 0 : i32
        %parallel_loop3A_190 = arith.cmpi ne, %parallel_loop3A_188, %parallel_loop3A_189 : i32
        %parallel_loop3A_191 = arith.andi %parallel_loop3A_187, %parallel_loop3A_190 : i1
        %parallel_loop3A_192 = arith.constant 1 : i32
        %parallel_loop3A_193 = arith.subi %parallel_loop3A_172, %parallel_loop3A_192 : i32
        %parallel_loop3A_194 = arith.select %parallel_loop3A_191, %parallel_loop3A_193, %parallel_loop3A_172 : i32
        %parallel_loop3A_195 = arith.constant 8 : i32
        %parallel_loop3A_196 = arith.constant 0 : i32
        %parallel_loop3A_197 = arith.cmpi eq, %parallel_loop3A_195, %parallel_loop3A_196 : i32
        %parallel_loop3A_198 = arith.constant 1 : i32
        %parallel_loop3A_199 = arith.select %parallel_loop3A_197, %parallel_loop3A_198, %parallel_loop3A_195 : i32
        %parallel_loop3A_200 = arith.remsi %parallel_loop3A_170, %parallel_loop3A_199 : i32
        %parallel_loop3A_201 = arith.constant 0 : i32
        %parallel_loop3A_202 = arith.cmpi ne, %parallel_loop3A_200, %parallel_loop3A_201 : i32
        %parallel_loop3A_203 = arith.constant 0 : i32
        %parallel_loop3A_204 = arith.cmpi slt, %parallel_loop3A_200, %parallel_loop3A_203 : i32
        %parallel_loop3A_205 = arith.constant 0 : i32
        %parallel_loop3A_206 = arith.cmpi slt, %parallel_loop3A_199, %parallel_loop3A_205 : i32
        %parallel_loop3A_207 = arith.xori %parallel_loop3A_204, %parallel_loop3A_206 : i1
        %parallel_loop3A_208 = arith.andi %parallel_loop3A_207, %parallel_loop3A_202 : i1
        %parallel_loop3A_209 = arith.addi %parallel_loop3A_200, %parallel_loop3A_199 : i32
        %parallel_loop3A_210 = arith.select %parallel_loop3A_208, %parallel_loop3A_209, %parallel_loop3A_200 : i32
        %parallel_loop3A_211 = arith.constant 16 : i32
        %parallel_loop3A_212 = arith.muli %parallel_loop3A_210, %parallel_loop3A_211 : i32
        %parallel_loop3A_213 = arith.constant 16 : i32
        %parallel_loop3A_214 = arith.muli %parallel_loop3A_194, %parallel_loop3A_213 : i32
        %parallel_loop3A_215 = arith.constant 0 : i32
        %parallel_loop3A_216 = arith.addi %parallel_loop3A_214, %parallel_loop3A_215 : i32
        %parallel_loop3A_217 = arith.index_cast %parallel_loop3A_216 : i32 to index
        %parallel_loop3A_218 = arith.index_cast %parallel_loop3A_212 : i32 to index
        %parallel_loop3A_219 = tpu.vector_load %arg9[%parallel_loop3A_217, %parallel_loop3A_218] {strides = array<i32>} : memref<128x128xi32, #tpu.memory_space<vmem>>, vector<1x16xi32>,
        %parallel_loop3A_220 = vector.shape_cast %parallel_loop3A_219 : vector<1x16xi32> to vector<16xi32>
        %parallel_loop3A_221 = arith.constant 16 : i32
        %parallel_loop3A_222 = arith.muli %parallel_loop3A_194, %parallel_loop3A_221 : i32
        %parallel_loop3A_223 = arith.constant 1 : i32
        %parallel_loop3A_224 = arith.addi %parallel_loop3A_222, %parallel_loop3A_223 : i32
        %parallel_loop3A_225 = arith.index_cast %parallel_loop3A_224 : i32 to index
        %parallel_loop3A_226 = arith.index_cast %parallel_loop3A_212 : i32 to index
        %parallel_loop3A_227 = tpu.vector_load %arg9[%parallel_loop3A_225, %parallel_loop3A_226] {strides = array<i32>} : memref<128x128xi32, #tpu.memory_space<vmem>>, vector<1x16xi32>,
        %parallel_loop3A_228 = vector.shape_cast %parallel_loop3A_227 : vector<1x16xi32> to vector<16xi32>
        %parallel_loop3A_229 = arith.constant 16 : i32
        %parallel_loop3A_230 = arith.muli %parallel_loop3A_194, %parallel_loop3A_229 : i32
        %parallel_loop3A_231 = arith.constant 2 : i32
        %parallel_loop3A_232 = arith.addi %parallel_loop3A_230, %parallel_loop3A_231 : i32
        %parallel_loop3A_233 = arith.index_cast %parallel_loop3A_232 : i32 to index
        %parallel_loop3A_234 = arith.index_cast %parallel_loop3A_212 : i32 to index
        %parallel_loop3A_235 = tpu.vector_load %arg9[%parallel_loop3A_233, %parallel_loop3A_234] {strides = array<i32>} : memref<128x128xi32, #tpu.memory_space<vmem>>, vector<1x16xi32>,
        %parallel_loop3A_236 = vector.shape_cast %parallel_loop3A_235 : vector<1x16xi32> to vector<16xi32>
        %parallel_loop3A_237 = arith.constant 16 : i32
        %parallel_loop3A_238 = arith.muli %parallel_loop3A_194, %parallel_loop3A_237 : i32
        %parallel_loop3A_239 = arith.constant 3 : i32
        %parallel_loop3A_240 = arith.addi %parallel_loop3A_238, %parallel_loop3A_239 : i32
        %parallel_loop3A_241 = arith.index_cast %parallel_loop3A_240 : i32 to index
        %parallel_loop3A_242 = arith.index_cast %parallel_loop3A_212 : i32 to index
        %parallel_loop3A_243 = tpu.vector_load %arg9[%parallel_loop3A_241, %parallel_loop3A_242] {strides = array<i32>} : memref<128x128xi32, #tpu.memory_space<vmem>>, vector<1x16xi32>,
        %parallel_loop3A_244 = vector.shape_cast %parallel_loop3A_243 : vector<1x16xi32> to vector<16xi32>
        %parallel_loop3A_245 = arith.constant 16 : i32
        %parallel_loop3A_246 = arith.muli %parallel_loop3A_194, %parallel_loop3A_245 : i32
        %parallel_loop3A_247 = arith.constant 4 : i32
        %parallel_loop3A_248 = arith.addi %parallel_loop3A_246, %parallel_loop3A_247 : i32
        %parallel_loop3A_249 = arith.index_cast %parallel_loop3A_248 : i32 to index
        %parallel_loop3A_250 = arith.index_cast %parallel_loop3A_212 : i32 to index
        %parallel_loop3A_251 = tpu.vector_load %arg9[%parallel_loop3A_249, %parallel_loop3A_250] {strides = array<i32>} : memref<128x128xi32, #tpu.memory_space<vmem>>, vector<1x16xi32>,
        %parallel_loop3A_252 = vector.shape_cast %parallel_loop3A_251 : vector<1x16xi32> to vector<16xi32>
        %parallel_loop3A_253 = arith.constant 16 : i32
        %parallel_loop3A_254 = arith.muli %parallel_loop3A_194, %parallel_loop3A_253 : i32
        %parallel_loop3A_255 = arith.constant 5 : i32
        %parallel_loop3A_256 = arith.addi %parallel_loop3A_254, %parallel_loop3A_255 : i32
        %parallel_loop3A_257 = arith.index_cast %parallel_loop3A_256 : i32 to index
        %parallel_loop3A_258 = arith.index_cast %parallel_loop3A_212 : i32 to index
        %parallel_loop3A_259 = tpu.vector_load %arg9[%parallel_loop3A_257, %parallel_loop3A_258] {strides = array<i32>} : memref<128x128xi32, #tpu.memory_space<vmem>>, vector<1x16xi32>,
        %parallel_loop3A_260 = vector.shape_cast %parallel_loop3A_259 : vector<1x16xi32> to vector<16xi32>
        %parallel_loop3A_261 = arith.constant 16 : i32
        %parallel_loop3A_262 = arith.muli %parallel_loop3A_194, %parallel_loop3A_261 : i32
        %parallel_loop3A_263 = arith.constant 6 : i32
        %parallel_loop3A_264 = arith.addi %parallel_loop3A_262, %parallel_loop3A_263 : i32
        %parallel_loop3A_265 = arith.index_cast %parallel_loop3A_264 : i32 to index
        %parallel_loop3A_266 = arith.index_cast %parallel_loop3A_212 : i32 to index
        %parallel_loop3A_267 = tpu.vector_load %arg9[%parallel_loop3A_265, %parallel_loop3A_266] {strides = array<i32>} : memref<128x128xi32, #tpu.memory_space<vmem>>, vector<1x16xi32>,
        %parallel_loop3A_268 = vector.shape_cast %parallel_loop3A_267 : vector<1x16xi32> to vector<16xi32>
        %parallel_loop3A_269 = arith.constant 16 : i32
        %parallel_loop3A_270 = arith.muli %parallel_loop3A_194, %parallel_loop3A_269 : i32
        %parallel_loop3A_271 = arith.constant 7 : i32
        %parallel_loop3A_272 = arith.addi %parallel_loop3A_270, %parallel_loop3A_271 : i32
        %parallel_loop3A_273 = arith.index_cast %parallel_loop3A_272 : i32 to index
        %parallel_loop3A_274 = arith.index_cast %parallel_loop3A_212 : i32 to index
        %parallel_loop3A_275 = tpu.vector_load %arg9[%parallel_loop3A_273, %parallel_loop3A_274] {strides = array<i32>} : memref<128x128xi32, #tpu.memory_space<vmem>>, vector<1x16xi32>,
        %parallel_loop3A_276 = vector.shape_cast %parallel_loop3A_275 : vector<1x16xi32> to vector<16xi32>
        %parallel_loop3A_277 = arith.constant 16 : i32
        %parallel_loop3A_278 = arith.muli %parallel_loop3A_194, %parallel_loop3A_277 : i32
        %parallel_loop3A_279 = arith.constant 8 : i32
        %parallel_loop3A_280 = arith.addi %parallel_loop3A_278, %parallel_loop3A_279 : i32
        %parallel_loop3A_281 = arith.index_cast %parallel_loop3A_280 : i32 to index
        %parallel_loop3A_282 = arith.index_cast %parallel_loop3A_212 : i32 to index
        %parallel_loop3A_283 = tpu.vector_load %arg9[%parallel_loop3A_281, %parallel_loop3A_282] {strides = array<i32>} : memref<128x128xi32, #tpu.memory_space<vmem>>, vector<1x16xi32>,
        %parallel_loop3A_284 = vector.shape_cast %parallel_loop3A_283 : vector<1x16xi32> to vector<16xi32>
        %parallel_loop3A_285 = arith.constant 16 : i32
        %parallel_loop3A_286 = arith.muli %parallel_loop3A_194, %parallel_loop3A_285 : i32
        %parallel_loop3A_287 = arith.constant 9 : i32
        %parallel_loop3A_288 = arith.addi %parallel_loop3A_286, %parallel_loop3A_287 : i32
        %parallel_loop3A_289 = arith.index_cast %parallel_loop3A_288 : i32 to index
        %parallel_loop3A_290 = arith.index_cast %parallel_loop3A_212 : i32 to index
        %parallel_loop3A_291 = tpu.vector_load %arg9[%parallel_loop3A_289, %parallel_loop3A_290] {strides = array<i32>} : memref<128x128xi32, #tpu.memory_space<vmem>>, vector<1x16xi32>,
        %parallel_loop3A_292 = vector.shape_cast %parallel_loop3A_291 : vector<1x16xi32> to vector<16xi32>
        %parallel_loop3A_293 = arith.constant 16 : i32
        %parallel_loop3A_294 = arith.muli %parallel_loop3A_194, %parallel_loop3A_293 : i32
        %parallel_loop3A_295 = arith.constant 10 : i32
        %parallel_loop3A_296 = arith.addi %parallel_loop3A_294, %parallel_loop3A_295 : i32
        %parallel_loop3A_297 = arith.index_cast %parallel_loop3A_296 : i32 to index
        %parallel_loop3A_298 = arith.index_cast %parallel_loop3A_212 : i32 to index
        %parallel_loop3A_299 = tpu.vector_load %arg9[%parallel_loop3A_297, %parallel_loop3A_298] {strides = array<i32>} : memref<128x128xi32, #tpu.memory_space<vmem>>, vector<1x16xi32>,
        %parallel_loop3A_300 = vector.shape_cast %parallel_loop3A_299 : vector<1x16xi32> to vector<16xi32>
        %parallel_loop3A_301 = arith.constant 16 : i32
        %parallel_loop3A_302 = arith.muli %parallel_loop3A_194, %parallel_loop3A_301 : i32
        %parallel_loop3A_303 = arith.constant 11 : i32
        %parallel_loop3A_304 = arith.addi %parallel_loop3A_302, %parallel_loop3A_303 : i32
        %parallel_loop3A_305 = arith.index_cast %parallel_loop3A_304 : i32 to index
        %parallel_loop3A_306 = arith.index_cast %parallel_loop3A_212 : i32 to index
        %parallel_loop3A_307 = tpu.vector_load %arg9[%parallel_loop3A_305, %parallel_loop3A_306] {strides = array<i32>} : memref<128x128xi32, #tpu.memory_space<vmem>>, vector<1x16xi32>,
        %parallel_loop3A_308 = vector.shape_cast %parallel_loop3A_307 : vector<1x16xi32> to vector<16xi32>
        %parallel_loop3A_309 = arith.constant 16 : i32
        %parallel_loop3A_310 = arith.muli %parallel_loop3A_194, %parallel_loop3A_309 : i32
        %parallel_loop3A_311 = arith.constant 12 : i32
        %parallel_loop3A_312 = arith.addi %parallel_loop3A_310, %parallel_loop3A_311 : i32
        %parallel_loop3A_313 = arith.index_cast %parallel_loop3A_312 : i32 to index
        %parallel_loop3A_314 = arith.index_cast %parallel_loop3A_212 : i32 to index
        %parallel_loop3A_315 = tpu.vector_load %arg9[%parallel_loop3A_313, %parallel_loop3A_314] {strides = array<i32>} : memref<128x128xi32, #tpu.memory_space<vmem>>, vector<1x16xi32>,
        %parallel_loop3A_316 = vector.shape_cast %parallel_loop3A_315 : vector<1x16xi32> to vector<16xi32>
        %parallel_loop3A_317 = arith.constant 16 : i32
        %parallel_loop3A_318 = arith.muli %parallel_loop3A_194, %parallel_loop3A_317 : i32
        %parallel_loop3A_319 = arith.constant 13 : i32
        %parallel_loop3A_320 = arith.addi %parallel_loop3A_318, %parallel_loop3A_319 : i32
        %parallel_loop3A_321 = arith.index_cast %parallel_loop3A_320 : i32 to index
        %parallel_loop3A_322 = arith.index_cast %parallel_loop3A_212 : i32 to index
        %parallel_loop3A_323 = tpu.vector_load %arg9[%parallel_loop3A_321, %parallel_loop3A_322] {strides = array<i32>} : memref<128x128xi32, #tpu.memory_space<vmem>>, vector<1x16xi32>,
        %parallel_loop3A_324 = vector.shape_cast %parallel_loop3A_323 : vector<1x16xi32> to vector<16xi32>
        %parallel_loop3A_325 = arith.constant 16 : i32
        %parallel_loop3A_326 = arith.muli %parallel_loop3A_194, %parallel_loop3A_325 : i32
        %parallel_loop3A_327 = arith.constant 14 : i32
        %parallel_loop3A_328 = arith.addi %parallel_loop3A_326, %parallel_loop3A_327 : i32
        %parallel_loop3A_329 = arith.index_cast %parallel_loop3A_328 : i32 to index
        %parallel_loop3A_330 = arith.index_cast %parallel_loop3A_212 : i32 to index
        %parallel_loop3A_331 = tpu.vector_load %arg9[%parallel_loop3A_329, %parallel_loop3A_330] {strides = array<i32>} : memref<128x128xi32, #tpu.memory_space<vmem>>, vector<1x16xi32>,
        %parallel_loop3A_332 = vector.shape_cast %parallel_loop3A_331 : vector<1x16xi32> to vector<16xi32>
        %parallel_loop3A_333 = arith.constant 16 : i32
        %parallel_loop3A_334 = arith.muli %parallel_loop3A_194, %parallel_loop3A_333 : i32
        %parallel_loop3A_335 = arith.constant 15 : i32
        %parallel_loop3A_336 = arith.addi %parallel_loop3A_334, %parallel_loop3A_335 : i32
        %parallel_loop3A_337 = arith.index_cast %parallel_loop3A_336 : i32 to index
        %parallel_loop3A_338 = arith.index_cast %parallel_loop3A_212 : i32 to index
        %parallel_loop3A_339 = tpu.vector_load %arg9[%parallel_loop3A_337, %parallel_loop3A_338] {strides = array<i32>} : memref<128x128xi32, #tpu.memory_space<vmem>>, vector<1x16xi32>,
        %parallel_loop3A_340 = vector.shape_cast %parallel_loop3A_339 : vector<1x16xi32> to vector<16xi32>
        %parallel_loop3A_341 = arith.constant 16 : i32
        %parallel_loop3A_342 = vector.broadcast %parallel_loop3A_341 : i32 to vector<16xi32>
        %parallel_loop3A_343 = arith.shli %parallel_loop3A_220, %parallel_loop3A_342 : vector<16xi32>
        %parallel_loop3A_344 = arith.constant 16 : i32
        %parallel_loop3A_345 = vector.broadcast %parallel_loop3A_344 : i32 to vector<16xi32>
        %parallel_loop3A_346 = arith.shli %parallel_loop3A_228, %parallel_loop3A_345 : vector<16xi32>
        %parallel_loop3A_347 = arith.constant 16 : i32
        %parallel_loop3A_348 = vector.broadcast %parallel_loop3A_347 : i32 to vector<16xi32>
        %parallel_loop3A_349 = arith.shli %parallel_loop3A_236, %parallel_loop3A_348 : vector<16xi32>
        %parallel_loop3A_350 = arith.constant 16 : i32
        %parallel_loop3A_351 = vector.broadcast %parallel_loop3A_350 : i32 to vector<16xi32>
        %parallel_loop3A_352 = arith.shli %parallel_loop3A_244, %parallel_loop3A_351 : vector<16xi32>
        %parallel_loop3A_353 = arith.constant 16 : i32
        %parallel_loop3A_354 = vector.broadcast %parallel_loop3A_353 : i32 to vector<16xi32>
        %parallel_loop3A_355 = arith.shli %parallel_loop3A_252, %parallel_loop3A_354 : vector<16xi32>
        %parallel_loop3A_356 = arith.constant 16 : i32
        %parallel_loop3A_357 = vector.broadcast %parallel_loop3A_356 : i32 to vector<16xi32>
        %parallel_loop3A_358 = arith.shli %parallel_loop3A_260, %parallel_loop3A_357 : vector<16xi32>
        %parallel_loop3A_359 = arith.constant 16 : i32
        %parallel_loop3A_360 = vector.broadcast %parallel_loop3A_359 : i32 to vector<16xi32>
        %parallel_loop3A_361 = arith.shli %parallel_loop3A_268, %parallel_loop3A_360 : vector<16xi32>
        %parallel_loop3A_362 = arith.constant 16 : i32
        %parallel_loop3A_363 = vector.broadcast %parallel_loop3A_362 : i32 to vector<16xi32>
        %parallel_loop3A_364 = arith.shli %parallel_loop3A_276, %parallel_loop3A_363 : vector<16xi32>
        %parallel_loop3A_365 = arith.constant 16 : i32
        %parallel_loop3A_366 = vector.broadcast %parallel_loop3A_365 : i32 to vector<16xi32>
        %parallel_loop3A_367 = arith.shli %parallel_loop3A_284, %parallel_loop3A_366 : vector<16xi32>
        %parallel_loop3A_368 = arith.constant 16 : i32
        %parallel_loop3A_369 = vector.broadcast %parallel_loop3A_368 : i32 to vector<16xi32>
        %parallel_loop3A_370 = arith.shli %parallel_loop3A_292, %parallel_loop3A_369 : vector<16xi32>
        %parallel_loop3A_371 = arith.constant 16 : i32
        %parallel_loop3A_372 = vector.broadcast %parallel_loop3A_371 : i32 to vector<16xi32>
        %parallel_loop3A_373 = arith.shli %parallel_loop3A_300, %parallel_loop3A_372 : vector<16xi32>
        %parallel_loop3A_374 = arith.constant 16 : i32
        %parallel_loop3A_375 = vector.broadcast %parallel_loop3A_374 : i32 to vector<16xi32>
        %parallel_loop3A_376 = arith.shli %parallel_loop3A_308, %parallel_loop3A_375 : vector<16xi32>
        %parallel_loop3A_377 = arith.constant 16 : i32
        %parallel_loop3A_378 = vector.broadcast %parallel_loop3A_377 : i32 to vector<16xi32>
        %parallel_loop3A_379 = arith.shli %parallel_loop3A_316, %parallel_loop3A_378 : vector<16xi32>
        %parallel_loop3A_380 = arith.constant 16 : i32
        %parallel_loop3A_381 = vector.broadcast %parallel_loop3A_380 : i32 to vector<16xi32>
        %parallel_loop3A_382 = arith.shli %parallel_loop3A_324, %parallel_loop3A_381 : vector<16xi32>
        %parallel_loop3A_383 = arith.constant 16 : i32
        %parallel_loop3A_384 = vector.broadcast %parallel_loop3A_383 : i32 to vector<16xi32>
        %parallel_loop3A_385 = arith.shli %parallel_loop3A_332, %parallel_loop3A_384 : vector<16xi32>
        %parallel_loop3A_386 = arith.constant 16 : i32
        %parallel_loop3A_387 = vector.broadcast %parallel_loop3A_386 : i32 to vector<16xi32>
        %parallel_loop3A_388 = arith.shli %parallel_loop3A_340, %parallel_loop3A_387 : vector<16xi32>
        %parallel_loop3A_389 = arith.maxsi %parallel_loop3A_343, %parallel_loop3A_346 : vector<16xi32>
        %parallel_loop3A_390 = arith.maxsi %parallel_loop3A_349, %parallel_loop3A_352 : vector<16xi32>
        %parallel_loop3A_391 = arith.maxsi %parallel_loop3A_355, %parallel_loop3A_358 : vector<16xi32>
        %parallel_loop3A_392 = arith.maxsi %parallel_loop3A_361, %parallel_loop3A_364 : vector<16xi32>
        %parallel_loop3A_393 = arith.maxsi %parallel_loop3A_367, %parallel_loop3A_370 : vector<16xi32>
        %parallel_loop3A_394 = arith.maxsi %parallel_loop3A_373, %parallel_loop3A_376 : vector<16xi32>
        %parallel_loop3A_395 = arith.maxsi %parallel_loop3A_379, %parallel_loop3A_382 : vector<16xi32>
        %parallel_loop3A_396 = arith.maxsi %parallel_loop3A_385, %parallel_loop3A_388 : vector<16xi32>
        %parallel_loop3A_397 = arith.maxsi %parallel_loop3A_389, %parallel_loop3A_390 : vector<16xi32>
        %parallel_loop3A_398 = arith.maxsi %parallel_loop3A_391, %parallel_loop3A_392 : vector<16xi32>
        %parallel_loop3A_399 = arith.maxsi %parallel_loop3A_393, %parallel_loop3A_394 : vector<16xi32>
        %parallel_loop3A_400 = arith.maxsi %parallel_loop3A_395, %parallel_loop3A_396 : vector<16xi32>
        %parallel_loop3A_401 = arith.maxsi %parallel_loop3A_397, %parallel_loop3A_398 : vector<16xi32>
        %parallel_loop3A_402 = arith.maxsi %parallel_loop3A_399, %parallel_loop3A_400 : vector<16xi32>
        %parallel_loop3A_403 = arith.maxsi %parallel_loop3A_401, %parallel_loop3A_402 : vector<16xi32>
        %parallel_loop3A_404 = arith.maxsi %parallel_loop3A_220, %parallel_loop3A_228 : vector<16xi32>
        %parallel_loop3A_405 = arith.maxsi %parallel_loop3A_236, %parallel_loop3A_244 : vector<16xi32>
        %parallel_loop3A_406 = arith.maxsi %parallel_loop3A_252, %parallel_loop3A_260 : vector<16xi32>
        %parallel_loop3A_407 = arith.maxsi %parallel_loop3A_268, %parallel_loop3A_276 : vector<16xi32>
        %parallel_loop3A_408 = arith.maxsi %parallel_loop3A_284, %parallel_loop3A_292 : vector<16xi32>
        %parallel_loop3A_409 = arith.maxsi %parallel_loop3A_300, %parallel_loop3A_308 : vector<16xi32>
        %parallel_loop3A_410 = arith.maxsi %parallel_loop3A_316, %parallel_loop3A_324 : vector<16xi32>
        %parallel_loop3A_411 = arith.maxsi %parallel_loop3A_332, %parallel_loop3A_340 : vector<16xi32>
        %parallel_loop3A_412 = arith.maxsi %parallel_loop3A_404, %parallel_loop3A_405 : vector<16xi32>
        %parallel_loop3A_413 = arith.maxsi %parallel_loop3A_406, %parallel_loop3A_407 : vector<16xi32>
        %parallel_loop3A_414 = arith.maxsi %parallel_loop3A_408, %parallel_loop3A_409 : vector<16xi32>
        %parallel_loop3A_415 = arith.maxsi %parallel_loop3A_410, %parallel_loop3A_411 : vector<16xi32>
        %parallel_loop3A_416 = arith.maxsi %parallel_loop3A_412, %parallel_loop3A_413 : vector<16xi32>
        %parallel_loop3A_417 = arith.maxsi %parallel_loop3A_414, %parallel_loop3A_415 : vector<16xi32>
        %parallel_loop3A_418 = arith.maxsi %parallel_loop3A_416, %parallel_loop3A_417 : vector<16xi32>
        %parallel_loop3A_419 = arith.constant 16 : i32
        %parallel_loop3A_420 = vector.broadcast %parallel_loop3A_419 : i32 to vector<16xi32>
        %parallel_loop3A_421 = arith.shrsi %parallel_loop3A_418, %parallel_loop3A_420 : vector<16xi32>
        %parallel_loop3A_422 = arith.constant 16 : i32
        %parallel_loop3A_423 = vector.broadcast %parallel_loop3A_422 : i32 to vector<16xi32>
        %parallel_loop3A_424 = arith.shli %parallel_loop3A_421, %parallel_loop3A_423 : vector<16xi32>
        %parallel_loop3A_425 = arith.constant 16 : i32
        %parallel_loop3A_426 = vector.broadcast %parallel_loop3A_425 : i32 to vector<16xi32>
        %parallel_loop3A_427 = arith.shrui %parallel_loop3A_403, %parallel_loop3A_426 : vector<16xi32>
        %parallel_loop3A_428 = arith.ori %parallel_loop3A_424, %parallel_loop3A_427 : vector<16xi32>
        %parallel_loop3A_429 = arith.index_cast %parallel_loop3A_194 : i32 to index
        %parallel_loop3A_430 = arith.index_cast %parallel_loop3A_212 : i32 to index
        %parallel_loop3A_431 = tpu.vector_load %arg11[%parallel_loop3A_429, %parallel_loop3A_430] {strides = array<i32>} : memref<8x128xi32, #tpu.memory_space<vmem>>, vector<1x16xi32>,
        %parallel_loop3A_432 = vector.shape_cast %parallel_loop3A_431 : vector<1x16xi32> to vector<16xi32>
        %parallel_loop3A_433 = vector.shape_cast %parallel_loop3A_428 : vector<16xi32> to vector<1x16xi32>
        tpu.vector_store %arg11[%parallel_loop3A_429, %parallel_loop3A_430], %parallel_loop3A_433 {strides = array<i32>} : memref<8x128xi32, #tpu.memory_space<vmem>>, vector<1x16xi32>,
      } {sc.loop_unroll_factor = 4 : i64, sc.parallel_access}
      %mul3A_163 = arith.constant 8 : i32
      %mul3A_164 = arith.muli %add3A_139, %mul3A_163 : i32
      %add3A_165 = arith.addi %mul3A_2, %mul3A_164 : i32
      %dma_start3A_166 = arith.constant 0 : i32
      %dma_start3A_167 = tpu.memref_slice %arg4[%add3A_165, %dma_start3A_166] : memref<8192x128xi32, #tpu.memory_space<hbm>> -> memref<8x128xi32, #tpu.memory_space<hbm>>
      %dma_start3A_168 = arith.constant 0 : i32
      %dma_start3A_169 = tpu.memref_slice %arg4[%add3A_165, %dma_start3A_168] : memref<8192x128xi32, #tpu.memory_space<hbm>> -> memref<8x128xi32, #tpu.memory_space<hbm>>
      tpu.enqueue_dma source(%arg11 : memref<8x128xi32, #tpu.memory_space<vmem>>) target(%dma_start3A_169 : memref<8x128xi32, #tpu.memory_space<hbm>>) target_semaphore(%arg17 : memref<!tpu.dma_semaphore, #tpu.memory_space<semaphore_mem>>)
    }
    %scan3A_27 = arith.constant 8 : i32
    %dma_wait3A = arith.constant 0 : i32
    %dma_wait3A_28 = arith.constant 0 : i32
    %dma_wait3A_29 = tpu.memref_slice %arg4[%dma_wait3A, %dma_wait3A_28] : memref<8192x128xi32, #tpu.memory_space<hbm>> -> memref<8x128xi32, #tpu.memory_space<hbm>>
    %dma_wait3A_30 = arith.constant 0 : i32
    %dma_wait3A_31 = arith.constant 0 : i32
    %dma_wait3A_32 = tpu.memref_slice %arg4[%dma_wait3A_30, %dma_wait3A_31] : memref<8192x128xi32, #tpu.memory_space<hbm>> -> memref<8x128xi32, #tpu.memory_space<hbm>>
    tpu.wait_dma2 semaphore(%arg16 : memref<!tpu.dma_semaphore, #tpu.memory_space<semaphore_mem>>) src(%arg10 : memref<8x128xi32, #tpu.memory_space<vmem>>) dst(%dma_wait3A_32 : memref<8x128xi32, #tpu.memory_space<hbm>>)
    %dma_wait3A_33 = arith.constant 0 : i32
    %dma_wait3A_34 = arith.constant 0 : i32
    %dma_wait3A_35 = tpu.memref_slice %arg4[%dma_wait3A_33, %dma_wait3A_34] : memref<8192x128xi32, #tpu.memory_space<hbm>> -> memref<8x128xi32, #tpu.memory_space<hbm>>
    %dma_wait3A_36 = arith.constant 0 : i32
    %dma_wait3A_37 = arith.constant 0 : i32
    %dma_wait3A_38 = tpu.memref_slice %arg4[%dma_wait3A_36, %dma_wait3A_37] : memref<8192x128xi32, #tpu.memory_space<hbm>> -> memref<8x128xi32, #tpu.memory_space<hbm>>
    tpu.wait_dma2 semaphore(%arg17 : memref<!tpu.dma_semaphore, #tpu.memory_space<semaphore_mem>>) src(%arg11 : memref<8x128xi32, #tpu.memory_space<vmem>>) dst(%dma_wait3A_38 : memref<8x128xi32, #tpu.memory_space<hbm>>)
    return
  }
}

module attributes {stable_mosaic.version = 14 : i64} {
  func.func @_mm_body(%arg0: i32, %arg1: memref<512x132xf32, #tpu.memory_space<vmem>>, %arg2: memref<132x512xf32, #tpu.memory_space<vmem>>, %arg3: memref<512x128xi32, #tpu.memory_space<vmem>>, %arg4: memref<512x256xf32, #tpu.memory_space<vmem>>) attributes {dimension_semantics = [#tpu.dimension_semantics<arbitrary>], iteration_bounds = array<i64: 16>, scalar_prefetch = 0 : i64, scratch_operands = 0 : i64, tpu.core_type = #tpu.core_type<tc>, window_params = [{transform_indices = @transform_0, window_bounds = array<i64: 512, 132>}, {pipeline_mode = #tpu.pipeline_mode<synchronous>, transform_indices = @transform_1, window_bounds = array<i64: 132, 512>}, {transform_indices = @transform_2, window_bounds = array<i64: 512, 128>}, {transform_indices = @transform_3, window_bounds = array<i64: 512, 256>}]} {
    %get3A = arith.constant 0 : index
    %get3A_0 = arith.constant 0 : index
    %get3A_1 = vector.load %arg1[%get3A, %get3A_0] : memref<512x132xf32, #tpu.memory_space<vmem>>, vector<512x132xf32>
    %get3A_2 = arith.constant 0 : index
    %get3A_3 = arith.constant 0 : index
    %get3A_4 = vector.load %arg2[%get3A_2, %get3A_3] : memref<132x512xf32, #tpu.memory_space<vmem>>, vector<132x512xf32>
    %dot_general3A = arith.constant dense<0.000000e+00> : vector<512x512xf32>
    %dot_general3A_5 = tpu.matmul %get3A_1, %get3A_4, %dot_general3A {dimension_numbers = #tpu.dot_dimension_numbers<[1], [0], [0], [1], [0, 0, 1, 1], [], []>, transpose_lhs_hint = false} : vector<512x132xf32>, vector<132x512xf32>, vector<512x512xf32> -> vector<512x512xf32>
    %slice3A = vector.extract_strided_slice %dot_general3A_5 {offsets = [0, 0], sizes = [512, 256], strides = [1, 1]} : vector<512x512xf32> to vector<512x256xf32>
    %bitcast_convert_type3A = tpu.bitcast %slice3A : vector<512x256xf32> -> vector<512x256xi32>
    %shift_right_arithmetic3A = arith.constant 31 : i32
    %shift_right_arithmetic3A_6 = vector.broadcast %shift_right_arithmetic3A : i32 to vector<512x256xi32>
    %shift_right_arithmetic3A_7 = arith.shrsi %bitcast_convert_type3A, %shift_right_arithmetic3A_6 : vector<512x256xi32>
    %and3A = arith.constant 2147483647 : i32
    %and3A_8 = vector.broadcast %and3A : i32 to vector<512x256xi32>
    %and3A_9 = arith.andi %shift_right_arithmetic3A_7, %and3A_8 : vector<512x256xi32>
    %xor3A = arith.xori %bitcast_convert_type3A, %and3A_9 : vector<512x256xi32>
    %add3A = arith.constant 32768 : i32
    %add3A_10 = vector.broadcast %add3A : i32 to vector<512x256xi32>
    %add3A_11 = arith.addi %xor3A, %add3A_10 : vector<512x256xi32>
    %shift_right_arithmetic3A_12 = arith.constant 16 : i32
    %shift_right_arithmetic3A_13 = vector.broadcast %shift_right_arithmetic3A_12 : i32 to vector<512x256xi32>
    %shift_right_arithmetic3A_14 = arith.shrsi %add3A_11, %shift_right_arithmetic3A_13 : vector<512x256xi32>
    %slice3A_15 = vector.extract_strided_slice %shift_right_arithmetic3A_14 {offsets = [0, 128], sizes = [512, 128], strides = [1, 1]} : vector<512x256xi32> to vector<512x128xi32>
    %shift_left3A = arith.constant 16 : i32
    %shift_left3A_16 = vector.broadcast %shift_left3A : i32 to vector<512x128xi32>
    %shift_left3A_17 = arith.shli %slice3A_15, %shift_left3A_16 : vector<512x128xi32>
    %slice3A_18 = vector.extract_strided_slice %shift_right_arithmetic3A_14 {offsets = [0, 0], sizes = [512, 128], strides = [1, 1]} : vector<512x256xi32> to vector<512x128xi32>
    %and3A_19 = arith.constant 65535 : i32
    %and3A_20 = vector.broadcast %and3A_19 : i32 to vector<512x128xi32>
    %and3A_21 = arith.andi %slice3A_18, %and3A_20 : vector<512x128xi32>
    %or3A = arith.ori %shift_left3A_17, %and3A_21 : vector<512x128xi32>
    %swap3A = arith.constant 0 : index
    %swap3A_22 = arith.constant 0 : index
    %swap3A_23 = vector.load %arg3[%swap3A, %swap3A_22] : memref<512x128xi32, #tpu.memory_space<vmem>>, vector<512x128xi32>
    tpu.vector_store %arg3[%swap3A, %swap3A_22], %or3A {strides = array<i32>} : memref<512x128xi32, #tpu.memory_space<vmem>>, vector<512x128xi32>,
    %slice3A_24 = vector.extract_strided_slice %dot_general3A_5 {offsets = [0, 256], sizes = [512, 256], strides = [1, 1]} : vector<512x512xf32> to vector<512x256xf32>
    %swap3A_25 = arith.constant 0 : index
    %swap3A_26 = arith.constant 0 : index
    %swap3A_27 = vector.load %arg4[%swap3A_25, %swap3A_26] : memref<512x256xf32, #tpu.memory_space<vmem>>, vector<512x256xf32>
    tpu.vector_store %arg4[%swap3A_25, %swap3A_26], %slice3A_24 {strides = array<i32>} : memref<512x256xf32, #tpu.memory_space<vmem>>, vector<512x256xf32>,
    return
  }
  func.func @transform_0(%arg0: i32) -> (i32, i32) {
    %c0_i32 = arith.constant 0 : i32
    %c0_i32_0 = arith.constant 0 : i32
    return %arg0, %c0_i32 : i32, i32
  }
  func.func @transform_1(%arg0: i32) -> (i32, i32) {
    %c0_i32 = arith.constant 0 : i32
    %c0_i32_0 = arith.constant 0 : i32
    %c0_i32_1 = arith.constant 0 : i32
    return %c0_i32, %c0_i32_0 : i32, i32
  }
  func.func @transform_2(%arg0: i32) -> (i32, i32) {
    %c0_i32 = arith.constant 0 : i32
    %c0_i32_0 = arith.constant 0 : i32
    return %arg0, %c0_i32 : i32, i32
  }
  func.func @transform_3(%arg0: i32) -> (i32, i32) {
    %c0_i32 = arith.constant 0 : i32
    %c0_i32_0 = arith.constant 0 : i32
    return %arg0, %c0_i32 : i32, i32
  }
}

module attributes {stable_mosaic.version = 14 : i64} {
  func.func @_fin_body(%arg0: i32, %arg1: i32, %arg2: memref<1x512x128xi32, #tpu.memory_space<vmem>>, %arg3: memref<1x512x256xf32, #tpu.memory_space<vmem>>, %arg4: memref<1x256x512xf32, #tpu.memory_space<vmem>>) attributes {dimension_semantics = [#tpu.dimension_semantics<arbitrary>, #tpu.dimension_semantics<arbitrary>], iteration_bounds = array<i64: 2, 8>, scalar_prefetch = 0 : i64, scratch_operands = 0 : i64, tpu.core_type = #tpu.core_type<tc>, window_params = [{transform_indices = @transform_0, window_bounds = array<i64: 1, 512, 128>}, {transform_indices = @transform_1, window_bounds = array<i64: 1, 512, 256>}, {transform_indices = @transform_2, window_bounds = array<i64: 1, 256, 512>}]} {
    %get3A = arith.constant 0 : index
    %get3A_0 = arith.constant 0 : index
    %get3A_1 = arith.constant 0 : index
    %get3A_2 = vector.load %arg2[%get3A, %get3A_0, %get3A_1] : memref<1x512x128xi32, #tpu.memory_space<vmem>>, vector<1x512x128xi32>
    %get3A_3 = vector.shape_cast %get3A_2 : vector<1x512x128xi32> to vector<512x128xi32>
    %shift_left3A = arith.constant 16 : i32
    %shift_left3A_4 = vector.broadcast %shift_left3A : i32 to vector<512x128xi32>
    %shift_left3A_5 = arith.shli %get3A_3, %shift_left3A_4 : vector<512x128xi32>
    %shift_right_arithmetic3A = arith.constant 16 : i32
    %shift_right_arithmetic3A_6 = vector.broadcast %shift_right_arithmetic3A : i32 to vector<512x128xi32>
    %shift_right_arithmetic3A_7 = arith.shrsi %get3A_3, %shift_right_arithmetic3A_6 : vector<512x128xi32>
    %shift_left3A_8 = arith.constant 16 : i32
    %shift_left3A_9 = vector.broadcast %shift_left3A_8 : i32 to vector<512x128xi32>
    %shift_left3A_10 = arith.shli %shift_right_arithmetic3A_7, %shift_left3A_9 : vector<512x128xi32>
    %shift_right_arithmetic3A_11 = arith.constant 31 : i32
    %shift_right_arithmetic3A_12 = vector.broadcast %shift_right_arithmetic3A_11 : i32 to vector<512x128xi32>
    %shift_right_arithmetic3A_13 = arith.shrsi %shift_left3A_5, %shift_right_arithmetic3A_12 : vector<512x128xi32>
    %and3A = arith.constant 2147483647 : i32
    %and3A_14 = vector.broadcast %and3A : i32 to vector<512x128xi32>
    %and3A_15 = arith.andi %shift_right_arithmetic3A_13, %and3A_14 : vector<512x128xi32>
    %xor3A = arith.xori %shift_left3A_5, %and3A_15 : vector<512x128xi32>
    %and3A_16 = arith.constant -65536 : i32
    %and3A_17 = vector.broadcast %and3A_16 : i32 to vector<512x128xi32>
    %and3A_18 = arith.andi %xor3A, %and3A_17 : vector<512x128xi32>
    %bitcast_convert_type3A = tpu.bitcast %and3A_18 : vector<512x128xi32> -> vector<512x128xf32>
    %get3A_19 = arith.constant 0 : index
    %get3A_20 = arith.constant 0 : index
    %get3A_21 = arith.constant 0 : index
    %get3A_22 = vector.load %arg3[%get3A_19, %get3A_20, %get3A_21] : memref<1x512x256xf32, #tpu.memory_space<vmem>>, vector<1x512x128xf32>
    %get3A_23 = vector.shape_cast %get3A_22 : vector<1x512x128xf32> to vector<512x128xf32>
    %add3A = arith.addf %bitcast_convert_type3A, %get3A_23 : vector<512x128xf32>
    %max3A = arith.constant 0.000000e+00 : f32
    %max3A_24 = vector.broadcast %max3A : f32 to vector<512x128xf32>
    %max3A_25 = arith.maximumf %add3A, %max3A_24 : vector<512x128xf32>
    %transpose3A = tpu.transpose %max3A_25, [1, 0] : vector<512x128xf32> -> vector<128x512xf32>
    %shift_right_arithmetic3A_26 = arith.constant 31 : i32
    %shift_right_arithmetic3A_27 = vector.broadcast %shift_right_arithmetic3A_26 : i32 to vector<512x128xi32>
    %shift_right_arithmetic3A_28 = arith.shrsi %shift_left3A_10, %shift_right_arithmetic3A_27 : vector<512x128xi32>
    %and3A_29 = arith.constant 2147483647 : i32
    %and3A_30 = vector.broadcast %and3A_29 : i32 to vector<512x128xi32>
    %and3A_31 = arith.andi %shift_right_arithmetic3A_28, %and3A_30 : vector<512x128xi32>
    %xor3A_32 = arith.xori %shift_left3A_10, %and3A_31 : vector<512x128xi32>
    %and3A_33 = arith.constant -65536 : i32
    %and3A_34 = vector.broadcast %and3A_33 : i32 to vector<512x128xi32>
    %and3A_35 = arith.andi %xor3A_32, %and3A_34 : vector<512x128xi32>
    %bitcast_convert_type3A_36 = tpu.bitcast %and3A_35 : vector<512x128xi32> -> vector<512x128xf32>
    %get3A_37 = arith.constant 0 : index
    %get3A_38 = arith.constant 0 : index
    %get3A_39 = arith.constant 128 : index
    %get3A_40 = vector.load %arg3[%get3A_37, %get3A_38, %get3A_39] : memref<1x512x256xf32, #tpu.memory_space<vmem>>, vector<1x512x128xf32>
    %get3A_41 = vector.shape_cast %get3A_40 : vector<1x512x128xf32> to vector<512x128xf32>
    %add3A_42 = arith.addf %bitcast_convert_type3A_36, %get3A_41 : vector<512x128xf32>
    %max3A_43 = arith.constant 0.000000e+00 : f32
    %max3A_44 = vector.broadcast %max3A_43 : f32 to vector<512x128xf32>
    %max3A_45 = arith.maximumf %add3A_42, %max3A_44 : vector<512x128xf32>
    %transpose3A_46 = tpu.transpose %max3A_45, [1, 0] : vector<512x128xf32> -> vector<128x512xf32>
    %slice3A = vector.extract_strided_slice %transpose3A {offsets = [0, 0], sizes = [16, 512], strides = [1, 1]} : vector<128x512xf32> to vector<16x512xf32>
    %swap3A = arith.constant 0 : index
    %swap3A_47 = arith.constant 0 : index
    %swap3A_48 = arith.constant 0 : index
    %swap3A_49 = vector.load %arg4[%swap3A, %swap3A_47, %swap3A_48] : memref<1x256x512xf32, #tpu.memory_space<vmem>>, vector<1x16x512xf32>
    %swap3A_50 = vector.shape_cast %swap3A_49 : vector<1x16x512xf32> to vector<16x512xf32>
    %swap3A_51 = vector.shape_cast %slice3A : vector<16x512xf32> to vector<1x16x512xf32>
    tpu.vector_store %arg4[%swap3A, %swap3A_47, %swap3A_48], %swap3A_51 {strides = array<i32>} : memref<1x256x512xf32, #tpu.memory_space<vmem>>, vector<1x16x512xf32>,
    %slice3A_52 = vector.extract_strided_slice %transpose3A_46 {offsets = [0, 0], sizes = [16, 512], strides = [1, 1]} : vector<128x512xf32> to vector<16x512xf32>
    %swap3A_53 = arith.constant 0 : index
    %swap3A_54 = arith.constant 16 : index
    %swap3A_55 = arith.constant 0 : index
    %swap3A_56 = vector.load %arg4[%swap3A_53, %swap3A_54, %swap3A_55] : memref<1x256x512xf32, #tpu.memory_space<vmem>>, vector<1x16x512xf32>
    %swap3A_57 = vector.shape_cast %swap3A_56 : vector<1x16x512xf32> to vector<16x512xf32>
    %swap3A_58 = vector.shape_cast %slice3A_52 : vector<16x512xf32> to vector<1x16x512xf32>
    tpu.vector_store %arg4[%swap3A_53, %swap3A_54, %swap3A_55], %swap3A_58 {strides = array<i32>} : memref<1x256x512xf32, #tpu.memory_space<vmem>>, vector<1x16x512xf32>,
    %slice3A_59 = vector.extract_strided_slice %transpose3A {offsets = [16, 0], sizes = [16, 512], strides = [1, 1]} : vector<128x512xf32> to vector<16x512xf32>
    %swap3A_60 = arith.constant 0 : index
    %swap3A_61 = arith.constant 32 : index
    %swap3A_62 = arith.constant 0 : index
    %swap3A_63 = vector.load %arg4[%swap3A_60, %swap3A_61, %swap3A_62] : memref<1x256x512xf32, #tpu.memory_space<vmem>>, vector<1x16x512xf32>
    %swap3A_64 = vector.shape_cast %swap3A_63 : vector<1x16x512xf32> to vector<16x512xf32>
    %swap3A_65 = vector.shape_cast %slice3A_59 : vector<16x512xf32> to vector<1x16x512xf32>
    tpu.vector_store %arg4[%swap3A_60, %swap3A_61, %swap3A_62], %swap3A_65 {strides = array<i32>} : memref<1x256x512xf32, #tpu.memory_space<vmem>>, vector<1x16x512xf32>,
    %slice3A_66 = vector.extract_strided_slice %transpose3A_46 {offsets = [16, 0], sizes = [16, 512], strides = [1, 1]} : vector<128x512xf32> to vector<16x512xf32>
    %swap3A_67 = arith.constant 0 : index
    %swap3A_68 = arith.constant 48 : index
    %swap3A_69 = arith.constant 0 : index
    %swap3A_70 = vector.load %arg4[%swap3A_67, %swap3A_68, %swap3A_69] : memref<1x256x512xf32, #tpu.memory_space<vmem>>, vector<1x16x512xf32>
    %swap3A_71 = vector.shape_cast %swap3A_70 : vector<1x16x512xf32> to vector<16x512xf32>
    %swap3A_72 = vector.shape_cast %slice3A_66 : vector<16x512xf32> to vector<1x16x512xf32>
    tpu.vector_store %arg4[%swap3A_67, %swap3A_68, %swap3A_69], %swap3A_72 {strides = array<i32>} : memref<1x256x512xf32, #tpu.memory_space<vmem>>, vector<1x16x512xf32>,
    %slice3A_73 = vector.extract_strided_slice %transpose3A {offsets = [32, 0], sizes = [16, 512], strides = [1, 1]} : vector<128x512xf32> to vector<16x512xf32>
    %swap3A_74 = arith.constant 0 : index
    %swap3A_75 = arith.constant 64 : index
    %swap3A_76 = arith.constant 0 : index
    %swap3A_77 = vector.load %arg4[%swap3A_74, %swap3A_75, %swap3A_76] : memref<1x256x512xf32, #tpu.memory_space<vmem>>, vector<1x16x512xf32>
    %swap3A_78 = vector.shape_cast %swap3A_77 : vector<1x16x512xf32> to vector<16x512xf32>
    %swap3A_79 = vector.shape_cast %slice3A_73 : vector<16x512xf32> to vector<1x16x512xf32>
    tpu.vector_store %arg4[%swap3A_74, %swap3A_75, %swap3A_76], %swap3A_79 {strides = array<i32>} : memref<1x256x512xf32, #tpu.memory_space<vmem>>, vector<1x16x512xf32>,
    %slice3A_80 = vector.extract_strided_slice %transpose3A_46 {offsets = [32, 0], sizes = [16, 512], strides = [1, 1]} : vector<128x512xf32> to vector<16x512xf32>
    %swap3A_81 = arith.constant 0 : index
    %swap3A_82 = arith.constant 80 : index
    %swap3A_83 = arith.constant 0 : index
    %swap3A_84 = vector.load %arg4[%swap3A_81, %swap3A_82, %swap3A_83] : memref<1x256x512xf32, #tpu.memory_space<vmem>>, vector<1x16x512xf32>
    %swap3A_85 = vector.shape_cast %swap3A_84 : vector<1x16x512xf32> to vector<16x512xf32>
    %swap3A_86 = vector.shape_cast %slice3A_80 : vector<16x512xf32> to vector<1x16x512xf32>
    tpu.vector_store %arg4[%swap3A_81, %swap3A_82, %swap3A_83], %swap3A_86 {strides = array<i32>} : memref<1x256x512xf32, #tpu.memory_space<vmem>>, vector<1x16x512xf32>,
    %slice3A_87 = vector.extract_strided_slice %transpose3A {offsets = [48, 0], sizes = [16, 512], strides = [1, 1]} : vector<128x512xf32> to vector<16x512xf32>
    %swap3A_88 = arith.constant 0 : index
    %swap3A_89 = arith.constant 96 : index
    %swap3A_90 = arith.constant 0 : index
    %swap3A_91 = vector.load %arg4[%swap3A_88, %swap3A_89, %swap3A_90] : memref<1x256x512xf32, #tpu.memory_space<vmem>>, vector<1x16x512xf32>
    %swap3A_92 = vector.shape_cast %swap3A_91 : vector<1x16x512xf32> to vector<16x512xf32>
    %swap3A_93 = vector.shape_cast %slice3A_87 : vector<16x512xf32> to vector<1x16x512xf32>
    tpu.vector_store %arg4[%swap3A_88, %swap3A_89, %swap3A_90], %swap3A_93 {strides = array<i32>} : memref<1x256x512xf32, #tpu.memory_space<vmem>>, vector<1x16x512xf32>,
    %slice3A_94 = vector.extract_strided_slice %transpose3A_46 {offsets = [48, 0], sizes = [16, 512], strides = [1, 1]} : vector<128x512xf32> to vector<16x512xf32>
    %swap3A_95 = arith.constant 0 : index
    %swap3A_96 = arith.constant 112 : index
    %swap3A_97 = arith.constant 0 : index
    %swap3A_98 = vector.load %arg4[%swap3A_95, %swap3A_96, %swap3A_97] : memref<1x256x512xf32, #tpu.memory_space<vmem>>, vector<1x16x512xf32>
    %swap3A_99 = vector.shape_cast %swap3A_98 : vector<1x16x512xf32> to vector<16x512xf32>
    %swap3A_100 = vector.shape_cast %slice3A_94 : vector<16x512xf32> to vector<1x16x512xf32>
    tpu.vector_store %arg4[%swap3A_95, %swap3A_96, %swap3A_97], %swap3A_100 {strides = array<i32>} : memref<1x256x512xf32, #tpu.memory_space<vmem>>, vector<1x16x512xf32>,
    %slice3A_101 = vector.extract_strided_slice %transpose3A {offsets = [64, 0], sizes = [16, 512], strides = [1, 1]} : vector<128x512xf32> to vector<16x512xf32>
    %swap3A_102 = arith.constant 0 : index
    %swap3A_103 = arith.constant 128 : index
    %swap3A_104 = arith.constant 0 : index
    %swap3A_105 = vector.load %arg4[%swap3A_102, %swap3A_103, %swap3A_104] : memref<1x256x512xf32, #tpu.memory_space<vmem>>, vector<1x16x512xf32>
    %swap3A_106 = vector.shape_cast %swap3A_105 : vector<1x16x512xf32> to vector<16x512xf32>
    %swap3A_107 = vector.shape_cast %slice3A_101 : vector<16x512xf32> to vector<1x16x512xf32>
    tpu.vector_store %arg4[%swap3A_102, %swap3A_103, %swap3A_104], %swap3A_107 {strides = array<i32>} : memref<1x256x512xf32, #tpu.memory_space<vmem>>, vector<1x16x512xf32>,
    %slice3A_108 = vector.extract_strided_slice %transpose3A_46 {offsets = [64, 0], sizes = [16, 512], strides = [1, 1]} : vector<128x512xf32> to vector<16x512xf32>
    %swap3A_109 = arith.constant 0 : index
    %swap3A_110 = arith.constant 144 : index
    %swap3A_111 = arith.constant 0 : index
    %swap3A_112 = vector.load %arg4[%swap3A_109, %swap3A_110, %swap3A_111] : memref<1x256x512xf32, #tpu.memory_space<vmem>>, vector<1x16x512xf32>
    %swap3A_113 = vector.shape_cast %swap3A_112 : vector<1x16x512xf32> to vector<16x512xf32>
    %swap3A_114 = vector.shape_cast %slice3A_108 : vector<16x512xf32> to vector<1x16x512xf32>
    tpu.vector_store %arg4[%swap3A_109, %swap3A_110, %swap3A_111], %swap3A_114 {strides = array<i32>} : memref<1x256x512xf32, #tpu.memory_space<vmem>>, vector<1x16x512xf32>,
    %slice3A_115 = vector.extract_strided_slice %transpose3A {offsets = [80, 0], sizes = [16, 512], strides = [1, 1]} : vector<128x512xf32> to vector<16x512xf32>
    %swap3A_116 = arith.constant 0 : index
    %swap3A_117 = arith.constant 160 : index
    %swap3A_118 = arith.constant 0 : index
    %swap3A_119 = vector.load %arg4[%swap3A_116, %swap3A_117, %swap3A_118] : memref<1x256x512xf32, #tpu.memory_space<vmem>>, vector<1x16x512xf32>
    %swap3A_120 = vector.shape_cast %swap3A_119 : vector<1x16x512xf32> to vector<16x512xf32>
    %swap3A_121 = vector.shape_cast %slice3A_115 : vector<16x512xf32> to vector<1x16x512xf32>
    tpu.vector_store %arg4[%swap3A_116, %swap3A_117, %swap3A_118], %swap3A_121 {strides = array<i32>} : memref<1x256x512xf32, #tpu.memory_space<vmem>>, vector<1x16x512xf32>,
    %slice3A_122 = vector.extract_strided_slice %transpose3A_46 {offsets = [80, 0], sizes = [16, 512], strides = [1, 1]} : vector<128x512xf32> to vector<16x512xf32>
    %swap3A_123 = arith.constant 0 : index
    %swap3A_124 = arith.constant 176 : index
    %swap3A_125 = arith.constant 0 : index
    %swap3A_126 = vector.load %arg4[%swap3A_123, %swap3A_124, %swap3A_125] : memref<1x256x512xf32, #tpu.memory_space<vmem>>, vector<1x16x512xf32>
    %swap3A_127 = vector.shape_cast %swap3A_126 : vector<1x16x512xf32> to vector<16x512xf32>
    %swap3A_128 = vector.shape_cast %slice3A_122 : vector<16x512xf32> to vector<1x16x512xf32>
    tpu.vector_store %arg4[%swap3A_123, %swap3A_124, %swap3A_125], %swap3A_128 {strides = array<i32>} : memref<1x256x512xf32, #tpu.memory_space<vmem>>, vector<1x16x512xf32>,
    %slice3A_129 = vector.extract_strided_slice %transpose3A {offsets = [96, 0], sizes = [16, 512], strides = [1, 1]} : vector<128x512xf32> to vector<16x512xf32>
    %swap3A_130 = arith.constant 0 : index
    %swap3A_131 = arith.constant 192 : index
    %swap3A_132 = arith.constant 0 : index
    %swap3A_133 = vector.load %arg4[%swap3A_130, %swap3A_131, %swap3A_132] : memref<1x256x512xf32, #tpu.memory_space<vmem>>, vector<1x16x512xf32>
    %swap3A_134 = vector.shape_cast %swap3A_133 : vector<1x16x512xf32> to vector<16x512xf32>
    %swap3A_135 = vector.shape_cast %slice3A_129 : vector<16x512xf32> to vector<1x16x512xf32>
    tpu.vector_store %arg4[%swap3A_130, %swap3A_131, %swap3A_132], %swap3A_135 {strides = array<i32>} : memref<1x256x512xf32, #tpu.memory_space<vmem>>, vector<1x16x512xf32>,
    %slice3A_136 = vector.extract_strided_slice %transpose3A_46 {offsets = [96, 0], sizes = [16, 512], strides = [1, 1]} : vector<128x512xf32> to vector<16x512xf32>
    %swap3A_137 = arith.constant 0 : index
    %swap3A_138 = arith.constant 208 : index
    %swap3A_139 = arith.constant 0 : index
    %swap3A_140 = vector.load %arg4[%swap3A_137, %swap3A_138, %swap3A_139] : memref<1x256x512xf32, #tpu.memory_space<vmem>>, vector<1x16x512xf32>
    %swap3A_141 = vector.shape_cast %swap3A_140 : vector<1x16x512xf32> to vector<16x512xf32>
    %swap3A_142 = vector.shape_cast %slice3A_136 : vector<16x512xf32> to vector<1x16x512xf32>
    tpu.vector_store %arg4[%swap3A_137, %swap3A_138, %swap3A_139], %swap3A_142 {strides = array<i32>} : memref<1x256x512xf32, #tpu.memory_space<vmem>>, vector<1x16x512xf32>,
    %slice3A_143 = vector.extract_strided_slice %transpose3A {offsets = [112, 0], sizes = [16, 512], strides = [1, 1]} : vector<128x512xf32> to vector<16x512xf32>
    %swap3A_144 = arith.constant 0 : index
    %swap3A_145 = arith.constant 224 : index
    %swap3A_146 = arith.constant 0 : index
    %swap3A_147 = vector.load %arg4[%swap3A_144, %swap3A_145, %swap3A_146] : memref<1x256x512xf32, #tpu.memory_space<vmem>>, vector<1x16x512xf32>
    %swap3A_148 = vector.shape_cast %swap3A_147 : vector<1x16x512xf32> to vector<16x512xf32>
    %swap3A_149 = vector.shape_cast %slice3A_143 : vector<16x512xf32> to vector<1x16x512xf32>
    tpu.vector_store %arg4[%swap3A_144, %swap3A_145, %swap3A_146], %swap3A_149 {strides = array<i32>} : memref<1x256x512xf32, #tpu.memory_space<vmem>>, vector<1x16x512xf32>,
    %slice3A_150 = vector.extract_strided_slice %transpose3A_46 {offsets = [112, 0], sizes = [16, 512], strides = [1, 1]} : vector<128x512xf32> to vector<16x512xf32>
    %swap3A_151 = arith.constant 0 : index
    %swap3A_152 = arith.constant 240 : index
    %swap3A_153 = arith.constant 0 : index
    %swap3A_154 = vector.load %arg4[%swap3A_151, %swap3A_152, %swap3A_153] : memref<1x256x512xf32, #tpu.memory_space<vmem>>, vector<1x16x512xf32>
    %swap3A_155 = vector.shape_cast %swap3A_154 : vector<1x16x512xf32> to vector<16x512xf32>
    %swap3A_156 = vector.shape_cast %slice3A_150 : vector<16x512xf32> to vector<1x16x512xf32>
    tpu.vector_store %arg4[%swap3A_151, %swap3A_152, %swap3A_153], %swap3A_156 {strides = array<i32>} : memref<1x256x512xf32, #tpu.memory_space<vmem>>, vector<1x16x512xf32>,
    return
  }
  func.func @transform_0(%arg0: i32, %arg1: i32) -> (i32, i32, i32) {
    %c0_i32 = arith.constant 0 : i32
    %c0_i32_0 = arith.constant 0 : i32
    return %arg0, %arg1, %c0_i32 : i32, i32, i32
  }
  func.func @transform_1(%arg0: i32, %arg1: i32) -> (i32, i32, i32) {
    %c0_i32 = arith.constant 0 : i32
    %c0_i32_0 = arith.constant 0 : i32
    return %arg0, %arg1, %c0_i32 : i32, i32, i32
  }
  func.func @transform_2(%arg0: i32, %arg1: i32) -> (i32, i32, i32) {
    %c0_i32 = arith.constant 0 : i32
    %c0_i32_0 = arith.constant 0 : i32
    return %arg0, %c0_i32, %arg1 : i32, i32, i32
  }
}

</mosaic_0001>

<sc_bundles>
// kernel: kernel.5.cloned.1.call-start
scs
__scs_entry_jumppad:
0x0: {  	(pc) =	sbr.rel $0x88, $3  }
0x1: {  	(tag) =	ssettag $0x0;
	lr =	simm.s32 $0x1  }
0x2: {  	[smem:$0x3F98] =	sst lr;
	_ =	strace $0xD0000000  }
0x3: {  	_ = 	snop  }
0x4: {  	_ = 	snop  }
0x5: {  	_ = 	snop  }
0x6: {  	_ = 	snop  }
0x7: {  	_ = 	snop  }
__scs_overlays_trampoline_lowered:
0x8: {  	[smem:$0x3FA7] =	sst s0  }
0x9: {  	[smem:$0x3FA8] =	sst s1  }
0xa: {  	[smem:$0x3FA9] =	sst s2  }
0xb: {  	[smem:$0x3FAA] =	sst s3  }
0xc: {  	[smem:$0x3FAB] =	sst s4  }
0xd: {  	[smem:$0x3FAC] =	sst s5  }
0xe: {  	[smem:$0x3FAD] =	sst s6  }
0xf: {  	[smem:$0x3FAE] =	sst s7  }
0x10: {  	[smem:$0x3FAF] =	sst s8  }
0x11: {  	[smem:$0x3FB0] =	sst s9;
	s0 =	simm.s32 @!p0 $0x0  }
0x12: {  	s1 =	sld [smem:$0x3F96];
	s0 =	simm.s32 @p0 $0x1  }
0x13: {  	[smem:$0x3FB1] =	sst s0;
	s0 =	simm.s32 @!p1 $0x0  }
0x14: {  	s2 =	sld [smem:$0x3F95];
	s0 =	simm.s32 @p1 $0x1  }
0x15: {  	[smem:$0x3FB2] =	sst s0;
	s0 =	simm.s32 @!p2 $0x0  }
0x16: {  	s3 =	sld [smem:$0x3FDB];
	s0 =	simm.s32 @p2 $0x1  }
0x17: {  	s4 =	simm.s32 $0x1BF5;
	[smem:$0x3FB4] =	sst s0  }
0x18: {  	s0 =	sld [smem:$0x3F97];
	_ =	swait.ge [sflag:s4], $0x0  }
0x19: {  	s7 =	sld [smem:$0x3F98]  }
0x1a: {  	s8 =	sadd.s32 $0xFFFFE003, lr  }
0x1b: {  	s9 =	sadd.s32 $0xFFFFFEF7, lr;
	s5 =	simm.s32 $0xFFFFFFFF;
	p2 =	slt.u32 s8, $0xFFFFF086  }
0x1c: {  	p1 =	slt.u32 s9, $0xF7A;
	s5 =	simm.s32 @!p2 $0x0  }
0x1d: {  	s5 =	simm.s32 @p1 $0x1;
	p0 =	seq.s32 s7, s2  }
0x1e: {  	s7 =	smul.u32 @!p0 $0xF7A, s2;
	p2 =	seq.s32 @!p0 s5, $0x0  }
0x1f: {  	s9 =	smul.u32 $0xF7A, s1;
	s8 =	simm.s32 @!p0 $0x1BF5;
	p2 =	por !p2, p0  }
0x20: {  	[sflag:s8] =	ssyncset.s32 @!p0 $0xFFFFF086;
	s6 =	sadd.s32 @!p0 s3, s7;
	s7 =	simm.s32 @!p0 $0x108  }
0x21: {  	s3 =	sadd.s32 s3, s9;
	s6 =	sadd.s32 @!p0 $0x88, s6;
	s7 =	simm.s32 @p2 $0x1082  }
0x22: {  	[simem:s7], [sflag:s8] =	dma.local @!p0 [hbm:s6], $0xF7A  }
0x23: {  	s9 =	sor.u32 $0xD0000000, s2;
	s6 =	simm.s32 $0x108;
	_ =	swait.ge @!p0 [sflag:s8], $0x0  }
0x24: {  	s3 =	sadd.s32 $0x88, s3;
	s6 =	simm.s32 @!p1 $0x1082;
	[sflag:s4] =	ssyncset.s32 $0xFFFFF086  }
0x25: {  	[simem:s6], [sflag:s4] =	dma.local [hbm:s3], $0xF7A  }
0x26: {  	[smem:$0x3F98] =	sst s1;
	(tag) =	ssettag s2;
	_ =	strace s9  }
0x27: {  	s1 =	sld [smem:$0x3FA8]  }
0x28: {  	s2 =	sld [smem:$0x3FA9]  }
0x29: {  	s4 =	sld [smem:$0x3FAB]  }
0x2a: {  	p0 =	seq.s32 s5, $0x0;
	s5 =	sld [smem:$0x3FAC]  }
0x2b: {  	s6 =	sld [smem:$0x3FAD]  }
0x2c: {  	s7 =	sld [smem:$0x3FAE]  }
0x2d: {  	s3 =	simm.s32 $0x108;
	s8 =	sld [smem:$0x3FAF]  }
0x2e: {  	s3 =	simm.s32 @!p0 $0x1082;
	s9 =	sld [smem:$0x3FB0]  }
0x2f: {  	lr =	sadd.s32 s0, s3;
	s0 =	sld [smem:$0x3FA7]  }
0x30: {  	s3 =	sld [smem:$0x3FAA]  }
0x31: {  	[smem:$0x3FB3] =	sst s10  }
0x32: {  	s10 =	sld [smem:$0x3FB1];
	_ =	sdelay $0x3  }
0x33: {  	p0 =	seq.s32 s10, $0x1;
	s10 =	sld [smem:$0x3FB3];
	_ =	sdelay $0x3  }
0x34: {  	[smem:$0x3FB3] =	sst s10  }
0x35: {  	s10 =	sld [smem:$0x3FB2];
	_ =	sdelay $0x3  }
0x36: {  	p1 =	seq.s32 s10, $0x1;
	s10 =	sld [smem:$0x3FB3];
	_ =	sdelay $0x3  }
0x37: {  	[smem:$0x3FB3] =	sst s10  }
0x38: {  	s10 =	sld [smem:$0x3FB4]  }
0x39: {  	_ = 	snop;
	(pc) =	sbr.ind lr, $3  }
0x3a: {  	_ = 	snop  }
0x3b: {  	_ = 	snop  }
0x3c: {  	p2 =	seq.s32 s10, $0x1;
	s10 =	sld [smem:$0x3FB3]  }
0x3d: {  	_ =	shalt  }
0x3e: {  	_ =	shalt  }
0x3f: {  	_ =	shalt  }
0x40: {  	_ =	shalt  }
0x41: {  	_ =	shalt  }
0x42: {  	_ =	shalt  }
0x43: {  	_ =	shalt  }
0x44: {  	_ =	shalt  }
0x45: {  	_ =	shalt  }
0x46: {  	_ =	shalt  }
0x47: {  	_ =	shalt  }
0x48: {  	_ =	shalt  }
0x49: {  	_ =	shalt  }
0x4a: {  	_ =	shalt  }
0x4b: {  	_ =	shalt  }
0x4c: {  	_ =	shalt  }
0x4d: {  	_ =	shalt  }
0x4e: {  	_ =	shalt  }
0x4f: {  	_ =	shalt  }
0x50: {  	_ =	shalt  }
0x51: {  	_ =	shalt  }
0x52: {  	_ =	shalt  }
0x53: {  	_ =	shalt  }
0x54: {  	_ =	shalt  }
0x55: {  	_ =	shalt  }
0x56: {  	_ =	shalt  }
0x57: {  	_ =	shalt  }
0x58: {  	_ =	shalt  }
0x59: {  	_ =	shalt  }
0x5a: {  	_ =	shalt  }
0x5b: {  	_ =	shalt  }
0x5c: {  	_ =	shalt  }
0x5d: {  	_ =	shalt  }
0x5e: {  	_ =	shalt  }
0x5f: {  	_ =	shalt  }
0x60: {  	_ =	shalt  }
0x61: {  	_ =	shalt  }
0x62: {  	_ =	shalt  }
0x63: {  	_ =	shalt  }
0x64: {  	_ =	shalt  }
0x65: {  	_ =	shalt  }
0x66: {  	_ =	shalt  }
0x67: {  	_ =	shalt  }
0x68: {  	_ =	shalt  }
0x69: {  	_ =	shalt  }
0x6a: {  	_ =	shalt  }
0x6b: {  	_ =	shalt  }
0x6c: {  	_ =	shalt  }
0x6d: {  	_ =	shalt  }
0x6e: {  	_ =	shalt  }
0x6f: {  	_ =	shalt  }
0x70: {  	_ =	shalt  }
0x71: {  	_ =	shalt  }
0x72: {  	_ =	shalt  }
0x73: {  	_ =	shalt  }
0x74: {  	_ =	shalt  }
0x75: {  	_ =	shalt  }
0x76: {  	_ =	shalt  }
0x77: {  	_ =	shalt  }
0x78: {  	_ =	shalt  }
0x79: {  	_ =	shalt  }
0x7a: {  	_ =	shalt  }
0x7b: {  	_ =	shalt  }
0x7c: {  	_ =	shalt  }
0x7d: {  	_ =	shalt  }
0x7e: {  	_ =	shalt  }
0x7f: {  	_ =	shalt  }
0x80: {  	_ =	shalt  }
0x81: {  	_ =	shalt  }
0x82: {  	_ =	shalt  }
0x83: {  	_ =	shalt  }
0x84: {  	_ =	shalt  }
0x85: {  	_ =	shalt  }
0x86: {  	_ =	shalt  }
0x87: {  	_ =	shalt  }
.Lfunc_end0:
.L_simem_size_0:
called_computation_lowered:
.L_overlay_start_0:
0x88: {  	s2 =	sld [smem:$0x3FD9]  }
0x89: {  	s3 =	sld [smem:$0x3FFE];
	_ =	sdelay $0x1  }
0x8a: {  	s1 =	srdreg.scid  }
0x8b: {  	s0 =	sand.u32 $0x1, s1  }
0x8c: {  	s17 =	sshll.u32 s0, $0xA;
	s2 =	sadd.s32 s3, s2  }
0x8d: {  	s2 =	sadd.s32 s2, s17  }
0x8e: {  	[smem:$0x3FBF] =	sst s2  }
0x8f: {  	_ = 	snop  }
0x90: {  	s2 =	sld [smem:$0x3FD0];
	(tm) =	ssettm $0x1  }
0x91: {  	s18 =	sld [smem:$0x3FFB];
	_ =	sdelay $0x3  }
0x92: {  	_ =	strace s18  }
0x93: {  	s3 =	sld [smem:$0x3FFC];
	_ =	sdelay $0x3  }
0x94: {  	_ =	strace s3  }
0x95: {  	s3 =	sld [smem:$0x3FFD];
	_ =	sdelay $0x3  }
0x96: {  	_ =	strace s3  }
0x97: {  	_ =	strace $0x8FFFFFFF  }
0x98: {  	s19 =	sld [smem:$0x3FDB];
	_ =	sdelay $0x1  }
0x99: {  	s4 =	simm.s32 $_scs_section_size  }
0x9a: {  	s5 =	simm.s32 $_size__tile_overlayer_lowered;
	s6 =	simm.s32 $_tile_overlayer_lowered  }
0x9b: {  	s22 =	simm.s32 $0x1BFF;
	s21 =	sshll.u32 s6, $0x1;
	s3 =	sadd.s32 s4, s19  }
0x9c: {  	s7 =	simm.s32 $0x0;
	s20 =	sshll.u32 s5, $0x1;
	s5 =	sadd.s32 s21, s3  }
0x9d: {  	[timem:s7], [sflag:s22] =	dma.local [hbm:s5], s20  }
0x9e: {  	_ =	swait.ge [sflag:s22], s20  }
0x9f: {  	s4 =	ssub.s32 $0x0, s20;
	[sflag:s22] =	ssyncset.done $0x0  }
0xa0: {  	[sflag:s22] =	ssyncadd.s32 s4;
	_ =	sdelay $0x1  }
0xa1: {  	s23 =	simm.s32 $0x1B8B  }
0xa2: {  	_ =	swait.ge [sflag:s23], $0x1  }
0xa3: {  	[sflag:s23] =	ssyncset.done $0x0  }
0xa4: {  	s25 =	simm.s32 $0x1B8E;
	s24 =	sld [smem:$0x3FFE];
	[sflag:s23] =	ssyncadd.s32 $0xFFFFFFFF  }
0xa5: {  	s26 =	simm.s32 $execute0_lowered;
	[smem:$0x3FD2] =	sst s25  }
0xa6: {  	s5 =	sshll.u32 s26, $0x1;
	_ =	strace $0x80000046;
	[dreg:$0x1] =	wrdreg $0xFFFFFFFF  }
0xa7: {  	s28 =	simm.s32 $_size_execute0_lowered;
	s3 =	sadd.s32 s3, s5;
	[dreg:$0x0] =	wrdreg $0x0  }
0xa8: {  	s5 =	sshll.u32 s28, $0x1;
	[dreg:$0x2] =	wrdreg s3  }
0xa9: {  	[dreg:$0x3] =	wrdreg s5  }
0xaa: {  	[dreg:$0x4] =	wrdreg $0xC0  }
0xab: {  	_ =	task [dreg:s7], $0x5FFFF  }
0xac: {  	[dreg:$0x1] =	wrdreg $0xFFFFFFFF  }
0xad: {  	[dreg:$0x0] =	wrdreg $0x60  }
0xae: {  	[dreg:$0x2] =	wrdreg s2  }
0xaf: {  	[dreg:$0x3] =	wrdreg s24  }
0xb0: {  	[dreg:$0x4] =	wrdreg $0x9  }
0xb1: {  	_ =	task.clear_ibuf [dreg:s7], $0x5FFFF;
	_ =	strace $0x90000046  }
0xb2: {  	s29 =	simm.s32 $0x9;
	_ =	strace $0x80000048  }
0xb3: {  	_ =	swait.ge [sflag:s29], $0x1  }
0xb4: {  	[sflag:s29] =	ssyncadd.s32 $0xFFFFFFFF  }
0xb5: {  	_ =	strace $0x90000048  }
0xb6: {  	_ =	sfence  }
0xb7: {  	s30 =	sld [smem:$0x0];
	_ =	sdelay $0x2  }
0xb8: {  	s31 =	sshll.u32 s1, $0xD;
	s1 =	sshrl.u32 s1, $0x2  }
0xb9: {  	s3 =	sand.u32 $0x4000, s31;
	s1 =	sadd.s32 s1, s30  }
0xba: {  	s0 =	sor.u32 s3, s0;
	s1 =	sshll.u32 s1, $0x11  }
0xbb: {  	s0 =	sor.u32 s1, s0  }
0xbc: {  	s0 =	sadd.s32 $0x8F2B, s0  }
0xbd: {  	[sflag:s0] =	ssyncadd.remote.s32 $0x1  }
0xbe: {  	_ =	sfence.sel $0xFFFF  }
0xbf: {  	[dreg:$0x0] =	wrdreg $0xFFFFFFFF;
	(pc) =	sbr.abs _section_cstart, $3  }
0xc0: {  	[dreg:$0x1] =	wrdreg $0xFFFFFFFF  }
0xc1: {  	_ =	task.clear_ibuf [dreg:s7], $0x2FFFF;
	_ =	strace $0x9FFFFFFF  }
0xc2: {  	(tm) =	ssettm $0x7FFFFFFF  }
0xc3: {  	_ =	shalt  }
tec
execute0_lowered:
.L_overlay_start_1:
0x0: {  	(tag) =	ssettag $0x1  }
0x1: {  	s2 =	rddreg [dreg:$0x0]  }
0x2: {  	s0 =	rddreg [dreg:$0x1];
	s1 =	srdreg.scid  }
0x3: {  	s4 =	stileid.u32;
	s3 =	simm.s32 $0x0;
	s10 =	simm.s32 $0x80  }
0x4: {  	s16 =	simm.s32 $0x1;
	s17 =	simm.s32 $0x11000;
	s18 =	simm.s32 $0x2  }
0x5: {  	s19 =	simm.s32 $0x6;
	s20 =	simm.s32 $0x11400;
	s21 =	simm.s32 $0x3  }
0x6: {  	s22 =	simm.s32 $0x5;
	s1 =	sand.u32 $0x1, s1;
	s4 =	sshll.u32 s4, $0x1  }
0x7: {  	s23 =	simm.s32 $0x4;
	[smem:$0x7FF] =	sst s3;
	s6 =	sor.u32 s1, s4  }
0x8: {  	s1 =	ssub.s32 $0x2, s1;
	_ =	strace $0x80000047;
	s4 =	sshll.u32 s6, $0x9  }
0x9: {  	s5 =	sshrl.u32 s1, $0x1;
	s31 =	sshll.u32 s6, $0xC;
	s7 =	sadd.s32 s4, s0  }
0xa: {  	s4 =	sadd.s32 $0x5800, s0;
	s29 =	ssub.s32 s1, s5;
	s30 =	sadd.s32 $0x1800, s7  }
0xb: {  	s5 =	sshll.u32 s6, $0x8;
	s0 =	smax.u32 s29, $0x1;
	[dreg:$0x3] =	wrdreg s30  }
0xc: {  	s1 =	simm.s32 $0x0;
	s7 =	sadd.s32 s4, s31;
	[dreg:$0x4] =	wrdreg s0  }
.LBB2_1:
0xd: {  	[dreg:$0x5] =	wrdreg s1  }
0xe: {  	s0 =	rddreg [dreg:$0x3];
	s26 =	simm.s32 $0x7  }
0xf: {  	[tilespmem:s3], [sflag:$0x7] =	stream.linear.gather [hbm4b:s0+s3], $0x1000, $0x38;
	[tilespmem:$0x11800] =	vst v63  }
0x10: {  	_ =	swait.ge [sflag:s26], $0x1000  }
0x11: {  	[sflag:s26] =	ssyncset.done $0x0  }
0x12: {  	s28 =	simm.s32 $0x1000;
	[sflag:s26] =	ssyncadd.s32 $0xFFFFF000  }
0x13: {  	[tilespmem:s28], [sflag:$0x1] =	stream.indirect.gather [hbm4b:s2+s10], $0x80, s3, s10, $0xb8;
	[tilespmem:$0x11800] =	vst v63  }
0x14: {  	s29 =	simm.s32 $0x5000  }
0x15: {  	[tilespmem:s29], [sflag:$0x2] =	stream.indirect.gather [hbm4b:s2+s10], $0x80, s10, s10, $0xb8;
	[tilespmem:$0x11800] =	vst v63  }
0x16: {  	s30 =	simm.s32 $0x100;
	s31 =	simm.s32 $0x9000;
	s25 =	simm.s32 $0x0  }
0x17: {  	[tilespmem:s31], [sflag:$0x3] =	stream.indirect.gather [hbm4b:s2+s10], $0x80, s30, s10, $0xb8;
	[tilespmem:$0x11800] =	vst v63  }
.LBB2_2:
0x18: {  	s0 =	sshllo.u32 s25, $0x2  }
0x19: {  	s26 =	sshll.u32 s0, $0x7  }
0x1a: {  	s1 =	simm.s32 $0xD000;
	s0 =	sand.u32 $0x3FFFFF80, s26  }
0x1b: {  	[tilespmem:s1], [sflag:$0x4] =	stream.indirect.gather [hbm4b:s2+s10], $0x80, s0, s10, $0xb8;
	[tilespmem:$0x11800] =	vst v63  }
0x1c: {  	_ =	swait.ge [sflag:s16], $0x4000  }
0x1d: {  	p0 =	seq.s32 s25, $0x0;
	s28 =	simm.s32 $0x0;
	[sflag:s16] =	ssyncset.done $0x0  }
0x1e: {  	s11 =	simm.s32 $0x0;
	s6 =	simm.s32 @!p0 $0x5;
	[sflag:s16] =	ssyncadd.s32 $0xFFFFC000  }
0x1f: {  	s12 =	sand.u32 $0x40, s28;
	s1 =	sand.u32 $0x3FFFF800, s11;
	_ =	swait.ge @!p0 [sflag:s6], $0x400  }
0x20: {  	s13 =	sor.u32 $0x30, s12;
	s9 =	sadd.s32 $0x1000, s1;
	[sflag:s6] =	ssyncset.done @!p0 $0x0  }
0x21: {  	s14 =	sor.u32 s13, s9;
	[sflag:s6] =	ssyncadd.s32 @!p0 $0xFFFFFC00  }
0x22: {  	v7 =	vld [tilespmem:s14+$0x0]  }
0x23: {  	v8 =	vld [tilespmem:s14+$0x80]  }
0x24: {  	v9 =	vld [tilespmem:s14+$0x100]  }
0x25: {  	v10 =	vld [tilespmem:s14+$0x180]  }
0x26: {  	v11 =	vld [tilespmem:s14+$0x200]  }
0x27: {  	v12 =	vld [tilespmem:s14+$0x280]  }
0x28: {  	v13 =	vld [tilespmem:s14+$0x300]  }
0x29: {  	v14 =	vld [tilespmem:s14+$0x380]  }
0x2a: {  	v15 =	vld [tilespmem:s14+$0x400]  }
0x2b: {  	v16 =	vld [tilespmem:s14+$0x480]  }
0x2c: {  	v17 =	vld [tilespmem:s14+$0x500]  }
0x2d: {  	s8 =	sor.u32 s12, s9;
	v18 =	vld [tilespmem:s14+$0x580]  }
0x2e: {  	v0 =	vld [tilespmem:s8+$0x80]  }
0x2f: {  	v19 =	vld [tilespmem:s14+$0x600]  }
0x30: {  	v20 =	vld [tilespmem:s14+$0x680]  }
0x31: {  	v21 =	vld [tilespmem:s14+$0x700]  }
0x32: {  	v22 =	vld [tilespmem:s14+$0x780]  }
0x33: {  	v47 =	vld [tilespmem:s8+$0x0];
	[tilespmem:$0x1FE40] =	vst v0  }
0x34: {  	v1 =	vld [tilespmem:s8+$0x100];
	_ =	sdelay $0x4  }
0x35: {  	[tilespmem:$0x1FE50] =	vst v1  }
0x36: {  	v2 =	vld [tilespmem:s8+$0x200];
	_ =	sdelay $0x4  }
0x37: {  	v60 =	vld [tilespmem:s8+$0x180];
	[tilespmem:$0x1FE60] =	vst v2  }
0x38: {  	v3 =	vld [tilespmem:s8+$0x280];
	_ =	sdelay $0x4  }
0x39: {  	[tilespmem:$0x1FE70] =	vst v3  }
0x3a: {  	v6 =	vld [tilespmem:s8+$0x300];
	_ =	sdelay $0x4  }
0x3b: {  	vm1 =	vgt.s32 v9, v10;
	[tilespmem:$0x1FE80] =	vst v6  }
0x3c: {  	v25 =	vshll.u32 v9, $0x10;
	v40 =	vsel vm1, v9, v10;
	v9 =	vld [tilespmem:s8+$0x400];
	_ =	sdelay $0x4  }
0x3d: {  	vm3 =	vgt.s32 v13, v14;
	v46 =	vld [tilespmem:s8+$0x380];
	[tilespmem:$0x1FE90] =	vst v9  }
0x3e: {  	v29 =	vshll.u32 v13, $0x10;
	v42 =	vsel vm3, v13, v14;
	v13 =	vld [tilespmem:s8+$0x500];
	_ =	sdelay $0x4  }
0x3f: {  	vm4 =	vgt.s32 v15, v16;
	v50 =	vld [tilespmem:s8+$0x480];
	[tilespmem:$0x1FEA0] =	vst v13  }
0x40: {  	v32 =	vshll.u32 v16, $0x10;
	v43 =	vsel vm4, v15, v16;
	v16 =	vld [tilespmem:s8+$0x600];
	_ =	sdelay $0x4  }
0x41: {  	v4 =	vld [tilespmem:s8+$0x580];
	[tilespmem:$0x1FEB0] =	vst v16  }
0x42: {  	v31 =	vshll.u32 v15, $0x10;
	v15 =	vld [tilespmem:s8+$0x680];
	_ =	sdelay $0x4  }
0x43: {  	[tilespmem:$0x1FEC0] =	vst v15  }
0x44: {  	v44 =	vld [tilespmem:s8+$0x700];
	_ =	sdelay $0x3  }
0x45: {  	s15 =	sor.u32 $0x10, s12  }
0x46: {  	s11 =	sor.u32 s15, s9;
	vm0 =	vgt.s32 v7, v8;
	[tilespmem:$0x1FED0] =	vst v44  }
0x47: {  	v23 =	vshll.u32 v7, $0x10;
	v39 =	vsel vm0, v7, v8;
	v7 =	vld [tilespmem:s11+$0x0];
	_ =	sdelay $0x4  }
0x48: {  	v24 =	vshll.u32 v8, $0x10;
	v8 =	vld [tilespmem:s8+$0x780];
	[tilespmem:$0x1FEE0] =	vst v7  }
0x49: {  	v26 =	vshll.u32 v10, $0x10;
	v10 =	vld [tilespmem:s11+$0x100];
	_ =	sdelay $0x1  }
0x4a: {  	vm5 =	vgt.s32 v17, v18;
	vm6 =	vgt.s32 v19, v20;
	v30 =	vshll.u32 v14, $0x10  }
0x4b: {  	v33 =	vshll.u32 v17, $0x10;
	v34 =	vshll.u32 v18, $0x10;
	v36 =	vshll.u32 v20, $0x10  }
0x4c: {  	v17 =	vsel vm5, v17, v18;
	vm0 =	vgt.s32 v23, v24;
	v18 =	vsel vm6, v19, v20  }
0x4d: {  	vm3 =	vgt.s32 v29, v30;
	v20 =	vsel vm0, v23, v24;
	vm0 =	vgt.s32 v43, v17;
	v5 =	vld [tilespmem:s11+$0x80];
	[tilespmem:$0x1FEF0] =	vst v10  }
0x4e: {  	v23 =	vsel vm3, v29, v30;
	v30 =	vsel vm0, v43, v17;
	v17 =	vld [tilespmem:s11+$0x180];
	_ =	sdelay $0x2  }
0x4f: {  	vm7 =	vgt.s32 v21, v22  }
0x50: {  	v35 =	vshll.u32 v19, $0x10;
	v19 =	vsel vm7, v21, v22  }
0x51: {  	vm10 =	vgt.s32 v18, v19;
	[tilespmem:$0x1FF00] =	vst v17  }
0x52: {  	v19 =	vsel vm10, v18, v19;
	v18 =	vld [tilespmem:s11+$0x200];
	_ =	sdelay $0x2  }
0x53: {  	vm2 =	vgt.s32 v11, v12;
	vm1 =	vgt.s32 v25, v26  }
0x54: {  	v27 =	vshll.u32 v11, $0x10;
	v37 =	vshll.u32 v21, $0x10;
	v21 =	vsel vm1, v25, v26  }
0x55: {  	v28 =	vshll.u32 v12, $0x10;
	v38 =	vshll.u32 v22, $0x10;
	vm1 =	vgt.s32 v20, v21;
	[tilespmem:$0x1FF10] =	vst v18  }
0x56: {  	v41 =	vsel vm2, v11, v12;
	vm2 =	vgt.s32 v27, v28;
	v20 =	vsel vm1, v20, v21;
	v21 =	vld [tilespmem:s11+$0x280]  }
0x57: {  	vm4 =	vgt.s32 v31, v32;
	vm5 =	vgt.s32 v33, v34;
	vm6 =	vgt.s32 v35, v36  }
0x58: {  	vm7 =	vgt.s32 v37, v38;
	vm8 =	vgt.s32 v39, v40;
	vm9 =	vgt.s32 v41, v42  }
0x59: {  	v22 =	vsel vm2, v27, v28;
	v24 =	vsel vm4, v31, v32;
	v25 =	vsel vm5, v33, v34  }
0x5a: {  	v26 =	vsel vm6, v35, v36;
	v27 =	vsel vm7, v37, v38;
	v28 =	vsel vm8, v39, v40  }
0x5b: {  	v29 =	vsel vm9, v41, v42;
	vm0 =	vgt.s32 v22, v23;
	vm2 =	vgt.s32 v24, v25;
	[tilespmem:$0x1FF20] =	vst v21  }
0x5c: {  	vm3 =	vgt.s32 v26, v27;
	v22 =	vsel vm0, v22, v23;
	v23 =	vsel vm2, v24, v25;
	v24 =	vld [tilespmem:s11+$0x300]  }
0x5d: {  	vm1 =	vgt.s32 v28, v29;
	vm4 =	vgt.s32 v30, v19;
	v25 =	vsel vm3, v26, v27  }
0x5e: {  	vm0 =	vgt.s32 v20, v22;
	vm2 =	vgt.s32 v23, v25;
	v27 =	vsel vm1, v28, v29  }
0x5f: {  	v19 =	vsel vm4, v30, v19;
	v20 =	vsel vm0, v20, v22;
	v22 =	vsel vm2, v23, v25  }
0x60: {  	v23 =	vshll.u32 v47, $0x10;
	vm1 =	vgt.s32 v27, v19;
	v25 =	vshll.u32 v0, $0x10  }
0x61: {  	vm0 =	vgt.s32 v20, v22;
	v49 =	vsel vm1, v27, v19;
	v19 =	vshll.u32 v1, $0x10;
	[tilespmem:$0x1FF30] =	vst v24  }
0x62: {  	v11 =	vmovc v47;
	v47 =	vsel vm0, v20, v22;
	vm0 =	vgt.s32 v23, v25;
	v20 =	vshll.u32 v60, $0x10;
	v42 =	vld [tilespmem:s11+$0x380]  }
0x63: {  	v0 =	vsel vm0, v23, v25;
	vm1 =	vgt.s32 v19, v20;
	v12 =	vld [tilespmem:s11+$0x400]  }
0x64: {  	v22 =	vshll.u32 v2, $0x10;
	v2 =	vsel vm1, v19, v20;
	v27 =	vshll.u32 v3, $0x10;
	v36 =	vld [tilespmem:s11+$0x480]  }
0x65: {  	vm0 =	vgt.s32 v22, v27;
	v32 =	vshll.u32 v9, $0x10;
	v34 =	vshll.u32 v50, $0x10;
	v39 =	vld [tilespmem:s11+$0x500]  }
0x66: {  	v28 =	vshll.u32 v6, $0x10;
	v30 =	vshll.u32 v46, $0x10;
	vm2 =	vgt.s32 v32, v34;
	v14 =	vld [tilespmem:s11+$0x580]  }
0x67: {  	vm1 =	vgt.s32 v28, v30;
	v35 =	vshll.u32 v13, $0x10;
	v23 =	vsel vm2, v32, v34;
	v41 =	vld [tilespmem:s11+$0x600]  }
0x68: {  	v37 =	vshll.u32 v4, $0x10;
	v38 =	vshll.u32 v16, $0x10;
	v43 =	vshll.u32 v44, $0x10;
	v13 =	vld [tilespmem:s11+$0x680]  }
0x69: {  	s24 =	sor.u32 $0x20, s12;
	v33 =	vshll.u32 v8, $0x10;
	v45 =	vshll.u32 v7, $0x10;
	v51 =	vshll.u32 v5, $0x10;
	v31 =	vld [tilespmem:s11+$0x700]  }
0x6a: {  	s9 =	sor.u32 s24, s9;
	v52 =	vshll.u32 v10, $0x10;
	v53 =	vshll.u32 v17, $0x10;
	v54 =	vshll.u32 v18, $0x10;
	v17 =	vld [tilespmem:s11+$0x780];
	[tilespmem:$0x1FF40] =	vst v0  }
0x6b: {  	v55 =	vshll.u32 v21, $0x10;
	v56 =	vshll.u32 v24, $0x10;
	v29 =	vld [tilespmem:s9+$0x0];
	[tilespmem:$0x1FF50] =	vst v2;
	v2 =	vsel vm0, v22, v27  }
0x6c: {  	vm0 =	vgt.s32 v35, v37;
	v16 =	vld [tilespmem:s9+$0x80];
	[tilespmem:$0x1FF60] =	vst v2;
	v2 =	vsel vm1, v28, v30;
	vm1 =	vgt.s32 v43, v33  }
0x6d: {  	v25 =	vsel vm0, v35, v37;
	vm0 =	vgt.s32 v45, v51;
	v26 =	vld [tilespmem:s9+$0x100];
	[tilespmem:$0x1FF70] =	vst v2;
	v34 =	vsel vm1, v43, v33  }
0x6e: {  	vm1 =	vgt.s32 v52, v53;
	v35 =	vsel vm0, v45, v51;
	vm0 =	vgt.s32 v54, v55;
	v18 =	vld [tilespmem:s9+$0x180]  }
0x6f: {  	v24 =	vld [tilespmem:s9+$0x200];
	v6 =	vsel vm1, v52, v53;
	v52 =	vsel vm0, v54, v55;
	v57 =	vshll.u32 v42, $0x10  }
0x70: {  	v21 =	vld [tilespmem:s9+$0x280];
	v58 =	vshll.u32 v12, $0x10;
	v59 =	vshll.u32 v36, $0x10;
	vm0 =	vgt.s32 v56, v57  }
0x71: {  	v40 =	vshll.u32 v15, $0x10;
	v20 =	vld [tilespmem:s9+$0x300];
	v9 =	vsel vm0, v56, v57;
	vm0 =	vgt.s32 v58, v59  }
0x72: {  	vm3 =	vgt.s32 v38, v40;
	v28 =	vld [tilespmem:s9+$0x380];
	v2 =	vsel vm0, v58, v59  }
0x73: {  	v19 =	vsel vm3, v38, v40;
	v48 =	vld [tilespmem:s9+$0x400];
	v1 =	vshll.u32 v41, $0x10;
	v0 =	vshll.u32 v13, $0x10;
	[tilespmem:$0x1FF80] =	vst v2  }
0x74: {  	v61 =	vshll.u32 v39, $0x10;
	v62 =	vshll.u32 v14, $0x10;
	vm0 =	vgt.s32 v1, v0;
	v22 =	vld [tilespmem:s9+$0x480]  }
0x75: {  	v37 =	vshll.u32 v31, $0x10;
	v38 =	vshll.u32 v17, $0x10;
	v7 =	vsel vm0, v1, v0;
	v30 =	vld [tilespmem:s9+$0x500]  }
0x76: {  	vm0 =	vgt.s32 v37, v38;
	v0 =	vshll.u32 v26, $0x10;
	v1 =	vshll.u32 v18, $0x10;
	v63 =	vld [tilespmem:s9+$0x580]  }
0x77: {  	vm1 =	vgt.s32 v61, v62;
	v27 =	vsel vm0, v37, v38;
	vm0 =	vgt.s32 v0, v1  }
0x78: {  	v37 =	vsel vm0, v0, v1;
	v0 =	vshll.u32 v24, $0x10;
	v1 =	vshll.u32 v21, $0x10  }
0x79: {  	v2 =	vsel vm1, v61, v62;
	vm0 =	vgt.s32 v0, v1  }
0x7a: {  	v38 =	vshll.u32 v48, $0x10;
	v51 =	vsel vm0, v0, v1;
	v57 =	vshll.u32 v22, $0x10  }
0x7b: {  	v1 =	vshll.u32 v30, $0x10;
	v58 =	vshll.u32 v63, $0x10;
	vm0 =	vgt.s32 v38, v57  }
0x7c: {  	v40 =	vmov v2;
	v2 =	vsel vm0, v38, v57;
	vm0 =	vgt.s32 v1, v58  }
0x7d: {  	v0 =	vand.u32 $0xFFFF0000, v49;
	v49 =	vsel vm0, v1, v58;
	v1 =	vld [tilespmem:$0x1FE40]  }
0x7e: {  	v55 =	vshll.u32 v29, $0x10;
	v59 =	vshll.u32 v16, $0x10;
	v10 =	vld [tilespmem:s9+$0x600]  }
0x7f: {  	vm1 =	vgt.s32 v55, v59;
	v44 =	vshll.u32 v20, $0x10;
	v33 =	vshll.u32 v28, $0x10;
	v3 =	vld [tilespmem:s9+$0x680]  }
0x80: {  	v32 =	vsel vm1, v55, v59;
	vm1 =	vgt.s32 v44, v33;
	v54 =	vld [tilespmem:s9+$0x700]  }
0x81: {  	v44 =	vsel vm1, v44, v33;
	v33 =	vld [tilespmem:s9+$0x780]  }
0x82: {  	vm0 =	vgt.s32 v11, v1  }
0x83: {  	v62 =	vsel vm0, v11, v1;
	v1 =	vld [tilespmem:$0x1FE50]  }
0x84: {  	v47 =	vshrl.u32 v47, $0x10;
	v15 =	vshll.u32 v10, $0x10;
	v59 =	vshll.u32 v3, $0x10  }
0x85: {  	v0 =	vor.u32 v0, v47;
	vm1 =	vgt.s32 v15, v59  }
0x86: {  	[tilespmem:$0x1FFF0] =	vst v0;
	v0 =	vshll.u32 v54, $0x10;
	v47 =	vsel vm1, v15, v59;
	v15 =	vshll.u32 v33, $0x10  }
0x87: {  	vm1 =	vgt.s32 v0, v15  }
0x88: {  	v11 =	vsel vm1, v0, v15;
	v0 =	vld [tilespmem:$0x1FE60];
	vm0 =	vgt.s32 v1, v60  }
0x89: {  	v45 =	vsel vm0, v1, v60;
	v1 =	vld [tilespmem:$0x1FE70];
	_ =	sdelay $0x4  }
0x8a: {  	vm0 =	vgt.s32 v0, v1  }
0x8b: {  	v38 =	vsel vm0, v0, v1;
	v0 =	vld [tilespmem:$0x1FE80];
	_ =	sdelay $0x4  }
0x8c: {  	vm0 =	vgt.s32 v0, v46  }
0x8d: {  	v58 =	vsel vm0, v0, v46;
	v0 =	vld [tilespmem:$0x1FEA0];
	_ =	sdelay $0x4  }
0x8e: {  	v60 =	vmov v2;
	v2 =	vld [tilespmem:$0x1FEC0];
	vm0 =	vgt.s32 v0, v4  }
0x8f: {  	v43 =	vsel vm0, v0, v4;
	v0 =	vld [tilespmem:$0x1FEB0];
	_ =	sdelay $0x4  }
0x90: {  	v61 =	vld [tilespmem:$0x1FE90];
	vm0 =	vgt.s32 v0, v2  }
0x91: {  	v55 =	vsel vm0, v0, v2;
	v0 =	vld [tilespmem:$0x1FEE0];
	_ =	sdelay $0x1  }
0x92: {  	v4 =	vld [tilespmem:$0x1FED0];
	_ =	sdelay $0x2  }
0x93: {  	vm1 =	vgt.s32 v61, v50;
	v1 =	vld [tilespmem:$0x1FF00];
	vm0 =	vgt.s32 v0, v5  }
0x94: {  	v15 =	vsel vm1, v61, v50;
	v61 =	vsel vm0, v0, v5;
	v0 =	vld [tilespmem:$0x1FEF0]  }
0x95: {  	vm1 =	vgt.s32 v4, v8;
	v2 =	vld [tilespmem:$0x1FF10]  }
0x96: {  	v59 =	vsel vm1, v4, v8;
	v4 =	vmov v11;
	v11 =	vld [tilespmem:$0x1FF20];
	_ =	sdelay $0x2  }
0x97: {  	vm0 =	vgt.s32 v0, v1  }
0x98: {  	v56 =	vsel vm0, v0, v1;
	v0 =	vld [tilespmem:$0x1FF30]  }
0x99: {  	vm6 =	vgt.s32 v15, v43;
	vm1 =	vgt.s32 v2, v11  }
0x9a: {  	v53 =	vsel vm1, v2, v11;
	vm1 =	vgt.s32 v39, v14;
	v5 =	vimm.s32 $0x0  }
0x9b: {  	v14 =	vsel vm1, v39, v14;
	vm1 =	vgt.s32 v29, v16;
	v5 =	vsel vm6, $0xFFFFFFFF, v5  }
0x9c: {  	v11 =	vmovc v45;
	vm6 =	vgt.s32 v55, v59;
	v45 =	vsel vm1, v29, v16;
	[tilespmem:$0x1FF90] =	vst v5;
	v5 =	vimm.s32 $0x0  }
0x9d: {  	vm1 =	vgt.s32 v20, v28;
	v5 =	vsel vm6, $0xFFFFFFFF, v5;
	vm0 =	vgt.s32 v0, v42  }
0x9e: {  	[tilespmem:$0x1FFA0] =	vst v5;
	v5 =	vimm.s32 $0x0;
	v57 =	vsel vm0, v0, v42;
	vm0 =	vgt.s32 v12, v36  }
0x9f: {  	v12 =	vsel vm0, v12, v36;
	vm0 =	vgt.s32 v41, v13;
	vm7 =	vgt.s32 v53, v57  }
0xa0: {  	v13 =	vsel vm0, v41, v13;
	vm0 =	vgt.s32 v31, v17;
	v5 =	vsel vm7, $0xFFFFFFFF, v5  }
0xa1: {  	vm7 =	vgt.s32 v12, v14;
	v17 =	vsel vm0, v31, v17;
	vm0 =	vgt.s32 v26, v18  }
0xa2: {  	[tilespmem:$0x1FFB0] =	vst v5;
	v5 =	vimm.s32 $0x0;
	v18 =	vsel vm0, v26, v18;
	vm0 =	vgt.s32 v24, v21  }
0xa3: {  	v2 =	vld [tilespmem:$0x1FF60];
	v21 =	vsel vm0, v24, v21;
	v24 =	vsel vm1, v20, v28;
	vm1 =	vgt.s32 v10, v3  }
0xa4: {  	vm3 =	vgt.s32 v23, v25;
	v5 =	vsel vm7, $0xFFFFFFFF, v5;
	v26 =	vsel vm1, v10, v3;
	v3 =	vld [tilespmem:$0x1FF70]  }
0xa5: {  	vm4 =	vgt.s32 v19, v34;
	vm7 =	vgt.s32 v13, v17;
	[tilespmem:$0x1FFC0] =	vst v5;
	v5 =	vimm.s32 $0x0  }
0xa6: {  	vm5 =	vgt.s32 v35, v6;
	vm2 =	vgt.s32 v7, v27;
	v5 =	vsel vm7, $0xFFFFFFFF, v5  }
0xa7: {  	vm13 =	vgt.s32 v32, v37;
	v1 =	vld [tilespmem:$0x1FF50];
	vm7 =	vgt.s32 v45, v18;
	[tilespmem:$0x1FFD0] =	vst v5;
	v5 =	vimm.s32 $0x0  }
0xa8: {  	vm14 =	vgt.s32 v51, v44;
	vm15 =	vgt.s32 v60, v49;
	v0 =	vld [tilespmem:$0x1FF40];
	v5 =	vsel vm7, $0xFFFFFFFF, v5  }
0xa9: {  	vm9 =	vgt.s32 v38, v58;
	vm10 =	vgt.s32 v47, v4;
	[tilespmem:$0x1FFE0] =	vst v5;
	v5 =	vld [tilespmem:$0x1FFF0];
	vm1 =	vgt.s32 v2, v3  }
0xaa: {  	vm0 =	vgt.s32 v48, v22;
	v39 =	vsel vm1, v2, v3;
	v3 =	vmovc v34;
	v34 =	vmov v35;
	v35 =	vld [tilespmem:$0x1FF80]  }
0xab: {  	s31 =	simm.s32 $0x0;
	vm8 =	vgt.s32 v62, v11;
	v29 =	vsel vm0, v48, v22;
	vm0 =	vgt.s32 v30, v63  }
0xac: {  	s9 =	sand.u32 $0x3FFFFF80, s31;
	v8 =	vmovc v52;
	vm6 =	vgt.s32 v61, v56;
	v31 =	vsel vm0, v30, v63;
	vm0 =	vgt.s32 v54, v33  }
0xad: {  	s9 =	sadd.s32 $0x11000, s9;
	v10 =	vmovc v25;
	vm11 =	vgt.s32 v21, v24;
	v33 =	vsel vm0, v54, v33;
	vm0 =	vgt.s32 v0, v1  }
0xae: {  	s29 =	simm.s32 $0x0;
	s1 =	sor.u32 s13, s9;
	vm12 =	vgt.s32 v29, v31;
	v36 =	vsel vm0, v0, v1;
	v0 =	vmovc v23;
	vm0 =	vgt.s32 v52, v9  }
0xaf: {  	s30 =	sor.u32 s15, s9;
	s0 =	sor.u32 s24, s9;
	v1 =	vmovc v49;
	vm7 =	vgt.s32 v26, v33;
	v2 =	vmov v19;
	[tilespmem:s1+$0x0] =	vst v5;
	s1 =	sor.u32 s12, s9;
	vm1 =	vgt.s32 v35, v40  }
.LBB2_3:
0xb0: {  	v19 =	vsel vm3, v0, v10;
	v20 =	vsel vm4, v2, v3;
	v22 =	vsel vm5, v34, v6  }
0xb1: {  	v23 =	vsel vm0, v8, v9;
	v25 =	vsel vm1, v35, v40;
	v27 =	vsel vm2, v7, v27;
	v3 =	vld [tilespmem:$0x1FF90]  }
0xb2: {  	s29 =	sadd.s32 $0x4, s29;
	v28 =	vsel vm13, v32, v37;
	v54 =	vsel vm15, v60, v1;
	v1 =	vsel vm10, v47, v4;
	v4 =	vld [tilespmem:$0x1FFA0]  }
0xb3: {  	s28 =	sadd.s32 $0x40, s28;
	v30 =	vsel vm14, v51, v44;
	v0 =	vsel vm8, v62, v11;
	v2 =	vsel vm9, v38, v58;
	v6 =	vld [tilespmem:$0x1FFB0];
	s6 =	sshll.u32 s29, $0x8  }
0xb4: {  	v5 =	vsel vm6, v61, v56;
	v7 =	vld [tilespmem:$0x1FFC0];
	v10 =	vsel vm11, v21, v24;
	s13 =	sand.u32 $0x40, s28;
	vm1 =	vgt.s32 v19, v20;
	s6 =	sand.u32 $0x3FFFF800, s6  }
0xb5: {  	v8 =	vld [tilespmem:$0x1FFD0];
	vm2 =	vgt.s32 v22, v23;
	vm3 =	vgt.s32 v25, v27;
	vm4 =	vgt.s32 v28, v30;
	s15 =	sor.u32 $0x30, s13;
	s12 =	sadd.s32 $0x1000, s6  }
0xb6: {  	v9 =	vld [tilespmem:$0x1FFE0];
	vm5 =	vgt.s32 v0, v2;
	v19 =	vsel vm1, v19, v20;
	v22 =	vsel vm2, v22, v23;
	s11 =	sor.u32 s15, s12  }
0xb7: {  	v23 =	vsel vm3, v25, v27;
	v25 =	vsel vm4, v28, v30;
	vm0 =	vnez.u8 v3;
	v16 =	vld [tilespmem:s11+$0x180]  }
0xb8: {  	v0 =	vsel vm5, v0, v2;
	vm2 =	vgt.s32 v22, v23;
	v21 =	vld [tilespmem:s11+$0x300];
	v3 =	vsel vm0, v15, v43  }
0xb9: {  	v20 =	vld [tilespmem:s11+$0x380];
	vm0 =	vnez.u8 v4;
	v15 =	vsel vm7, v26, v33;
	vm7 =	vgt.s32 v54, v1  }
0xba: {  	v27 =	vld [tilespmem:s11+$0x480];
	v4 =	vsel vm0, v55, v59;
	vm0 =	vnez.u8 v6;
	v1 =	vsel vm7, v54, v1  }
0xbb: {  	v28 =	vld [tilespmem:s11+$0x500];
	v6 =	vsel vm0, v53, v57;
	vm0 =	vnez.u8 v7;
	vm6 =	vgt.s32 v3, v4  }
0xbc: {  	vm4 =	vgt.s32 v25, v1;
	v7 =	vsel vm0, v12, v14;
	vm0 =	vnez.u8 v8  }
0xbd: {  	v26 =	vld [tilespmem:s11+$0x400];
	vm8 =	vgt.s32 v5, v6;
	v2 =	vsel vm6, v3, v4;
	v1 =	vsel vm4, v25, v1  }
0xbe: {  	v8 =	vsel vm0, v13, v17;
	vm0 =	vnez.u8 v9;
	v13 =	vsel vm12, v29, v31  }
0xbf: {  	v3 =	vsel vm8, v5, v6;
	v30 =	vshll.u32 v16, $0x10;
	v33 =	vshll.u32 v21, $0x10  }
0xc0: {  	v34 =	vshll.u32 v20, $0x10;
	v58 =	vshll.u32 v27, $0x10;
	v59 =	vshll.u32 v28, $0x10  }
0xc1: {  	v9 =	vsel vm0, v45, v18;
	vm0 =	vgt.s32 v36, v39;
	vm9 =	vgt.s32 v7, v8  }
0xc2: {  	v11 =	vld [tilespmem:s11+$0x0];
	vm4 =	vgt.s32 v26, v27;
	v56 =	vshll.u32 v26, $0x10;
	vm10 =	vgt.s32 v9, v10  }
0xc3: {  	v12 =	vld [tilespmem:s11+$0x80];
	v24 =	vsel vm0, v36, v39;
	vm0 =	vgt.s32 v13, v15;
	v4 =	vsel vm9, v7, v8  }
0xc4: {  	v8 =	vsel vm2, v22, v23;
	v26 =	vsel vm4, v26, v27;
	vm4 =	vgt.s32 v56, v58  }
0xc5: {  	v14 =	vld [tilespmem:s11+$0x100];
	v5 =	vsel vm10, v9, v10;
	vm1 =	vgt.s32 v24, v19;
	v6 =	vsel vm0, v13, v15  }
0xc6: {  	v17 =	vld [tilespmem:s11+$0x200];
	vm0 =	vgt.s32 v0, v2;
	vm3 =	vgt.s32 v3, v4;
	v56 =	vsel vm4, v56, v58  }
0xc7: {  	v18 =	vld [tilespmem:s11+$0x280];
	v7 =	vsel vm1, v24, v19;
	vm1 =	vgt.s32 v5, v6;
	v0 =	vsel vm0, v0, v2  }
0xc8: {  	v22 =	vld [tilespmem:s11+$0x700];
	v2 =	vsel vm3, v3, v4;
	v4 =	vshrl.u32 v8, $0x10;
	vm0 =	vgt.s32 v11, v12  }
0xc9: {  	v23 =	vld [tilespmem:s11+$0x780];
	vm3 =	vgt.s32 v21, v20;
	v24 =	vshll.u32 v11, $0x10;
	v25 =	vshll.u32 v12, $0x10  }
0xca: {  	v13 =	vld [tilespmem:s11+$0x580];
	v29 =	vshll.u32 v14, $0x10;
	v3 =	vshrl.u32 v7, $0x10;
	v5 =	vsel vm1, v5, v6  }
0xcb: {  	v15 =	vld [tilespmem:s11+$0x600];
	v6 =	vand.u32 $0xFFFF0000, v0;
	v2 =	vand.u32 $0xFFFF0000, v2;
	v7 =	vshrl.u32 v1, $0x10  }
0xcc: {  	s9 =	sor.u32 s13, s12;
	v19 =	vld [tilespmem:s11+$0x680];
	vm1 =	vgt.s32 v14, v16;
	v31 =	vshll.u32 v17, $0x10;
	v52 =	vsel vm0, v11, v12  }
0xcd: {  	v0 =	vld [tilespmem:s9+$0x0];
	v20 =	vsel vm3, v21, v20;
	vm0 =	vgt.s32 v24, v25;
	v3 =	vor.u32 v6, v3  }
0xce: {  	v1 =	vld [tilespmem:s9+$0x80];
	vm3 =	vgt.s32 v33, v34;
	v4 =	vor.u32 v2, v4;
	v2 =	vand.u32 $0xFFFF0000, v5;
	[tilespmem:s1+$0x0] =	vst v3  }
0xcf: {  	vm2 =	vgt.s32 v17, v18;
	v32 =	vshll.u32 v18, $0x10;
	v5 =	vor.u32 v2, v7;
	v2 =	vld [tilespmem:s9+$0x100]  }
0xd0: {  	v53 =	vsel vm1, v14, v16;
	vm1 =	vgt.s32 v29, v30;
	vm7 =	vgt.s32 v22, v23;
	v60 =	vld [tilespmem:s9+$0x200]  }
0xd1: {  	[tilespmem:s30+$0x0] =	vst v4;
	v41 =	vshll.u32 v22, $0x10;
	v42 =	vshll.u32 v23, $0x10;
	v55 =	vsel vm2, v17, v18;
	v6 =	vld [tilespmem:s9+$0x300]  }
0xd2: {  	vm2 =	vgt.s32 v31, v32;
	vm8 =	vgt.s32 v52, v53;
	vm5 =	vgt.s32 v28, v13;
	[tilespmem:s0+$0x0] =	vst v5;
	v7 =	vld [tilespmem:s9+$0x380]  }
0xd3: {  	v61 =	vshll.u32 v13, $0x10;
	v62 =	vshll.u32 v15, $0x10;
	v9 =	vld [tilespmem:s9+$0x480];
	v22 =	vsel vm7, v22, v23;
	[tilespmem:$0x1F7E0] =	vst v0  }
0xd4: {  	v10 =	vld [tilespmem:s9+$0x500];
	vm7 =	vgt.s32 v41, v42;
	vm9 =	vgt.s32 v55, v20;
	[tilespmem:$0x1FC50] =	vst v1;
	v35 =	vshll.u32 v1, $0x10  }
0xd5: {  	v11 =	vld [tilespmem:s9+$0x580];
	v23 =	vsel vm0, v24, v25;
	v25 =	vsel vm1, v29, v30;
	v30 =	vsel vm3, v33, v34;
	[tilespmem:$0x1F920] =	vst v35  }
0xd6: {  	v14 =	vld [tilespmem:s9+$0x600];
	vm6 =	vgt.s32 v15, v19;
	v63 =	vshll.u32 v19, $0x10;
	v27 =	vsel vm5, v28, v13;
	[tilespmem:$0x1F7F0] =	vst v6  }
0xd7: {  	s8 =	sor.u32 $0x10, s13;
	v47 =	vld [tilespmem:s9+$0x700];
	vm5 =	vgt.s32 v59, v61;
	v28 =	vsel vm2, v31, v32;
	v20 =	vsel vm9, v55, v20;
	[tilespmem:$0x1F800] =	vst v7  }
0xd8: {  	s14 =	sor.u32 s8, s12;
	v16 =	vld [tilespmem:s9+$0x780];
	vm1 =	vgt.s32 v23, v25;
	v19 =	vsel vm6, v15, v19;
	vm6 =	vgt.s32 v62, v63;
	[tilespmem:$0x1F810] =	vst v9  }
0xd9: {  	v18 =	vld [tilespmem:s14+$0x0];
	vm0 =	vgt.s32 v26, v27;
	v58 =	vsel vm5, v59, v61;
	v61 =	vsel vm7, v41, v42;
	[tilespmem:$0x1F820] =	vst v10  }
0xda: {  	v24 =	vld [tilespmem:s14+$0x100];
	vm10 =	vgt.s32 v19, v22;
	v59 =	vsel vm6, v62, v63;
	v62 =	vsel vm8, v52, v53;
	[tilespmem:$0x1F830] =	vst v11  }
0xdb: {  	v29 =	vld [tilespmem:s14+$0x180];
	v27 =	vsel vm0, v26, v27;
	vm0 =	vgt.s32 v28, v30;
	vm2 =	vgt.s32 v56, v58;
	[tilespmem:$0x1F840] =	vst v14  }
0xdc: {  	v44 =	vld [tilespmem:s14+$0x380];
	v19 =	vsel vm10, v19, v22;
	vm3 =	vgt.s32 v59, v61;
	v22 =	vsel vm1, v23, v25;
	[tilespmem:$0x1F860] =	vst v47  }
0xdd: {  	v33 =	vld [tilespmem:s14+$0x400];
	vm1 =	vgt.s32 v62, v20;
	v23 =	vsel vm0, v28, v30;
	v25 =	vsel vm2, v56, v58;
	[tilespmem:$0x1F870] =	vst v16  }
0xde: {  	[tilespmem:$0x1F880] =	vst v18;
	vm4 =	vgt.s32 v27, v19;
	v28 =	vsel vm3, v59, v61;
	v12 =	vmovc v2;
	v17 =	vshll.u32 v2, $0x10;
	v2 =	vld [tilespmem:s14+$0x600]  }
0xdf: {  	v57 =	vld [tilespmem:s9+$0x180];
	[tilespmem:$0x1F890] =	vst v24;
	vm0 =	vgt.s32 v22, v23;
	v30 =	vsel vm1, v62, v20;
	vm2 =	vgt.s32 v25, v28  }
0xe0: {  	v54 =	vld [tilespmem:s9+$0x280];
	[tilespmem:$0x1F8A0] =	vst v29;
	v22 =	vsel vm0, v22, v23;
	v23 =	vsel vm2, v25, v28;
	v25 =	vsel vm4, v27, v19  }
0xe1: {  	v8 =	vld [tilespmem:s9+$0x400];
	v58 =	vshll.u32 v0, $0x10;
	[tilespmem:$0x1F8D0] =	vst v44;
	vm0 =	vgt.s32 v22, v23;
	vm1 =	vgt.s32 v30, v25  }
0xe2: {  	[tilespmem:$0x1F8E0] =	vst v33;
	v20 =	vshll.u32 v60, $0x10;
	v23 =	vsel vm0, v22, v23;
	v25 =	vsel vm1, v30, v25  }
0xe3: {  	v5 =	vld [tilespmem:s14+$0x780];
	vm0 =	vgt.s32 v58, v35;
	[tilespmem:$0x1F900] =	vst v2;
	v19 =	vshll.u32 v2, $0x10;
	v2 =	vimm.s32 $0x0  }
0xe4: {  	[tilespmem:$0x1F930] =	vst v58;
	v28 =	vshrl.u32 v23, $0x10;
	v23 =	vshll.u32 v57, $0x10;
	v2 =	vsel vm0, $0xFFFFFFFF, v2  }
0xe5: {  	v13 =	vld [tilespmem:s9+$0x680];
	v27 =	vand.u32 $0xFFFF0000, v25;
	vm0 =	vgt.s32 v17, v23;
	[tilespmem:$0x1F910] =	vst v2;
	v2 =	vimm.s32 $0x0  }
0xe6: {  	[tilespmem:$0x1FCD0] =	vst v8;
	v63 =	vor.u32 v27, v28;
	v28 =	vshll.u32 v54, $0x10;
	v2 =	vsel vm0, $0xFFFFFFFF, v2  }
0xe7: {  	v31 =	vld [tilespmem:s14+$0x200];
	vm0 =	vgt.s32 v20, v28;
	[tilespmem:$0x1F940] =	vst v2;
	v2 =	vimm.s32 $0x0  }
0xe8: {  	v34 =	vshll.u32 v7, $0x10;
	[tilespmem:$0x1FD20] =	vst v5;
	v30 =	vshll.u32 v6, $0x10;
	v2 =	vsel vm0, $0xFFFFFFFF, v2  }
0xe9: {  	vm0 =	vgt.s32 v30, v34;
	[tilespmem:$0x1F970] =	vst v2;
	v2 =	vimm.s32 $0x0  }
0xea: {  	v42 =	vshll.u32 v9, $0x10;
	[tilespmem:$0x1F850] =	vst v13;
	v25 =	vshll.u32 v8, $0x10;
	v2 =	vsel vm0, $0xFFFFFFFF, v2  }
0xeb: {  	vm0 =	vgt.s32 v25, v42;
	[tilespmem:$0x1F9A0] =	vst v2;
	v2 =	vimm.s32 $0x0  }
0xec: {  	v39 =	vshll.u32 v10, $0x10;
	v51 =	vshll.u32 v11, $0x10;
	[tilespmem:$0x1F8B0] =	vst v31;
	v2 =	vsel vm0, $0xFFFFFFFF, v2  }
0xed: {  	v49 =	vld [tilespmem:s14+$0x80];
	vm0 =	vgt.s32 v39, v51;
	[tilespmem:$0x1F9D0] =	vst v2;
	v2 =	vimm.s32 $0x0  }
0xee: {  	v55 =	vshll.u32 v14, $0x10;
	[tilespmem:$0x1F960] =	vst v17;
	v37 =	vshll.u32 v13, $0x10;
	v2 =	vsel vm0, $0xFFFFFFFF, v2  }
0xef: {  	vm0 =	vgt.s32 v55, v37;
	[tilespmem:$0x1F9F0] =	vst v2;
	v2 =	vimm.s32 $0x0  }
0xf0: {  	v47 =	vshll.u32 v47, $0x10;
	[tilespmem:$0x1F990] =	vst v20;
	v27 =	vshll.u32 v16, $0x10;
	v2 =	vsel vm0, $0xFFFFFFFF, v2  }
0xf1: {  	v26 =	vld [tilespmem:s14+$0x280];
	vm0 =	vgt.s32 v47, v27;
	[tilespmem:$0x1FA10] =	vst v2;
	v2 =	vimm.s32 $0x0  }
0xf2: {  	v40 =	vshll.u32 v49, $0x10;
	[tilespmem:$0x1F9B0] =	vst v34;
	v16 =	vshll.u32 v18, $0x10;
	v2 =	vsel vm0, $0xFFFFFFFF, v2  }
0xf3: {  	v41 =	vld [tilespmem:s14+$0x300];
	vm0 =	vgt.s32 v16, v40;
	[tilespmem:$0x1FA30] =	vst v2;
	v2 =	vimm.s32 $0x0  }
0xf4: {  	s24 =	sshll.u32 s29, $0x4;
	v45 =	vld [tilespmem:s14+$0x480];
	v43 =	vshll.u32 v29, $0x10;
	[tilespmem:$0x1F9E0] =	vst v42;
	v18 =	vshll.u32 v24, $0x10;
	v2 =	vsel vm0, $0xFFFFFFFF, v2  }
0xf5: {  	s0 =	sand.u32 $0x3FFFFF80, s24;
	v0 =	vld [tilespmem:s14+$0x500];
	vm0 =	vgt.s32 v18, v43;
	[tilespmem:$0x1FA60] =	vst v2;
	v2 =	vimm.s32 $0x0  }
0xf6: {  	s0 =	sadd.s32 $0x11000, s0;
	v56 =	vld [tilespmem:s14+$0x580];
	[tilespmem:$0x1FA00] =	vst v39;
	v21 =	vshll.u32 v31, $0x10;
	v29 =	vshll.u32 v26, $0x10;
	v2 =	vsel vm0, $0xFFFFFFFF, v2  }
0xf7: {  	s6 =	sor.u32 s15, s0;
	vm0 =	vgt.s32 v21, v29;
	[tilespmem:$0x1FA80] =	vst v2;
	v2 =	vimm.s32 $0x0  }
0xf8: {  	s31 =	sor.u32 $0x20, s13;
	v3 =	vld [tilespmem:s14+$0x680];
	v22 =	vshll.u32 v41, $0x10;
	[tilespmem:s6+$0x0] =	vst v63;
	v63 =	vshll.u32 v44, $0x10;
	v2 =	vsel vm0, $0xFFFFFFFF, v2  }
0xf9: {  	s12 =	sor.u32 s31, s12;
	v50 =	vld [tilespmem:s14+$0x700];
	v11 =	vshll.u32 v45, $0x10;
	vm0 =	vgt.s32 v22, v63;
	[tilespmem:$0x1FAB0] =	vst v2;
	v2 =	vimm.s32 $0x0  }
0xfa: {  	v32 =	vld [tilespmem:s12+$0x100];
	v15 =	vmovc v1;
	[tilespmem:$0x1FA50] =	vst v47;
	v36 =	vmovc v26;
	v26 =	vshll.u32 v33, $0x10;
	v1 =	vshll.u32 v0, $0x10;
	v2 =	vsel vm0, $0xFFFFFFFF, v2  }
0xfb: {  	v61 =	vld [tilespmem:s12+$0x0];
	v48 =	vshll.u32 v56, $0x10;
	vm0 =	vgt.s32 v26, v11;
	[tilespmem:$0x1FAE0] =	vst v2;
	v2 =	vimm.s32 $0x0  }
0xfc: {  	v38 =	vmovc v8;
	v8 =	vld [tilespmem:s12+$0x80];
	[tilespmem:$0x1FB40] =	vst v1;
	v2 =	vsel vm0, $0xFFFFFFFF, v2;
	vm0 =	vgt.s32 v1, v48;
	v1 =	vimm.s32 $0x0  }
0xfd: {  	[tilespmem:$0x1F8C0] =	vst v41;
	v24 =	vld [tilespmem:s12+$0x180];
	v44 =	vshll.u32 v3, $0x10;
	v1 =	vsel vm0, $0xFFFFFFFF, v1  }
0xfe: {  	v9 =	vld [tilespmem:s12+$0x200];
	vm0 =	vgt.s32 v19, v44;
	[tilespmem:$0x1FB30] =	vst v1;
	v1 =	vimm.s32 $0x0  }
0xff: {  	v10 =	vld [tilespmem:s12+$0x280];
	v53 =	vshll.u32 v50, $0x10;
	v13 =	vshll.u32 v5, $0x10;
	[tilespmem:$0x1F8F0] =	vst v0;
	v1 =	vsel vm0, $0xFFFFFFFF, v1  }
0x100: {  	v4 =	vld [tilespmem:s12+$0x380];
	v0 =	vshll.u32 v32, $0x10;
	vm0 =	vgt.s32 v53, v13;
	[tilespmem:$0x1FB50] =	vst v1;
	v1 =	vimm.s32 $0x0  }
0x101: {  	[tilespmem:$0x1FAC0] =	vst v29;
	v41 =	vmovc v3;
	v59 =	vshll.u32 v61, $0x10;
	v3 =	vld [tilespmem:s12+$0x300];
	v14 =	vshll.u32 v8, $0x10;
	v1 =	vsel vm0, $0xFFFFFFFF, v1  }
0x102: {  	v33 =	vmovc v5;
	v5 =	vld [tilespmem:s12+$0x400];
	v17 =	vshll.u32 v24, $0x10;
	vm0 =	vgt.s32 v59, v14;
	[tilespmem:$0x1FB70] =	vst v1;
	v1 =	vimm.s32 $0x0  }
0x103: {  	v6 =	vld [tilespmem:s12+$0x480];
	[tilespmem:$0x1FBF0] =	vst v0;
	v1 =	vsel vm0, $0xFFFFFFFF, v1;
	vm0 =	vgt.s32 v0, v17;
	v0 =	vimm.s32 $0x0  }
0x104: {  	v7 =	vld [tilespmem:s12+$0x500];
	[tilespmem:$0x1FB20] =	vst v26;
	v58 =	vshll.u32 v9, $0x10;
	v52 =	vshll.u32 v10, $0x10;
	v0 =	vsel vm0, $0xFFFFFFFF, v0  }
0x105: {  	v62 =	vld [tilespmem:s12+$0x580];
	vm0 =	vgt.s32 v58, v52;
	[tilespmem:$0x1FBD0] =	vst v0;
	v0 =	vimm.s32 $0x0  }
0x106: {  	[tilespmem:$0x1F980] =	vst v28;
	v39 =	vshll.u32 v4, $0x10;
	v47 =	vshll.u32 v3, $0x10;
	v0 =	vsel vm0, $0xFFFFFFFF, v0  }
0x107: {  	vm0 =	vgt.s32 v47, v39;
	[tilespmem:$0x1FC00] =	vst v0;
	v0 =	vimm.s32 $0x0  }
0x108: {  	[tilespmem:$0x1FA40] =	vst v27;
	v28 =	vshll.u32 v6, $0x10;
	v34 =	vshll.u32 v5, $0x10;
	v29 =	vld [tilespmem:$0x1F7E0];
	v0 =	vsel vm0, $0xFFFFFFFF, v0  }
0x109: {  	vm0 =	vgt.s32 v34, v28;
	[tilespmem:$0x1FC10] =	vst v0;
	v0 =	vimm.s32 $0x0  }
0x10a: {  	[tilespmem:$0x1FA70] =	vst v16;
	v27 =	vshll.u32 v7, $0x10;
	v16 =	vshll.u32 v62, $0x10;
	v0 =	vsel vm0, $0xFFFFFFFF, v0  }
0x10b: {  	vm0 =	vgt.s32 v27, v16;
	[tilespmem:$0x1FC20] =	vst v0;
	v0 =	vimm.s32 $0x0  }
0x10c: {  	[tilespmem:$0x1FAF0] =	vst v22;
	v0 =	vsel vm0, $0xFFFFFFFF, v0  }
0x10d: {  	v26 =	vld [tilespmem:$0x1F7F0];
	vm0 =	vgt.s32 v29, v15;
	[tilespmem:$0x1FC30] =	vst v0;
	v0 =	vimm.s32 $0x0  }
0x10e: {  	[tilespmem:$0x1FBE0] =	vst v17;
	v17 =	vld [tilespmem:$0x1F800];
	v0 =	vsel vm0, $0xFFFFFFFF, v0  }
0x10f: {  	vm0 =	vgt.s32 v12, v57;
	[tilespmem:$0x1FC40] =	vst v0;
	v0 =	vimm.s32 $0x0  }
0x110: {  	[tilespmem:$0x1F950] =	vst v23;
	v42 =	vmov v25;
	v25 =	vld [tilespmem:$0x1F810];
	v0 =	vsel vm0, $0xFFFFFFFF, v0  }
0x111: {  	v23 =	vld [tilespmem:$0x1F820];
	vm0 =	vgt.s32 v60, v54;
	[tilespmem:$0x1FC60] =	vst v0;
	v0 =	vimm.s32 $0x0  }
0x112: {  	[tilespmem:$0x1FD90] =	vst v9;
	v20 =	vmov v9;
	v9 =	vld [tilespmem:$0x1F830];
	v0 =	vsel vm0, $0xFFFFFFFF, v0  }
0x113: {  	v22 =	vld [tilespmem:$0x1F840];
	vm0 =	vgt.s32 v26, v17;
	[tilespmem:$0x1FC80] =	vst v0;
	v0 =	vimm.s32 $0x0  }
0x114: {  	[tilespmem:$0x1FB10] =	vst v11;
	v11 =	vld [tilespmem:$0x1F850];
	v0 =	vsel vm0, $0xFFFFFFFF, v0  }
0x115: {  	vm0 =	vgt.s32 v38, v25;
	[tilespmem:$0x1FCB0] =	vst v0;
	v0 =	vimm.s32 $0x0  }
0x116: {  	[tilespmem:$0x1FA90] =	vst v43;
	v0 =	vsel vm0, $0xFFFFFFFF, v0  }
0x117: {  	vm1 =	vgt.s32 v23, v9;
	[tilespmem:$0x1FCC0] =	vst v0;
	v0 =	vimm.s32 $0x0  }
0x118: {  	v35 =	vld [tilespmem:s12+$0x680];
	v31 =	vmov v8;
	[tilespmem:$0x1FD40] =	vst v8;
	v8 =	vmov v3;
	v0 =	vsel vm1, $0xFFFFFFFF, v0  }
0x119: {  	vm15 =	vgt.s32 v8, v4;
	v43 =	vld [tilespmem:s12+$0x600];
	vm1 =	vgt.s32 v22, v11;
	[tilespmem:$0x1FCE0] =	vst v0;
	v0 =	vimm.s32 $0x0  }
0x11a: {  	[tilespmem:$0x1FDA0] =	vst v4;
	v4 =	vimm.s32 $0x0;
	v0 =	vsel vm1, $0xFFFFFFFF, v0;
	vm1 =	vgt.s32 v5, v6  }
0x11b: {  	v4 =	vsel vm1, $0xFFFFFFFF, v4  }
0x11c: {  	vm1 =	vgt.s32 v7, v62;
	[tilespmem:$0x1FDB0] =	vst v4;
	v4 =	vimm.s32 $0x0  }
0x11d: {  	v4 =	vsel vm1, $0xFFFFFFFF, v4  }
0x11e: {  	vm1 =	vgt.s32 v43, v35;
	[tilespmem:$0x1FDE0] =	vst v4;
	v4 =	vimm.s32 $0x0  }
0x11f: {  	v4 =	vsel vm1, $0xFFFFFFFF, v4  }
0x120: {  	[tilespmem:$0x1FE00] =	vst v4;
	v4 =	vld [tilespmem:$0x1F910];
	_ =	sdelay $0x3  }
0x121: {  	[tilespmem:$0x1FDD0] =	vst v5;
	v5 =	vld [tilespmem:$0x1F930]  }
0x122: {  	vm1 =	vnez.u8 v4;
	v4 =	vld [tilespmem:$0x1F920];
	_ =	sdelay $0x4  }
0x123: {  	v4 =	vsel vm1, v5, v4  }
0x124: {  	[tilespmem:$0x1FE10] =	vst v4;
	v4 =	vld [tilespmem:$0x1F940];
	_ =	sdelay $0x1  }
0x125: {  	v46 =	vld [tilespmem:s12+$0x700]  }
0x126: {  	[tilespmem:$0x1F9C0] =	vst v30;
	v30 =	vld [tilespmem:s12+$0x780]  }
0x127: {  	v5 =	vld [tilespmem:$0x1F960]  }
0x128: {  	vm1 =	vnez.u8 v4;
	v4 =	vld [tilespmem:$0x1F950];
	_ =	sdelay $0x4  }
0x129: {  	v5 =	vsel vm1, v5, v4;
	vm1 =	vgt.s32 v46, v30;
	v4 =	vimm.s32 $0x0  }
0x12a: {  	v4 =	vsel vm1, $0xFFFFFFFF, v4  }
0x12b: {  	[tilespmem:$0x1FE20] =	vst v4;
	v4 =	vld [tilespmem:$0x1F970];
	_ =	sdelay $0x3  }
0x12c: {  	[tilespmem:$0x1FDC0] =	vst v6;
	v6 =	vld [tilespmem:$0x1F990]  }
0x12d: {  	vm1 =	vnez.u8 v4;
	v4 =	vld [tilespmem:$0x1F980];
	_ =	sdelay $0x4  }
0x12e: {  	[tilespmem:$0x1FD30] =	vst v50;
	vm10 =	vgt.s32 v50, v33;
	v50 =	vsel vm1, v6, v4;
	v4 =	vld [tilespmem:$0x1F9A0];
	_ =	sdelay $0x2  }
0x12f: {  	[tilespmem:$0x1FAA0] =	vst v18;
	v18 =	vld [tilespmem:$0x1F880]  }
0x130: {  	v6 =	vld [tilespmem:$0x1F9C0]  }
0x131: {  	vm1 =	vnez.u8 v4;
	v4 =	vld [tilespmem:$0x1F9B0];
	_ =	sdelay $0x4  }
0x132: {  	[tilespmem:$0x1FD00] =	vst v49;
	vm3 =	vgt.s32 v18, v49;
	v49 =	vsel vm1, v6, v4;
	v4 =	vld [tilespmem:$0x1F9D0];
	_ =	sdelay $0x4  }
0x133: {  	vm1 =	vnez.u8 v4;
	v4 =	vld [tilespmem:$0x1F9E0];
	_ =	sdelay $0x4  }
0x134: {  	v42 =	vsel vm1, v42, v4;
	v4 =	vld [tilespmem:$0x1F9F0];
	_ =	sdelay $0x4  }
0x135: {  	vm1 =	vnez.u8 v4;
	v4 =	vld [tilespmem:$0x1FA00];
	_ =	sdelay $0x4  }
0x136: {  	v51 =	vsel vm1, v4, v51;
	v4 =	vld [tilespmem:$0x1FA10];
	_ =	sdelay $0x3  }
0x137: {  	[tilespmem:$0x1FA20] =	vst v37  }
0x138: {  	vm1 =	vnez.u8 v4;
	v4 =	vld [tilespmem:$0x1FA20];
	_ =	sdelay $0x3  }
0x139: {  	v37 =	vmov v55  }
0x13a: {  	v37 =	vsel vm1, v37, v4;
	v4 =	vld [tilespmem:$0x1FA30];
	_ =	sdelay $0x2  }
0x13b: {  	[tilespmem:$0x1FBA0] =	vst v1;
	v1 =	vld [tilespmem:$0x1F8B0]  }
0x13c: {  	v6 =	vld [tilespmem:$0x1FA50]  }
0x13d: {  	vm1 =	vnez.u8 v4;
	v4 =	vld [tilespmem:$0x1FA40];
	_ =	sdelay $0x4  }
0x13e: {  	[tilespmem:$0x1FC70] =	vst v57;
	vm5 =	vgt.s32 v1, v36;
	v57 =	vmov v36;
	v36 =	vsel vm1, v6, v4;
	v4 =	vld [tilespmem:$0x1FA60];
	_ =	sdelay $0x4  }
0x13f: {  	vm1 =	vnez.u8 v4;
	v4 =	vld [tilespmem:$0x1FA70];
	_ =	sdelay $0x4  }
0x140: {  	v40 =	vsel vm1, v4, v40;
	v4 =	vld [tilespmem:$0x1FA80];
	_ =	sdelay $0x3  }
0x141: {  	v6 =	vld [tilespmem:$0x1FAA0]  }
0x142: {  	vm1 =	vnez.u8 v4;
	v4 =	vld [tilespmem:$0x1FA90];
	_ =	sdelay $0x4  }
0x143: {  	v6 =	vsel vm1, v6, v4;
	v4 =	vld [tilespmem:$0x1FAB0];
	_ =	sdelay $0x2  }
0x144: {  	[tilespmem:$0x1FAD0] =	vst v21  }
0x145: {  	[tilespmem:$0x1FDF0] =	vst v7;
	v7 =	vld [tilespmem:$0x1FAD0]  }
0x146: {  	vm1 =	vnez.u8 v4;
	v4 =	vld [tilespmem:$0x1FAC0];
	_ =	sdelay $0x4  }
0x147: {  	vm12 =	vgt.s32 v61, v31;
	v31 =	vmov v8;
	v8 =	vsel vm1, v7, v4;
	v4 =	vld [tilespmem:$0x1FAE0];
	_ =	sdelay $0x4  }
0x148: {  	vm1 =	vnez.u8 v4;
	v4 =	vld [tilespmem:$0x1FAF0];
	_ =	sdelay $0x3  }
0x149: {  	[tilespmem:$0x1FB00] =	vst v2  }
0x14a: {  	v63 =	vsel vm1, v4, v63;
	v4 =	vld [tilespmem:$0x1FB00];
	_ =	sdelay $0x3  }
0x14b: {  	v7 =	vld [tilespmem:$0x1FB20]  }
0x14c: {  	vm1 =	vnez.u8 v4;
	v4 =	vld [tilespmem:$0x1FB10];
	_ =	sdelay $0x4  }
0x14d: {  	v33 =	vsel vm1, v7, v4;
	v4 =	vld [tilespmem:$0x1FB30];
	_ =	sdelay $0x4  }
0x14e: {  	vm1 =	vnez.u8 v4;
	v4 =	vld [tilespmem:$0x1FB40];
	_ =	sdelay $0x4  }
0x14f: {  	v48 =	vsel vm1, v4, v48;
	v4 =	vld [tilespmem:$0x1FB50];
	_ =	sdelay $0x3  }
0x150: {  	[tilespmem:$0x1FB60] =	vst v19  }
0x151: {  	vm1 =	vnez.u8 v4;
	v4 =	vld [tilespmem:$0x1FB60];
	_ =	sdelay $0x4  }
0x152: {  	v44 =	vsel vm1, v4, v44;
	v4 =	vld [tilespmem:$0x1FB70];
	_ =	sdelay $0x2  }
0x153: {  	[tilespmem:$0x1FB90] =	vst v53  }
0x154: {  	[tilespmem:$0x1FB80] =	vst v13;
	v7 =	vld [tilespmem:$0x1FB90]  }
0x155: {  	vm1 =	vnez.u8 v4;
	v4 =	vld [tilespmem:$0x1FB80];
	_ =	sdelay $0x4  }
0x156: {  	v7 =	vsel vm1, v7, v4;
	v4 =	vld [tilespmem:$0x1FBA0];
	_ =	sdelay $0x1  }
0x157: {  	[tilespmem:$0x1FD80] =	vst v10  }
0x158: {  	[tilespmem:$0x1FBC0] =	vst v59  }
0x159: {  	vm14 =	vgt.s32 v20, v10;
	v10 =	vld [tilespmem:$0x1FBC0];
	[tilespmem:$0x1FBB0] =	vst v14  }
0x15a: {  	vm1 =	vnez.u8 v4;
	v4 =	vld [tilespmem:$0x1FBB0];
	_ =	sdelay $0x4  }
0x15b: {  	[tilespmem:$0x1FD70] =	vst v32;
	vm13 =	vgt.s32 v32, v24;
	v32 =	vsel vm1, v10, v4;
	v4 =	vld [tilespmem:$0x1FBD0];
	_ =	sdelay $0x3  }
0x15c: {  	v10 =	vld [tilespmem:$0x1FBF0]  }
0x15d: {  	vm1 =	vnez.u8 v4;
	v4 =	vld [tilespmem:$0x1FBE0];
	_ =	sdelay $0x4  }
0x15e: {  	v38 =	vsel vm1, v10, v4;
	v4 =	vld [tilespmem:$0x1FC00];
	_ =	sdelay $0x4  }
0x15f: {  	vm1 =	vnez.u8 v4;
	v4 =	vld [tilespmem:$0x1FC10];
	_ =	sdelay $0x4  }
0x160: {  	v52 =	vsel vm1, v58, v52;
	vm1 =	vnez.u8 v4;
	v4 =	vld [tilespmem:$0x1FC20];
	_ =	sdelay $0x4  }
0x161: {  	v39 =	vsel vm1, v47, v39;
	vm1 =	vnez.u8 v4;
	v4 =	vld [tilespmem:$0x1FC30];
	_ =	sdelay $0x4  }
0x162: {  	v10 =	vsel vm1, v34, v28;
	vm1 =	vnez.u8 v4;
	v4 =	vld [tilespmem:$0x1FC40];
	_ =	sdelay $0x4  }
0x163: {  	v16 =	vsel vm1, v27, v16;
	vm1 =	vnez.u8 v4;
	v4 =	vld [tilespmem:$0x1FC50];
	_ =	sdelay $0x4  }
0x164: {  	v20 =	vsel vm1, v29, v4;
	v4 =	vld [tilespmem:$0x1FC60];
	_ =	sdelay $0x4  }
0x165: {  	vm1 =	vnez.u8 v4;
	v4 =	vld [tilespmem:$0x1FC70];
	_ =	sdelay $0x3  }
0x166: {  	v55 =	vmov v12  }
0x167: {  	[tilespmem:$0x1FD60] =	vst v24;
	v24 =	vsel vm1, v55, v4;
	v4 =	vld [tilespmem:$0x1FC80];
	_ =	sdelay $0x2  }
0x168: {  	[tilespmem:$0x1FCA0] =	vst v60;
	v21 =	vshll.u32 v46, $0x10;
	v60 =	vshll.u32 v30, $0x10  }
0x169: {  	[tilespmem:$0x1FC90] =	vst v54;
	vm0 =	vgt.s32 v21, v60;
	v27 =	vld [tilespmem:$0x1FCA0]  }
0x16a: {  	v21 =	vsel vm0, v21, v60;
	vm0 =	vnez.u8 v4;
	v4 =	vld [tilespmem:$0x1FC90];
	_ =	sdelay $0x3  }
0x16b: {  	v19 =	vld [tilespmem:$0x1F8C0]  }
0x16c: {  	v34 =	vsel vm0, v27, v4;
	v4 =	vld [tilespmem:$0x1FCB0]  }
0x16d: {  	[tilespmem:$0x1FCF0] =	vst v0;
	v0 =	vld [tilespmem:$0x1F8D0]  }
0x16e: {  	v2 =	vld [tilespmem:$0x1F8A0]  }
0x16f: {  	v14 =	vld [tilespmem:$0x1F860]  }
0x170: {  	v12 =	vld [tilespmem:$0x1F870]  }
0x171: {  	v53 =	vshll.u32 v35, $0x10;
	v59 =	vshll.u32 v43, $0x10;
	vm0 =	vnez.u8 v4;
	v4 =	vld [tilespmem:$0x1FCC0]  }
0x172: {  	[tilespmem:$0x1FD10] =	vst v56;
	vm11 =	vgt.s32 v59, v53;
	v54 =	vld [tilespmem:$0x1F8F0];
	vm6 =	vgt.s32 v19, v0  }
0x173: {  	v47 =	vsel vm11, v59, v53;
	v53 =	vsel vm5, v1, v57;
	v57 =	vsel vm6, v19, v0;
	v0 =	vld [tilespmem:$0x1FD10]  }
0x174: {  	v13 =	vld [tilespmem:$0x1F890]  }
0x175: {  	v15 =	vld [tilespmem:$0x1F900]  }
0x176: {  	v58 =	vsel vm0, v26, v17;
	vm0 =	vnez.u8 v4;
	v4 =	vld [tilespmem:$0x1FCD0]  }
0x177: {  	vm2 =	vgt.s32 v14, v12;
	vm8 =	vgt.s32 v54, v56;
	v1 =	vld [tilespmem:$0x1FD30]  }
0x178: {  	v59 =	vsel vm2, v14, v12;
	v14 =	vsel vm8, v54, v0;
	v0 =	vld [tilespmem:$0x1FD20];
	_ =	sdelay $0x2  }
0x179: {  	v17 =	vsel vm0, v4, v25;
	v4 =	vld [tilespmem:$0x1FCE0]  }
0x17a: {  	[tilespmem:$0x1FD50] =	vst v61;
	v3 =	vld [tilespmem:$0x1F8E0];
	vm4 =	vgt.s32 v13, v2;
	vm9 =	vgt.s32 v15, v41  }
0x17b: {  	v56 =	vsel vm4, v13, v2;
	v13 =	vsel vm9, v15, v41;
	v15 =	vmovc v17;
	v17 =	vsel vm10, v1, v0;
	v0 =	vld [tilespmem:$0x1FD40]  }
0x17c: {  	v1 =	vld [tilespmem:$0x1FD50];
	_ =	sdelay $0x1  }
0x17d: {  	vm0 =	vnez.u8 v4;
	v4 =	vld [tilespmem:$0x1FCF0];
	_ =	sdelay $0x1  }
0x17e: {  	vm7 =	vgt.s32 v3, v45  }
0x17f: {  	v12 =	vsel vm7, v3, v45;
	v45 =	vsel vm12, v1, v0;
	v0 =	vld [tilespmem:$0x1FD60]  }
0x180: {  	v1 =	vld [tilespmem:$0x1FD70]  }
0x181: {  	v9 =	vsel vm0, v23, v9;
	vm0 =	vnez.u8 v4;
	v4 =	vld [tilespmem:$0x1FD00];
	_ =	sdelay $0x4  }
0x182: {  	v61 =	vsel vm3, v18, v4;
	v18 =	vsel vm13, v1, v0;
	v0 =	vld [tilespmem:$0x1FD80]  }
0x183: {  	v1 =	vld [tilespmem:$0x1FD90];
	_ =	sdelay $0x4  }
0x184: {  	v4 =	vmov v21;
	v21 =	vsel vm14, v1, v0;
	v0 =	vld [tilespmem:$0x1FDA0];
	_ =	sdelay $0x4  }
0x185: {  	v55 =	vsel vm0, v22, v11;
	v11 =	vmov v24;
	v24 =	vsel vm15, v31, v0;
	v0 =	vld [tilespmem:$0x1FDB0];
	_ =	sdelay $0x3  }
0x186: {  	v1 =	vld [tilespmem:$0x1FDD0]  }
0x187: {  	vm0 =	vnez.u8 v0;
	v0 =	vld [tilespmem:$0x1FDC0];
	_ =	sdelay $0x4  }
0x188: {  	v29 =	vsel vm0, v1, v0;
	v0 =	vld [tilespmem:$0x1FDE0];
	_ =	sdelay $0x4  }
0x189: {  	vm0 =	vnez.u8 v0;
	v0 =	vld [tilespmem:$0x1FDF0];
	_ =	sdelay $0x4  }
0x18a: {  	v31 =	vsel vm0, v0, v62;
	v0 =	vld [tilespmem:$0x1FE00]  }
0x18b: {  	v19 =	vld [tilespmem:$0x1FE10];
	_ =	sdelay $0x2  }
0x18c: {  	vm4 =	vgt.s32 v37, v36  }
0x18d: {  	vm5 =	vgt.s32 v40, v6;
	vm11 =	vgt.s32 v53, v57;
	vm0 =	vnez.u8 v0  }
0x18e: {  	vm7 =	vgt.s32 v19, v5;
	v60 =	vmovc v10;
	v26 =	vsel vm0, v43, v35;
	v43 =	vmov v9  }
0x18f: {  	v2 =	vmovc v37;
	vm15 =	vgt.s32 v60, v16;
	v1 =	vmovc v16;
	v16 =	vimm.s32 $0x0;
	vm6 =	vgt.s32 v15, v43  }
0x190: {  	v37 =	vmovc v38;
	v3 =	vmovc v36;
	v0 =	vimm.s32 $0x0;
	vm0 =	vgt.s32 v50, v49;
	v16 =	vsel vm6, $0xFFFFFFFF, v16  }
0x191: {  	v27 =	vmovc v7;
	v7 =	vmovc v44;
	v0 =	vsel vm0, $0xFFFFFFFF, v0;
	vm6 =	vgt.s32 v55, v59;
	[tilespmem:$0x1FF90] =	vst v16;
	v16 =	vimm.s32 $0x0  }
0x192: {  	v36 =	vsel vm7, v19, v5;
	v38 =	vmovc v34;
	vm2 =	vgt.s32 v7, v27;
	[tilespmem:$0x1FE30] =	vst v0;
	v16 =	vsel vm6, $0xFFFFFFFF, v16  }
0x193: {  	vm9 =	vgt.s32 v38, v58;
	vm8 =	vgt.s32 v20, v11;
	v0 =	vld [tilespmem:$0x1FE20];
	[tilespmem:$0x1FFA0] =	vst v16;
	v16 =	vimm.s32 $0x0  }
0x194: {  	vm3 =	vgt.s32 v42, v51;
	vm13 =	vgt.s32 v32, v37;
	v16 =	vsel vm11, $0xFFFFFFFF, v16  }
0x195: {  	vm10 =	vgt.s32 v47, v4;
	v5 =	vld [tilespmem:$0x1FE30];
	vm11 =	vgt.s32 v12, v14;
	[tilespmem:$0x1FFB0] =	vst v16;
	v16 =	vimm.s32 $0x0  }
0x196: {  	p1 =	slt.u32 s29, $0x3C;
	vm14 =	vgt.s32 v52, v39;
	vm12 =	vgt.s32 v29, v31;
	v35 =	vmovc v33;
	v16 =	vsel vm11, $0xFFFFFFFF, v16  }
.Ltmp0:
0x197: {  	v10 =	vmovc v51;
	v44 =	vmovc v39;
	vm1 =	vgt.s32 v35, v48;
	vm11 =	vgt.s32 v13, v17;
	[tilespmem:$0x1FFC0] =	vst v16;
	v16 =	vimm.s32 $0x0;
	(pc) =	sbr.rel @p1 .LBB2_3-.Ltmp0, $4  }
0x198: {  	v34 =	vmovc v40;
	v40 =	vmovc v48;
	vm6 =	vgt.s32 v61, v56;
	vm0 =	vnez.u8 v0;
	v16 =	vsel vm11, $0xFFFFFFFF, v16  }
0x199: {  	v51 =	vmovc v52;
	v62 =	vmovc v20;
	v33 =	vsel vm0, v46, v30;
	vm11 =	vgt.s32 v45, v18;
	[tilespmem:$0x1FFD0] =	vst v16;
	v16 =	vimm.s32 $0x0  }
0x19a: {  	v9 =	vmovc v63;
	v0 =	vmovc v42;
	vm0 =	vgt.s32 v8, v63;
	vm7 =	vnez.u8 v5;
	v16 =	vsel vm11, $0xFFFFFFFF, v16  }
0x19b: {  	s1 =	sor.u32 s13, s0;
	s30 =	sor.u32 s8, s0;
	s0 =	sor.u32 s31, s0;
	v39 =	vsel vm7, v50, v49;
	vm7 =	vgt.s32 v26, v33;
	vm11 =	vgt.s32 v21, v24;
	[tilespmem:$0x1FFE0] =	vst v16  }
0x19c: {  	v0 =	vsel vm3, v0, v10;
	v3 =	vsel vm4, v2, v3;
	v6 =	vsel vm5, v34, v6  }
0x19d: {  	v8 =	vsel vm0, v8, v9;
	v35 =	vsel vm1, v35, v40;
	v19 =	vsel vm2, v7, v27  }
0x19e: {  	v20 =	vsel vm13, v32, v37;
	v22 =	vsel vm14, v51, v44;
	v23 =	vsel vm15, v60, v1;
	v41 =	vld [tilespmem:$0x1FF90]  }
0x19f: {  	v37 =	vsel vm8, v62, v11;
	v38 =	vsel vm9, v38, v58;
	v40 =	vsel vm10, v47, v4;
	v42 =	vld [tilespmem:$0x1FFA0]  }
0x1a0: {  	v5 =	vsel vm6, v61, v56;
	v44 =	vld [tilespmem:$0x1FFC0];
	v48 =	vsel vm11, v21, v24;
	v49 =	vsel vm12, v29, v31  }
0x1a1: {  	v46 =	vld [tilespmem:$0x1FFD0];
	vm10 =	vgt.s32 v36, v39;
	v16 =	vsel vm7, v26, v33;
	vm11 =	vgt.s32 v0, v3  }
0x1a2: {  	v47 =	vld [tilespmem:$0x1FFE0];
	v50 =	vsel vm10, v36, v39;
	vm12 =	vgt.s32 v6, v8;
	vm13 =	vgt.s32 v35, v19  }
0x1a3: {  	v0 =	vsel vm11, v0, v3;
	v51 =	vsel vm12, v6, v8;
	v52 =	vsel vm13, v35, v19  }
0x1a4: {  	vm14 =	vgt.s32 v20, v22;
	vm10 =	vgt.s32 v50, v0;
	vm11 =	vgt.s32 v51, v52  }
0x1a5: {  	v0 =	vsel vm10, v50, v0;
	v3 =	vsel vm11, v51, v52;
	vm15 =	vnez.u8 v41  }
0x1a6: {  	vm4 =	vnez.u8 v42;
	vm6 =	vnez.u8 v44;
	vm8 =	vnez.u8 v46  }
0x1a7: {  	vm9 =	vnez.u8 v47;
	v0 =	vshrl.u32 v0, $0x10;
	v25 =	vsel vm15, v15, v43;
	v43 =	vld [tilespmem:$0x1FFB0]  }
0x1a8: {  	v4 =	vsel vm4, v55, v59;
	v11 =	vsel vm6, v12, v14;
	v12 =	vsel vm8, v13, v17  }
0x1a9: {  	v13 =	vsel vm9, v45, v18;
	vm15 =	vgt.s32 v37, v38;
	vm4 =	vgt.s32 v25, v4  }
0x1aa: {  	vm9 =	vgt.s32 v49, v16;
	v1 =	vsel vm15, v37, v38;
	v54 =	vsel vm4, v25, v4  }
0x1ab: {  	vm7 =	vgt.s32 v11, v12;
	vm8 =	vgt.s32 v13, v48;
	vm12 =	vgt.s32 v1, v54  }
0x1ac: {  	v58 =	vsel vm9, v49, v16;
	v1 =	vsel vm12, v1, v54;
	vm5 =	vnez.u8 v43  }
0x1ad: {  	v56 =	vsel vm7, v11, v12;
	v1 =	vand.u32 $0xFFFF0000, v1;
	v7 =	vsel vm5, v53, v57  }
0x1ae: {  	v53 =	vsel vm14, v20, v22;
	vm5 =	vgt.s32 v23, v40;
	v57 =	vsel vm8, v13, v48  }
0x1af: {  	v0 =	vor.u32 v1, v0;
	vm6 =	vgt.s32 v5, v7;
	v55 =	vsel vm5, v23, v40  }
0x1b0: {  	vm15 =	vgt.s32 v57, v58;
	v5 =	vsel vm6, v5, v7;
	vm14 =	vgt.s32 v53, v55  }
0x1b1: {  	p1 =	sne.s32 s25, $0x7;
	v60 =	vsel vm15, v57, v58;
	vm13 =	vgt.s32 v5, v56;
	v4 =	vsel vm14, v53, v55  }
.Ltmp1:
0x1b2: {  	v62 =	vand.u32 $0xFFFF0000, v60;
	v59 =	vsel vm13, v5, v56;
	v61 =	vshrl.u32 v4, $0x10;
	(pc) =	sbr.rel @p1 .LBB2_6-.Ltmp1, $4  }
0x1b3: {  	v3 =	vshrl.u32 v3, $0x10;
	[tilespmem:s1+$0x0] =	vst v0;
	v2 =	vand.u32 $0xFFFF0000, v59;
	v63 =	vor.u32 v62, v61  }
0x1b4: {  	s1 =	sshll.u32 s25, $0x9;
	v2 =	vor.u32 v2, v3;
	[tilespmem:s0+$0x0] =	vst v63  }
0x1b5: {  	s31 =	sadd.s32 s1, s7;
	[tilespmem:s30+$0x0] =	vst v2  }
0x1b6: {  	[hbm4b:s31+s3] =	stream.linear.scatter [tilespmem:s17], [sflag:$0x5], $0x400, $0x38;
	[tilespmem:$0x11800] =	vst v63  }
.Ltmp2:
0x1b7: {  	(pc) =	sbr.rel .LBB2_7-.Ltmp2, $4  }
0x1b8: {  	_ = 	snop  }
0x1b9: {  	_ =	swait.ge [sflag:s18], $0x4000  }
0x1ba: {  	[sflag:s18] =	ssyncset.done $0x0  }
0x1bb: {  	[sflag:s18] =	ssyncadd.s32 $0xFFFFC000  }
.LBB2_6:
0x1bc: {  	s0 =	sand.u32 $0x3FFFFE00, s1  }
.Ltmp3:
0x1bd: {  	s31 =	simm.s32 $0x1000;
	s0 =	sadd.s32 $0x200, s0;
	(pc) =	sbr.rel @p0 .LBB2_8-.Ltmp3, $4  }
0x1be: {  	[tilespmem:s31], [sflag:$0x1] =	stream.indirect.gather [hbm4b:s2+s10], $0x80, s0, s10, $0xb8;
	[tilespmem:$0x11800] =	vst v63  }
0x1bf: {  	_ =	swait.ge [sflag:s18], $0x4000  }
0x1c0: {  	[sflag:s18] =	ssyncset.done $0x0  }
0x1c1: {  	[sflag:s18] =	ssyncadd.s32 $0xFFFFC000  }
.LBB2_7:
0x1c2: {  	_ =	swait.ge [sflag:s19], $0x400  }
0x1c3: {  	[sflag:s19] =	ssyncset.done $0x0  }
0x1c4: {  	[sflag:s19] =	ssyncadd.s32 $0xFFFFFC00  }
.LBB2_8:
0x1c5: {  	s28 =	simm.s32 $0x0;
	s1 =	simm.s32 $0x0  }
0x1c6: {  	s0 =	sand.u32 $0x40, s28;
	s1 =	sand.u32 $0x3FFFF800, s1  }
0x1c7: {  	s9 =	sadd.s32 $0x5000, s1;
	s13 =	sor.u32 $0x30, s0  }
0x1c8: {  	s6 =	sor.u32 s13, s9  }
0x1c9: {  	v7 =	vld [tilespmem:s6+$0x0]  }
0x1ca: {  	v8 =	vld [tilespmem:s6+$0x80]  }
0x1cb: {  	v9 =	vld [tilespmem:s6+$0x100]  }
0x1cc: {  	v10 =	vld [tilespmem:s6+$0x180]  }
0x1cd: {  	v11 =	vld [tilespmem:s6+$0x200]  }
0x1ce: {  	v12 =	vld [tilespmem:s6+$0x280]  }
0x1cf: {  	v13 =	vld [tilespmem:s6+$0x300]  }
0x1d0: {  	v14 =	vld [tilespmem:s6+$0x380]  }
0x1d1: {  	v15 =	vld [tilespmem:s6+$0x400]  }
0x1d2: {  	v16 =	vld [tilespmem:s6+$0x480]  }
0x1d3: {  	v17 =	vld [tilespmem:s6+$0x500]  }
0x1d4: {  	s8 =	sor.u32 s0, s9;
	v18 =	vld [tilespmem:s6+$0x580]  }
0x1d5: {  	v0 =	vld [tilespmem:s8+$0x80]  }
0x1d6: {  	v19 =	vld [tilespmem:s6+$0x600]  }
0x1d7: {  	v20 =	vld [tilespmem:s6+$0x680]  }
0x1d8: {  	v21 =	vld [tilespmem:s6+$0x700]  }
0x1d9: {  	v22 =	vld [tilespmem:s6+$0x780]  }
0x1da: {  	v47 =	vld [tilespmem:s8+$0x0];
	[tilespmem:$0x1F610] =	vst v0  }
0x1db: {  	v1 =	vld [tilespmem:s8+$0x100];
	_ =	sdelay $0x4  }
0x1dc: {  	[tilespmem:$0x1F620] =	vst v1  }
0x1dd: {  	v2 =	vld [tilespmem:s8+$0x200];
	_ =	sdelay $0x4  }
0x1de: {  	v60 =	vld [tilespmem:s8+$0x180];
	[tilespmem:$0x1F630] =	vst v2  }
0x1df: {  	v3 =	vld [tilespmem:s8+$0x280];
	_ =	sdelay $0x4  }
0x1e0: {  	[tilespmem:$0x1F640] =	vst v3  }
0x1e1: {  	v6 =	vld [tilespmem:s8+$0x300];
	_ =	sdelay $0x4  }
0x1e2: {  	vm1 =	vgt.s32 v9, v10;
	[tilespmem:$0x1F650] =	vst v6  }
0x1e3: {  	v25 =	vshll.u32 v9, $0x10;
	v40 =	vsel vm1, v9, v10;
	v9 =	vld [tilespmem:s8+$0x400];
	_ =	sdelay $0x4  }
0x1e4: {  	vm3 =	vgt.s32 v13, v14;
	v46 =	vld [tilespmem:s8+$0x380];
	[tilespmem:$0x1F660] =	vst v9  }
0x1e5: {  	v29 =	vshll.u32 v13, $0x10;
	v42 =	vsel vm3, v13, v14;
	v13 =	vld [tilespmem:s8+$0x500];
	_ =	sdelay $0x4  }
0x1e6: {  	vm4 =	vgt.s32 v15, v16;
	v50 =	vld [tilespmem:s8+$0x480];
	[tilespmem:$0x1F670] =	vst v13  }
0x1e7: {  	v32 =	vshll.u32 v16, $0x10;
	v43 =	vsel vm4, v15, v16;
	v16 =	vld [tilespmem:s8+$0x600];
	_ =	sdelay $0x4  }
0x1e8: {  	v4 =	vld [tilespmem:s8+$0x580];
	[tilespmem:$0x1F680] =	vst v16  }
0x1e9: {  	v31 =	vshll.u32 v15, $0x10;
	v15 =	vld [tilespmem:s8+$0x680];
	_ =	sdelay $0x4  }
0x1ea: {  	[tilespmem:$0x1F690] =	vst v15  }
0x1eb: {  	v44 =	vld [tilespmem:s8+$0x700];
	_ =	sdelay $0x3  }
0x1ec: {  	s14 =	sor.u32 $0x10, s0  }
0x1ed: {  	s11 =	sor.u32 s14, s9;
	vm0 =	vgt.s32 v7, v8;
	[tilespmem:$0x1F6A0] =	vst v44  }
0x1ee: {  	v23 =	vshll.u32 v7, $0x10;
	v39 =	vsel vm0, v7, v8;
	v7 =	vld [tilespmem:s11+$0x0];
	_ =	sdelay $0x4  }
0x1ef: {  	v24 =	vshll.u32 v8, $0x10;
	v8 =	vld [tilespmem:s8+$0x780];
	[tilespmem:$0x1F6B0] =	vst v7  }
0x1f0: {  	v26 =	vshll.u32 v10, $0x10;
	v10 =	vld [tilespmem:s11+$0x100];
	_ =	sdelay $0x1  }
0x1f1: {  	vm5 =	vgt.s32 v17, v18;
	vm6 =	vgt.s32 v19, v20;
	v30 =	vshll.u32 v14, $0x10  }
0x1f2: {  	v33 =	vshll.u32 v17, $0x10;
	v34 =	vshll.u32 v18, $0x10;
	v36 =	vshll.u32 v20, $0x10  }
0x1f3: {  	v17 =	vsel vm5, v17, v18;
	vm0 =	vgt.s32 v23, v24;
	v18 =	vsel vm6, v19, v20  }
0x1f4: {  	vm3 =	vgt.s32 v29, v30;
	v20 =	vsel vm0, v23, v24;
	vm0 =	vgt.s32 v43, v17;
	v5 =	vld [tilespmem:s11+$0x80];
	[tilespmem:$0x1F6C0] =	vst v10  }
0x1f5: {  	v23 =	vsel vm3, v29, v30;
	v30 =	vsel vm0, v43, v17;
	v17 =	vld [tilespmem:s11+$0x180];
	_ =	sdelay $0x2  }
0x1f6: {  	vm7 =	vgt.s32 v21, v22  }
0x1f7: {  	v35 =	vshll.u32 v19, $0x10;
	v19 =	vsel vm7, v21, v22  }
0x1f8: {  	vm10 =	vgt.s32 v18, v19;
	[tilespmem:$0x1F6D0] =	vst v17  }
0x1f9: {  	v19 =	vsel vm10, v18, v19;
	v18 =	vld [tilespmem:s11+$0x200];
	_ =	sdelay $0x2  }
0x1fa: {  	vm2 =	vgt.s32 v11, v12;
	vm1 =	vgt.s32 v25, v26  }
0x1fb: {  	v27 =	vshll.u32 v11, $0x10;
	v37 =	vshll.u32 v21, $0x10;
	v21 =	vsel vm1, v25, v26  }
0x1fc: {  	v28 =	vshll.u32 v12, $0x10;
	v38 =	vshll.u32 v22, $0x10;
	vm1 =	vgt.s32 v20, v21;
	[tilespmem:$0x1F6E0] =	vst v18  }
0x1fd: {  	v41 =	vsel vm2, v11, v12;
	vm2 =	vgt.s32 v27, v28;
	v20 =	vsel vm1, v20, v21;
	v21 =	vld [tilespmem:s11+$0x280]  }
0x1fe: {  	vm4 =	vgt.s32 v31, v32;
	vm5 =	vgt.s32 v33, v34;
	vm6 =	vgt.s32 v35, v36  }
0x1ff: {  	vm7 =	vgt.s32 v37, v38;
	vm8 =	vgt.s32 v39, v40;
	vm9 =	vgt.s32 v41, v42  }
0x200: {  	v22 =	vsel vm2, v27, v28;
	v24 =	vsel vm4, v31, v32;
	v25 =	vsel vm5, v33, v34  }
0x201: {  	v26 =	vsel vm6, v35, v36;
	v27 =	vsel vm7, v37, v38;
	v28 =	vsel vm8, v39, v40  }
0x202: {  	v29 =	vsel vm9, v41, v42;
	vm0 =	vgt.s32 v22, v23;
	vm2 =	vgt.s32 v24, v25;
	[tilespmem:$0x1F6F0] =	vst v21  }
0x203: {  	vm3 =	vgt.s32 v26, v27;
	v22 =	vsel vm0, v22, v23;
	v23 =	vsel vm2, v24, v25;
	v24 =	vld [tilespmem:s11+$0x300]  }
0x204: {  	vm1 =	vgt.s32 v28, v29;
	vm4 =	vgt.s32 v30, v19;
	v25 =	vsel vm3, v26, v27  }
0x205: {  	vm0 =	vgt.s32 v20, v22;
	vm2 =	vgt.s32 v23, v25;
	v27 =	vsel vm1, v28, v29  }
0x206: {  	v19 =	vsel vm4, v30, v19;
	v20 =	vsel vm0, v20, v22;
	v22 =	vsel vm2, v23, v25  }
0x207: {  	v23 =	vshll.u32 v47, $0x10;
	vm1 =	vgt.s32 v27, v19;
	v25 =	vshll.u32 v0, $0x10  }
0x208: {  	vm0 =	vgt.s32 v20, v22;
	v49 =	vsel vm1, v27, v19;
	v19 =	vshll.u32 v1, $0x10;
	[tilespmem:$0x1F700] =	vst v24  }
0x209: {  	v11 =	vmovc v47;
	v47 =	vsel vm0, v20, v22;
	vm0 =	vgt.s32 v23, v25;
	v20 =	vshll.u32 v60, $0x10;
	v42 =	vld [tilespmem:s11+$0x380]  }
0x20a: {  	v0 =	vsel vm0, v23, v25;
	vm1 =	vgt.s32 v19, v20;
	v12 =	vld [tilespmem:s11+$0x400]  }
0x20b: {  	v22 =	vshll.u32 v2, $0x10;
	v2 =	vsel vm1, v19, v20;
	v27 =	vshll.u32 v3, $0x10;
	v36 =	vld [tilespmem:s11+$0x480]  }
0x20c: {  	vm0 =	vgt.s32 v22, v27;
	v32 =	vshll.u32 v9, $0x10;
	v34 =	vshll.u32 v50, $0x10;
	v39 =	vld [tilespmem:s11+$0x500]  }
0x20d: {  	v28 =	vshll.u32 v6, $0x10;
	v30 =	vshll.u32 v46, $0x10;
	vm2 =	vgt.s32 v32, v34;
	v14 =	vld [tilespmem:s11+$0x580]  }
0x20e: {  	vm1 =	vgt.s32 v28, v30;
	v35 =	vshll.u32 v13, $0x10;
	v23 =	vsel vm2, v32, v34;
	v41 =	vld [tilespmem:s11+$0x600]  }
0x20f: {  	v37 =	vshll.u32 v4, $0x10;
	v38 =	vshll.u32 v16, $0x10;
	v43 =	vshll.u32 v44, $0x10;
	v13 =	vld [tilespmem:s11+$0x680]  }
0x210: {  	s15 =	sor.u32 $0x20, s0;
	v33 =	vshll.u32 v8, $0x10;
	v45 =	vshll.u32 v7, $0x10;
	v51 =	vshll.u32 v5, $0x10;
	v31 =	vld [tilespmem:s11+$0x700]  }
0x211: {  	s9 =	sor.u32 s15, s9;
	v52 =	vshll.u32 v10, $0x10;
	v53 =	vshll.u32 v17, $0x10;
	v54 =	vshll.u32 v18, $0x10;
	v17 =	vld [tilespmem:s11+$0x780];
	[tilespmem:$0x1F710] =	vst v0  }
0x212: {  	v55 =	vshll.u32 v21, $0x10;
	v56 =	vshll.u32 v24, $0x10;
	v29 =	vld [tilespmem:s9+$0x0];
	[tilespmem:$0x1F720] =	vst v2;
	v2 =	vsel vm0, v22, v27  }
0x213: {  	vm0 =	vgt.s32 v35, v37;
	v16 =	vld [tilespmem:s9+$0x80];
	[tilespmem:$0x1F730] =	vst v2;
	v2 =	vsel vm1, v28, v30;
	vm1 =	vgt.s32 v43, v33  }
0x214: {  	v25 =	vsel vm0, v35, v37;
	vm0 =	vgt.s32 v45, v51;
	v26 =	vld [tilespmem:s9+$0x100];
	[tilespmem:$0x1F740] =	vst v2;
	v34 =	vsel vm1, v43, v33  }
0x215: {  	vm1 =	vgt.s32 v52, v53;
	v35 =	vsel vm0, v45, v51;
	vm0 =	vgt.s32 v54, v55;
	v18 =	vld [tilespmem:s9+$0x180]  }
0x216: {  	v24 =	vld [tilespmem:s9+$0x200];
	v6 =	vsel vm1, v52, v53;
	v52 =	vsel vm0, v54, v55;
	v57 =	vshll.u32 v42, $0x10  }
0x217: {  	v21 =	vld [tilespmem:s9+$0x280];
	v58 =	vshll.u32 v12, $0x10;
	v59 =	vshll.u32 v36, $0x10;
	vm0 =	vgt.s32 v56, v57  }
0x218: {  	v40 =	vshll.u32 v15, $0x10;
	v20 =	vld [tilespmem:s9+$0x300];
	v9 =	vsel vm0, v56, v57;
	vm0 =	vgt.s32 v58, v59  }
0x219: {  	vm3 =	vgt.s32 v38, v40;
	v28 =	vld [tilespmem:s9+$0x380];
	v2 =	vsel vm0, v58, v59  }
0x21a: {  	v19 =	vsel vm3, v38, v40;
	v48 =	vld [tilespmem:s9+$0x400];
	v1 =	vshll.u32 v41, $0x10;
	v0 =	vshll.u32 v13, $0x10;
	[tilespmem:$0x1F750] =	vst v2  }
0x21b: {  	v61 =	vshll.u32 v39, $0x10;
	v62 =	vshll.u32 v14, $0x10;
	vm0 =	vgt.s32 v1, v0;
	v22 =	vld [tilespmem:s9+$0x480]  }
0x21c: {  	v37 =	vshll.u32 v31, $0x10;
	v38 =	vshll.u32 v17, $0x10;
	v7 =	vsel vm0, v1, v0;
	v30 =	vld [tilespmem:s9+$0x500]  }
0x21d: {  	vm0 =	vgt.s32 v37, v38;
	v0 =	vshll.u32 v26, $0x10;
	v1 =	vshll.u32 v18, $0x10;
	v63 =	vld [tilespmem:s9+$0x580]  }
0x21e: {  	vm1 =	vgt.s32 v61, v62;
	v27 =	vsel vm0, v37, v38;
	vm0 =	vgt.s32 v0, v1  }
0x21f: {  	v37 =	vsel vm0, v0, v1;
	v0 =	vshll.u32 v24, $0x10;
	v1 =	vshll.u32 v21, $0x10  }
0x220: {  	v2 =	vsel vm1, v61, v62;
	vm0 =	vgt.s32 v0, v1  }
0x221: {  	v38 =	vshll.u32 v48, $0x10;
	v51 =	vsel vm0, v0, v1;
	v57 =	vshll.u32 v22, $0x10  }
0x222: {  	v1 =	vshll.u32 v30, $0x10;
	v58 =	vshll.u32 v63, $0x10;
	vm0 =	vgt.s32 v38, v57  }
0x223: {  	v40 =	vmov v2;
	v2 =	vsel vm0, v38, v57;
	vm0 =	vgt.s32 v1, v58  }
0x224: {  	v0 =	vand.u32 $0xFFFF0000, v49;
	v49 =	vsel vm0, v1, v58;
	v1 =	vld [tilespmem:$0x1F610]  }
0x225: {  	v55 =	vshll.u32 v29, $0x10;
	v59 =	vshll.u32 v16, $0x10;
	v10 =	vld [tilespmem:s9+$0x600]  }
0x226: {  	vm1 =	vgt.s32 v55, v59;
	v44 =	vshll.u32 v20, $0x10;
	v33 =	vshll.u32 v28, $0x10;
	v3 =	vld [tilespmem:s9+$0x680]  }
0x227: {  	v32 =	vsel vm1, v55, v59;
	vm1 =	vgt.s32 v44, v33;
	v54 =	vld [tilespmem:s9+$0x700]  }
0x228: {  	v44 =	vsel vm1, v44, v33;
	v33 =	vld [tilespmem:s9+$0x780]  }
0x229: {  	vm0 =	vgt.s32 v11, v1  }
0x22a: {  	v62 =	vsel vm0, v11, v1;
	v1 =	vld [tilespmem:$0x1F620]  }
0x22b: {  	v47 =	vshrl.u32 v47, $0x10;
	v15 =	vshll.u32 v10, $0x10;
	v59 =	vshll.u32 v3, $0x10  }
0x22c: {  	v0 =	vor.u32 v0, v47;
	vm1 =	vgt.s32 v15, v59  }
0x22d: {  	[tilespmem:$0x1F7C0] =	vst v0;
	v0 =	vshll.u32 v54, $0x10;
	v47 =	vsel vm1, v15, v59;
	v15 =	vshll.u32 v33, $0x10  }
0x22e: {  	vm1 =	vgt.s32 v0, v15  }
0x22f: {  	v11 =	vsel vm1, v0, v15;
	v0 =	vld [tilespmem:$0x1F630];
	vm0 =	vgt.s32 v1, v60  }
0x230: {  	v45 =	vsel vm0, v1, v60;
	v1 =	vld [tilespmem:$0x1F640];
	_ =	sdelay $0x4  }
0x231: {  	vm0 =	vgt.s32 v0, v1  }
0x232: {  	v38 =	vsel vm0, v0, v1;
	v0 =	vld [tilespmem:$0x1F650];
	_ =	sdelay $0x4  }
0x233: {  	vm0 =	vgt.s32 v0, v46  }
0x234: {  	v58 =	vsel vm0, v0, v46;
	v0 =	vld [tilespmem:$0x1F670];
	_ =	sdelay $0x4  }
0x235: {  	v60 =	vmov v2;
	v2 =	vld [tilespmem:$0x1F690];
	vm0 =	vgt.s32 v0, v4  }
0x236: {  	v43 =	vsel vm0, v0, v4;
	v0 =	vld [tilespmem:$0x1F680];
	_ =	sdelay $0x4  }
0x237: {  	v61 =	vld [tilespmem:$0x1F660];
	vm0 =	vgt.s32 v0, v2  }
0x238: {  	v55 =	vsel vm0, v0, v2;
	v0 =	vld [tilespmem:$0x1F6B0];
	_ =	sdelay $0x1  }
0x239: {  	v4 =	vld [tilespmem:$0x1F6A0];
	_ =	sdelay $0x2  }
0x23a: {  	vm1 =	vgt.s32 v61, v50;
	v1 =	vld [tilespmem:$0x1F6D0];
	vm0 =	vgt.s32 v0, v5  }
0x23b: {  	v15 =	vsel vm1, v61, v50;
	v61 =	vsel vm0, v0, v5;
	v0 =	vld [tilespmem:$0x1F6C0]  }
0x23c: {  	vm1 =	vgt.s32 v4, v8;
	v2 =	vld [tilespmem:$0x1F6E0]  }
0x23d: {  	v59 =	vsel vm1, v4, v8;
	v4 =	vmov v11;
	v11 =	vld [tilespmem:$0x1F6F0];
	_ =	sdelay $0x2  }
0x23e: {  	vm0 =	vgt.s32 v0, v1  }
0x23f: {  	v56 =	vsel vm0, v0, v1;
	v0 =	vld [tilespmem:$0x1F700]  }
0x240: {  	vm1 =	vgt.s32 v2, v11  }
0x241: {  	vm3 =	vgt.s32 v23, v25;
	v53 =	vsel vm1, v2, v11;
	vm1 =	vgt.s32 v39, v14  }
0x242: {  	vm6 =	vgt.s32 v15, v43;
	v5 =	vimm.s32 $0x0;
	v14 =	vsel vm1, v39, v14  }
0x243: {  	vm1 =	vgt.s32 v29, v16;
	v5 =	vsel vm6, $0xFFFFFFFF, v5;
	vm6 =	vgt.s32 v55, v59  }
0x244: {  	v11 =	vmovc v45;
	v45 =	vsel vm1, v29, v16;
	vm1 =	vgt.s32 v20, v28;
	vm0 =	vgt.s32 v0, v42  }
0x245: {  	[tilespmem:$0x1F760] =	vst v5;
	v5 =	vimm.s32 $0x0;
	v57 =	vsel vm0, v0, v42;
	vm0 =	vgt.s32 v12, v36  }
0x246: {  	v5 =	vsel vm6, $0xFFFFFFFF, v5;
	v12 =	vsel vm0, v12, v36;
	vm0 =	vgt.s32 v41, v13  }
0x247: {  	[tilespmem:$0x1F770] =	vst v5;
	v5 =	vimm.s32 $0x0;
	vm11 =	vgt.s32 v53, v57;
	v13 =	vsel vm0, v41, v13  }
0x248: {  	vm0 =	vgt.s32 v31, v17;
	v5 =	vsel vm11, $0xFFFFFFFF, v5;
	vm11 =	vgt.s32 v12, v14  }
0x249: {  	v17 =	vsel vm0, v31, v17;
	vm0 =	vgt.s32 v26, v18;
	[tilespmem:$0x1F780] =	vst v5;
	v5 =	vimm.s32 $0x0  }
0x24a: {  	v18 =	vsel vm0, v26, v18;
	vm0 =	vgt.s32 v24, v21;
	v5 =	vsel vm11, $0xFFFFFFFF, v5  }
0x24b: {  	v2 =	vld [tilespmem:$0x1F730];
	v21 =	vsel vm0, v24, v21;
	v24 =	vsel vm1, v20, v28;
	vm1 =	vgt.s32 v10, v3  }
0x24c: {  	vm11 =	vgt.s32 v13, v17;
	[tilespmem:$0x1F790] =	vst v5;
	v5 =	vimm.s32 $0x0;
	v26 =	vsel vm1, v10, v3;
	v3 =	vld [tilespmem:$0x1F740]  }
0x24d: {  	vm4 =	vgt.s32 v19, v34;
	vm5 =	vgt.s32 v35, v6;
	v5 =	vsel vm11, $0xFFFFFFFF, v5  }
0x24e: {  	vm2 =	vgt.s32 v7, v27;
	v1 =	vld [tilespmem:$0x1F720];
	vm11 =	vgt.s32 v45, v18;
	[tilespmem:$0x1F7A0] =	vst v5;
	v5 =	vimm.s32 $0x0  }
0x24f: {  	vm13 =	vgt.s32 v32, v37;
	vm14 =	vgt.s32 v51, v44;
	v0 =	vld [tilespmem:$0x1F710];
	v5 =	vsel vm11, $0xFFFFFFFF, v5  }
0x250: {  	vm15 =	vgt.s32 v60, v49;
	vm9 =	vgt.s32 v38, v58;
	vm0 =	vgt.s32 v48, v22;
	[tilespmem:$0x1F7B0] =	vst v5;
	v5 =	vld [tilespmem:$0x1F7C0]  }
0x251: {  	s24 =	simm.s32 $0x0;
	vm10 =	vgt.s32 v47, v4;
	v29 =	vsel vm0, v48, v22;
	vm1 =	vgt.s32 v2, v3  }
0x252: {  	s9 =	sand.u32 $0x3FFFFF80, s24;
	vm0 =	vgt.s32 v30, v63;
	v39 =	vsel vm1, v2, v3;
	v3 =	vmovc v34;
	v34 =	vmov v35;
	v35 =	vld [tilespmem:$0x1F750]  }
0x253: {  	s9 =	sadd.s32 $0x11400, s9;
	vm8 =	vgt.s32 v62, v11;
	v31 =	vsel vm0, v30, v63;
	vm0 =	vgt.s32 v54, v33  }
0x254: {  	s1 =	sor.u32 s13, s9;
	vm7 =	vgt.s32 v61, v56;
	v33 =	vsel vm0, v54, v33;
	vm0 =	vgt.s32 v0, v1  }
0x255: {  	v8 =	vmovc v52;
	vm11 =	vgt.s32 v21, v24;
	vm6 =	vgt.s32 v26, v33;
	[tilespmem:s1+$0x0] =	vst v5;
	v5 =	vimm.s32 $0x0  }
0x256: {  	s29 =	simm.s32 $0x0;
	v10 =	vmovc v25;
	vm12 =	vgt.s32 v29, v31;
	v36 =	vsel vm0, v0, v1;
	v0 =	vmovc v23;
	v5 =	vsel vm6, $0xFFFFFFFF, v5  }
0x257: {  	s0 =	sor.u32 s0, s9;
	s30 =	sor.u32 s14, s9;
	s31 =	sor.u32 s15, s9;
	vm0 =	vgt.s32 v52, v9;
	v1 =	vmovc v49;
	v2 =	vmov v19;
	[tilespmem:$0x1F7D0] =	vst v5;
	vm1 =	vgt.s32 v35, v40  }
.LBB2_9:
0x258: {  	v19 =	vsel vm3, v0, v10;
	v20 =	vsel vm4, v2, v3  }
0x259: {  	v22 =	vsel vm5, v34, v6;
	v23 =	vsel vm0, v8, v9;
	v25 =	vsel vm1, v35, v40;
	v3 =	vld [tilespmem:$0x1F760]  }
0x25a: {  	s29 =	sadd.s32 $0x4, s29;
	v27 =	vsel vm2, v7, v27;
	v54 =	vsel vm15, v60, v1;
	v1 =	vsel vm10, v47, v4;
	v4 =	vld [tilespmem:$0x1F770]  }
0x25b: {  	s28 =	sadd.s32 $0x40, s28;
	v28 =	vsel vm13, v32, v37;
	v30 =	vsel vm14, v51, v44;
	v0 =	vsel vm8, v62, v11;
	v6 =	vld [tilespmem:$0x1F780];
	s1 =	sshll.u32 s29, $0x8  }
0x25c: {  	v2 =	vsel vm9, v38, v58;
	v5 =	vsel vm7, v61, v56;
	v7 =	vld [tilespmem:$0x1F790];
	v10 =	vsel vm11, v21, v24;
	s12 =	sand.u32 $0x40, s28;
	s1 =	sand.u32 $0x3FFFF800, s1  }
0x25d: {  	v8 =	vld [tilespmem:$0x1F7A0];
	vm1 =	vgt.s32 v19, v20;
	vm3 =	vgt.s32 v25, v27;
	vm4 =	vgt.s32 v28, v30;
	s14 =	sor.u32 $0x30, s12;
	s1 =	sadd.s32 $0x5000, s1  }
0x25e: {  	v9 =	vld [tilespmem:$0x1F7B0];
	vm5 =	vgt.s32 v0, v2;
	vm7 =	vgt.s32 v54, v1;
	s11 =	sor.u32 s14, s1;
	vm0 =	vnez.u8 v3  }
0x25f: {  	v19 =	vsel vm1, v19, v20;
	v20 =	vld [tilespmem:s11+$0x380];
	v3 =	vsel vm0, v15, v43;
	vm0 =	vnez.u8 v4  }
0x260: {  	v0 =	vsel vm5, v0, v2;
	v15 =	vld [tilespmem:$0x1F7D0];
	v4 =	vsel vm0, v55, v59;
	vm0 =	vnez.u8 v6  }
0x261: {  	v1 =	vsel vm7, v54, v1;
	v6 =	vsel vm0, v53, v57;
	vm0 =	vnez.u8 v7  }
0x262: {  	vm6 =	vgt.s32 v3, v4;
	v7 =	vsel vm0, v12, v14;
	vm0 =	vnez.u8 v8  }
0x263: {  	v21 =	vld [tilespmem:s11+$0x300];
	vm8 =	vgt.s32 v5, v6;
	v2 =	vsel vm6, v3, v4;
	v8 =	vsel vm0, v13, v17  }
0x264: {  	vm0 =	vnez.u8 v9;
	v13 =	vsel vm12, v29, v31;
	v3 =	vsel vm8, v5, v6  }
0x265: {  	v34 =	vshll.u32 v20, $0x10;
	v9 =	vsel vm0, v45, v18;
	vm2 =	vnez.u8 v15  }
0x266: {  	v16 =	vld [tilespmem:s11+$0x180];
	vm0 =	vgt.s32 v36, v39;
	vm9 =	vgt.s32 v7, v8;
	v15 =	vsel vm2, v26, v33  }
0x267: {  	v11 =	vld [tilespmem:s11+$0x0];
	vm2 =	vgt.s32 v22, v23;
	vm10 =	vgt.s32 v9, v10;
	v24 =	vsel vm0, v36, v39  }
0x268: {  	v14 =	vld [tilespmem:s11+$0x100];
	v4 =	vsel vm9, v7, v8;
	v33 =	vshll.u32 v21, $0x10;
	vm0 =	vgt.s32 v13, v15  }
0x269: {  	v22 =	vsel vm2, v22, v23;
	v23 =	vsel vm3, v25, v27;
	v25 =	vsel vm4, v28, v30  }
0x26a: {  	v12 =	vld [tilespmem:s11+$0x80];
	v5 =	vsel vm10, v9, v10;
	vm1 =	vgt.s32 v24, v19;
	vm3 =	vgt.s32 v3, v4  }
0x26b: {  	v17 =	vld [tilespmem:s11+$0x200];
	v30 =	vshll.u32 v16, $0x10;
	vm2 =	vgt.s32 v22, v23;
	v6 =	vsel vm0, v13, v15  }
0x26c: {  	vm0 =	vgt.s32 v0, v2;
	vm4 =	vgt.s32 v25, v1;
	v7 =	vsel vm1, v24, v19  }
0x26d: {  	v18 =	vld [tilespmem:s11+$0x280];
	v24 =	vshll.u32 v11, $0x10;
	v29 =	vshll.u32 v14, $0x10;
	v8 =	vsel vm2, v22, v23  }
0x26e: {  	v26 =	vld [tilespmem:s11+$0x400];
	vm1 =	vgt.s32 v5, v6;
	v0 =	vsel vm0, v0, v2;
	v2 =	vsel vm3, v3, v4  }
0x26f: {  	v27 =	vld [tilespmem:s11+$0x480];
	v1 =	vsel vm4, v25, v1;
	v3 =	vshrl.u32 v7, $0x10;
	vm0 =	vgt.s32 v11, v12  }
0x270: {  	v28 =	vld [tilespmem:s11+$0x500];
	vm3 =	vgt.s32 v21, v20;
	v25 =	vshll.u32 v12, $0x10;
	v31 =	vshll.u32 v17, $0x10  }
0x271: {  	v13 =	vld [tilespmem:s11+$0x580];
	v4 =	vshrl.u32 v8, $0x10;
	v5 =	vsel vm1, v5, v6;
	v6 =	vand.u32 $0xFFFF0000, v0  }
0x272: {  	v15 =	vld [tilespmem:s11+$0x600];
	v2 =	vand.u32 $0xFFFF0000, v2;
	v7 =	vshrl.u32 v1, $0x10;
	vm1 =	vgt.s32 v14, v16  }
0x273: {  	v19 =	vld [tilespmem:s11+$0x680];
	vm2 =	vgt.s32 v17, v18;
	v32 =	vshll.u32 v18, $0x10;
	v52 =	vsel vm0, v11, v12  }
0x274: {  	v22 =	vld [tilespmem:s11+$0x700];
	v20 =	vsel vm3, v21, v20;
	vm0 =	vgt.s32 v24, v25;
	vm3 =	vgt.s32 v33, v34  }
0x275: {  	s9 =	sor.u32 s12, s1;
	v23 =	vld [tilespmem:s11+$0x780];
	v3 =	vor.u32 v6, v3;
	v4 =	vor.u32 v2, v4;
	v2 =	vand.u32 $0xFFFF0000, v5  }
0x276: {  	v0 =	vld [tilespmem:s9+$0x0];
	v56 =	vshll.u32 v26, $0x10;
	v53 =	vsel vm1, v14, v16;
	v55 =	vsel vm2, v17, v18  }
0x277: {  	v1 =	vld [tilespmem:s9+$0x80];
	vm1 =	vgt.s32 v29, v30;
	vm2 =	vgt.s32 v31, v32;
	[tilespmem:s0+$0x0] =	vst v3;
	v5 =	vor.u32 v2, v7  }
0x278: {  	vm4 =	vgt.s32 v26, v27;
	v58 =	vshll.u32 v27, $0x10;
	v59 =	vshll.u32 v28, $0x10;
	v2 =	vld [tilespmem:s9+$0x100]  }
0x279: {  	vm8 =	vgt.s32 v52, v53;
	vm9 =	vgt.s32 v55, v20;
	v57 =	vld [tilespmem:s9+$0x180];
	vm5 =	vgt.s32 v28, v13  }
0x27a: {  	[tilespmem:s30+$0x0] =	vst v4;
	vm6 =	vgt.s32 v15, v19;
	v6 =	vld [tilespmem:s9+$0x300];
	v61 =	vshll.u32 v13, $0x10;
	v62 =	vshll.u32 v15, $0x10  }
0x27b: {  	[tilespmem:s31+$0x0] =	vst v5;
	v7 =	vld [tilespmem:s9+$0x380];
	v63 =	vshll.u32 v19, $0x10;
	v26 =	vsel vm4, v26, v27;
	vm4 =	vgt.s32 v56, v58  }
0x27c: {  	v9 =	vld [tilespmem:s9+$0x480];
	v20 =	vsel vm9, v55, v20;
	vm7 =	vgt.s32 v22, v23;
	v41 =	vshll.u32 v22, $0x10;
	[tilespmem:$0x1EFA0] =	vst v0  }
0x27d: {  	v10 =	vld [tilespmem:s9+$0x500];
	v42 =	vshll.u32 v23, $0x10;
	v27 =	vsel vm5, v28, v13;
	[tilespmem:$0x1F410] =	vst v1;
	v35 =	vshll.u32 v1, $0x10  }
0x27e: {  	v11 =	vld [tilespmem:s9+$0x580];
	v19 =	vsel vm6, v15, v19;
	vm5 =	vgt.s32 v59, v61;
	vm6 =	vgt.s32 v62, v63;
	[tilespmem:$0x1F0E0] =	vst v35  }
0x27f: {  	v14 =	vld [tilespmem:s9+$0x600];
	v28 =	vsel vm2, v31, v32;
	v56 =	vsel vm4, v56, v58;
	v22 =	vsel vm7, v22, v23;
	[tilespmem:$0x1EFB0] =	vst v6  }
0x280: {  	s8 =	sor.u32 $0x10, s12;
	v47 =	vld [tilespmem:s9+$0x700];
	vm7 =	vgt.s32 v41, v42;
	v23 =	vsel vm0, v24, v25;
	vm0 =	vgt.s32 v26, v27;
	[tilespmem:$0x1EFC0] =	vst v7  }
0x281: {  	s6 =	sor.u32 s8, s1;
	v16 =	vld [tilespmem:s9+$0x780];
	v25 =	vsel vm1, v29, v30;
	v30 =	vsel vm3, v33, v34;
	v58 =	vsel vm5, v59, v61;
	[tilespmem:$0x1EFD0] =	vst v9  }
0x282: {  	v18 =	vld [tilespmem:s6+$0x0];
	v59 =	vsel vm6, v62, v63;
	v62 =	vsel vm8, v52, v53;
	vm10 =	vgt.s32 v19, v22;
	[tilespmem:$0x1EFE0] =	vst v10  }
0x283: {  	v44 =	vld [tilespmem:s6+$0x380];
	v61 =	vsel vm7, v41, v42;
	vm1 =	vgt.s32 v23, v25;
	v27 =	vsel vm0, v26, v27;
	[tilespmem:$0x1EFF0] =	vst v11  }
0x284: {  	v60 =	vld [tilespmem:s9+$0x200];
	vm0 =	vgt.s32 v28, v30;
	vm2 =	vgt.s32 v56, v58;
	v19 =	vsel vm10, v19, v22;
	[tilespmem:$0x1F000] =	vst v14  }
0x285: {  	v8 =	vld [tilespmem:s9+$0x400];
	vm3 =	vgt.s32 v59, v61;
	v22 =	vsel vm1, v23, v25;
	vm1 =	vgt.s32 v62, v20;
	[tilespmem:$0x1F020] =	vst v47  }
0x286: {  	v5 =	vld [tilespmem:s6+$0x780];
	v23 =	vsel vm0, v28, v30;
	v25 =	vsel vm2, v56, v58;
	v58 =	vshll.u32 v0, $0x10;
	[tilespmem:$0x1F030] =	vst v16  }
0x287: {  	[tilespmem:$0x1F040] =	vst v18;
	vm4 =	vgt.s32 v27, v19;
	v28 =	vsel vm3, v59, v61;
	v12 =	vmovc v2;
	v17 =	vshll.u32 v2, $0x10;
	v2 =	vld [tilespmem:s6+$0x600]  }
0x288: {  	v13 =	vld [tilespmem:s9+$0x680];
	[tilespmem:$0x1F090] =	vst v44;
	vm0 =	vgt.s32 v22, v23;
	v30 =	vsel vm1, v62, v20;
	vm2 =	vgt.s32 v25, v28  }
0x289: {  	v54 =	vld [tilespmem:s9+$0x280];
	[tilespmem:$0x1F0F0] =	vst v58;
	v22 =	vsel vm0, v22, v23;
	v23 =	vsel vm2, v25, v28;
	v25 =	vsel vm4, v27, v19  }
0x28a: {  	v31 =	vld [tilespmem:s6+$0x200];
	[tilespmem:$0x1F490] =	vst v8;
	vm0 =	vgt.s32 v22, v23;
	vm1 =	vgt.s32 v30, v25  }
0x28b: {  	v20 =	vshll.u32 v60, $0x10;
	[tilespmem:$0x1F4E0] =	vst v5;
	v23 =	vsel vm0, v22, v23;
	v25 =	vsel vm1, v30, v25  }
0x28c: {  	vm0 =	vgt.s32 v58, v35;
	[tilespmem:$0x1F0C0] =	vst v2;
	v19 =	vshll.u32 v2, $0x10;
	v2 =	vimm.s32 $0x0  }
0x28d: {  	[tilespmem:$0x1F010] =	vst v13;
	v28 =	vshrl.u32 v23, $0x10;
	v23 =	vshll.u32 v57, $0x10;
	v2 =	vsel vm0, $0xFFFFFFFF, v2  }
0x28e: {  	v27 =	vand.u32 $0xFFFF0000, v25;
	vm0 =	vgt.s32 v17, v23;
	[tilespmem:$0x1F0D0] =	vst v2;
	v2 =	vimm.s32 $0x0  }
0x28f: {  	[tilespmem:$0x1F070] =	vst v31;
	v63 =	vor.u32 v27, v28;
	v28 =	vshll.u32 v54, $0x10;
	v2 =	vsel vm0, $0xFFFFFFFF, v2  }
0x290: {  	vm0 =	vgt.s32 v20, v28;
	[tilespmem:$0x1F100] =	vst v2;
	v2 =	vimm.s32 $0x0  }
0x291: {  	v34 =	vshll.u32 v7, $0x10;
	[tilespmem:$0x1F120] =	vst v17;
	v30 =	vshll.u32 v6, $0x10;
	v2 =	vsel vm0, $0xFFFFFFFF, v2  }
0x292: {  	vm0 =	vgt.s32 v30, v34;
	[tilespmem:$0x1F130] =	vst v2;
	v2 =	vimm.s32 $0x0  }
0x293: {  	v42 =	vshll.u32 v9, $0x10;
	[tilespmem:$0x1F150] =	vst v20;
	v25 =	vshll.u32 v8, $0x10;
	v2 =	vsel vm0, $0xFFFFFFFF, v2  }
0x294: {  	vm0 =	vgt.s32 v25, v42;
	[tilespmem:$0x1F160] =	vst v2;
	v2 =	vimm.s32 $0x0  }
0x295: {  	v39 =	vshll.u32 v10, $0x10;
	v51 =	vshll.u32 v11, $0x10;
	[tilespmem:$0x1F170] =	vst v34;
	v2 =	vsel vm0, $0xFFFFFFFF, v2  }
0x296: {  	v49 =	vld [tilespmem:s6+$0x80];
	vm0 =	vgt.s32 v39, v51;
	[tilespmem:$0x1F190] =	vst v2;
	v2 =	vimm.s32 $0x0  }
0x297: {  	v24 =	vld [tilespmem:s6+$0x100];
	v55 =	vshll.u32 v14, $0x10;
	[tilespmem:$0x1F1A0] =	vst v42;
	v37 =	vshll.u32 v13, $0x10;
	v2 =	vsel vm0, $0xFFFFFFFF, v2  }
0x298: {  	v29 =	vld [tilespmem:s6+$0x180];
	vm0 =	vgt.s32 v55, v37;
	[tilespmem:$0x1F1B0] =	vst v2;
	v2 =	vimm.s32 $0x0  }
0x299: {  	v47 =	vshll.u32 v47, $0x10;
	[tilespmem:$0x1F1C0] =	vst v39;
	v27 =	vshll.u32 v16, $0x10;
	v2 =	vsel vm0, $0xFFFFFFFF, v2  }
0x29a: {  	v26 =	vld [tilespmem:s6+$0x280];
	vm0 =	vgt.s32 v47, v27;
	[tilespmem:$0x1F1D0] =	vst v2;
	v2 =	vimm.s32 $0x0  }
0x29b: {  	v45 =	vld [tilespmem:s6+$0x480];
	v40 =	vshll.u32 v49, $0x10;
	[tilespmem:$0x1F210] =	vst v47;
	v16 =	vshll.u32 v18, $0x10;
	v2 =	vsel vm0, $0xFFFFFFFF, v2  }
0x29c: {  	v41 =	vld [tilespmem:s6+$0x300];
	vm0 =	vgt.s32 v16, v40;
	[tilespmem:$0x1F1F0] =	vst v2;
	v2 =	vimm.s32 $0x0  }
0x29d: {  	s11 =	sshll.u32 s29, $0x4;
	v33 =	vld [tilespmem:s6+$0x400];
	[tilespmem:$0x1F050] =	vst v24;
	v43 =	vshll.u32 v29, $0x10;
	v18 =	vshll.u32 v24, $0x10;
	v2 =	vsel vm0, $0xFFFFFFFF, v2  }
0x29e: {  	s0 =	sand.u32 $0x3FFFFF80, s11;
	v0 =	vld [tilespmem:s6+$0x500];
	vm0 =	vgt.s32 v18, v43;
	[tilespmem:$0x1F220] =	vst v2;
	v2 =	vimm.s32 $0x0  }
0x29f: {  	s15 =	sadd.s32 $0x11400, s0;
	v56 =	vld [tilespmem:s6+$0x580];
	v21 =	vshll.u32 v31, $0x10;
	[tilespmem:$0x1F060] =	vst v29;
	v29 =	vshll.u32 v26, $0x10;
	v2 =	vsel vm0, $0xFFFFFFFF, v2  }
0x2a0: {  	s24 =	sor.u32 s14, s15;
	vm0 =	vgt.s32 v21, v29;
	[tilespmem:$0x1F240] =	vst v2;
	v2 =	vimm.s32 $0x0  }
0x2a1: {  	s13 =	sor.u32 $0x20, s12;
	v3 =	vld [tilespmem:s6+$0x680];
	v22 =	vshll.u32 v41, $0x10;
	[tilespmem:s24+$0x0] =	vst v63;
	v63 =	vshll.u32 v44, $0x10;
	v2 =	vsel vm0, $0xFFFFFFFF, v2  }
0x2a2: {  	s1 =	sor.u32 s13, s1;
	v50 =	vld [tilespmem:s6+$0x700];
	v11 =	vshll.u32 v45, $0x10;
	vm0 =	vgt.s32 v22, v63;
	[tilespmem:$0x1F270] =	vst v2;
	v2 =	vimm.s32 $0x0  }
0x2a3: {  	v32 =	vld [tilespmem:s1+$0x100];
	v15 =	vmovc v1;
	[tilespmem:$0x1F0A0] =	vst v33;
	v36 =	vmovc v26;
	v26 =	vshll.u32 v33, $0x10;
	v1 =	vshll.u32 v0, $0x10;
	v2 =	vsel vm0, $0xFFFFFFFF, v2  }
0x2a4: {  	v61 =	vld [tilespmem:s1+$0x0];
	v48 =	vshll.u32 v56, $0x10;
	vm0 =	vgt.s32 v26, v11;
	[tilespmem:$0x1F2A0] =	vst v2;
	v2 =	vimm.s32 $0x0  }
0x2a5: {  	v38 =	vmovc v8;
	v8 =	vld [tilespmem:s1+$0x80];
	[tilespmem:$0x1F300] =	vst v1;
	v2 =	vsel vm0, $0xFFFFFFFF, v2;
	vm0 =	vgt.s32 v1, v48;
	v1 =	vimm.s32 $0x0  }
0x2a6: {  	[tilespmem:$0x1F080] =	vst v41;
	v24 =	vld [tilespmem:s1+$0x180];
	v44 =	vshll.u32 v3, $0x10;
	v1 =	vsel vm0, $0xFFFFFFFF, v1  }
0x2a7: {  	v9 =	vld [tilespmem:s1+$0x200];
	vm0 =	vgt.s32 v19, v44;
	[tilespmem:$0x1F2F0] =	vst v1;
	v1 =	vimm.s32 $0x0  }
0x2a8: {  	v10 =	vld [tilespmem:s1+$0x280];
	v53 =	vshll.u32 v50, $0x10;
	v13 =	vshll.u32 v5, $0x10;
	[tilespmem:$0x1F0B0] =	vst v0;
	v1 =	vsel vm0, $0xFFFFFFFF, v1  }
0x2a9: {  	v4 =	vld [tilespmem:s1+$0x380];
	v0 =	vshll.u32 v32, $0x10;
	vm0 =	vgt.s32 v53, v13;
	[tilespmem:$0x1F310] =	vst v1;
	v1 =	vimm.s32 $0x0  }
0x2aa: {  	[tilespmem:$0x1F280] =	vst v29;
	v41 =	vmovc v3;
	v59 =	vshll.u32 v61, $0x10;
	v3 =	vld [tilespmem:s1+$0x300];
	v14 =	vshll.u32 v8, $0x10;
	v1 =	vsel vm0, $0xFFFFFFFF, v1  }
0x2ab: {  	v33 =	vmovc v5;
	v5 =	vld [tilespmem:s1+$0x400];
	v17 =	vshll.u32 v24, $0x10;
	vm0 =	vgt.s32 v59, v14;
	[tilespmem:$0x1F330] =	vst v1;
	v1 =	vimm.s32 $0x0  }
0x2ac: {  	v6 =	vld [tilespmem:s1+$0x480];
	[tilespmem:$0x1F3B0] =	vst v0;
	v1 =	vsel vm0, $0xFFFFFFFF, v1;
	vm0 =	vgt.s32 v0, v17;
	v0 =	vimm.s32 $0x0  }
0x2ad: {  	v7 =	vld [tilespmem:s1+$0x500];
	[tilespmem:$0x1F2E0] =	vst v26;
	v58 =	vshll.u32 v9, $0x10;
	v52 =	vshll.u32 v10, $0x10;
	v0 =	vsel vm0, $0xFFFFFFFF, v0  }
0x2ae: {  	v62 =	vld [tilespmem:s1+$0x580];
	vm0 =	vgt.s32 v58, v52;
	[tilespmem:$0x1F390] =	vst v0;
	v0 =	vimm.s32 $0x0  }
0x2af: {  	[tilespmem:$0x1F140] =	vst v28;
	v39 =	vshll.u32 v4, $0x10;
	v47 =	vshll.u32 v3, $0x10;
	v0 =	vsel vm0, $0xFFFFFFFF, v0  }
0x2b0: {  	vm0 =	vgt.s32 v47, v39;
	[tilespmem:$0x1F3C0] =	vst v0;
	v0 =	vimm.s32 $0x0  }
0x2b1: {  	[tilespmem:$0x1F200] =	vst v27;
	v28 =	vshll.u32 v6, $0x10;
	v34 =	vshll.u32 v5, $0x10;
	v29 =	vld [tilespmem:$0x1EFA0];
	v0 =	vsel vm0, $0xFFFFFFFF, v0  }
0x2b2: {  	vm0 =	vgt.s32 v34, v28;
	[tilespmem:$0x1F3D0] =	vst v0;
	v0 =	vimm.s32 $0x0  }
0x2b3: {  	[tilespmem:$0x1F230] =	vst v16;
	v27 =	vshll.u32 v7, $0x10;
	v16 =	vshll.u32 v62, $0x10;
	v0 =	vsel vm0, $0xFFFFFFFF, v0  }
0x2b4: {  	vm0 =	vgt.s32 v27, v16;
	[tilespmem:$0x1F3E0] =	vst v0;
	v0 =	vimm.s32 $0x0  }
0x2b5: {  	[tilespmem:$0x1F2B0] =	vst v22;
	v0 =	vsel vm0, $0xFFFFFFFF, v0  }
0x2b6: {  	v26 =	vld [tilespmem:$0x1EFB0];
	vm0 =	vgt.s32 v29, v15;
	[tilespmem:$0x1F3F0] =	vst v0;
	v0 =	vimm.s32 $0x0  }
0x2b7: {  	[tilespmem:$0x1F3A0] =	vst v17;
	v17 =	vld [tilespmem:$0x1EFC0];
	v0 =	vsel vm0, $0xFFFFFFFF, v0  }
0x2b8: {  	vm0 =	vgt.s32 v12, v57;
	[tilespmem:$0x1F400] =	vst v0;
	v0 =	vimm.s32 $0x0  }
0x2b9: {  	[tilespmem:$0x1F110] =	vst v23;
	v42 =	vmov v25;
	v25 =	vld [tilespmem:$0x1EFD0];
	v0 =	vsel vm0, $0xFFFFFFFF, v0  }
0x2ba: {  	v23 =	vld [tilespmem:$0x1EFE0];
	vm0 =	vgt.s32 v60, v54;
	[tilespmem:$0x1F420] =	vst v0;
	v0 =	vimm.s32 $0x0  }
0x2bb: {  	[tilespmem:$0x1F550] =	vst v9;
	v20 =	vmov v9;
	v9 =	vld [tilespmem:$0x1EFF0];
	v0 =	vsel vm0, $0xFFFFFFFF, v0  }
0x2bc: {  	v22 =	vld [tilespmem:$0x1F000];
	vm0 =	vgt.s32 v26, v17;
	[tilespmem:$0x1F440] =	vst v0;
	v0 =	vimm.s32 $0x0  }
0x2bd: {  	[tilespmem:$0x1F2D0] =	vst v11;
	v11 =	vld [tilespmem:$0x1F010];
	v0 =	vsel vm0, $0xFFFFFFFF, v0  }
0x2be: {  	vm0 =	vgt.s32 v38, v25;
	[tilespmem:$0x1F470] =	vst v0;
	v0 =	vimm.s32 $0x0  }
0x2bf: {  	[tilespmem:$0x1F250] =	vst v43;
	v0 =	vsel vm0, $0xFFFFFFFF, v0  }
0x2c0: {  	vm1 =	vgt.s32 v23, v9;
	[tilespmem:$0x1F480] =	vst v0;
	v0 =	vimm.s32 $0x0  }
0x2c1: {  	v35 =	vld [tilespmem:s1+$0x680];
	v31 =	vmov v8;
	[tilespmem:$0x1F500] =	vst v8;
	v8 =	vmov v3;
	v0 =	vsel vm1, $0xFFFFFFFF, v0  }
0x2c2: {  	vm15 =	vgt.s32 v8, v4;
	v43 =	vld [tilespmem:s1+$0x600];
	vm1 =	vgt.s32 v22, v11;
	[tilespmem:$0x1F4A0] =	vst v0;
	v0 =	vimm.s32 $0x0  }
0x2c3: {  	[tilespmem:$0x1F560] =	vst v4;
	v4 =	vimm.s32 $0x0;
	v0 =	vsel vm1, $0xFFFFFFFF, v0;
	vm1 =	vgt.s32 v5, v6  }
0x2c4: {  	v4 =	vsel vm1, $0xFFFFFFFF, v4  }
0x2c5: {  	vm1 =	vgt.s32 v7, v62;
	[tilespmem:$0x1F570] =	vst v4;
	v4 =	vimm.s32 $0x0  }
0x2c6: {  	v4 =	vsel vm1, $0xFFFFFFFF, v4  }
0x2c7: {  	vm1 =	vgt.s32 v43, v35;
	[tilespmem:$0x1F5A0] =	vst v4;
	v4 =	vimm.s32 $0x0  }
0x2c8: {  	v4 =	vsel vm1, $0xFFFFFFFF, v4  }
0x2c9: {  	[tilespmem:$0x1F5C0] =	vst v4;
	v4 =	vld [tilespmem:$0x1F0D0];
	_ =	sdelay $0x3  }
0x2ca: {  	[tilespmem:$0x1F590] =	vst v5;
	v5 =	vld [tilespmem:$0x1F0F0]  }
0x2cb: {  	vm1 =	vnez.u8 v4;
	v4 =	vld [tilespmem:$0x1F0E0];
	_ =	sdelay $0x4  }
0x2cc: {  	v4 =	vsel vm1, v5, v4  }
0x2cd: {  	[tilespmem:$0x1F5D0] =	vst v4;
	v4 =	vld [tilespmem:$0x1F100];
	_ =	sdelay $0x1  }
0x2ce: {  	v46 =	vld [tilespmem:s1+$0x700]  }
0x2cf: {  	[tilespmem:$0x1F180] =	vst v30;
	v30 =	vld [tilespmem:s1+$0x780]  }
0x2d0: {  	v5 =	vld [tilespmem:$0x1F120]  }
0x2d1: {  	vm1 =	vnez.u8 v4;
	v4 =	vld [tilespmem:$0x1F110];
	_ =	sdelay $0x4  }
0x2d2: {  	v5 =	vsel vm1, v5, v4;
	vm1 =	vgt.s32 v46, v30;
	v4 =	vimm.s32 $0x0  }
0x2d3: {  	v4 =	vsel vm1, $0xFFFFFFFF, v4  }
0x2d4: {  	[tilespmem:$0x1F5E0] =	vst v4;
	v4 =	vld [tilespmem:$0x1F130];
	_ =	sdelay $0x3  }
0x2d5: {  	[tilespmem:$0x1F580] =	vst v6;
	v6 =	vld [tilespmem:$0x1F150]  }
0x2d6: {  	vm1 =	vnez.u8 v4;
	v4 =	vld [tilespmem:$0x1F140];
	_ =	sdelay $0x4  }
0x2d7: {  	[tilespmem:$0x1F4F0] =	vst v50;
	vm10 =	vgt.s32 v50, v33;
	v50 =	vsel vm1, v6, v4;
	v4 =	vld [tilespmem:$0x1F160];
	_ =	sdelay $0x2  }
0x2d8: {  	[tilespmem:$0x1F260] =	vst v18;
	v18 =	vld [tilespmem:$0x1F040]  }
0x2d9: {  	v6 =	vld [tilespmem:$0x1F180]  }
0x2da: {  	vm1 =	vnez.u8 v4;
	v4 =	vld [tilespmem:$0x1F170];
	_ =	sdelay $0x4  }
0x2db: {  	[tilespmem:$0x1F4C0] =	vst v49;
	vm3 =	vgt.s32 v18, v49;
	v49 =	vsel vm1, v6, v4;
	v4 =	vld [tilespmem:$0x1F190];
	_ =	sdelay $0x4  }
0x2dc: {  	vm1 =	vnez.u8 v4;
	v4 =	vld [tilespmem:$0x1F1A0];
	_ =	sdelay $0x4  }
0x2dd: {  	v42 =	vsel vm1, v42, v4;
	v4 =	vld [tilespmem:$0x1F1B0];
	_ =	sdelay $0x4  }
0x2de: {  	vm1 =	vnez.u8 v4;
	v4 =	vld [tilespmem:$0x1F1C0];
	_ =	sdelay $0x4  }
0x2df: {  	v51 =	vsel vm1, v4, v51;
	v4 =	vld [tilespmem:$0x1F1D0];
	_ =	sdelay $0x3  }
0x2e0: {  	[tilespmem:$0x1F1E0] =	vst v37  }
0x2e1: {  	vm1 =	vnez.u8 v4;
	v4 =	vld [tilespmem:$0x1F1E0];
	_ =	sdelay $0x3  }
0x2e2: {  	v37 =	vmov v55  }
0x2e3: {  	v37 =	vsel vm1, v37, v4;
	v4 =	vld [tilespmem:$0x1F1F0];
	_ =	sdelay $0x2  }
0x2e4: {  	[tilespmem:$0x1F360] =	vst v1;
	v1 =	vld [tilespmem:$0x1F070]  }
0x2e5: {  	v6 =	vld [tilespmem:$0x1F210]  }
0x2e6: {  	vm1 =	vnez.u8 v4;
	v4 =	vld [tilespmem:$0x1F200];
	_ =	sdelay $0x4  }
0x2e7: {  	[tilespmem:$0x1F430] =	vst v57;
	vm5 =	vgt.s32 v1, v36;
	v57 =	vmov v36;
	v36 =	vsel vm1, v6, v4;
	v4 =	vld [tilespmem:$0x1F220];
	_ =	sdelay $0x4  }
0x2e8: {  	vm1 =	vnez.u8 v4;
	v4 =	vld [tilespmem:$0x1F230];
	_ =	sdelay $0x4  }
0x2e9: {  	v40 =	vsel vm1, v4, v40;
	v4 =	vld [tilespmem:$0x1F240];
	_ =	sdelay $0x3  }
0x2ea: {  	v6 =	vld [tilespmem:$0x1F260]  }
0x2eb: {  	vm1 =	vnez.u8 v4;
	v4 =	vld [tilespmem:$0x1F250];
	_ =	sdelay $0x4  }
0x2ec: {  	v6 =	vsel vm1, v6, v4;
	v4 =	vld [tilespmem:$0x1F270];
	_ =	sdelay $0x2  }
0x2ed: {  	[tilespmem:$0x1F290] =	vst v21  }
0x2ee: {  	[tilespmem:$0x1F5B0] =	vst v7;
	v7 =	vld [tilespmem:$0x1F290]  }
0x2ef: {  	vm1 =	vnez.u8 v4;
	v4 =	vld [tilespmem:$0x1F280];
	_ =	sdelay $0x4  }
0x2f0: {  	vm12 =	vgt.s32 v61, v31;
	v31 =	vmov v8;
	v8 =	vsel vm1, v7, v4;
	v4 =	vld [tilespmem:$0x1F2A0];
	_ =	sdelay $0x4  }
0x2f1: {  	vm1 =	vnez.u8 v4;
	v4 =	vld [tilespmem:$0x1F2B0];
	_ =	sdelay $0x3  }
0x2f2: {  	[tilespmem:$0x1F2C0] =	vst v2  }
0x2f3: {  	v63 =	vsel vm1, v4, v63;
	v4 =	vld [tilespmem:$0x1F2C0];
	_ =	sdelay $0x3  }
0x2f4: {  	v7 =	vld [tilespmem:$0x1F2E0]  }
0x2f5: {  	vm1 =	vnez.u8 v4;
	v4 =	vld [tilespmem:$0x1F2D0];
	_ =	sdelay $0x4  }
0x2f6: {  	v33 =	vsel vm1, v7, v4;
	v4 =	vld [tilespmem:$0x1F2F0];
	_ =	sdelay $0x4  }
0x2f7: {  	vm1 =	vnez.u8 v4;
	v4 =	vld [tilespmem:$0x1F300];
	_ =	sdelay $0x4  }
0x2f8: {  	v48 =	vsel vm1, v4, v48;
	v4 =	vld [tilespmem:$0x1F310];
	_ =	sdelay $0x3  }
0x2f9: {  	[tilespmem:$0x1F320] =	vst v19  }
0x2fa: {  	vm1 =	vnez.u8 v4;
	v4 =	vld [tilespmem:$0x1F320];
	_ =	sdelay $0x4  }
0x2fb: {  	v44 =	vsel vm1, v4, v44;
	v4 =	vld [tilespmem:$0x1F330];
	_ =	sdelay $0x2  }
0x2fc: {  	[tilespmem:$0x1F350] =	vst v53  }
0x2fd: {  	[tilespmem:$0x1F340] =	vst v13;
	v7 =	vld [tilespmem:$0x1F350]  }
0x2fe: {  	vm1 =	vnez.u8 v4;
	v4 =	vld [tilespmem:$0x1F340];
	_ =	sdelay $0x4  }
0x2ff: {  	v7 =	vsel vm1, v7, v4;
	v4 =	vld [tilespmem:$0x1F360];
	_ =	sdelay $0x1  }
0x300: {  	[tilespmem:$0x1F540] =	vst v10  }
0x301: {  	[tilespmem:$0x1F380] =	vst v59  }
0x302: {  	vm14 =	vgt.s32 v20, v10;
	v10 =	vld [tilespmem:$0x1F380];
	[tilespmem:$0x1F370] =	vst v14  }
0x303: {  	vm1 =	vnez.u8 v4;
	v4 =	vld [tilespmem:$0x1F370];
	_ =	sdelay $0x4  }
0x304: {  	[tilespmem:$0x1F530] =	vst v32;
	vm13 =	vgt.s32 v32, v24;
	v32 =	vsel vm1, v10, v4;
	v4 =	vld [tilespmem:$0x1F390];
	_ =	sdelay $0x3  }
0x305: {  	v10 =	vld [tilespmem:$0x1F3B0]  }
0x306: {  	vm1 =	vnez.u8 v4;
	v4 =	vld [tilespmem:$0x1F3A0];
	_ =	sdelay $0x4  }
0x307: {  	v38 =	vsel vm1, v10, v4;
	v4 =	vld [tilespmem:$0x1F3C0];
	_ =	sdelay $0x4  }
0x308: {  	vm1 =	vnez.u8 v4;
	v4 =	vld [tilespmem:$0x1F3D0];
	_ =	sdelay $0x4  }
0x309: {  	v52 =	vsel vm1, v58, v52;
	vm1 =	vnez.u8 v4;
	v4 =	vld [tilespmem:$0x1F3E0];
	_ =	sdelay $0x4  }
0x30a: {  	v39 =	vsel vm1, v47, v39;
	vm1 =	vnez.u8 v4;
	v4 =	vld [tilespmem:$0x1F3F0];
	_ =	sdelay $0x4  }
0x30b: {  	v10 =	vsel vm1, v34, v28;
	vm1 =	vnez.u8 v4;
	v4 =	vld [tilespmem:$0x1F400];
	_ =	sdelay $0x4  }
0x30c: {  	v16 =	vsel vm1, v27, v16;
	vm1 =	vnez.u8 v4;
	v4 =	vld [tilespmem:$0x1F410];
	_ =	sdelay $0x4  }
0x30d: {  	v20 =	vsel vm1, v29, v4;
	v4 =	vld [tilespmem:$0x1F420];
	_ =	sdelay $0x4  }
0x30e: {  	vm1 =	vnez.u8 v4;
	v4 =	vld [tilespmem:$0x1F430];
	_ =	sdelay $0x3  }
0x30f: {  	v55 =	vmov v12  }
0x310: {  	[tilespmem:$0x1F520] =	vst v24;
	v24 =	vsel vm1, v55, v4;
	v4 =	vld [tilespmem:$0x1F440];
	_ =	sdelay $0x2  }
0x311: {  	[tilespmem:$0x1F460] =	vst v60;
	v21 =	vshll.u32 v46, $0x10;
	v60 =	vshll.u32 v30, $0x10  }
0x312: {  	[tilespmem:$0x1F450] =	vst v54;
	vm0 =	vgt.s32 v21, v60;
	v27 =	vld [tilespmem:$0x1F460]  }
0x313: {  	v21 =	vsel vm0, v21, v60;
	vm0 =	vnez.u8 v4;
	v4 =	vld [tilespmem:$0x1F450];
	_ =	sdelay $0x3  }
0x314: {  	v19 =	vld [tilespmem:$0x1F080]  }
0x315: {  	v34 =	vsel vm0, v27, v4;
	v4 =	vld [tilespmem:$0x1F470]  }
0x316: {  	[tilespmem:$0x1F4B0] =	vst v0;
	v0 =	vld [tilespmem:$0x1F090]  }
0x317: {  	v2 =	vld [tilespmem:$0x1F060]  }
0x318: {  	v14 =	vld [tilespmem:$0x1F020]  }
0x319: {  	v12 =	vld [tilespmem:$0x1F030]  }
0x31a: {  	v53 =	vshll.u32 v35, $0x10;
	v59 =	vshll.u32 v43, $0x10;
	vm0 =	vnez.u8 v4;
	v4 =	vld [tilespmem:$0x1F480]  }
0x31b: {  	[tilespmem:$0x1F4D0] =	vst v56;
	vm11 =	vgt.s32 v59, v53;
	v54 =	vld [tilespmem:$0x1F0B0];
	vm6 =	vgt.s32 v19, v0  }
0x31c: {  	v47 =	vsel vm11, v59, v53;
	v53 =	vsel vm5, v1, v57;
	v57 =	vsel vm6, v19, v0;
	v0 =	vld [tilespmem:$0x1F4D0]  }
0x31d: {  	v13 =	vld [tilespmem:$0x1F050]  }
0x31e: {  	v15 =	vld [tilespmem:$0x1F0C0]  }
0x31f: {  	v58 =	vsel vm0, v26, v17;
	vm0 =	vnez.u8 v4;
	v4 =	vld [tilespmem:$0x1F490]  }
0x320: {  	vm2 =	vgt.s32 v14, v12;
	vm8 =	vgt.s32 v54, v56;
	v1 =	vld [tilespmem:$0x1F4F0]  }
0x321: {  	v59 =	vsel vm2, v14, v12;
	v14 =	vsel vm8, v54, v0;
	v0 =	vld [tilespmem:$0x1F4E0];
	_ =	sdelay $0x2  }
0x322: {  	v17 =	vsel vm0, v4, v25;
	v4 =	vld [tilespmem:$0x1F4A0]  }
0x323: {  	[tilespmem:$0x1F510] =	vst v61;
	v3 =	vld [tilespmem:$0x1F0A0];
	vm4 =	vgt.s32 v13, v2;
	vm9 =	vgt.s32 v15, v41  }
0x324: {  	v56 =	vsel vm4, v13, v2;
	v13 =	vsel vm9, v15, v41;
	v15 =	vmovc v17;
	v17 =	vsel vm10, v1, v0;
	v0 =	vld [tilespmem:$0x1F500]  }
0x325: {  	v1 =	vld [tilespmem:$0x1F510];
	_ =	sdelay $0x1  }
0x326: {  	vm0 =	vnez.u8 v4;
	v4 =	vld [tilespmem:$0x1F4B0];
	_ =	sdelay $0x1  }
0x327: {  	vm7 =	vgt.s32 v3, v45  }
0x328: {  	v12 =	vsel vm7, v3, v45;
	v45 =	vsel vm12, v1, v0;
	v0 =	vld [tilespmem:$0x1F520]  }
0x329: {  	v1 =	vld [tilespmem:$0x1F530]  }
0x32a: {  	v9 =	vsel vm0, v23, v9;
	vm0 =	vnez.u8 v4;
	v4 =	vld [tilespmem:$0x1F4C0];
	_ =	sdelay $0x4  }
0x32b: {  	v61 =	vsel vm3, v18, v4;
	v18 =	vsel vm13, v1, v0;
	v0 =	vld [tilespmem:$0x1F540]  }
0x32c: {  	v1 =	vld [tilespmem:$0x1F550];
	_ =	sdelay $0x4  }
0x32d: {  	v4 =	vmov v21;
	v21 =	vsel vm14, v1, v0;
	v0 =	vld [tilespmem:$0x1F560];
	_ =	sdelay $0x4  }
0x32e: {  	v55 =	vsel vm0, v22, v11;
	v11 =	vmov v24;
	v24 =	vsel vm15, v31, v0;
	v0 =	vld [tilespmem:$0x1F570];
	_ =	sdelay $0x3  }
0x32f: {  	v1 =	vld [tilespmem:$0x1F590]  }
0x330: {  	vm0 =	vnez.u8 v0;
	v0 =	vld [tilespmem:$0x1F580];
	_ =	sdelay $0x4  }
0x331: {  	v29 =	vsel vm0, v1, v0;
	v0 =	vld [tilespmem:$0x1F5A0];
	_ =	sdelay $0x4  }
0x332: {  	vm0 =	vnez.u8 v0;
	v0 =	vld [tilespmem:$0x1F5B0];
	_ =	sdelay $0x4  }
0x333: {  	v31 =	vsel vm0, v0, v62;
	v0 =	vld [tilespmem:$0x1F5C0];
	_ =	sdelay $0x4  }
0x334: {  	vm0 =	vnez.u8 v0  }
0x335: {  	v60 =	vmov v10;
	v26 =	vsel vm0, v43, v35;
	v43 =	vmov v9  }
0x336: {  	vm15 =	vgt.s32 v60, v16;
	v1 =	vmovc v16;
	v16 =	vimm.s32 $0x0;
	vm6 =	vgt.s32 v15, v43  }
0x337: {  	v16 =	vsel vm6, $0xFFFFFFFF, v16  }
0x338: {  	vm6 =	vgt.s32 v55, v59;
	[tilespmem:$0x1F760] =	vst v16;
	v16 =	vimm.s32 $0x0  }
0x339: {  	v16 =	vsel vm6, $0xFFFFFFFF, v16  }
0x33a: {  	v19 =	vld [tilespmem:$0x1F5D0];
	vm11 =	vgt.s32 v53, v57;
	[tilespmem:$0x1F770] =	vst v16;
	v16 =	vimm.s32 $0x0  }
0x33b: {  	v16 =	vsel vm11, $0xFFFFFFFF, v16  }
0x33c: {  	vm11 =	vgt.s32 v12, v14;
	[tilespmem:$0x1F780] =	vst v16;
	v16 =	vimm.s32 $0x0  }
0x33d: {  	v16 =	vsel vm11, $0xFFFFFFFF, v16  }
0x33e: {  	vm11 =	vgt.s32 v13, v17;
	[tilespmem:$0x1F790] =	vst v16;
	v16 =	vimm.s32 $0x0  }
0x33f: {  	v0 =	vimm.s32 $0x0;
	vm0 =	vgt.s32 v19, v5;
	v16 =	vsel vm11, $0xFFFFFFFF, v16  }
0x340: {  	v0 =	vsel vm0, $0xFFFFFFFF, v0;
	vm11 =	vgt.s32 v45, v18;
	[tilespmem:$0x1F7A0] =	vst v16;
	v16 =	vimm.s32 $0x0  }
0x341: {  	[tilespmem:$0x1F5F0] =	vst v0;
	v16 =	vsel vm11, $0xFFFFFFFF, v16  }
0x342: {  	[tilespmem:$0x1F7B0] =	vst v16;
	v16 =	vld [tilespmem:$0x1F5F0];
	_ =	sdelay $0x2  }
0x343: {  	vm0 =	vgt.s32 v50, v49;
	v0 =	vimm.s32 $0x0  }
0x344: {  	v0 =	vsel vm0, $0xFFFFFFFF, v0  }
0x345: {  	[tilespmem:$0x1F600] =	vst v0;
	v0 =	vld [tilespmem:$0x1F5E0];
	vm6 =	vnez.u8 v16  }
0x346: {  	vm4 =	vgt.s32 v37, v36;
	v3 =	vmov v36;
	v36 =	vsel vm6, v19, v5;
	v5 =	vld [tilespmem:$0x1F600]  }
0x347: {  	v2 =	vmovc v37;
	v37 =	vmovc v38;
	v27 =	vmov v7;
	v7 =	vmov v44;
	v38 =	vmov v34  }
0x348: {  	vm5 =	vgt.s32 v40, v6;
	vm2 =	vgt.s32 v7, v27;
	vm9 =	vgt.s32 v38, v58  }
0x349: {  	p0 =	slt.u32 s29, $0x3C;
	vm8 =	vgt.s32 v20, v11;
	vm3 =	vgt.s32 v42, v51;
	vm13 =	vgt.s32 v32, v37  }
.Ltmp4:
0x34a: {  	v10 =	vmovc v51;
	vm10 =	vgt.s32 v47, v4;
	vm7 =	vgt.s32 v61, v56;
	vm0 =	vnez.u8 v0;
	(pc) =	sbr.rel @p0 .LBB2_9-.Ltmp4, $4  }
0x34b: {  	v44 =	vmovc v39;
	vm14 =	vgt.s32 v52, v39;
	v35 =	vmovc v33;
	v33 =	vsel vm0, v46, v30;
	vm6 =	vnez.u8 v5  }
0x34c: {  	v34 =	vmovc v40;
	v40 =	vmovc v48;
	v5 =	vimm.s32 $0x0;
	v39 =	vsel vm6, v50, v49;
	vm6 =	vgt.s32 v26, v33  }
0x34d: {  	v51 =	vmovc v52;
	v62 =	vmovc v20;
	vm12 =	vgt.s32 v29, v31;
	vm1 =	vgt.s32 v35, v48;
	v5 =	vsel vm6, $0xFFFFFFFF, v5  }
0x34e: {  	s0 =	sor.u32 s12, s15;
	s30 =	sor.u32 s8, s15;
	s31 =	sor.u32 s13, s15;
	v9 =	vmovc v63;
	v0 =	vmov v42;
	vm0 =	vgt.s32 v8, v63;
	vm11 =	vgt.s32 v21, v24;
	[tilespmem:$0x1F7D0] =	vst v5  }
0x34f: {  	v0 =	vsel vm3, v0, v10;
	v10 =	vsel vm10, v47, v4;
	v4 =	vld [tilespmem:$0x1F760];
	_ =	sdelay $0x4  }
0x350: {  	v8 =	vsel vm0, v8, v9;
	vm0 =	vnez.u8 v4;
	v4 =	vld [tilespmem:$0x1F770]  }
0x351: {  	v19 =	vsel vm2, v7, v27;
	v7 =	vld [tilespmem:$0x1F780]  }
0x352: {  	v3 =	vsel vm4, v2, v3;
	v2 =	vsel vm8, v62, v11;
	v11 =	vld [tilespmem:$0x1F790];
	_ =	sdelay $0x2  }
0x353: {  	v25 =	vsel vm0, v15, v43;
	vm0 =	vnez.u8 v4  }
0x354: {  	v16 =	vld [tilespmem:$0x1F7D0];
	v4 =	vsel vm0, v55, v59;
	vm0 =	vnez.u8 v7  }
0x355: {  	v7 =	vsel vm0, v53, v57;
	vm0 =	vnez.u8 v11  }
0x356: {  	v6 =	vsel vm5, v34, v6;
	v9 =	vsel vm1, v35, v40;
	v11 =	vsel vm0, v12, v14;
	v12 =	vld [tilespmem:$0x1F7A0]  }
0x357: {  	v20 =	vsel vm13, v32, v37;
	v22 =	vsel vm14, v51, v44;
	v23 =	vsel vm15, v60, v1  }
0x358: {  	v1 =	vsel vm9, v38, v58;
	v5 =	vsel vm7, v61, v56;
	vm1 =	vgt.s32 v0, v3  }
0x359: {  	vm3 =	vgt.s32 v9, v19;
	vm4 =	vgt.s32 v20, v22;
	vm2 =	vnez.u8 v16  }
0x35a: {  	v0 =	vsel vm1, v0, v3;
	v16 =	vsel vm2, v26, v33;
	vm2 =	vgt.s32 v6, v8  }
0x35b: {  	v3 =	vsel vm2, v6, v8;
	v6 =	vsel vm3, v9, v19;
	vm0 =	vnez.u8 v12  }
0x35c: {  	vm5 =	vgt.s32 v2, v1;
	vm2 =	vgt.s32 v3, v6;
	v12 =	vsel vm0, v13, v17;
	v13 =	vld [tilespmem:$0x1F7B0]  }
0x35d: {  	vm7 =	vgt.s32 v23, v10;
	v1 =	vsel vm5, v2, v1;
	v3 =	vsel vm2, v3, v6  }
0x35e: {  	v15 =	vsel vm12, v29, v31;
	v8 =	vsel vm4, v20, v22;
	v3 =	vshrl.u32 v3, $0x10  }
0x35f: {  	vm6 =	vgt.s32 v25, v4;
	v14 =	vsel vm11, v21, v24;
	vm8 =	vgt.s32 v5, v7  }
0x360: {  	v2 =	vsel vm6, v25, v4;
	v4 =	vsel vm7, v23, v10;
	v5 =	vsel vm8, v5, v7  }
0x361: {  	vm4 =	vgt.s32 v8, v4;
	vm9 =	vgt.s32 v11, v12;
	vm0 =	vnez.u8 v13  }
0x362: {  	v4 =	vsel vm4, v8, v4;
	v7 =	vsel vm9, v11, v12;
	v13 =	vsel vm0, v45, v18  }
0x363: {  	vm3 =	vgt.s32 v5, v7;
	vm0 =	vgt.s32 v36, v39;
	vm10 =	vgt.s32 v13, v14  }
0x364: {  	v17 =	vsel vm0, v36, v39;
	vm0 =	vgt.s32 v15, v16;
	v9 =	vsel vm10, v13, v14  }
0x365: {  	vm1 =	vgt.s32 v17, v0;
	v10 =	vsel vm0, v15, v16;
	vm0 =	vgt.s32 v1, v2  }
0x366: {  	v0 =	vsel vm1, v17, v0;
	vm1 =	vgt.s32 v9, v10;
	v1 =	vsel vm0, v1, v2  }
0x367: {  	s1 =	sshll.u32 s25, $0x5;
	v2 =	vsel vm3, v5, v7;
	v0 =	vshrl.u32 v0, $0x10;
	v1 =	vand.u32 $0xFFFF0000, v1  }
0x368: {  	s1 =	sadd.s32 s1, s5;
	v5 =	vsel vm1, v9, v10;
	v2 =	vand.u32 $0xFFFF0000, v2;
	v0 =	vor.u32 v1, v0  }
0x369: {  	s9 =	sshll.u32 s1, $0x4;
	v1 =	vshrl.u32 v4, $0x10;
	v2 =	vor.u32 v2, v3;
	v3 =	vand.u32 $0xFFFF0000, v5;
	[tilespmem:s0+$0x0] =	vst v0  }
0x36a: {  	s28 =	sadd.s32 s4, s9;
	v0 =	vor.u32 v3, v1;
	[tilespmem:s30+$0x0] =	vst v2  }
0x36b: {  	p0 =	seq.s32 s25, $0x7;
	s0 =	sadd.s32 $0x80, s28;
	[tilespmem:s31+$0x0] =	vst v0  }
0x36c: {  	[hbm4b:s0+s3] =	stream.linear.scatter [tilespmem:s20], [sflag:$0x6], $0x400, $0x38;
	[tilespmem:$0x11800] =	vst v63  }
0x36d: {  	s0 =	sshll.u32 @!p0 s25, $0x9  }
0x36e: {  	s29 =	sand.u32 @!p0 $0x3FFFFE00, s0  }
0x36f: {  	s6 =	simm.s32 @!p0 $0x5000;
	s1 =	simm.s32 @!p0 $0x80;
	s0 =	sadd.s32 @!p0 $0x280, s29  }
0x370: {  	[tilespmem:s6], [sflag:$0x2] =	stream.indirect.gather @!p0 [hbm4b:s2+s1], $0x80, s0, s1, $0xb8;
	[tilespmem:$0x11800] =	vst v63  }
0x371: {  	_ =	swait.ge [sflag:s21], $0x4000  }
0x372: {  	[sflag:s21] =	ssyncset.done $0x0  }
0x373: {  	s11 =	simm.s32 $0x0;
	s30 =	simm.s32 $0x0;
	[sflag:s21] =	ssyncadd.s32 $0xFFFFC000  }
0x374: {  	s0 =	sand.u32 $0x40, s30;
	s1 =	sand.u32 $0x3FFFF800, s11;
	_ =	swait.ge [sflag:s22], $0x400  }
0x375: {  	s9 =	sadd.s32 $0x9000, s1;
	s12 =	sor.u32 $0x30, s0;
	[sflag:s22] =	ssyncset.done $0x0  }
0x376: {  	s13 =	sor.u32 s12, s9;
	[sflag:s22] =	ssyncadd.s32 $0xFFFFFC00  }
0x377: {  	v7 =	vld [tilespmem:s13+$0x0]  }
0x378: {  	v8 =	vld [tilespmem:s13+$0x80]  }
0x379: {  	v9 =	vld [tilespmem:s13+$0x100]  }
0x37a: {  	v10 =	vld [tilespmem:s13+$0x180]  }
0x37b: {  	v11 =	vld [tilespmem:s13+$0x200]  }
0x37c: {  	v12 =	vld [tilespmem:s13+$0x280]  }
0x37d: {  	v13 =	vld [tilespmem:s13+$0x300]  }
0x37e: {  	v14 =	vld [tilespmem:s13+$0x380]  }
0x37f: {  	v15 =	vld [tilespmem:s13+$0x400]  }
0x380: {  	v16 =	vld [tilespmem:s13+$0x480]  }
0x381: {  	v17 =	vld [tilespmem:s13+$0x500]  }
0x382: {  	s8 =	sor.u32 s0, s9;
	v18 =	vld [tilespmem:s13+$0x580]  }
0x383: {  	v0 =	vld [tilespmem:s8+$0x80]  }
0x384: {  	v19 =	vld [tilespmem:s13+$0x600]  }
0x385: {  	v20 =	vld [tilespmem:s13+$0x680]  }
0x386: {  	v21 =	vld [tilespmem:s13+$0x700]  }
0x387: {  	v22 =	vld [tilespmem:s13+$0x780]  }
0x388: {  	v47 =	vld [tilespmem:s8+$0x0];
	[tilespmem:$0x1EDD0] =	vst v0  }
0x389: {  	v1 =	vld [tilespmem:s8+$0x100];
	_ =	sdelay $0x4  }
0x38a: {  	[tilespmem:$0x1EDE0] =	vst v1  }
0x38b: {  	v2 =	vld [tilespmem:s8+$0x200];
	_ =	sdelay $0x4  }
0x38c: {  	v60 =	vld [tilespmem:s8+$0x180];
	[tilespmem:$0x1EDF0] =	vst v2  }
0x38d: {  	v3 =	vld [tilespmem:s8+$0x280];
	_ =	sdelay $0x4  }
0x38e: {  	[tilespmem:$0x1EE00] =	vst v3  }
0x38f: {  	v6 =	vld [tilespmem:s8+$0x300];
	_ =	sdelay $0x4  }
0x390: {  	vm1 =	vgt.s32 v9, v10;
	[tilespmem:$0x1EE10] =	vst v6  }
0x391: {  	v25 =	vshll.u32 v9, $0x10;
	v61 =	vsel vm1, v9, v10;
	v9 =	vld [tilespmem:s8+$0x400];
	_ =	sdelay $0x4  }
0x392: {  	vm3 =	vgt.s32 v13, v14;
	v46 =	vld [tilespmem:s8+$0x380];
	[tilespmem:$0x1EE20] =	vst v9  }
0x393: {  	v29 =	vshll.u32 v13, $0x10;
	v42 =	vsel vm3, v13, v14;
	v13 =	vld [tilespmem:s8+$0x500];
	_ =	sdelay $0x4  }
0x394: {  	vm4 =	vgt.s32 v15, v16;
	v50 =	vld [tilespmem:s8+$0x480];
	[tilespmem:$0x1EE30] =	vst v13  }
0x395: {  	v52 =	vshll.u32 v16, $0x10;
	v62 =	vsel vm4, v15, v16;
	v16 =	vld [tilespmem:s8+$0x600];
	_ =	sdelay $0x4  }
0x396: {  	v4 =	vld [tilespmem:s8+$0x580];
	[tilespmem:$0x1EE40] =	vst v16  }
0x397: {  	v31 =	vshll.u32 v15, $0x10;
	v15 =	vld [tilespmem:s8+$0x680];
	_ =	sdelay $0x4  }
0x398: {  	[tilespmem:$0x1EE50] =	vst v15  }
0x399: {  	v63 =	vld [tilespmem:s8+$0x700];
	_ =	sdelay $0x3  }
0x39a: {  	s14 =	sor.u32 $0x10, s0  }
0x39b: {  	s11 =	sor.u32 s14, s9;
	vm0 =	vgt.s32 v7, v8;
	[tilespmem:$0x1EE60] =	vst v63  }
0x39c: {  	v23 =	vshll.u32 v7, $0x10;
	v59 =	vsel vm0, v7, v8;
	v7 =	vld [tilespmem:s11+$0x0];
	_ =	sdelay $0x4  }
0x39d: {  	v24 =	vshll.u32 v8, $0x10;
	v8 =	vld [tilespmem:s8+$0x780];
	[tilespmem:$0x1EE70] =	vst v7  }
0x39e: {  	v26 =	vshll.u32 v10, $0x10;
	v10 =	vld [tilespmem:s11+$0x100];
	_ =	sdelay $0x1  }
0x39f: {  	vm5 =	vgt.s32 v17, v18;
	vm6 =	vgt.s32 v19, v20;
	v30 =	vshll.u32 v14, $0x10  }
0x3a0: {  	v53 =	vshll.u32 v17, $0x10;
	v54 =	vshll.u32 v18, $0x10;
	v56 =	vshll.u32 v20, $0x10  }
0x3a1: {  	v17 =	vsel vm5, v17, v18;
	vm0 =	vgt.s32 v23, v24;
	v18 =	vsel vm6, v19, v20  }
0x3a2: {  	vm3 =	vgt.s32 v29, v30;
	v20 =	vsel vm0, v23, v24;
	vm0 =	vgt.s32 v62, v17;
	v5 =	vld [tilespmem:s11+$0x80];
	[tilespmem:$0x1EE80] =	vst v10  }
0x3a3: {  	v23 =	vsel vm3, v29, v30;
	v30 =	vsel vm0, v62, v17;
	v17 =	vld [tilespmem:s11+$0x180];
	_ =	sdelay $0x2  }
0x3a4: {  	vm7 =	vgt.s32 v21, v22  }
0x3a5: {  	v55 =	vshll.u32 v19, $0x10;
	v19 =	vsel vm7, v21, v22  }
0x3a6: {  	vm10 =	vgt.s32 v18, v19;
	[tilespmem:$0x1EE90] =	vst v17  }
0x3a7: {  	v19 =	vsel vm10, v18, v19;
	v18 =	vld [tilespmem:s11+$0x200];
	_ =	sdelay $0x2  }
0x3a8: {  	vm2 =	vgt.s32 v11, v12;
	vm1 =	vgt.s32 v25, v26  }
0x3a9: {  	v27 =	vshll.u32 v11, $0x10;
	v57 =	vshll.u32 v21, $0x10;
	v21 =	vsel vm1, v25, v26  }
0x3aa: {  	v28 =	vshll.u32 v12, $0x10;
	v58 =	vshll.u32 v22, $0x10;
	vm1 =	vgt.s32 v20, v21;
	[tilespmem:$0x1EEA0] =	vst v18  }
0x3ab: {  	v41 =	vsel vm2, v11, v12;
	vm2 =	vgt.s32 v27, v28;
	v20 =	vsel vm1, v20, v21;
	v21 =	vld [tilespmem:s11+$0x280]  }
0x3ac: {  	vm4 =	vgt.s32 v31, v52;
	vm5 =	vgt.s32 v53, v54;
	vm6 =	vgt.s32 v55, v56  }
0x3ad: {  	vm7 =	vgt.s32 v57, v58;
	vm8 =	vgt.s32 v59, v61;
	vm9 =	vgt.s32 v41, v42  }
0x3ae: {  	v22 =	vsel vm2, v27, v28;
	v24 =	vsel vm4, v31, v52;
	v25 =	vsel vm5, v53, v54  }
0x3af: {  	v26 =	vsel vm6, v55, v56;
	v27 =	vsel vm7, v57, v58;
	v28 =	vsel vm8, v59, v61  }
0x3b0: {  	v29 =	vsel vm9, v41, v42;
	vm0 =	vgt.s32 v22, v23;
	vm2 =	vgt.s32 v24, v25;
	[tilespmem:$0x1EEB0] =	vst v21  }
0x3b1: {  	vm3 =	vgt.s32 v26, v27;
	v22 =	vsel vm0, v22, v23;
	v23 =	vsel vm2, v24, v25;
	v24 =	vld [tilespmem:s11+$0x300]  }
0x3b2: {  	vm1 =	vgt.s32 v28, v29;
	vm4 =	vgt.s32 v30, v19;
	v25 =	vsel vm3, v26, v27  }
0x3b3: {  	vm0 =	vgt.s32 v20, v22;
	vm2 =	vgt.s32 v23, v25;
	v27 =	vsel vm1, v28, v29  }
0x3b4: {  	v19 =	vsel vm4, v30, v19;
	v20 =	vsel vm0, v20, v22;
	v22 =	vsel vm2, v23, v25  }
0x3b5: {  	v23 =	vshll.u32 v47, $0x10;
	vm1 =	vgt.s32 v27, v19;
	v25 =	vshll.u32 v0, $0x10  }
0x3b6: {  	vm0 =	vgt.s32 v20, v22;
	v49 =	vsel vm1, v27, v19;
	v19 =	vshll.u32 v1, $0x10;
	[tilespmem:$0x1EEC0] =	vst v24  }
0x3b7: {  	v11 =	vmovc v47;
	v47 =	vsel vm0, v20, v22;
	vm0 =	vgt.s32 v23, v25;
	v20 =	vshll.u32 v60, $0x10;
	v42 =	vld [tilespmem:s11+$0x380]  }
0x3b8: {  	v0 =	vsel vm0, v23, v25;
	vm1 =	vgt.s32 v19, v20;
	v12 =	vld [tilespmem:s11+$0x400]  }
0x3b9: {  	v22 =	vshll.u32 v2, $0x10;
	v2 =	vsel vm1, v19, v20;
	v27 =	vshll.u32 v3, $0x10;
	v36 =	vld [tilespmem:s11+$0x480]  }
0x3ba: {  	vm0 =	vgt.s32 v22, v27;
	v32 =	vshll.u32 v9, $0x10;
	v34 =	vshll.u32 v50, $0x10;
	v39 =	vld [tilespmem:s11+$0x500]  }
0x3bb: {  	v28 =	vshll.u32 v6, $0x10;
	v30 =	vshll.u32 v46, $0x10;
	vm2 =	vgt.s32 v32, v34;
	v14 =	vld [tilespmem:s11+$0x580]  }
0x3bc: {  	vm1 =	vgt.s32 v28, v30;
	v35 =	vshll.u32 v13, $0x10;
	v23 =	vsel vm2, v32, v34;
	v41 =	vld [tilespmem:s11+$0x600]  }
0x3bd: {  	v37 =	vshll.u32 v4, $0x10;
	v38 =	vshll.u32 v16, $0x10;
	v43 =	vshll.u32 v63, $0x10;
	v13 =	vld [tilespmem:s11+$0x680]  }
0x3be: {  	s15 =	sor.u32 $0x20, s0;
	v33 =	vshll.u32 v8, $0x10;
	v45 =	vshll.u32 v7, $0x10;
	v51 =	vshll.u32 v5, $0x10;
	v31 =	vld [tilespmem:s11+$0x700]  }
0x3bf: {  	s9 =	sor.u32 s15, s9;
	v52 =	vshll.u32 v10, $0x10;
	v53 =	vshll.u32 v17, $0x10;
	v54 =	vshll.u32 v18, $0x10;
	v17 =	vld [tilespmem:s11+$0x780];
	[tilespmem:$0x1EED0] =	vst v0  }
0x3c0: {  	v55 =	vshll.u32 v21, $0x10;
	v56 =	vshll.u32 v24, $0x10;
	v29 =	vld [tilespmem:s9+$0x0];
	[tilespmem:$0x1EEE0] =	vst v2;
	v2 =	vsel vm0, v22, v27  }
0x3c1: {  	vm0 =	vgt.s32 v35, v37;
	v16 =	vld [tilespmem:s9+$0x80];
	[tilespmem:$0x1EEF0] =	vst v2;
	v2 =	vsel vm1, v28, v30;
	vm1 =	vgt.s32 v43, v33  }
0x3c2: {  	v25 =	vsel vm0, v35, v37;
	vm0 =	vgt.s32 v45, v51;
	v26 =	vld [tilespmem:s9+$0x100];
	[tilespmem:$0x1EF00] =	vst v2;
	v34 =	vsel vm1, v43, v33  }
0x3c3: {  	vm1 =	vgt.s32 v52, v53;
	v35 =	vsel vm0, v45, v51;
	vm0 =	vgt.s32 v54, v55;
	v18 =	vld [tilespmem:s9+$0x180]  }
0x3c4: {  	v24 =	vld [tilespmem:s9+$0x200];
	v6 =	vsel vm1, v52, v53;
	v52 =	vsel vm0, v54, v55;
	v48 =	vshll.u32 v42, $0x10  }
0x3c5: {  	v21 =	vld [tilespmem:s9+$0x280];
	v58 =	vshll.u32 v12, $0x10;
	v59 =	vshll.u32 v36, $0x10;
	vm0 =	vgt.s32 v56, v48  }
0x3c6: {  	v40 =	vshll.u32 v15, $0x10;
	v20 =	vld [tilespmem:s9+$0x300];
	v9 =	vsel vm0, v56, v48;
	vm0 =	vgt.s32 v58, v59  }
0x3c7: {  	vm3 =	vgt.s32 v38, v40;
	v28 =	vld [tilespmem:s9+$0x380];
	v2 =	vsel vm0, v58, v59  }
0x3c8: {  	v19 =	vsel vm3, v38, v40;
	v1 =	vshll.u32 v41, $0x10;
	v0 =	vshll.u32 v13, $0x10;
	v48 =	vld [tilespmem:s9+$0x400];
	[tilespmem:$0x1EF10] =	vst v2  }
0x3c9: {  	v61 =	vshll.u32 v39, $0x10;
	v62 =	vshll.u32 v14, $0x10;
	vm0 =	vgt.s32 v1, v0;
	v22 =	vld [tilespmem:s9+$0x480]  }
0x3ca: {  	v37 =	vshll.u32 v31, $0x10;
	v38 =	vshll.u32 v17, $0x10;
	v7 =	vsel vm0, v1, v0;
	v30 =	vld [tilespmem:s9+$0x500]  }
0x3cb: {  	vm0 =	vgt.s32 v37, v38;
	v0 =	vshll.u32 v26, $0x10;
	v1 =	vshll.u32 v18, $0x10;
	v63 =	vld [tilespmem:s9+$0x580]  }
0x3cc: {  	vm1 =	vgt.s32 v61, v62;
	v27 =	vsel vm0, v37, v38;
	vm0 =	vgt.s32 v0, v1  }
0x3cd: {  	v37 =	vsel vm0, v0, v1;
	v0 =	vshll.u32 v24, $0x10;
	v1 =	vshll.u32 v21, $0x10  }
0x3ce: {  	v2 =	vsel vm1, v61, v62;
	vm0 =	vgt.s32 v0, v1  }
0x3cf: {  	v38 =	vshll.u32 v48, $0x10;
	v51 =	vsel vm0, v0, v1;
	v57 =	vshll.u32 v22, $0x10  }
0x3d0: {  	v1 =	vshll.u32 v30, $0x10;
	v58 =	vshll.u32 v63, $0x10;
	vm0 =	vgt.s32 v38, v57  }
0x3d1: {  	v40 =	vmov v2;
	v2 =	vsel vm0, v38, v57;
	vm0 =	vgt.s32 v1, v58  }
0x3d2: {  	v0 =	vand.u32 $0xFFFF0000, v49;
	v49 =	vsel vm0, v1, v58;
	v1 =	vld [tilespmem:$0x1EDD0]  }
0x3d3: {  	v55 =	vshll.u32 v29, $0x10;
	v59 =	vshll.u32 v16, $0x10;
	v10 =	vld [tilespmem:s9+$0x600]  }
0x3d4: {  	vm1 =	vgt.s32 v55, v59;
	v44 =	vshll.u32 v20, $0x10;
	v33 =	vshll.u32 v28, $0x10;
	v3 =	vld [tilespmem:s9+$0x680]  }
0x3d5: {  	v32 =	vsel vm1, v55, v59;
	vm1 =	vgt.s32 v44, v33;
	v54 =	vld [tilespmem:s9+$0x700]  }
0x3d6: {  	v44 =	vsel vm1, v44, v33;
	v33 =	vld [tilespmem:s9+$0x780]  }
0x3d7: {  	vm0 =	vgt.s32 v11, v1  }
0x3d8: {  	v62 =	vsel vm0, v11, v1;
	v1 =	vld [tilespmem:$0x1EDE0]  }
0x3d9: {  	v47 =	vshrl.u32 v47, $0x10;
	v15 =	vshll.u32 v10, $0x10;
	v59 =	vshll.u32 v3, $0x10  }
0x3da: {  	v0 =	vor.u32 v0, v47;
	vm1 =	vgt.s32 v15, v59  }
0x3db: {  	[tilespmem:$0x1EF80] =	vst v0;
	v0 =	vshll.u32 v54, $0x10;
	v47 =	vsel vm1, v15, v59;
	v15 =	vshll.u32 v33, $0x10  }
0x3dc: {  	vm1 =	vgt.s32 v0, v15  }
0x3dd: {  	v11 =	vsel vm1, v0, v15;
	v0 =	vld [tilespmem:$0x1EDF0];
	vm0 =	vgt.s32 v1, v60  }
0x3de: {  	v45 =	vsel vm0, v1, v60;
	v1 =	vld [tilespmem:$0x1EE00];
	_ =	sdelay $0x4  }
0x3df: {  	vm0 =	vgt.s32 v0, v1  }
0x3e0: {  	v38 =	vsel vm0, v0, v1;
	v0 =	vld [tilespmem:$0x1EE10];
	_ =	sdelay $0x4  }
0x3e1: {  	vm0 =	vgt.s32 v0, v46  }
0x3e2: {  	v58 =	vsel vm0, v0, v46;
	v0 =	vld [tilespmem:$0x1EE30];
	_ =	sdelay $0x4  }
0x3e3: {  	v60 =	vmov v2;
	v2 =	vld [tilespmem:$0x1EE50];
	vm0 =	vgt.s32 v0, v4  }
0x3e4: {  	v43 =	vsel vm0, v0, v4;
	v0 =	vld [tilespmem:$0x1EE40];
	_ =	sdelay $0x4  }
0x3e5: {  	v61 =	vld [tilespmem:$0x1EE20];
	vm0 =	vgt.s32 v0, v2  }
0x3e6: {  	v55 =	vsel vm0, v0, v2;
	v0 =	vld [tilespmem:$0x1EE70];
	_ =	sdelay $0x1  }
0x3e7: {  	v4 =	vld [tilespmem:$0x1EE60];
	_ =	sdelay $0x2  }
0x3e8: {  	vm1 =	vgt.s32 v61, v50;
	v1 =	vld [tilespmem:$0x1EE90];
	vm0 =	vgt.s32 v0, v5  }
0x3e9: {  	v15 =	vsel vm1, v61, v50;
	v61 =	vsel vm0, v0, v5;
	v0 =	vld [tilespmem:$0x1EE80]  }
0x3ea: {  	vm1 =	vgt.s32 v4, v8;
	v2 =	vld [tilespmem:$0x1EEA0]  }
0x3eb: {  	v59 =	vsel vm1, v4, v8;
	v4 =	vmov v11;
	v11 =	vld [tilespmem:$0x1EEB0];
	_ =	sdelay $0x2  }
0x3ec: {  	vm0 =	vgt.s32 v0, v1  }
0x3ed: {  	v56 =	vsel vm0, v0, v1;
	v0 =	vld [tilespmem:$0x1EEC0]  }
0x3ee: {  	vm1 =	vgt.s32 v2, v11  }
0x3ef: {  	vm3 =	vgt.s32 v23, v25;
	v53 =	vsel vm1, v2, v11;
	vm1 =	vgt.s32 v39, v14  }
0x3f0: {  	vm6 =	vgt.s32 v15, v43;
	v5 =	vimm.s32 $0x0;
	v14 =	vsel vm1, v39, v14  }
0x3f1: {  	vm1 =	vgt.s32 v29, v16;
	v5 =	vsel vm6, $0xFFFFFFFF, v5;
	vm6 =	vgt.s32 v55, v59  }
0x3f2: {  	v11 =	vmovc v45;
	v45 =	vsel vm1, v29, v16;
	vm1 =	vgt.s32 v20, v28;
	vm0 =	vgt.s32 v0, v42  }
0x3f3: {  	[tilespmem:$0x1EF20] =	vst v5;
	v5 =	vimm.s32 $0x0;
	v57 =	vsel vm0, v0, v42;
	vm0 =	vgt.s32 v12, v36  }
0x3f4: {  	v5 =	vsel vm6, $0xFFFFFFFF, v5;
	v12 =	vsel vm0, v12, v36;
	vm0 =	vgt.s32 v41, v13  }
0x3f5: {  	[tilespmem:$0x1EF30] =	vst v5;
	v5 =	vimm.s32 $0x0;
	vm11 =	vgt.s32 v53, v57;
	v13 =	vsel vm0, v41, v13  }
0x3f6: {  	vm0 =	vgt.s32 v31, v17;
	v5 =	vsel vm11, $0xFFFFFFFF, v5;
	vm11 =	vgt.s32 v12, v14  }
0x3f7: {  	v17 =	vsel vm0, v31, v17;
	vm0 =	vgt.s32 v26, v18;
	[tilespmem:$0x1EF40] =	vst v5;
	v5 =	vimm.s32 $0x0  }
0x3f8: {  	v18 =	vsel vm0, v26, v18;
	vm0 =	vgt.s32 v24, v21;
	v5 =	vsel vm11, $0xFFFFFFFF, v5  }
0x3f9: {  	v2 =	vld [tilespmem:$0x1EEF0];
	v21 =	vsel vm0, v24, v21;
	v24 =	vsel vm1, v20, v28;
	vm1 =	vgt.s32 v10, v3  }
0x3fa: {  	vm11 =	vgt.s32 v13, v17;
	[tilespmem:$0x1EF50] =	vst v5;
	v5 =	vimm.s32 $0x0;
	v26 =	vsel vm1, v10, v3;
	v3 =	vld [tilespmem:$0x1EF00]  }
0x3fb: {  	vm4 =	vgt.s32 v19, v34;
	vm5 =	vgt.s32 v35, v6;
	v5 =	vsel vm11, $0xFFFFFFFF, v5  }
0x3fc: {  	vm2 =	vgt.s32 v7, v27;
	v1 =	vld [tilespmem:$0x1EEE0];
	vm11 =	vgt.s32 v45, v18;
	[tilespmem:$0x1EF60] =	vst v5;
	v5 =	vimm.s32 $0x0  }
0x3fd: {  	vm13 =	vgt.s32 v32, v37;
	vm14 =	vgt.s32 v51, v44;
	v0 =	vld [tilespmem:$0x1EED0];
	v5 =	vsel vm11, $0xFFFFFFFF, v5  }
0x3fe: {  	vm15 =	vgt.s32 v60, v49;
	vm9 =	vgt.s32 v38, v58;
	vm0 =	vgt.s32 v48, v22;
	[tilespmem:$0x1EF70] =	vst v5;
	v5 =	vld [tilespmem:$0x1EF80]  }
0x3ff: {  	s24 =	simm.s32 $0x0;
	vm10 =	vgt.s32 v47, v4;
	v29 =	vsel vm0, v48, v22;
	vm1 =	vgt.s32 v2, v3  }
0x400: {  	s9 =	sand.u32 $0x3FFFFF80, s24;
	vm0 =	vgt.s32 v30, v63;
	v39 =	vsel vm1, v2, v3;
	v3 =	vmovc v34;
	v34 =	vmov v35;
	v35 =	vld [tilespmem:$0x1EF10]  }
0x401: {  	s9 =	sadd.s32 $0x11000, s9;
	vm8 =	vgt.s32 v62, v11;
	v31 =	vsel vm0, v30, v63;
	vm0 =	vgt.s32 v54, v33  }
0x402: {  	s1 =	sor.u32 s12, s9;
	vm7 =	vgt.s32 v61, v56;
	v33 =	vsel vm0, v54, v33;
	vm0 =	vgt.s32 v0, v1  }
0x403: {  	v8 =	vmovc v52;
	vm11 =	vgt.s32 v21, v24;
	vm6 =	vgt.s32 v26, v33;
	[tilespmem:s1+$0x0] =	vst v5;
	v5 =	vimm.s32 $0x0  }
0x404: {  	s31 =	simm.s32 $0x0;
	v10 =	vmovc v25;
	vm12 =	vgt.s32 v29, v31;
	v36 =	vsel vm0, v0, v1;
	v0 =	vmovc v23;
	v5 =	vsel vm6, $0xFFFFFFFF, v5  }
0x405: {  	s12 =	sor.u32 s0, s9;
	s0 =	sor.u32 s14, s9;
	vm0 =	vgt.s32 v52, v9;
	v1 =	vmovc v49;
	v2 =	vmov v19;
	s1 =	sor.u32 s15, s9;
	[tilespmem:$0x1EF90] =	vst v5;
	vm1 =	vgt.s32 v35, v40  }
.LBB2_11:
0x406: {  	v19 =	vsel vm3, v0, v10;
	v20 =	vsel vm4, v2, v3  }
0x407: {  	v22 =	vsel vm5, v34, v6;
	v23 =	vsel vm0, v8, v9;
	v25 =	vsel vm1, v35, v40;
	v3 =	vld [tilespmem:$0x1EF20]  }
0x408: {  	s31 =	sadd.s32 $0x4, s31;
	v27 =	vsel vm2, v7, v27;
	v54 =	vsel vm15, v60, v1;
	v1 =	vsel vm10, v47, v4;
	v4 =	vld [tilespmem:$0x1EF30]  }
0x409: {  	s30 =	sadd.s32 $0x40, s30;
	v28 =	vsel vm13, v32, v37;
	v30 =	vsel vm14, v51, v44;
	v0 =	vsel vm8, v62, v11;
	v6 =	vld [tilespmem:$0x1EF40];
	s6 =	sshll.u32 s31, $0x8  }
0x40a: {  	v2 =	vsel vm9, v38, v58;
	v5 =	vsel vm7, v61, v56;
	v7 =	vld [tilespmem:$0x1EF50];
	v10 =	vsel vm11, v21, v24;
	s14 =	sand.u32 $0x40, s30;
	s6 =	sand.u32 $0x3FFFF800, s6  }
0x40b: {  	v8 =	vld [tilespmem:$0x1EF60];
	vm1 =	vgt.s32 v19, v20;
	vm3 =	vgt.s32 v25, v27;
	vm4 =	vgt.s32 v28, v30;
	s9 =	sor.u32 $0x30, s14;
	s13 =	sadd.s32 $0x9000, s6  }
0x40c: {  	v9 =	vld [tilespmem:$0x1EF70];
	vm5 =	vgt.s32 v0, v2;
	vm7 =	vgt.s32 v54, v1;
	s15 =	sor.u32 s9, s13;
	vm0 =	vnez.u8 v3  }
0x40d: {  	v19 =	vsel vm1, v19, v20;
	v20 =	vld [tilespmem:s15+$0x380];
	v3 =	vsel vm0, v15, v43;
	vm0 =	vnez.u8 v4  }
0x40e: {  	v0 =	vsel vm5, v0, v2;
	v15 =	vld [tilespmem:$0x1EF90];
	v4 =	vsel vm0, v55, v59;
	vm0 =	vnez.u8 v6  }
0x40f: {  	v1 =	vsel vm7, v54, v1;
	v6 =	vsel vm0, v53, v57;
	vm0 =	vnez.u8 v7  }
0x410: {  	vm6 =	vgt.s32 v3, v4;
	v7 =	vsel vm0, v12, v14;
	vm0 =	vnez.u8 v8  }
0x411: {  	v21 =	vld [tilespmem:s15+$0x300];
	vm8 =	vgt.s32 v5, v6;
	v2 =	vsel vm6, v3, v4;
	v8 =	vsel vm0, v13, v17  }
0x412: {  	vm0 =	vnez.u8 v9;
	v13 =	vsel vm12, v29, v31;
	v3 =	vsel vm8, v5, v6  }
0x413: {  	v34 =	vshll.u32 v20, $0x10;
	v9 =	vsel vm0, v45, v18;
	vm2 =	vnez.u8 v15  }
0x414: {  	v16 =	vld [tilespmem:s15+$0x180];
	vm0 =	vgt.s32 v36, v39;
	vm9 =	vgt.s32 v7, v8;
	v15 =	vsel vm2, v26, v33  }
0x415: {  	v11 =	vld [tilespmem:s15+$0x0];
	vm2 =	vgt.s32 v22, v23;
	vm10 =	vgt.s32 v9, v10;
	v24 =	vsel vm0, v36, v39  }
0x416: {  	v14 =	vld [tilespmem:s15+$0x100];
	v4 =	vsel vm9, v7, v8;
	v33 =	vshll.u32 v21, $0x10;
	vm0 =	vgt.s32 v13, v15  }
0x417: {  	v22 =	vsel vm2, v22, v23;
	v23 =	vsel vm3, v25, v27;
	v25 =	vsel vm4, v28, v30  }
0x418: {  	v12 =	vld [tilespmem:s15+$0x80];
	v5 =	vsel vm10, v9, v10;
	vm1 =	vgt.s32 v24, v19;
	vm3 =	vgt.s32 v3, v4  }
0x419: {  	v17 =	vld [tilespmem:s15+$0x200];
	v30 =	vshll.u32 v16, $0x10;
	vm2 =	vgt.s32 v22, v23;
	v6 =	vsel vm0, v13, v15  }
0x41a: {  	vm0 =	vgt.s32 v0, v2;
	vm4 =	vgt.s32 v25, v1;
	v7 =	vsel vm1, v24, v19  }
0x41b: {  	v18 =	vld [tilespmem:s15+$0x280];
	v24 =	vshll.u32 v11, $0x10;
	v29 =	vshll.u32 v14, $0x10;
	v8 =	vsel vm2, v22, v23  }
0x41c: {  	v26 =	vld [tilespmem:s15+$0x400];
	vm1 =	vgt.s32 v5, v6;
	v0 =	vsel vm0, v0, v2;
	v2 =	vsel vm3, v3, v4  }
0x41d: {  	v27 =	vld [tilespmem:s15+$0x480];
	v1 =	vsel vm4, v25, v1;
	v3 =	vshrl.u32 v7, $0x10;
	vm0 =	vgt.s32 v11, v12  }
0x41e: {  	v28 =	vld [tilespmem:s15+$0x500];
	vm3 =	vgt.s32 v21, v20;
	v25 =	vshll.u32 v12, $0x10;
	v31 =	vshll.u32 v17, $0x10  }
0x41f: {  	v13 =	vld [tilespmem:s15+$0x580];
	v4 =	vshrl.u32 v8, $0x10;
	v5 =	vsel vm1, v5, v6;
	v6 =	vand.u32 $0xFFFF0000, v0  }
0x420: {  	v15 =	vld [tilespmem:s15+$0x600];
	v2 =	vand.u32 $0xFFFF0000, v2;
	v7 =	vshrl.u32 v1, $0x10;
	vm1 =	vgt.s32 v14, v16  }
0x421: {  	v19 =	vld [tilespmem:s15+$0x680];
	vm2 =	vgt.s32 v17, v18;
	v32 =	vshll.u32 v18, $0x10;
	v52 =	vsel vm0, v11, v12  }
0x422: {  	v22 =	vld [tilespmem:s15+$0x700];
	v20 =	vsel vm3, v21, v20;
	vm0 =	vgt.s32 v24, v25;
	vm3 =	vgt.s32 v33, v34  }
0x423: {  	s11 =	sor.u32 s14, s13;
	v23 =	vld [tilespmem:s15+$0x780];
	v3 =	vor.u32 v6, v3;
	v4 =	vor.u32 v2, v4;
	v2 =	vand.u32 $0xFFFF0000, v5  }
0x424: {  	v0 =	vld [tilespmem:s11+$0x0];
	v56 =	vshll.u32 v26, $0x10;
	v53 =	vsel vm1, v14, v16;
	v55 =	vsel vm2, v17, v18  }
0x425: {  	v1 =	vld [tilespmem:s11+$0x80];
	vm1 =	vgt.s32 v29, v30;
	vm2 =	vgt.s32 v31, v32;
	[tilespmem:s12+$0x0] =	vst v3;
	v5 =	vor.u32 v2, v7  }
0x426: {  	vm4 =	vgt.s32 v26, v27;
	v58 =	vshll.u32 v27, $0x10;
	v59 =	vshll.u32 v28, $0x10;
	v2 =	vld [tilespmem:s11+$0x100]  }
0x427: {  	vm8 =	vgt.s32 v52, v53;
	vm9 =	vgt.s32 v55, v20;
	v57 =	vld [tilespmem:s11+$0x180];
	vm5 =	vgt.s32 v28, v13  }
0x428: {  	[tilespmem:s0+$0x0] =	vst v4;
	vm6 =	vgt.s32 v15, v19;
	v6 =	vld [tilespmem:s11+$0x300];
	v61 =	vshll.u32 v13, $0x10;
	v62 =	vshll.u32 v15, $0x10  }
0x429: {  	[tilespmem:s1+$0x0] =	vst v5;
	v7 =	vld [tilespmem:s11+$0x380];
	v63 =	vshll.u32 v19, $0x10;
	v26 =	vsel vm4, v26, v27;
	vm4 =	vgt.s32 v56, v58  }
0x42a: {  	v9 =	vld [tilespmem:s11+$0x480];
	v20 =	vsel vm9, v55, v20;
	vm7 =	vgt.s32 v22, v23;
	v41 =	vshll.u32 v22, $0x10;
	[tilespmem:$0x1E760] =	vst v0  }
0x42b: {  	v10 =	vld [tilespmem:s11+$0x500];
	v42 =	vshll.u32 v23, $0x10;
	v27 =	vsel vm5, v28, v13;
	[tilespmem:$0x1EBD0] =	vst v1;
	v35 =	vshll.u32 v1, $0x10  }
0x42c: {  	v11 =	vld [tilespmem:s11+$0x580];
	v19 =	vsel vm6, v15, v19;
	vm5 =	vgt.s32 v59, v61;
	vm6 =	vgt.s32 v62, v63;
	[tilespmem:$0x1E8A0] =	vst v35  }
0x42d: {  	v14 =	vld [tilespmem:s11+$0x600];
	v28 =	vsel vm2, v31, v32;
	v56 =	vsel vm4, v56, v58;
	v22 =	vsel vm7, v22, v23;
	[tilespmem:$0x1E770] =	vst v6  }
0x42e: {  	s24 =	sor.u32 $0x10, s14;
	v47 =	vld [tilespmem:s11+$0x700];
	vm7 =	vgt.s32 v41, v42;
	v23 =	vsel vm0, v24, v25;
	vm0 =	vgt.s32 v26, v27;
	[tilespmem:$0x1E780] =	vst v7  }
0x42f: {  	s6 =	sor.u32 s24, s13;
	v16 =	vld [tilespmem:s11+$0x780];
	v25 =	vsel vm1, v29, v30;
	v30 =	vsel vm3, v33, v34;
	v58 =	vsel vm5, v59, v61;
	[tilespmem:$0x1E790] =	vst v9  }
0x430: {  	v18 =	vld [tilespmem:s6+$0x0];
	v59 =	vsel vm6, v62, v63;
	v62 =	vsel vm8, v52, v53;
	vm10 =	vgt.s32 v19, v22;
	[tilespmem:$0x1E7A0] =	vst v10  }
0x431: {  	v44 =	vld [tilespmem:s6+$0x380];
	v61 =	vsel vm7, v41, v42;
	vm1 =	vgt.s32 v23, v25;
	v27 =	vsel vm0, v26, v27;
	[tilespmem:$0x1E7B0] =	vst v11  }
0x432: {  	v60 =	vld [tilespmem:s11+$0x200];
	vm0 =	vgt.s32 v28, v30;
	vm2 =	vgt.s32 v56, v58;
	v19 =	vsel vm10, v19, v22;
	[tilespmem:$0x1E7C0] =	vst v14  }
0x433: {  	v8 =	vld [tilespmem:s11+$0x400];
	vm3 =	vgt.s32 v59, v61;
	v22 =	vsel vm1, v23, v25;
	vm1 =	vgt.s32 v62, v20;
	[tilespmem:$0x1E7E0] =	vst v47  }
0x434: {  	v5 =	vld [tilespmem:s6+$0x780];
	v23 =	vsel vm0, v28, v30;
	v25 =	vsel vm2, v56, v58;
	v58 =	vshll.u32 v0, $0x10;
	[tilespmem:$0x1E7F0] =	vst v16  }
0x435: {  	[tilespmem:$0x1E800] =	vst v18;
	vm4 =	vgt.s32 v27, v19;
	v28 =	vsel vm3, v59, v61;
	v12 =	vmovc v2;
	v17 =	vshll.u32 v2, $0x10;
	v2 =	vld [tilespmem:s6+$0x600]  }
0x436: {  	v13 =	vld [tilespmem:s11+$0x680];
	[tilespmem:$0x1E850] =	vst v44;
	vm0 =	vgt.s32 v22, v23;
	v30 =	vsel vm1, v62, v20;
	vm2 =	vgt.s32 v25, v28  }
0x437: {  	v54 =	vld [tilespmem:s11+$0x280];
	[tilespmem:$0x1E8B0] =	vst v58;
	v22 =	vsel vm0, v22, v23;
	v23 =	vsel vm2, v25, v28;
	v25 =	vsel vm4, v27, v19  }
0x438: {  	v31 =	vld [tilespmem:s6+$0x200];
	[tilespmem:$0x1EC50] =	vst v8;
	vm0 =	vgt.s32 v22, v23;
	vm1 =	vgt.s32 v30, v25  }
0x439: {  	v20 =	vshll.u32 v60, $0x10;
	[tilespmem:$0x1ECA0] =	vst v5;
	v23 =	vsel vm0, v22, v23;
	v25 =	vsel vm1, v30, v25  }
0x43a: {  	vm0 =	vgt.s32 v58, v35;
	[tilespmem:$0x1E880] =	vst v2;
	v19 =	vshll.u32 v2, $0x10;
	v2 =	vimm.s32 $0x0  }
0x43b: {  	[tilespmem:$0x1E7D0] =	vst v13;
	v28 =	vshrl.u32 v23, $0x10;
	v23 =	vshll.u32 v57, $0x10;
	v2 =	vsel vm0, $0xFFFFFFFF, v2  }
0x43c: {  	v27 =	vand.u32 $0xFFFF0000, v25;
	vm0 =	vgt.s32 v17, v23;
	[tilespmem:$0x1E890] =	vst v2;
	v2 =	vimm.s32 $0x0  }
0x43d: {  	[tilespmem:$0x1E830] =	vst v31;
	v63 =	vor.u32 v27, v28;
	v28 =	vshll.u32 v54, $0x10;
	v2 =	vsel vm0, $0xFFFFFFFF, v2  }
0x43e: {  	vm0 =	vgt.s32 v20, v28;
	[tilespmem:$0x1E8C0] =	vst v2;
	v2 =	vimm.s32 $0x0  }
0x43f: {  	v34 =	vshll.u32 v7, $0x10;
	[tilespmem:$0x1E8E0] =	vst v17;
	v30 =	vshll.u32 v6, $0x10;
	v2 =	vsel vm0, $0xFFFFFFFF, v2  }
0x440: {  	vm0 =	vgt.s32 v30, v34;
	[tilespmem:$0x1E8F0] =	vst v2;
	v2 =	vimm.s32 $0x0  }
0x441: {  	v42 =	vshll.u32 v9, $0x10;
	[tilespmem:$0x1E910] =	vst v20;
	v25 =	vshll.u32 v8, $0x10;
	v2 =	vsel vm0, $0xFFFFFFFF, v2  }
0x442: {  	vm0 =	vgt.s32 v25, v42;
	[tilespmem:$0x1E920] =	vst v2;
	v2 =	vimm.s32 $0x0  }
0x443: {  	v39 =	vshll.u32 v10, $0x10;
	v51 =	vshll.u32 v11, $0x10;
	[tilespmem:$0x1E930] =	vst v34;
	v2 =	vsel vm0, $0xFFFFFFFF, v2  }
0x444: {  	v49 =	vld [tilespmem:s6+$0x80];
	vm0 =	vgt.s32 v39, v51;
	[tilespmem:$0x1E950] =	vst v2;
	v2 =	vimm.s32 $0x0  }
0x445: {  	v24 =	vld [tilespmem:s6+$0x100];
	v55 =	vshll.u32 v14, $0x10;
	[tilespmem:$0x1E960] =	vst v42;
	v37 =	vshll.u32 v13, $0x10;
	v2 =	vsel vm0, $0xFFFFFFFF, v2  }
0x446: {  	v29 =	vld [tilespmem:s6+$0x180];
	vm0 =	vgt.s32 v55, v37;
	[tilespmem:$0x1E970] =	vst v2;
	v2 =	vimm.s32 $0x0  }
0x447: {  	v47 =	vshll.u32 v47, $0x10;
	[tilespmem:$0x1E980] =	vst v39;
	v27 =	vshll.u32 v16, $0x10;
	v2 =	vsel vm0, $0xFFFFFFFF, v2  }
0x448: {  	v26 =	vld [tilespmem:s6+$0x280];
	vm0 =	vgt.s32 v47, v27;
	[tilespmem:$0x1E990] =	vst v2;
	v2 =	vimm.s32 $0x0  }
0x449: {  	v45 =	vld [tilespmem:s6+$0x480];
	v40 =	vshll.u32 v49, $0x10;
	[tilespmem:$0x1E9D0] =	vst v47;
	v16 =	vshll.u32 v18, $0x10;
	v2 =	vsel vm0, $0xFFFFFFFF, v2  }
0x44a: {  	v41 =	vld [tilespmem:s6+$0x300];
	vm0 =	vgt.s32 v16, v40;
	[tilespmem:$0x1E9B0] =	vst v2;
	v2 =	vimm.s32 $0x0  }
0x44b: {  	s12 =	sshll.u32 s31, $0x4;
	v33 =	vld [tilespmem:s6+$0x400];
	[tilespmem:$0x1E810] =	vst v24;
	v43 =	vshll.u32 v29, $0x10;
	v18 =	vshll.u32 v24, $0x10;
	v2 =	vsel vm0, $0xFFFFFFFF, v2  }
0x44c: {  	s0 =	sand.u32 $0x3FFFFF80, s12;
	v0 =	vld [tilespmem:s6+$0x500];
	vm0 =	vgt.s32 v18, v43;
	[tilespmem:$0x1E9E0] =	vst v2;
	v2 =	vimm.s32 $0x0  }
0x44d: {  	s15 =	sadd.s32 $0x11000, s0;
	v56 =	vld [tilespmem:s6+$0x580];
	v21 =	vshll.u32 v31, $0x10;
	[tilespmem:$0x1E820] =	vst v29;
	v29 =	vshll.u32 v26, $0x10;
	v2 =	vsel vm0, $0xFFFFFFFF, v2  }
0x44e: {  	s9 =	sor.u32 s9, s15;
	vm0 =	vgt.s32 v21, v29;
	[tilespmem:$0x1EA00] =	vst v2;
	v2 =	vimm.s32 $0x0  }
0x44f: {  	s8 =	sor.u32 $0x20, s14;
	v3 =	vld [tilespmem:s6+$0x680];
	v22 =	vshll.u32 v41, $0x10;
	[tilespmem:s9+$0x0] =	vst v63;
	v63 =	vshll.u32 v44, $0x10;
	v2 =	vsel vm0, $0xFFFFFFFF, v2  }
0x450: {  	s13 =	sor.u32 s8, s13;
	v50 =	vld [tilespmem:s6+$0x700];
	v11 =	vshll.u32 v45, $0x10;
	vm0 =	vgt.s32 v22, v63;
	[tilespmem:$0x1EA30] =	vst v2;
	v2 =	vimm.s32 $0x0  }
0x451: {  	v32 =	vld [tilespmem:s13+$0x100];
	v15 =	vmovc v1;
	[tilespmem:$0x1E860] =	vst v33;
	v36 =	vmovc v26;
	v26 =	vshll.u32 v33, $0x10;
	v1 =	vshll.u32 v0, $0x10;
	v2 =	vsel vm0, $0xFFFFFFFF, v2  }
0x452: {  	v61 =	vld [tilespmem:s13+$0x0];
	v48 =	vshll.u32 v56, $0x10;
	vm0 =	vgt.s32 v26, v11;
	[tilespmem:$0x1EA60] =	vst v2;
	v2 =	vimm.s32 $0x0  }
0x453: {  	v38 =	vmovc v8;
	v8 =	vld [tilespmem:s13+$0x80];
	[tilespmem:$0x1EAC0] =	vst v1;
	v2 =	vsel vm0, $0xFFFFFFFF, v2;
	vm0 =	vgt.s32 v1, v48;
	v1 =	vimm.s32 $0x0  }
0x454: {  	[tilespmem:$0x1E840] =	vst v41;
	v24 =	vld [tilespmem:s13+$0x180];
	v44 =	vshll.u32 v3, $0x10;
	v1 =	vsel vm0, $0xFFFFFFFF, v1  }
0x455: {  	v9 =	vld [tilespmem:s13+$0x200];
	vm0 =	vgt.s32 v19, v44;
	[tilespmem:$0x1EAB0] =	vst v1;
	v1 =	vimm.s32 $0x0  }
0x456: {  	v10 =	vld [tilespmem:s13+$0x280];
	v53 =	vshll.u32 v50, $0x10;
	v13 =	vshll.u32 v5, $0x10;
	[tilespmem:$0x1E870] =	vst v0;
	v1 =	vsel vm0, $0xFFFFFFFF, v1  }
0x457: {  	v4 =	vld [tilespmem:s13+$0x380];
	v0 =	vshll.u32 v32, $0x10;
	vm0 =	vgt.s32 v53, v13;
	[tilespmem:$0x1EAD0] =	vst v1;
	v1 =	vimm.s32 $0x0  }
0x458: {  	[tilespmem:$0x1EA40] =	vst v29;
	v41 =	vmovc v3;
	v59 =	vshll.u32 v61, $0x10;
	v3 =	vld [tilespmem:s13+$0x300];
	v14 =	vshll.u32 v8, $0x10;
	v1 =	vsel vm0, $0xFFFFFFFF, v1  }
0x459: {  	v33 =	vmovc v5;
	v5 =	vld [tilespmem:s13+$0x400];
	v17 =	vshll.u32 v24, $0x10;
	vm0 =	vgt.s32 v59, v14;
	[tilespmem:$0x1EAF0] =	vst v1;
	v1 =	vimm.s32 $0x0  }
0x45a: {  	v6 =	vld [tilespmem:s13+$0x480];
	[tilespmem:$0x1EB70] =	vst v0;
	v1 =	vsel vm0, $0xFFFFFFFF, v1;
	vm0 =	vgt.s32 v0, v17;
	v0 =	vimm.s32 $0x0  }
0x45b: {  	v7 =	vld [tilespmem:s13+$0x500];
	[tilespmem:$0x1EAA0] =	vst v26;
	v58 =	vshll.u32 v9, $0x10;
	v52 =	vshll.u32 v10, $0x10;
	v0 =	vsel vm0, $0xFFFFFFFF, v0  }
0x45c: {  	v62 =	vld [tilespmem:s13+$0x580];
	vm0 =	vgt.s32 v58, v52;
	[tilespmem:$0x1EB50] =	vst v0;
	v0 =	vimm.s32 $0x0  }
0x45d: {  	[tilespmem:$0x1E900] =	vst v28;
	v39 =	vshll.u32 v4, $0x10;
	v47 =	vshll.u32 v3, $0x10;
	v0 =	vsel vm0, $0xFFFFFFFF, v0  }
0x45e: {  	vm0 =	vgt.s32 v47, v39;
	[tilespmem:$0x1EB80] =	vst v0;
	v0 =	vimm.s32 $0x0  }
0x45f: {  	[tilespmem:$0x1E9C0] =	vst v27;
	v28 =	vshll.u32 v6, $0x10;
	v34 =	vshll.u32 v5, $0x10;
	v29 =	vld [tilespmem:$0x1E760];
	v0 =	vsel vm0, $0xFFFFFFFF, v0  }
0x460: {  	vm0 =	vgt.s32 v34, v28;
	[tilespmem:$0x1EB90] =	vst v0;
	v0 =	vimm.s32 $0x0  }
0x461: {  	[tilespmem:$0x1E9F0] =	vst v16;
	v27 =	vshll.u32 v7, $0x10;
	v16 =	vshll.u32 v62, $0x10;
	v0 =	vsel vm0, $0xFFFFFFFF, v0  }
0x462: {  	vm0 =	vgt.s32 v27, v16;
	[tilespmem:$0x1EBA0] =	vst v0;
	v0 =	vimm.s32 $0x0  }
0x463: {  	[tilespmem:$0x1EA70] =	vst v22;
	v0 =	vsel vm0, $0xFFFFFFFF, v0  }
0x464: {  	v26 =	vld [tilespmem:$0x1E770];
	vm0 =	vgt.s32 v29, v15;
	[tilespmem:$0x1EBB0] =	vst v0;
	v0 =	vimm.s32 $0x0  }
0x465: {  	[tilespmem:$0x1EB60] =	vst v17;
	v17 =	vld [tilespmem:$0x1E780];
	v0 =	vsel vm0, $0xFFFFFFFF, v0  }
0x466: {  	vm0 =	vgt.s32 v12, v57;
	[tilespmem:$0x1EBC0] =	vst v0;
	v0 =	vimm.s32 $0x0  }
0x467: {  	[tilespmem:$0x1E8D0] =	vst v23;
	v42 =	vmov v25;
	v25 =	vld [tilespmem:$0x1E790];
	v0 =	vsel vm0, $0xFFFFFFFF, v0  }
0x468: {  	v23 =	vld [tilespmem:$0x1E7A0];
	vm0 =	vgt.s32 v60, v54;
	[tilespmem:$0x1EBE0] =	vst v0;
	v0 =	vimm.s32 $0x0  }
0x469: {  	[tilespmem:$0x1ED10] =	vst v9;
	v20 =	vmov v9;
	v9 =	vld [tilespmem:$0x1E7B0];
	v0 =	vsel vm0, $0xFFFFFFFF, v0  }
0x46a: {  	v22 =	vld [tilespmem:$0x1E7C0];
	vm0 =	vgt.s32 v26, v17;
	[tilespmem:$0x1EC00] =	vst v0;
	v0 =	vimm.s32 $0x0  }
0x46b: {  	[tilespmem:$0x1EA90] =	vst v11;
	v11 =	vld [tilespmem:$0x1E7D0];
	v0 =	vsel vm0, $0xFFFFFFFF, v0  }
0x46c: {  	vm0 =	vgt.s32 v38, v25;
	[tilespmem:$0x1EC30] =	vst v0;
	v0 =	vimm.s32 $0x0  }
0x46d: {  	[tilespmem:$0x1EA10] =	vst v43;
	v0 =	vsel vm0, $0xFFFFFFFF, v0  }
0x46e: {  	vm1 =	vgt.s32 v23, v9;
	[tilespmem:$0x1EC40] =	vst v0;
	v0 =	vimm.s32 $0x0  }
0x46f: {  	v35 =	vld [tilespmem:s13+$0x680];
	v31 =	vmov v8;
	[tilespmem:$0x1ECC0] =	vst v8;
	v8 =	vmov v3;
	v0 =	vsel vm1, $0xFFFFFFFF, v0  }
0x470: {  	vm15 =	vgt.s32 v8, v4;
	v43 =	vld [tilespmem:s13+$0x600];
	vm1 =	vgt.s32 v22, v11;
	[tilespmem:$0x1EC60] =	vst v0;
	v0 =	vimm.s32 $0x0  }
0x471: {  	[tilespmem:$0x1ED20] =	vst v4;
	v4 =	vimm.s32 $0x0;
	v0 =	vsel vm1, $0xFFFFFFFF, v0;
	vm1 =	vgt.s32 v5, v6  }
0x472: {  	v4 =	vsel vm1, $0xFFFFFFFF, v4  }
0x473: {  	vm1 =	vgt.s32 v7, v62;
	[tilespmem:$0x1ED30] =	vst v4;
	v4 =	vimm.s32 $0x0  }
0x474: {  	v4 =	vsel vm1, $0xFFFFFFFF, v4  }
0x475: {  	vm1 =	vgt.s32 v43, v35;
	[tilespmem:$0x1ED60] =	vst v4;
	v4 =	vimm.s32 $0x0  }
0x476: {  	v4 =	vsel vm1, $0xFFFFFFFF, v4  }
0x477: {  	[tilespmem:$0x1ED80] =	vst v4;
	v4 =	vld [tilespmem:$0x1E890];
	_ =	sdelay $0x3  }
0x478: {  	[tilespmem:$0x1ED50] =	vst v5;
	v5 =	vld [tilespmem:$0x1E8B0]  }
0x479: {  	vm1 =	vnez.u8 v4;
	v4 =	vld [tilespmem:$0x1E8A0];
	_ =	sdelay $0x4  }
0x47a: {  	v4 =	vsel vm1, v5, v4  }
0x47b: {  	[tilespmem:$0x1ED90] =	vst v4;
	v4 =	vld [tilespmem:$0x1E8C0];
	_ =	sdelay $0x1  }
0x47c: {  	v46 =	vld [tilespmem:s13+$0x700]  }
0x47d: {  	[tilespmem:$0x1E940] =	vst v30;
	v30 =	vld [tilespmem:s13+$0x780]  }
0x47e: {  	v5 =	vld [tilespmem:$0x1E8E0]  }
0x47f: {  	vm1 =	vnez.u8 v4;
	v4 =	vld [tilespmem:$0x1E8D0];
	_ =	sdelay $0x4  }
0x480: {  	v5 =	vsel vm1, v5, v4;
	vm1 =	vgt.s32 v46, v30;
	v4 =	vimm.s32 $0x0  }
0x481: {  	v4 =	vsel vm1, $0xFFFFFFFF, v4  }
0x482: {  	[tilespmem:$0x1EDA0] =	vst v4;
	v4 =	vld [tilespmem:$0x1E8F0];
	_ =	sdelay $0x3  }
0x483: {  	[tilespmem:$0x1ED40] =	vst v6;
	v6 =	vld [tilespmem:$0x1E910]  }
0x484: {  	vm1 =	vnez.u8 v4;
	v4 =	vld [tilespmem:$0x1E900];
	_ =	sdelay $0x4  }
0x485: {  	[tilespmem:$0x1ECB0] =	vst v50;
	vm10 =	vgt.s32 v50, v33;
	v50 =	vsel vm1, v6, v4;
	v4 =	vld [tilespmem:$0x1E920];
	_ =	sdelay $0x2  }
0x486: {  	[tilespmem:$0x1EA20] =	vst v18;
	v18 =	vld [tilespmem:$0x1E800]  }
0x487: {  	v6 =	vld [tilespmem:$0x1E940]  }
0x488: {  	vm1 =	vnez.u8 v4;
	v4 =	vld [tilespmem:$0x1E930];
	_ =	sdelay $0x4  }
0x489: {  	[tilespmem:$0x1EC80] =	vst v49;
	vm3 =	vgt.s32 v18, v49;
	v49 =	vsel vm1, v6, v4;
	v4 =	vld [tilespmem:$0x1E950];
	_ =	sdelay $0x4  }
0x48a: {  	vm1 =	vnez.u8 v4;
	v4 =	vld [tilespmem:$0x1E960];
	_ =	sdelay $0x4  }
0x48b: {  	v42 =	vsel vm1, v42, v4;
	v4 =	vld [tilespmem:$0x1E970];
	_ =	sdelay $0x4  }
0x48c: {  	vm1 =	vnez.u8 v4;
	v4 =	vld [tilespmem:$0x1E980];
	_ =	sdelay $0x4  }
0x48d: {  	v51 =	vsel vm1, v4, v51;
	v4 =	vld [tilespmem:$0x1E990];
	_ =	sdelay $0x3  }
0x48e: {  	[tilespmem:$0x1E9A0] =	vst v37  }
0x48f: {  	vm1 =	vnez.u8 v4;
	v4 =	vld [tilespmem:$0x1E9A0];
	_ =	sdelay $0x3  }
0x490: {  	v37 =	vmov v55  }
0x491: {  	v37 =	vsel vm1, v37, v4;
	v4 =	vld [tilespmem:$0x1E9B0];
	_ =	sdelay $0x2  }
0x492: {  	[tilespmem:$0x1EB20] =	vst v1;
	v1 =	vld [tilespmem:$0x1E830]  }
0x493: {  	v6 =	vld [tilespmem:$0x1E9D0]  }
0x494: {  	vm1 =	vnez.u8 v4;
	v4 =	vld [tilespmem:$0x1E9C0];
	_ =	sdelay $0x4  }
0x495: {  	[tilespmem:$0x1EBF0] =	vst v57;
	vm5 =	vgt.s32 v1, v36;
	v57 =	vmov v36;
	v36 =	vsel vm1, v6, v4;
	v4 =	vld [tilespmem:$0x1E9E0];
	_ =	sdelay $0x4  }
0x496: {  	vm1 =	vnez.u8 v4;
	v4 =	vld [tilespmem:$0x1E9F0];
	_ =	sdelay $0x4  }
0x497: {  	v40 =	vsel vm1, v4, v40;
	v4 =	vld [tilespmem:$0x1EA00];
	_ =	sdelay $0x3  }
0x498: {  	v6 =	vld [tilespmem:$0x1EA20]  }
0x499: {  	vm1 =	vnez.u8 v4;
	v4 =	vld [tilespmem:$0x1EA10];
	_ =	sdelay $0x4  }
0x49a: {  	v6 =	vsel vm1, v6, v4;
	v4 =	vld [tilespmem:$0x1EA30];
	_ =	sdelay $0x2  }
0x49b: {  	[tilespmem:$0x1EA50] =	vst v21  }
0x49c: {  	[tilespmem:$0x1ED70] =	vst v7;
	v7 =	vld [tilespmem:$0x1EA50]  }
0x49d: {  	vm1 =	vnez.u8 v4;
	v4 =	vld [tilespmem:$0x1EA40];
	_ =	sdelay $0x4  }
0x49e: {  	vm12 =	vgt.s32 v61, v31;
	v31 =	vmov v8;
	v8 =	vsel vm1, v7, v4;
	v4 =	vld [tilespmem:$0x1EA60];
	_ =	sdelay $0x4  }
0x49f: {  	vm1 =	vnez.u8 v4;
	v4 =	vld [tilespmem:$0x1EA70];
	_ =	sdelay $0x3  }
0x4a0: {  	[tilespmem:$0x1EA80] =	vst v2  }
0x4a1: {  	v63 =	vsel vm1, v4, v63;
	v4 =	vld [tilespmem:$0x1EA80];
	_ =	sdelay $0x3  }
0x4a2: {  	v7 =	vld [tilespmem:$0x1EAA0]  }
0x4a3: {  	vm1 =	vnez.u8 v4;
	v4 =	vld [tilespmem:$0x1EA90];
	_ =	sdelay $0x4  }
0x4a4: {  	v33 =	vsel vm1, v7, v4;
	v4 =	vld [tilespmem:$0x1EAB0];
	_ =	sdelay $0x4  }
0x4a5: {  	vm1 =	vnez.u8 v4;
	v4 =	vld [tilespmem:$0x1EAC0];
	_ =	sdelay $0x4  }
0x4a6: {  	v48 =	vsel vm1, v4, v48;
	v4 =	vld [tilespmem:$0x1EAD0];
	_ =	sdelay $0x3  }
0x4a7: {  	[tilespmem:$0x1EAE0] =	vst v19  }
0x4a8: {  	vm1 =	vnez.u8 v4;
	v4 =	vld [tilespmem:$0x1EAE0];
	_ =	sdelay $0x4  }
0x4a9: {  	v44 =	vsel vm1, v4, v44;
	v4 =	vld [tilespmem:$0x1EAF0];
	_ =	sdelay $0x2  }
0x4aa: {  	[tilespmem:$0x1EB10] =	vst v53  }
0x4ab: {  	[tilespmem:$0x1EB00] =	vst v13;
	v7 =	vld [tilespmem:$0x1EB10]  }
0x4ac: {  	vm1 =	vnez.u8 v4;
	v4 =	vld [tilespmem:$0x1EB00];
	_ =	sdelay $0x4  }
0x4ad: {  	v7 =	vsel vm1, v7, v4;
	v4 =	vld [tilespmem:$0x1EB20];
	_ =	sdelay $0x1  }
0x4ae: {  	[tilespmem:$0x1ED00] =	vst v10  }
0x4af: {  	[tilespmem:$0x1EB40] =	vst v59  }
0x4b0: {  	vm14 =	vgt.s32 v20, v10;
	v10 =	vld [tilespmem:$0x1EB40];
	[tilespmem:$0x1EB30] =	vst v14  }
0x4b1: {  	vm1 =	vnez.u8 v4;
	v4 =	vld [tilespmem:$0x1EB30];
	_ =	sdelay $0x4  }
0x4b2: {  	[tilespmem:$0x1ECF0] =	vst v32;
	vm13 =	vgt.s32 v32, v24;
	v32 =	vsel vm1, v10, v4;
	v4 =	vld [tilespmem:$0x1EB50];
	_ =	sdelay $0x3  }
0x4b3: {  	v10 =	vld [tilespmem:$0x1EB70]  }
0x4b4: {  	vm1 =	vnez.u8 v4;
	v4 =	vld [tilespmem:$0x1EB60];
	_ =	sdelay $0x4  }
0x4b5: {  	v38 =	vsel vm1, v10, v4;
	v4 =	vld [tilespmem:$0x1EB80];
	_ =	sdelay $0x4  }
0x4b6: {  	vm1 =	vnez.u8 v4;
	v4 =	vld [tilespmem:$0x1EB90];
	_ =	sdelay $0x4  }
0x4b7: {  	v52 =	vsel vm1, v58, v52;
	vm1 =	vnez.u8 v4;
	v4 =	vld [tilespmem:$0x1EBA0];
	_ =	sdelay $0x4  }
0x4b8: {  	v39 =	vsel vm1, v47, v39;
	vm1 =	vnez.u8 v4;
	v4 =	vld [tilespmem:$0x1EBB0];
	_ =	sdelay $0x4  }
0x4b9: {  	v10 =	vsel vm1, v34, v28;
	vm1 =	vnez.u8 v4;
	v4 =	vld [tilespmem:$0x1EBC0];
	_ =	sdelay $0x4  }
0x4ba: {  	v16 =	vsel vm1, v27, v16;
	vm1 =	vnez.u8 v4;
	v4 =	vld [tilespmem:$0x1EBD0];
	_ =	sdelay $0x4  }
0x4bb: {  	v20 =	vsel vm1, v29, v4;
	v4 =	vld [tilespmem:$0x1EBE0];
	_ =	sdelay $0x4  }
0x4bc: {  	vm1 =	vnez.u8 v4;
	v4 =	vld [tilespmem:$0x1EBF0];
	_ =	sdelay $0x3  }
0x4bd: {  	v55 =	vmov v12  }
0x4be: {  	[tilespmem:$0x1ECE0] =	vst v24;
	v24 =	vsel vm1, v55, v4;
	v4 =	vld [tilespmem:$0x1EC00];
	_ =	sdelay $0x2  }
0x4bf: {  	[tilespmem:$0x1EC20] =	vst v60;
	v21 =	vshll.u32 v46, $0x10;
	v60 =	vshll.u32 v30, $0x10  }
0x4c0: {  	[tilespmem:$0x1EC10] =	vst v54;
	vm0 =	vgt.s32 v21, v60;
	v27 =	vld [tilespmem:$0x1EC20]  }
0x4c1: {  	v21 =	vsel vm0, v21, v60;
	vm0 =	vnez.u8 v4;
	v4 =	vld [tilespmem:$0x1EC10];
	_ =	sdelay $0x3  }
0x4c2: {  	v19 =	vld [tilespmem:$0x1E840]  }
0x4c3: {  	v34 =	vsel vm0, v27, v4;
	v4 =	vld [tilespmem:$0x1EC30]  }
0x4c4: {  	[tilespmem:$0x1EC70] =	vst v0;
	v0 =	vld [tilespmem:$0x1E850]  }
0x4c5: {  	v2 =	vld [tilespmem:$0x1E820]  }
0x4c6: {  	v14 =	vld [tilespmem:$0x1E7E0]  }
0x4c7: {  	v12 =	vld [tilespmem:$0x1E7F0]  }
0x4c8: {  	v53 =	vshll.u32 v35, $0x10;
	v59 =	vshll.u32 v43, $0x10;
	vm0 =	vnez.u8 v4;
	v4 =	vld [tilespmem:$0x1EC40]  }
0x4c9: {  	[tilespmem:$0x1EC90] =	vst v56;
	vm11 =	vgt.s32 v59, v53;
	v54 =	vld [tilespmem:$0x1E870];
	vm6 =	vgt.s32 v19, v0  }
0x4ca: {  	v47 =	vsel vm11, v59, v53;
	v53 =	vsel vm5, v1, v57;
	v57 =	vsel vm6, v19, v0;
	v0 =	vld [tilespmem:$0x1EC90]  }
0x4cb: {  	v13 =	vld [tilespmem:$0x1E810]  }
0x4cc: {  	v15 =	vld [tilespmem:$0x1E880]  }
0x4cd: {  	v58 =	vsel vm0, v26, v17;
	vm0 =	vnez.u8 v4;
	v4 =	vld [tilespmem:$0x1EC50]  }
0x4ce: {  	vm2 =	vgt.s32 v14, v12;
	vm8 =	vgt.s32 v54, v56;
	v1 =	vld [tilespmem:$0x1ECB0]  }
0x4cf: {  	v59 =	vsel vm2, v14, v12;
	v14 =	vsel vm8, v54, v0;
	v0 =	vld [tilespmem:$0x1ECA0];
	_ =	sdelay $0x2  }
0x4d0: {  	v17 =	vsel vm0, v4, v25;
	v4 =	vld [tilespmem:$0x1EC60]  }
0x4d1: {  	[tilespmem:$0x1ECD0] =	vst v61;
	v3 =	vld [tilespmem:$0x1E860];
	vm4 =	vgt.s32 v13, v2;
	vm9 =	vgt.s32 v15, v41  }
0x4d2: {  	v56 =	vsel vm4, v13, v2;
	v13 =	vsel vm9, v15, v41;
	v15 =	vmovc v17;
	v17 =	vsel vm10, v1, v0;
	v0 =	vld [tilespmem:$0x1ECC0]  }
0x4d3: {  	v1 =	vld [tilespmem:$0x1ECD0];
	_ =	sdelay $0x1  }
0x4d4: {  	vm0 =	vnez.u8 v4;
	v4 =	vld [tilespmem:$0x1EC70];
	_ =	sdelay $0x1  }
0x4d5: {  	vm7 =	vgt.s32 v3, v45  }
0x4d6: {  	v12 =	vsel vm7, v3, v45;
	v45 =	vsel vm12, v1, v0;
	v0 =	vld [tilespmem:$0x1ECE0]  }
0x4d7: {  	v1 =	vld [tilespmem:$0x1ECF0]  }
0x4d8: {  	v9 =	vsel vm0, v23, v9;
	vm0 =	vnez.u8 v4;
	v4 =	vld [tilespmem:$0x1EC80];
	_ =	sdelay $0x4  }
0x4d9: {  	v61 =	vsel vm3, v18, v4;
	v18 =	vsel vm13, v1, v0;
	v0 =	vld [tilespmem:$0x1ED00]  }
0x4da: {  	v1 =	vld [tilespmem:$0x1ED10];
	_ =	sdelay $0x4  }
0x4db: {  	v4 =	vmov v21;
	v21 =	vsel vm14, v1, v0;
	v0 =	vld [tilespmem:$0x1ED20];
	_ =	sdelay $0x4  }
0x4dc: {  	v55 =	vsel vm0, v22, v11;
	v11 =	vmov v24;
	v24 =	vsel vm15, v31, v0;
	v0 =	vld [tilespmem:$0x1ED30];
	_ =	sdelay $0x3  }
0x4dd: {  	v1 =	vld [tilespmem:$0x1ED50]  }
0x4de: {  	vm0 =	vnez.u8 v0;
	v0 =	vld [tilespmem:$0x1ED40];
	_ =	sdelay $0x4  }
0x4df: {  	v29 =	vsel vm0, v1, v0;
	v0 =	vld [tilespmem:$0x1ED60];
	_ =	sdelay $0x4  }
0x4e0: {  	vm0 =	vnez.u8 v0;
	v0 =	vld [tilespmem:$0x1ED70];
	_ =	sdelay $0x4  }
0x4e1: {  	v31 =	vsel vm0, v0, v62;
	v0 =	vld [tilespmem:$0x1ED80];
	_ =	sdelay $0x4  }
0x4e2: {  	vm0 =	vnez.u8 v0  }
0x4e3: {  	v60 =	vmov v10;
	v26 =	vsel vm0, v43, v35;
	v43 =	vmov v9  }
0x4e4: {  	vm15 =	vgt.s32 v60, v16;
	v1 =	vmovc v16;
	v16 =	vimm.s32 $0x0;
	vm6 =	vgt.s32 v15, v43  }
0x4e5: {  	v16 =	vsel vm6, $0xFFFFFFFF, v16  }
0x4e6: {  	vm6 =	vgt.s32 v55, v59;
	[tilespmem:$0x1EF20] =	vst v16;
	v16 =	vimm.s32 $0x0  }
0x4e7: {  	v16 =	vsel vm6, $0xFFFFFFFF, v16  }
0x4e8: {  	v19 =	vld [tilespmem:$0x1ED90];
	vm11 =	vgt.s32 v53, v57;
	[tilespmem:$0x1EF30] =	vst v16;
	v16 =	vimm.s32 $0x0  }
0x4e9: {  	v16 =	vsel vm11, $0xFFFFFFFF, v16  }
0x4ea: {  	vm11 =	vgt.s32 v12, v14;
	[tilespmem:$0x1EF40] =	vst v16;
	v16 =	vimm.s32 $0x0  }
0x4eb: {  	v16 =	vsel vm11, $0xFFFFFFFF, v16  }
0x4ec: {  	vm11 =	vgt.s32 v13, v17;
	[tilespmem:$0x1EF50] =	vst v16;
	v16 =	vimm.s32 $0x0  }
0x4ed: {  	v0 =	vimm.s32 $0x0;
	vm0 =	vgt.s32 v19, v5;
	v16 =	vsel vm11, $0xFFFFFFFF, v16  }
0x4ee: {  	v0 =	vsel vm0, $0xFFFFFFFF, v0;
	vm11 =	vgt.s32 v45, v18;
	[tilespmem:$0x1EF60] =	vst v16;
	v16 =	vimm.s32 $0x0  }
0x4ef: {  	[tilespmem:$0x1EDB0] =	vst v0;
	v16 =	vsel vm11, $0xFFFFFFFF, v16  }
0x4f0: {  	[tilespmem:$0x1EF70] =	vst v16;
	v16 =	vld [tilespmem:$0x1EDB0];
	_ =	sdelay $0x2  }
0x4f1: {  	vm0 =	vgt.s32 v50, v49;
	v0 =	vimm.s32 $0x0  }
0x4f2: {  	v0 =	vsel vm0, $0xFFFFFFFF, v0  }
0x4f3: {  	[tilespmem:$0x1EDC0] =	vst v0;
	v0 =	vld [tilespmem:$0x1EDA0];
	vm6 =	vnez.u8 v16  }
0x4f4: {  	vm4 =	vgt.s32 v37, v36;
	v3 =	vmov v36;
	v36 =	vsel vm6, v19, v5;
	v5 =	vld [tilespmem:$0x1EDC0]  }
0x4f5: {  	v2 =	vmovc v37;
	v37 =	vmovc v38;
	v27 =	vmov v7;
	v7 =	vmov v44;
	v38 =	vmov v34  }
0x4f6: {  	vm5 =	vgt.s32 v40, v6;
	vm2 =	vgt.s32 v7, v27;
	vm9 =	vgt.s32 v38, v58  }
0x4f7: {  	p1 =	slt.u32 s31, $0x3C;
	vm8 =	vgt.s32 v20, v11;
	vm3 =	vgt.s32 v42, v51;
	vm13 =	vgt.s32 v32, v37  }
.Ltmp5:
0x4f8: {  	v10 =	vmovc v51;
	vm10 =	vgt.s32 v47, v4;
	vm7 =	vgt.s32 v61, v56;
	vm0 =	vnez.u8 v0;
	(pc) =	sbr.rel @p1 .LBB2_11-.Ltmp5, $4  }
0x4f9: {  	v44 =	vmovc v39;
	vm14 =	vgt.s32 v52, v39;
	v35 =	vmovc v33;
	v33 =	vsel vm0, v46, v30;
	vm6 =	vnez.u8 v5  }
0x4fa: {  	v34 =	vmovc v40;
	v40 =	vmovc v48;
	v5 =	vimm.s32 $0x0;
	v39 =	vsel vm6, v50, v49;
	vm6 =	vgt.s32 v26, v33  }
0x4fb: {  	v51 =	vmovc v52;
	v62 =	vmovc v20;
	vm12 =	vgt.s32 v29, v31;
	vm1 =	vgt.s32 v35, v48;
	v5 =	vsel vm6, $0xFFFFFFFF, v5  }
0x4fc: {  	s12 =	sor.u32 s14, s15;
	s0 =	sor.u32 s24, s15;
	s1 =	sor.u32 s8, s15;
	v9 =	vmovc v63;
	v0 =	vmov v42;
	vm0 =	vgt.s32 v8, v63;
	vm11 =	vgt.s32 v21, v24;
	[tilespmem:$0x1EF90] =	vst v5  }
0x4fd: {  	v0 =	vsel vm3, v0, v10;
	v10 =	vsel vm10, v47, v4;
	v4 =	vld [tilespmem:$0x1EF20];
	_ =	sdelay $0x4  }
0x4fe: {  	v8 =	vsel vm0, v8, v9;
	vm0 =	vnez.u8 v4;
	v4 =	vld [tilespmem:$0x1EF30]  }
0x4ff: {  	v19 =	vsel vm2, v7, v27;
	v7 =	vld [tilespmem:$0x1EF40]  }
0x500: {  	v3 =	vsel vm4, v2, v3;
	v2 =	vsel vm8, v62, v11;
	v11 =	vld [tilespmem:$0x1EF50];
	_ =	sdelay $0x2  }
0x501: {  	v25 =	vsel vm0, v15, v43;
	vm0 =	vnez.u8 v4  }
0x502: {  	v16 =	vld [tilespmem:$0x1EF90];
	v4 =	vsel vm0, v55, v59;
	vm0 =	vnez.u8 v7  }
0x503: {  	v7 =	vsel vm0, v53, v57;
	vm0 =	vnez.u8 v11  }
0x504: {  	v6 =	vsel vm5, v34, v6;
	v9 =	vsel vm1, v35, v40;
	v11 =	vsel vm0, v12, v14;
	v12 =	vld [tilespmem:$0x1EF60]  }
0x505: {  	v20 =	vsel vm13, v32, v37;
	v22 =	vsel vm14, v51, v44;
	v23 =	vsel vm15, v60, v1  }
0x506: {  	v1 =	vsel vm9, v38, v58;
	v5 =	vsel vm7, v61, v56;
	vm1 =	vgt.s32 v0, v3  }
0x507: {  	vm3 =	vgt.s32 v9, v19;
	vm4 =	vgt.s32 v20, v22;
	vm2 =	vnez.u8 v16  }
0x508: {  	v0 =	vsel vm1, v0, v3;
	v16 =	vsel vm2, v26, v33;
	vm2 =	vgt.s32 v6, v8  }
0x509: {  	v3 =	vsel vm2, v6, v8;
	v6 =	vsel vm3, v9, v19;
	vm0 =	vnez.u8 v12  }
0x50a: {  	vm5 =	vgt.s32 v2, v1;
	vm2 =	vgt.s32 v3, v6;
	v12 =	vsel vm0, v13, v17;
	v13 =	vld [tilespmem:$0x1EF70]  }
0x50b: {  	vm7 =	vgt.s32 v23, v10;
	v1 =	vsel vm5, v2, v1;
	v3 =	vsel vm2, v3, v6  }
0x50c: {  	v15 =	vsel vm12, v29, v31;
	v8 =	vsel vm4, v20, v22;
	v3 =	vshrl.u32 v3, $0x10  }
0x50d: {  	vm6 =	vgt.s32 v25, v4;
	v14 =	vsel vm11, v21, v24;
	vm8 =	vgt.s32 v5, v7  }
0x50e: {  	v2 =	vsel vm6, v25, v4;
	v4 =	vsel vm7, v23, v10;
	v5 =	vsel vm8, v5, v7  }
0x50f: {  	vm4 =	vgt.s32 v8, v4;
	vm9 =	vgt.s32 v11, v12;
	vm0 =	vnez.u8 v13  }
0x510: {  	v4 =	vsel vm4, v8, v4;
	v7 =	vsel vm9, v11, v12;
	v13 =	vsel vm0, v45, v18  }
0x511: {  	vm3 =	vgt.s32 v5, v7;
	vm0 =	vgt.s32 v36, v39;
	vm10 =	vgt.s32 v13, v14  }
0x512: {  	v17 =	vsel vm0, v36, v39;
	vm0 =	vgt.s32 v15, v16;
	v9 =	vsel vm10, v13, v14  }
0x513: {  	vm1 =	vgt.s32 v17, v0;
	v10 =	vsel vm0, v15, v16;
	vm0 =	vgt.s32 v1, v2  }
0x514: {  	v0 =	vsel vm1, v17, v0;
	vm1 =	vgt.s32 v9, v10;
	v1 =	vsel vm0, v1, v2  }
0x515: {  	v2 =	vsel vm3, v5, v7;
	v0 =	vshrl.u32 v0, $0x10;
	v1 =	vand.u32 $0xFFFF0000, v1  }
0x516: {  	v5 =	vsel vm1, v9, v10;
	v2 =	vand.u32 $0xFFFF0000, v2;
	v0 =	vor.u32 v1, v0  }
0x517: {  	v1 =	vshrl.u32 v4, $0x10;
	v2 =	vor.u32 v2, v3;
	v3 =	vand.u32 $0xFFFF0000, v5;
	[tilespmem:s12+$0x0] =	vst v0  }
0x518: {  	v0 =	vor.u32 v3, v1;
	[tilespmem:s0+$0x0] =	vst v2  }
0x519: {  	s11 =	sadd.s32 $0x100, s28;
	[tilespmem:s1+$0x0] =	vst v0  }
0x51a: {  	[hbm4b:s11+s3] =	stream.linear.scatter [tilespmem:s17], [sflag:$0x5], $0x400, $0x38;
	[tilespmem:$0x11800] =	vst v63  }
0x51b: {  	s6 =	simm.s32 @!p0 $0x9000;
	s0 =	sadd.s32 @!p0 $0x300, s29;
	s1 =	simm.s32 @!p0 $0x80  }
0x51c: {  	[tilespmem:s6], [sflag:$0x3] =	stream.indirect.gather @!p0 [hbm4b:s2+s1], $0x80, s0, s1, $0xb8;
	[tilespmem:$0x11800] =	vst v63  }
0x51d: {  	_ =	swait.ge [sflag:s23], $0x4000  }
0x51e: {  	[sflag:s23] =	ssyncset.done $0x0  }
0x51f: {  	s28 =	simm.s32 $0x0;
	s12 =	simm.s32 $0x0;
	[sflag:s23] =	ssyncadd.s32 $0xFFFFC000  }
0x520: {  	s13 =	sand.u32 $0x40, s28;
	s1 =	sand.u32 $0x3FFFF800, s12;
	_ =	swait.ge [sflag:s19], $0x400  }
0x521: {  	s14 =	sor.u32 $0x30, s13;
	s9 =	sadd.s32 $0xD000, s1;
	[sflag:s19] =	ssyncset.done $0x0  }
0x522: {  	s15 =	sor.u32 s14, s9;
	[sflag:s19] =	ssyncadd.s32 $0xFFFFFC00  }
0x523: {  	v7 =	vld [tilespmem:s15+$0x0]  }
0x524: {  	v8 =	vld [tilespmem:s15+$0x80]  }
0x525: {  	v9 =	vld [tilespmem:s15+$0x100]  }
0x526: {  	v10 =	vld [tilespmem:s15+$0x180]  }
0x527: {  	v11 =	vld [tilespmem:s15+$0x200]  }
0x528: {  	v12 =	vld [tilespmem:s15+$0x280]  }
0x529: {  	v13 =	vld [tilespmem:s15+$0x300]  }
0x52a: {  	v14 =	vld [tilespmem:s15+$0x380]  }
0x52b: {  	v15 =	vld [tilespmem:s15+$0x400]  }
0x52c: {  	v16 =	vld [tilespmem:s15+$0x480]  }
0x52d: {  	v17 =	vld [tilespmem:s15+$0x500]  }
0x52e: {  	s8 =	sor.u32 s13, s9;
	v18 =	vld [tilespmem:s15+$0x580]  }
0x52f: {  	v0 =	vld [tilespmem:s8+$0x80]  }
0x530: {  	v19 =	vld [tilespmem:s15+$0x600]  }
0x531: {  	v20 =	vld [tilespmem:s15+$0x680]  }
0x532: {  	v21 =	vld [tilespmem:s15+$0x700]  }
0x533: {  	v22 =	vld [tilespmem:s15+$0x780]  }
0x534: {  	v47 =	vld [tilespmem:s8+$0x0];
	[tilespmem:$0x1E5A0] =	vst v0  }
0x535: {  	v1 =	vld [tilespmem:s8+$0x100];
	_ =	sdelay $0x4  }
0x536: {  	[tilespmem:$0x1E5B0] =	vst v1  }
0x537: {  	v2 =	vld [tilespmem:s8+$0x200];
	_ =	sdelay $0x4  }
0x538: {  	v60 =	vld [tilespmem:s8+$0x180];
	[tilespmem:$0x1E5C0] =	vst v2  }
0x539: {  	v3 =	vld [tilespmem:s8+$0x280];
	_ =	sdelay $0x4  }
0x53a: {  	[tilespmem:$0x1E5D0] =	vst v3  }
0x53b: {  	v6 =	vld [tilespmem:s8+$0x300];
	_ =	sdelay $0x4  }
0x53c: {  	vm1 =	vgt.s32 v9, v10;
	[tilespmem:$0x1E5E0] =	vst v6  }
0x53d: {  	v25 =	vshll.u32 v9, $0x10;
	v61 =	vsel vm1, v9, v10;
	v9 =	vld [tilespmem:s8+$0x400];
	_ =	sdelay $0x4  }
0x53e: {  	vm3 =	vgt.s32 v13, v14;
	v46 =	vld [tilespmem:s8+$0x380];
	[tilespmem:$0x1E5F0] =	vst v9  }
0x53f: {  	v29 =	vshll.u32 v13, $0x10;
	v42 =	vsel vm3, v13, v14;
	v13 =	vld [tilespmem:s8+$0x500];
	_ =	sdelay $0x4  }
0x540: {  	vm4 =	vgt.s32 v15, v16;
	v50 =	vld [tilespmem:s8+$0x480];
	[tilespmem:$0x1E600] =	vst v13  }
0x541: {  	v52 =	vshll.u32 v16, $0x10;
	v62 =	vsel vm4, v15, v16;
	v16 =	vld [tilespmem:s8+$0x600];
	_ =	sdelay $0x4  }
0x542: {  	v4 =	vld [tilespmem:s8+$0x580];
	[tilespmem:$0x1E610] =	vst v16  }
0x543: {  	v31 =	vshll.u32 v15, $0x10;
	v15 =	vld [tilespmem:s8+$0x680];
	_ =	sdelay $0x4  }
0x544: {  	[tilespmem:$0x1E620] =	vst v15  }
0x545: {  	v63 =	vld [tilespmem:s8+$0x700];
	_ =	sdelay $0x3  }
0x546: {  	s24 =	sor.u32 $0x10, s13  }
0x547: {  	s11 =	sor.u32 s24, s9;
	vm0 =	vgt.s32 v7, v8;
	[tilespmem:$0x1E630] =	vst v63  }
0x548: {  	v23 =	vshll.u32 v7, $0x10;
	v59 =	vsel vm0, v7, v8;
	v7 =	vld [tilespmem:s11+$0x0];
	_ =	sdelay $0x4  }
0x549: {  	v24 =	vshll.u32 v8, $0x10;
	v8 =	vld [tilespmem:s8+$0x780];
	[tilespmem:$0x1E640] =	vst v7  }
0x54a: {  	v26 =	vshll.u32 v10, $0x10;
	v10 =	vld [tilespmem:s11+$0x100];
	_ =	sdelay $0x1  }
0x54b: {  	vm5 =	vgt.s32 v17, v18;
	vm6 =	vgt.s32 v19, v20;
	v30 =	vshll.u32 v14, $0x10  }
0x54c: {  	v53 =	vshll.u32 v17, $0x10;
	v54 =	vshll.u32 v18, $0x10;
	v56 =	vshll.u32 v20, $0x10  }
0x54d: {  	v17 =	vsel vm5, v17, v18;
	vm0 =	vgt.s32 v23, v24;
	v18 =	vsel vm6, v19, v20  }
0x54e: {  	vm3 =	vgt.s32 v29, v30;
	v20 =	vsel vm0, v23, v24;
	vm0 =	vgt.s32 v62, v17;
	v5 =	vld [tilespmem:s11+$0x80];
	[tilespmem:$0x1E650] =	vst v10  }
0x54f: {  	v23 =	vsel vm3, v29, v30;
	v30 =	vsel vm0, v62, v17;
	v17 =	vld [tilespmem:s11+$0x180];
	_ =	sdelay $0x2  }
0x550: {  	vm7 =	vgt.s32 v21, v22  }
0x551: {  	v55 =	vshll.u32 v19, $0x10;
	v19 =	vsel vm7, v21, v22  }
0x552: {  	vm10 =	vgt.s32 v18, v19;
	[tilespmem:$0x1E660] =	vst v17  }
0x553: {  	v19 =	vsel vm10, v18, v19;
	v18 =	vld [tilespmem:s11+$0x200];
	_ =	sdelay $0x2  }
0x554: {  	vm2 =	vgt.s32 v11, v12;
	vm1 =	vgt.s32 v25, v26  }
0x555: {  	v27 =	vshll.u32 v11, $0x10;
	v57 =	vshll.u32 v21, $0x10;
	v21 =	vsel vm1, v25, v26  }
0x556: {  	v28 =	vshll.u32 v12, $0x10;
	v58 =	vshll.u32 v22, $0x10;
	vm1 =	vgt.s32 v20, v21;
	[tilespmem:$0x1E670] =	vst v18  }
0x557: {  	v41 =	vsel vm2, v11, v12;
	vm2 =	vgt.s32 v27, v28;
	v20 =	vsel vm1, v20, v21;
	v21 =	vld [tilespmem:s11+$0x280]  }
0x558: {  	vm4 =	vgt.s32 v31, v52;
	vm5 =	vgt.s32 v53, v54;
	vm6 =	vgt.s32 v55, v56  }
0x559: {  	vm7 =	vgt.s32 v57, v58;
	vm8 =	vgt.s32 v59, v61;
	vm9 =	vgt.s32 v41, v42  }
0x55a: {  	v22 =	vsel vm2, v27, v28;
	v24 =	vsel vm4, v31, v52;
	v25 =	vsel vm5, v53, v54  }
0x55b: {  	v26 =	vsel vm6, v55, v56;
	v27 =	vsel vm7, v57, v58;
	v28 =	vsel vm8, v59, v61  }
0x55c: {  	v29 =	vsel vm9, v41, v42;
	vm0 =	vgt.s32 v22, v23;
	vm2 =	vgt.s32 v24, v25;
	[tilespmem:$0x1E680] =	vst v21  }
0x55d: {  	vm3 =	vgt.s32 v26, v27;
	v22 =	vsel vm0, v22, v23;
	v23 =	vsel vm2, v24, v25;
	v24 =	vld [tilespmem:s11+$0x300]  }
0x55e: {  	vm1 =	vgt.s32 v28, v29;
	vm4 =	vgt.s32 v30, v19;
	v25 =	vsel vm3, v26, v27  }
0x55f: {  	vm0 =	vgt.s32 v20, v22;
	vm2 =	vgt.s32 v23, v25;
	v27 =	vsel vm1, v28, v29  }
0x560: {  	v19 =	vsel vm4, v30, v19;
	v20 =	vsel vm0, v20, v22;
	v22 =	vsel vm2, v23, v25  }
0x561: {  	v23 =	vshll.u32 v47, $0x10;
	vm1 =	vgt.s32 v27, v19;
	v25 =	vshll.u32 v0, $0x10  }
0x562: {  	vm0 =	vgt.s32 v20, v22;
	v49 =	vsel vm1, v27, v19;
	v19 =	vshll.u32 v1, $0x10;
	[tilespmem:$0x1E690] =	vst v24  }
0x563: {  	v11 =	vmovc v47;
	v47 =	vsel vm0, v20, v22;
	vm0 =	vgt.s32 v23, v25;
	v20 =	vshll.u32 v60, $0x10;
	v42 =	vld [tilespmem:s11+$0x380]  }
0x564: {  	v0 =	vsel vm0, v23, v25;
	vm1 =	vgt.s32 v19, v20;
	v12 =	vld [tilespmem:s11+$0x400]  }
0x565: {  	v22 =	vshll.u32 v2, $0x10;
	v2 =	vsel vm1, v19, v20;
	v27 =	vshll.u32 v3, $0x10;
	v36 =	vld [tilespmem:s11+$0x480]  }
0x566: {  	vm0 =	vgt.s32 v22, v27;
	v32 =	vshll.u32 v9, $0x10;
	v34 =	vshll.u32 v50, $0x10;
	v39 =	vld [tilespmem:s11+$0x500]  }
0x567: {  	v28 =	vshll.u32 v6, $0x10;
	v30 =	vshll.u32 v46, $0x10;
	vm2 =	vgt.s32 v32, v34;
	v14 =	vld [tilespmem:s11+$0x580]  }
0x568: {  	vm1 =	vgt.s32 v28, v30;
	v35 =	vshll.u32 v13, $0x10;
	v23 =	vsel vm2, v32, v34;
	v41 =	vld [tilespmem:s11+$0x600]  }
0x569: {  	v37 =	vshll.u32 v4, $0x10;
	v38 =	vshll.u32 v16, $0x10;
	v43 =	vshll.u32 v63, $0x10;
	v13 =	vld [tilespmem:s11+$0x680]  }
0x56a: {  	s30 =	sor.u32 $0x20, s13;
	v33 =	vshll.u32 v8, $0x10;
	v45 =	vshll.u32 v7, $0x10;
	v51 =	vshll.u32 v5, $0x10;
	v31 =	vld [tilespmem:s11+$0x700]  }
0x56b: {  	s9 =	sor.u32 s30, s9;
	v52 =	vshll.u32 v10, $0x10;
	v53 =	vshll.u32 v17, $0x10;
	v54 =	vshll.u32 v18, $0x10;
	v17 =	vld [tilespmem:s11+$0x780];
	[tilespmem:$0x1E6A0] =	vst v0  }
0x56c: {  	v55 =	vshll.u32 v21, $0x10;
	v56 =	vshll.u32 v24, $0x10;
	v29 =	vld [tilespmem:s9+$0x0];
	[tilespmem:$0x1E6B0] =	vst v2;
	v2 =	vsel vm0, v22, v27  }
0x56d: {  	vm0 =	vgt.s32 v35, v37;
	v16 =	vld [tilespmem:s9+$0x80];
	[tilespmem:$0x1E6C0] =	vst v2;
	v2 =	vsel vm1, v28, v30;
	vm1 =	vgt.s32 v43, v33  }
0x56e: {  	v25 =	vsel vm0, v35, v37;
	vm0 =	vgt.s32 v45, v51;
	v26 =	vld [tilespmem:s9+$0x100];
	[tilespmem:$0x1E6D0] =	vst v2;
	v34 =	vsel vm1, v43, v33  }
0x56f: {  	vm1 =	vgt.s32 v52, v53;
	v35 =	vsel vm0, v45, v51;
	vm0 =	vgt.s32 v54, v55;
	v18 =	vld [tilespmem:s9+$0x180]  }
0x570: {  	v24 =	vld [tilespmem:s9+$0x200];
	v6 =	vsel vm1, v52, v53;
	v52 =	vsel vm0, v54, v55;
	v48 =	vshll.u32 v42, $0x10  }
0x571: {  	v21 =	vld [tilespmem:s9+$0x280];
	v58 =	vshll.u32 v12, $0x10;
	v59 =	vshll.u32 v36, $0x10;
	vm0 =	vgt.s32 v56, v48  }
0x572: {  	v40 =	vshll.u32 v15, $0x10;
	v20 =	vld [tilespmem:s9+$0x300];
	v9 =	vsel vm0, v56, v48;
	vm0 =	vgt.s32 v58, v59  }
0x573: {  	vm3 =	vgt.s32 v38, v40;
	v28 =	vld [tilespmem:s9+$0x380];
	v2 =	vsel vm0, v58, v59  }
0x574: {  	v19 =	vsel vm3, v38, v40;
	v1 =	vshll.u32 v41, $0x10;
	v0 =	vshll.u32 v13, $0x10;
	v48 =	vld [tilespmem:s9+$0x400];
	[tilespmem:$0x1E6E0] =	vst v2  }
0x575: {  	v61 =	vshll.u32 v39, $0x10;
	v62 =	vshll.u32 v14, $0x10;
	vm0 =	vgt.s32 v1, v0;
	v22 =	vld [tilespmem:s9+$0x480]  }
0x576: {  	v37 =	vshll.u32 v31, $0x10;
	v38 =	vshll.u32 v17, $0x10;
	v7 =	vsel vm0, v1, v0;
	v30 =	vld [tilespmem:s9+$0x500]  }
0x577: {  	vm0 =	vgt.s32 v37, v38;
	v0 =	vshll.u32 v26, $0x10;
	v1 =	vshll.u32 v18, $0x10;
	v63 =	vld [tilespmem:s9+$0x580]  }
0x578: {  	vm1 =	vgt.s32 v61, v62;
	v27 =	vsel vm0, v37, v38;
	vm0 =	vgt.s32 v0, v1  }
0x579: {  	v37 =	vsel vm0, v0, v1;
	v0 =	vshll.u32 v24, $0x10;
	v1 =	vshll.u32 v21, $0x10  }
0x57a: {  	v2 =	vsel vm1, v61, v62;
	vm0 =	vgt.s32 v0, v1  }
0x57b: {  	v38 =	vshll.u32 v48, $0x10;
	v51 =	vsel vm0, v0, v1;
	v57 =	vshll.u32 v22, $0x10  }
0x57c: {  	v1 =	vshll.u32 v30, $0x10;
	v58 =	vshll.u32 v63, $0x10;
	vm0 =	vgt.s32 v38, v57  }
0x57d: {  	v40 =	vmov v2;
	v2 =	vsel vm0, v38, v57;
	vm0 =	vgt.s32 v1, v58  }
0x57e: {  	v0 =	vand.u32 $0xFFFF0000, v49;
	v49 =	vsel vm0, v1, v58;
	v1 =	vld [tilespmem:$0x1E5A0]  }
0x57f: {  	v55 =	vshll.u32 v29, $0x10;
	v59 =	vshll.u32 v16, $0x10;
	v10 =	vld [tilespmem:s9+$0x600]  }
0x580: {  	vm1 =	vgt.s32 v55, v59;
	v44 =	vshll.u32 v20, $0x10;
	v33 =	vshll.u32 v28, $0x10;
	v3 =	vld [tilespmem:s9+$0x680]  }
0x581: {  	v32 =	vsel vm1, v55, v59;
	vm1 =	vgt.s32 v44, v33;
	v54 =	vld [tilespmem:s9+$0x700]  }
0x582: {  	v44 =	vsel vm1, v44, v33;
	v33 =	vld [tilespmem:s9+$0x780]  }
0x583: {  	vm0 =	vgt.s32 v11, v1  }
0x584: {  	v62 =	vsel vm0, v11, v1;
	v1 =	vld [tilespmem:$0x1E5B0]  }
0x585: {  	v47 =	vshrl.u32 v47, $0x10;
	v15 =	vshll.u32 v10, $0x10;
	v59 =	vshll.u32 v3, $0x10  }
0x586: {  	v0 =	vor.u32 v0, v47;
	vm1 =	vgt.s32 v15, v59  }
0x587: {  	[tilespmem:$0x1E750] =	vst v0;
	v0 =	vshll.u32 v54, $0x10;
	v47 =	vsel vm1, v15, v59;
	v15 =	vshll.u32 v33, $0x10  }
0x588: {  	vm1 =	vgt.s32 v0, v15  }
0x589: {  	v11 =	vsel vm1, v0, v15;
	v0 =	vld [tilespmem:$0x1E5C0];
	vm0 =	vgt.s32 v1, v60  }
0x58a: {  	v45 =	vsel vm0, v1, v60;
	v1 =	vld [tilespmem:$0x1E5D0];
	_ =	sdelay $0x4  }
0x58b: {  	vm0 =	vgt.s32 v0, v1  }
0x58c: {  	v38 =	vsel vm0, v0, v1;
	v0 =	vld [tilespmem:$0x1E5E0];
	_ =	sdelay $0x4  }
0x58d: {  	vm0 =	vgt.s32 v0, v46  }
0x58e: {  	v58 =	vsel vm0, v0, v46;
	v0 =	vld [tilespmem:$0x1E600];
	_ =	sdelay $0x4  }
0x58f: {  	v60 =	vmov v2;
	v2 =	vld [tilespmem:$0x1E620];
	vm0 =	vgt.s32 v0, v4  }
0x590: {  	v43 =	vsel vm0, v0, v4;
	v0 =	vld [tilespmem:$0x1E610];
	_ =	sdelay $0x4  }
0x591: {  	v61 =	vld [tilespmem:$0x1E5F0];
	vm0 =	vgt.s32 v0, v2  }
0x592: {  	v55 =	vsel vm0, v0, v2;
	v0 =	vld [tilespmem:$0x1E640];
	_ =	sdelay $0x1  }
0x593: {  	v4 =	vld [tilespmem:$0x1E630];
	_ =	sdelay $0x2  }
0x594: {  	vm1 =	vgt.s32 v61, v50;
	v1 =	vld [tilespmem:$0x1E660];
	vm0 =	vgt.s32 v0, v5  }
0x595: {  	v15 =	vsel vm1, v61, v50;
	v61 =	vsel vm0, v0, v5;
	v0 =	vld [tilespmem:$0x1E650]  }
0x596: {  	vm1 =	vgt.s32 v4, v8;
	v2 =	vld [tilespmem:$0x1E670]  }
0x597: {  	v59 =	vsel vm1, v4, v8;
	v4 =	vmov v11;
	v11 =	vld [tilespmem:$0x1E680];
	_ =	sdelay $0x2  }
0x598: {  	vm0 =	vgt.s32 v0, v1  }
0x599: {  	v56 =	vsel vm0, v0, v1;
	v0 =	vld [tilespmem:$0x1E690]  }
0x59a: {  	vm6 =	vgt.s32 v15, v43;
	vm1 =	vgt.s32 v2, v11  }
0x59b: {  	v53 =	vsel vm1, v2, v11;
	vm1 =	vgt.s32 v39, v14;
	v5 =	vimm.s32 $0x0  }
0x59c: {  	v14 =	vsel vm1, v39, v14;
	vm1 =	vgt.s32 v29, v16;
	v5 =	vsel vm6, $0xFFFFFFFF, v5  }
0x59d: {  	v11 =	vmovc v45;
	vm6 =	vgt.s32 v55, v59;
	v45 =	vsel vm1, v29, v16;
	[tilespmem:$0x1E6F0] =	vst v5;
	v5 =	vimm.s32 $0x0  }
0x59e: {  	vm1 =	vgt.s32 v20, v28;
	v5 =	vsel vm6, $0xFFFFFFFF, v5;
	vm0 =	vgt.s32 v0, v42  }
0x59f: {  	[tilespmem:$0x1E700] =	vst v5;
	v5 =	vimm.s32 $0x0;
	v57 =	vsel vm0, v0, v42;
	vm0 =	vgt.s32 v12, v36  }
0x5a0: {  	v12 =	vsel vm0, v12, v36;
	vm0 =	vgt.s32 v41, v13;
	vm7 =	vgt.s32 v53, v57  }
0x5a1: {  	v13 =	vsel vm0, v41, v13;
	vm0 =	vgt.s32 v31, v17;
	v5 =	vsel vm7, $0xFFFFFFFF, v5  }
0x5a2: {  	vm7 =	vgt.s32 v12, v14;
	v17 =	vsel vm0, v31, v17;
	vm0 =	vgt.s32 v26, v18  }
0x5a3: {  	[tilespmem:$0x1E710] =	vst v5;
	v5 =	vimm.s32 $0x0;
	v18 =	vsel vm0, v26, v18;
	vm0 =	vgt.s32 v24, v21  }
0x5a4: {  	v2 =	vld [tilespmem:$0x1E6C0];
	v21 =	vsel vm0, v24, v21;
	v24 =	vsel vm1, v20, v28;
	vm1 =	vgt.s32 v10, v3  }
0x5a5: {  	vm3 =	vgt.s32 v23, v25;
	v5 =	vsel vm7, $0xFFFFFFFF, v5;
	v26 =	vsel vm1, v10, v3;
	v3 =	vld [tilespmem:$0x1E6D0]  }
0x5a6: {  	vm4 =	vgt.s32 v19, v34;
	vm7 =	vgt.s32 v13, v17;
	[tilespmem:$0x1E720] =	vst v5;
	v5 =	vimm.s32 $0x0  }
0x5a7: {  	vm5 =	vgt.s32 v35, v6;
	vm2 =	vgt.s32 v7, v27;
	v5 =	vsel vm7, $0xFFFFFFFF, v5  }
0x5a8: {  	vm13 =	vgt.s32 v32, v37;
	v1 =	vld [tilespmem:$0x1E6B0];
	vm7 =	vgt.s32 v45, v18;
	[tilespmem:$0x1E730] =	vst v5;
	v5 =	vimm.s32 $0x0  }
0x5a9: {  	vm14 =	vgt.s32 v51, v44;
	vm15 =	vgt.s32 v60, v49;
	v0 =	vld [tilespmem:$0x1E6A0];
	v5 =	vsel vm7, $0xFFFFFFFF, v5  }
0x5aa: {  	vm9 =	vgt.s32 v38, v58;
	vm10 =	vgt.s32 v47, v4;
	[tilespmem:$0x1E740] =	vst v5;
	v5 =	vld [tilespmem:$0x1E750];
	vm1 =	vgt.s32 v2, v3  }
0x5ab: {  	vm0 =	vgt.s32 v48, v22;
	v39 =	vsel vm1, v2, v3;
	v3 =	vmovc v34;
	v34 =	vmov v35;
	v35 =	vld [tilespmem:$0x1E6E0]  }
0x5ac: {  	s31 =	simm.s32 $0x0;
	vm8 =	vgt.s32 v62, v11;
	v29 =	vsel vm0, v48, v22;
	vm0 =	vgt.s32 v30, v63  }
0x5ad: {  	s9 =	sand.u32 $0x3FFFFF80, s31;
	v8 =	vmovc v52;
	vm6 =	vgt.s32 v61, v56;
	v31 =	vsel vm0, v30, v63;
	vm0 =	vgt.s32 v54, v33  }
0x5ae: {  	s9 =	sadd.s32 $0x11400, s9;
	v10 =	vmovc v25;
	vm11 =	vgt.s32 v21, v24;
	v33 =	vsel vm0, v54, v33;
	vm0 =	vgt.s32 v0, v1  }
0x5af: {  	s29 =	simm.s32 $0x0;
	s1 =	sor.u32 s14, s9;
	vm12 =	vgt.s32 v29, v31;
	v36 =	vsel vm0, v0, v1;
	v0 =	vmovc v23;
	vm0 =	vgt.s32 v52, v9  }
0x5b0: {  	s12 =	sor.u32 s13, s9;
	s0 =	sor.u32 s24, s9;
	v1 =	vmovc v49;
	vm7 =	vgt.s32 v26, v33;
	v2 =	vmov v19;
	[tilespmem:s1+$0x0] =	vst v5;
	s1 =	sor.u32 s30, s9;
	vm1 =	vgt.s32 v35, v40  }
.LBB2_13:
0x5b1: {  	v19 =	vsel vm3, v0, v10;
	v20 =	vsel vm4, v2, v3;
	v22 =	vsel vm5, v34, v6  }
0x5b2: {  	v23 =	vsel vm0, v8, v9;
	v25 =	vsel vm1, v35, v40;
	v27 =	vsel vm2, v7, v27;
	v3 =	vld [tilespmem:$0x1E6F0]  }
0x5b3: {  	s29 =	sadd.s32 $0x4, s29;
	v28 =	vsel vm13, v32, v37;
	v54 =	vsel vm15, v60, v1;
	v1 =	vsel vm10, v47, v4;
	v4 =	vld [tilespmem:$0x1E700]  }
0x5b4: {  	s28 =	sadd.s32 $0x40, s28;
	v30 =	vsel vm14, v51, v44;
	v0 =	vsel vm8, v62, v11;
	v2 =	vsel vm9, v38, v58;
	v6 =	vld [tilespmem:$0x1E710];
	s6 =	sshll.u32 s29, $0x8  }
0x5b5: {  	v5 =	vsel vm6, v61, v56;
	v7 =	vld [tilespmem:$0x1E720];
	v10 =	vsel vm11, v21, v24;
	s14 =	sand.u32 $0x40, s28;
	vm1 =	vgt.s32 v19, v20;
	s6 =	sand.u32 $0x3FFFF800, s6  }
0x5b6: {  	v8 =	vld [tilespmem:$0x1E730];
	vm2 =	vgt.s32 v22, v23;
	vm3 =	vgt.s32 v25, v27;
	vm4 =	vgt.s32 v28, v30;
	s9 =	sor.u32 $0x30, s14;
	s13 =	sadd.s32 $0xD000, s6  }
0x5b7: {  	v9 =	vld [tilespmem:$0x1E740];
	vm5 =	vgt.s32 v0, v2;
	v19 =	vsel vm1, v19, v20;
	v22 =	vsel vm2, v22, v23;
	s15 =	sor.u32 s9, s13  }
0x5b8: {  	v23 =	vsel vm3, v25, v27;
	v25 =	vsel vm4, v28, v30;
	vm0 =	vnez.u8 v3;
	v16 =	vld [tilespmem:s15+$0x180]  }
0x5b9: {  	v0 =	vsel vm5, v0, v2;
	vm2 =	vgt.s32 v22, v23;
	v21 =	vld [tilespmem:s15+$0x300];
	v3 =	vsel vm0, v15, v43  }
0x5ba: {  	v20 =	vld [tilespmem:s15+$0x380];
	vm0 =	vnez.u8 v4;
	v15 =	vsel vm7, v26, v33;
	vm7 =	vgt.s32 v54, v1  }
0x5bb: {  	v27 =	vld [tilespmem:s15+$0x480];
	v4 =	vsel vm0, v55, v59;
	vm0 =	vnez.u8 v6;
	v1 =	vsel vm7, v54, v1  }
0x5bc: {  	v28 =	vld [tilespmem:s15+$0x500];
	v6 =	vsel vm0, v53, v57;
	vm0 =	vnez.u8 v7;
	vm6 =	vgt.s32 v3, v4  }
0x5bd: {  	vm4 =	vgt.s32 v25, v1;
	v7 =	vsel vm0, v12, v14;
	vm0 =	vnez.u8 v8  }
0x5be: {  	v26 =	vld [tilespmem:s15+$0x400];
	vm8 =	vgt.s32 v5, v6;
	v2 =	vsel vm6, v3, v4;
	v1 =	vsel vm4, v25, v1  }
0x5bf: {  	v8 =	vsel vm0, v13, v17;
	vm0 =	vnez.u8 v9;
	v13 =	vsel vm12, v29, v31  }
0x5c0: {  	v3 =	vsel vm8, v5, v6;
	v30 =	vshll.u32 v16, $0x10;
	v33 =	vshll.u32 v21, $0x10  }
0x5c1: {  	v34 =	vshll.u32 v20, $0x10;
	v58 =	vshll.u32 v27, $0x10;
	v59 =	vshll.u32 v28, $0x10  }
0x5c2: {  	v9 =	vsel vm0, v45, v18;
	vm0 =	vgt.s32 v36, v39;
	vm9 =	vgt.s32 v7, v8  }
0x5c3: {  	v11 =	vld [tilespmem:s15+$0x0];
	vm4 =	vgt.s32 v26, v27;
	v56 =	vshll.u32 v26, $0x10;
	vm10 =	vgt.s32 v9, v10  }
0x5c4: {  	v12 =	vld [tilespmem:s15+$0x80];
	v24 =	vsel vm0, v36, v39;
	vm0 =	vgt.s32 v13, v15;
	v4 =	vsel vm9, v7, v8  }
0x5c5: {  	v8 =	vsel vm2, v22, v23;
	v26 =	vsel vm4, v26, v27;
	vm4 =	vgt.s32 v56, v58  }
0x5c6: {  	v14 =	vld [tilespmem:s15+$0x100];
	v5 =	vsel vm10, v9, v10;
	vm1 =	vgt.s32 v24, v19;
	v6 =	vsel vm0, v13, v15  }
0x5c7: {  	v17 =	vld [tilespmem:s15+$0x200];
	vm0 =	vgt.s32 v0, v2;
	vm3 =	vgt.s32 v3, v4;
	v56 =	vsel vm4, v56, v58  }
0x5c8: {  	v18 =	vld [tilespmem:s15+$0x280];
	v7 =	vsel vm1, v24, v19;
	vm1 =	vgt.s32 v5, v6;
	v0 =	vsel vm0, v0, v2  }
0x5c9: {  	v22 =	vld [tilespmem:s15+$0x700];
	v2 =	vsel vm3, v3, v4;
	v4 =	vshrl.u32 v8, $0x10;
	vm0 =	vgt.s32 v11, v12  }
0x5ca: {  	v23 =	vld [tilespmem:s15+$0x780];
	vm3 =	vgt.s32 v21, v20;
	v24 =	vshll.u32 v11, $0x10;
	v25 =	vshll.u32 v12, $0x10  }
0x5cb: {  	v13 =	vld [tilespmem:s15+$0x580];
	v29 =	vshll.u32 v14, $0x10;
	v3 =	vshrl.u32 v7, $0x10;
	v5 =	vsel vm1, v5, v6  }
0x5cc: {  	v15 =	vld [tilespmem:s15+$0x600];
	v6 =	vand.u32 $0xFFFF0000, v0;
	v2 =	vand.u32 $0xFFFF0000, v2;
	v7 =	vshrl.u32 v1, $0x10  }
0x5cd: {  	s11 =	sor.u32 s14, s13;
	v19 =	vld [tilespmem:s15+$0x680];
	vm1 =	vgt.s32 v14, v16;
	v31 =	vshll.u32 v17, $0x10;
	v52 =	vsel vm0, v11, v12  }
0x5ce: {  	v0 =	vld [tilespmem:s11+$0x0];
	v20 =	vsel vm3, v21, v20;
	vm0 =	vgt.s32 v24, v25;
	v3 =	vor.u32 v6, v3  }
0x5cf: {  	v1 =	vld [tilespmem:s11+$0x80];
	vm3 =	vgt.s32 v33, v34;
	v4 =	vor.u32 v2, v4;
	v2 =	vand.u32 $0xFFFF0000, v5;
	[tilespmem:s12+$0x0] =	vst v3  }
0x5d0: {  	vm2 =	vgt.s32 v17, v18;
	v32 =	vshll.u32 v18, $0x10;
	v5 =	vor.u32 v2, v7;
	v2 =	vld [tilespmem:s11+$0x100]  }
0x5d1: {  	v53 =	vsel vm1, v14, v16;
	vm1 =	vgt.s32 v29, v30;
	vm7 =	vgt.s32 v22, v23;
	v60 =	vld [tilespmem:s11+$0x200]  }
0x5d2: {  	[tilespmem:s0+$0x0] =	vst v4;
	v41 =	vshll.u32 v22, $0x10;
	v42 =	vshll.u32 v23, $0x10;
	v55 =	vsel vm2, v17, v18;
	v6 =	vld [tilespmem:s11+$0x300]  }
0x5d3: {  	vm2 =	vgt.s32 v31, v32;
	vm8 =	vgt.s32 v52, v53;
	vm5 =	vgt.s32 v28, v13;
	[tilespmem:s1+$0x0] =	vst v5;
	v7 =	vld [tilespmem:s11+$0x380]  }
0x5d4: {  	v61 =	vshll.u32 v13, $0x10;
	v62 =	vshll.u32 v15, $0x10;
	v9 =	vld [tilespmem:s11+$0x480];
	v22 =	vsel vm7, v22, v23;
	[tilespmem:$0x1DF40] =	vst v0  }
0x5d5: {  	v10 =	vld [tilespmem:s11+$0x500];
	vm7 =	vgt.s32 v41, v42;
	vm9 =	vgt.s32 v55, v20;
	[tilespmem:$0x1E3B0] =	vst v1;
	v35 =	vshll.u32 v1, $0x10  }
0x5d6: {  	v11 =	vld [tilespmem:s11+$0x580];
	v23 =	vsel vm0, v24, v25;
	v25 =	vsel vm1, v29, v30;
	v30 =	vsel vm3, v33, v34;
	[tilespmem:$0x1E080] =	vst v35  }
0x5d7: {  	v14 =	vld [tilespmem:s11+$0x600];
	vm6 =	vgt.s32 v15, v19;
	v63 =	vshll.u32 v19, $0x10;
	v27 =	vsel vm5, v28, v13;
	[tilespmem:$0x1DF50] =	vst v6  }
0x5d8: {  	s24 =	sor.u32 $0x10, s14;
	v47 =	vld [tilespmem:s11+$0x700];
	vm5 =	vgt.s32 v59, v61;
	v28 =	vsel vm2, v31, v32;
	v20 =	vsel vm9, v55, v20;
	[tilespmem:$0x1DF60] =	vst v7  }
0x5d9: {  	s6 =	sor.u32 s24, s13;
	v16 =	vld [tilespmem:s11+$0x780];
	vm1 =	vgt.s32 v23, v25;
	v19 =	vsel vm6, v15, v19;
	vm6 =	vgt.s32 v62, v63;
	[tilespmem:$0x1DF70] =	vst v9  }
0x5da: {  	v18 =	vld [tilespmem:s6+$0x0];
	vm0 =	vgt.s32 v26, v27;
	v58 =	vsel vm5, v59, v61;
	v61 =	vsel vm7, v41, v42;
	[tilespmem:$0x1DF80] =	vst v10  }
0x5db: {  	v24 =	vld [tilespmem:s6+$0x100];
	vm10 =	vgt.s32 v19, v22;
	v59 =	vsel vm6, v62, v63;
	v62 =	vsel vm8, v52, v53;
	[tilespmem:$0x1DF90] =	vst v11  }
0x5dc: {  	v29 =	vld [tilespmem:s6+$0x180];
	v27 =	vsel vm0, v26, v27;
	vm0 =	vgt.s32 v28, v30;
	vm2 =	vgt.s32 v56, v58;
	[tilespmem:$0x1DFA0] =	vst v14  }
0x5dd: {  	v44 =	vld [tilespmem:s6+$0x380];
	v19 =	vsel vm10, v19, v22;
	vm3 =	vgt.s32 v59, v61;
	v22 =	vsel vm1, v23, v25;
	[tilespmem:$0x1DFC0] =	vst v47  }
0x5de: {  	v33 =	vld [tilespmem:s6+$0x400];
	vm1 =	vgt.s32 v62, v20;
	v23 =	vsel vm0, v28, v30;
	v25 =	vsel vm2, v56, v58;
	[tilespmem:$0x1DFD0] =	vst v16  }
0x5df: {  	[tilespmem:$0x1DFE0] =	vst v18;
	vm4 =	vgt.s32 v27, v19;
	v28 =	vsel vm3, v59, v61;
	v12 =	vmovc v2;
	v17 =	vshll.u32 v2, $0x10;
	v2 =	vld [tilespmem:s6+$0x600]  }
0x5e0: {  	v57 =	vld [tilespmem:s11+$0x180];
	[tilespmem:$0x1DFF0] =	vst v24;
	vm0 =	vgt.s32 v22, v23;
	v30 =	vsel vm1, v62, v20;
	vm2 =	vgt.s32 v25, v28  }
0x5e1: {  	v54 =	vld [tilespmem:s11+$0x280];
	[tilespmem:$0x1E000] =	vst v29;
	v22 =	vsel vm0, v22, v23;
	v23 =	vsel vm2, v25, v28;
	v25 =	vsel vm4, v27, v19  }
0x5e2: {  	v8 =	vld [tilespmem:s11+$0x400];
	v58 =	vshll.u32 v0, $0x10;
	[tilespmem:$0x1E030] =	vst v44;
	vm0 =	vgt.s32 v22, v23;
	vm1 =	vgt.s32 v30, v25  }
0x5e3: {  	[tilespmem:$0x1E040] =	vst v33;
	v20 =	vshll.u32 v60, $0x10;
	v23 =	vsel vm0, v22, v23;
	v25 =	vsel vm1, v30, v25  }
0x5e4: {  	v5 =	vld [tilespmem:s6+$0x780];
	vm0 =	vgt.s32 v58, v35;
	[tilespmem:$0x1E060] =	vst v2;
	v19 =	vshll.u32 v2, $0x10;
	v2 =	vimm.s32 $0x0  }
0x5e5: {  	[tilespmem:$0x1E090] =	vst v58;
	v28 =	vshrl.u32 v23, $0x10;
	v23 =	vshll.u32 v57, $0x10;
	v2 =	vsel vm0, $0xFFFFFFFF, v2  }
0x5e6: {  	v13 =	vld [tilespmem:s11+$0x680];
	v27 =	vand.u32 $0xFFFF0000, v25;
	vm0 =	vgt.s32 v17, v23;
	[tilespmem:$0x1E070] =	vst v2;
	v2 =	vimm.s32 $0x0  }
0x5e7: {  	[tilespmem:$0x1E430] =	vst v8;
	v63 =	vor.u32 v27, v28;
	v28 =	vshll.u32 v54, $0x10;
	v2 =	vsel vm0, $0xFFFFFFFF, v2  }
0x5e8: {  	v31 =	vld [tilespmem:s6+$0x200];
	vm0 =	vgt.s32 v20, v28;
	[tilespmem:$0x1E0A0] =	vst v2;
	v2 =	vimm.s32 $0x0  }
0x5e9: {  	v34 =	vshll.u32 v7, $0x10;
	[tilespmem:$0x1E480] =	vst v5;
	v30 =	vshll.u32 v6, $0x10;
	v2 =	vsel vm0, $0xFFFFFFFF, v2  }
0x5ea: {  	vm0 =	vgt.s32 v30, v34;
	[tilespmem:$0x1E0D0] =	vst v2;
	v2 =	vimm.s32 $0x0  }
0x5eb: {  	v42 =	vshll.u32 v9, $0x10;
	[tilespmem:$0x1DFB0] =	vst v13;
	v25 =	vshll.u32 v8, $0x10;
	v2 =	vsel vm0, $0xFFFFFFFF, v2  }
0x5ec: {  	vm0 =	vgt.s32 v25, v42;
	[tilespmem:$0x1E100] =	vst v2;
	v2 =	vimm.s32 $0x0  }
0x5ed: {  	v39 =	vshll.u32 v10, $0x10;
	v51 =	vshll.u32 v11, $0x10;
	[tilespmem:$0x1E010] =	vst v31;
	v2 =	vsel vm0, $0xFFFFFFFF, v2  }
0x5ee: {  	v49 =	vld [tilespmem:s6+$0x80];
	vm0 =	vgt.s32 v39, v51;
	[tilespmem:$0x1E130] =	vst v2;
	v2 =	vimm.s32 $0x0  }
0x5ef: {  	v55 =	vshll.u32 v14, $0x10;
	[tilespmem:$0x1E0C0] =	vst v17;
	v37 =	vshll.u32 v13, $0x10;
	v2 =	vsel vm0, $0xFFFFFFFF, v2  }
0x5f0: {  	vm0 =	vgt.s32 v55, v37;
	[tilespmem:$0x1E150] =	vst v2;
	v2 =	vimm.s32 $0x0  }
0x5f1: {  	v47 =	vshll.u32 v47, $0x10;
	[tilespmem:$0x1E0F0] =	vst v20;
	v27 =	vshll.u32 v16, $0x10;
	v2 =	vsel vm0, $0xFFFFFFFF, v2  }
0x5f2: {  	v26 =	vld [tilespmem:s6+$0x280];
	vm0 =	vgt.s32 v47, v27;
	[tilespmem:$0x1E170] =	vst v2;
	v2 =	vimm.s32 $0x0  }
0x5f3: {  	v40 =	vshll.u32 v49, $0x10;
	[tilespmem:$0x1E110] =	vst v34;
	v16 =	vshll.u32 v18, $0x10;
	v2 =	vsel vm0, $0xFFFFFFFF, v2  }
0x5f4: {  	v41 =	vld [tilespmem:s6+$0x300];
	vm0 =	vgt.s32 v16, v40;
	[tilespmem:$0x1E190] =	vst v2;
	v2 =	vimm.s32 $0x0  }
0x5f5: {  	s30 =	sshll.u32 s29, $0x4;
	v45 =	vld [tilespmem:s6+$0x480];
	v43 =	vshll.u32 v29, $0x10;
	[tilespmem:$0x1E140] =	vst v42;
	v18 =	vshll.u32 v24, $0x10;
	v2 =	vsel vm0, $0xFFFFFFFF, v2  }
0x5f6: {  	s0 =	sand.u32 $0x3FFFFF80, s30;
	v0 =	vld [tilespmem:s6+$0x500];
	vm0 =	vgt.s32 v18, v43;
	[tilespmem:$0x1E1C0] =	vst v2;
	v2 =	vimm.s32 $0x0  }
0x5f7: {  	s31 =	sadd.s32 $0x11400, s0;
	v56 =	vld [tilespmem:s6+$0x580];
	[tilespmem:$0x1E160] =	vst v39;
	v21 =	vshll.u32 v31, $0x10;
	v29 =	vshll.u32 v26, $0x10;
	v2 =	vsel vm0, $0xFFFFFFFF, v2  }
0x5f8: {  	s9 =	sor.u32 s9, s31;
	vm0 =	vgt.s32 v21, v29;
	[tilespmem:$0x1E1E0] =	vst v2;
	v2 =	vimm.s32 $0x0  }
0x5f9: {  	s8 =	sor.u32 $0x20, s14;
	v3 =	vld [tilespmem:s6+$0x680];
	v22 =	vshll.u32 v41, $0x10;
	[tilespmem:s9+$0x0] =	vst v63;
	v63 =	vshll.u32 v44, $0x10;
	v2 =	vsel vm0, $0xFFFFFFFF, v2  }
0x5fa: {  	s13 =	sor.u32 s8, s13;
	v50 =	vld [tilespmem:s6+$0x700];
	v11 =	vshll.u32 v45, $0x10;
	vm0 =	vgt.s32 v22, v63;
	[tilespmem:$0x1E210] =	vst v2;
	v2 =	vimm.s32 $0x0  }
0x5fb: {  	v32 =	vld [tilespmem:s13+$0x100];
	v15 =	vmovc v1;
	[tilespmem:$0x1E1B0] =	vst v47;
	v36 =	vmovc v26;
	v26 =	vshll.u32 v33, $0x10;
	v1 =	vshll.u32 v0, $0x10;
	v2 =	vsel vm0, $0xFFFFFFFF, v2  }
0x5fc: {  	v61 =	vld [tilespmem:s13+$0x0];
	v48 =	vshll.u32 v56, $0x10;
	vm0 =	vgt.s32 v26, v11;
	[tilespmem:$0x1E240] =	vst v2;
	v2 =	vimm.s32 $0x0  }
0x5fd: {  	v38 =	vmovc v8;
	v8 =	vld [tilespmem:s13+$0x80];
	[tilespmem:$0x1E2A0] =	vst v1;
	v2 =	vsel vm0, $0xFFFFFFFF, v2;
	vm0 =	vgt.s32 v1, v48;
	v1 =	vimm.s32 $0x0  }
0x5fe: {  	[tilespmem:$0x1E020] =	vst v41;
	v24 =	vld [tilespmem:s13+$0x180];
	v44 =	vshll.u32 v3, $0x10;
	v1 =	vsel vm0, $0xFFFFFFFF, v1  }
0x5ff: {  	v9 =	vld [tilespmem:s13+$0x200];
	vm0 =	vgt.s32 v19, v44;
	[tilespmem:$0x1E290] =	vst v1;
	v1 =	vimm.s32 $0x0  }
0x600: {  	v10 =	vld [tilespmem:s13+$0x280];
	v53 =	vshll.u32 v50, $0x10;
	v13 =	vshll.u32 v5, $0x10;
	[tilespmem:$0x1E050] =	vst v0;
	v1 =	vsel vm0, $0xFFFFFFFF, v1  }
0x601: {  	v4 =	vld [tilespmem:s13+$0x380];
	v0 =	vshll.u32 v32, $0x10;
	vm0 =	vgt.s32 v53, v13;
	[tilespmem:$0x1E2B0] =	vst v1;
	v1 =	vimm.s32 $0x0  }
0x602: {  	[tilespmem:$0x1E220] =	vst v29;
	v41 =	vmovc v3;
	v59 =	vshll.u32 v61, $0x10;
	v3 =	vld [tilespmem:s13+$0x300];
	v14 =	vshll.u32 v8, $0x10;
	v1 =	vsel vm0, $0xFFFFFFFF, v1  }
0x603: {  	v33 =	vmovc v5;
	v5 =	vld [tilespmem:s13+$0x400];
	v17 =	vshll.u32 v24, $0x10;
	vm0 =	vgt.s32 v59, v14;
	[tilespmem:$0x1E2D0] =	vst v1;
	v1 =	vimm.s32 $0x0  }
0x604: {  	v6 =	vld [tilespmem:s13+$0x480];
	[tilespmem:$0x1E350] =	vst v0;
	v1 =	vsel vm0, $0xFFFFFFFF, v1;
	vm0 =	vgt.s32 v0, v17;
	v0 =	vimm.s32 $0x0  }
0x605: {  	v7 =	vld [tilespmem:s13+$0x500];
	[tilespmem:$0x1E280] =	vst v26;
	v58 =	vshll.u32 v9, $0x10;
	v52 =	vshll.u32 v10, $0x10;
	v0 =	vsel vm0, $0xFFFFFFFF, v0  }
0x606: {  	v62 =	vld [tilespmem:s13+$0x580];
	vm0 =	vgt.s32 v58, v52;
	[tilespmem:$0x1E330] =	vst v0;
	v0 =	vimm.s32 $0x0  }
0x607: {  	[tilespmem:$0x1E0E0] =	vst v28;
	v39 =	vshll.u32 v4, $0x10;
	v47 =	vshll.u32 v3, $0x10;
	v0 =	vsel vm0, $0xFFFFFFFF, v0  }
0x608: {  	vm0 =	vgt.s32 v47, v39;
	[tilespmem:$0x1E360] =	vst v0;
	v0 =	vimm.s32 $0x0  }
0x609: {  	[tilespmem:$0x1E1A0] =	vst v27;
	v28 =	vshll.u32 v6, $0x10;
	v34 =	vshll.u32 v5, $0x10;
	v29 =	vld [tilespmem:$0x1DF40];
	v0 =	vsel vm0, $0xFFFFFFFF, v0  }
0x60a: {  	vm0 =	vgt.s32 v34, v28;
	[tilespmem:$0x1E370] =	vst v0;
	v0 =	vimm.s32 $0x0  }
0x60b: {  	[tilespmem:$0x1E1D0] =	vst v16;
	v27 =	vshll.u32 v7, $0x10;
	v16 =	vshll.u32 v62, $0x10;
	v0 =	vsel vm0, $0xFFFFFFFF, v0  }
0x60c: {  	vm0 =	vgt.s32 v27, v16;
	[tilespmem:$0x1E380] =	vst v0;
	v0 =	vimm.s32 $0x0  }
0x60d: {  	[tilespmem:$0x1E250] =	vst v22;
	v0 =	vsel vm0, $0xFFFFFFFF, v0  }
0x60e: {  	v26 =	vld [tilespmem:$0x1DF50];
	vm0 =	vgt.s32 v29, v15;
	[tilespmem:$0x1E390] =	vst v0;
	v0 =	vimm.s32 $0x0  }
0x60f: {  	[tilespmem:$0x1E340] =	vst v17;
	v17 =	vld [tilespmem:$0x1DF60];
	v0 =	vsel vm0, $0xFFFFFFFF, v0  }
0x610: {  	vm0 =	vgt.s32 v12, v57;
	[tilespmem:$0x1E3A0] =	vst v0;
	v0 =	vimm.s32 $0x0  }
0x611: {  	[tilespmem:$0x1E0B0] =	vst v23;
	v42 =	vmov v25;
	v25 =	vld [tilespmem:$0x1DF70];
	v0 =	vsel vm0, $0xFFFFFFFF, v0  }
0x612: {  	v23 =	vld [tilespmem:$0x1DF80];
	vm0 =	vgt.s32 v60, v54;
	[tilespmem:$0x1E3C0] =	vst v0;
	v0 =	vimm.s32 $0x0  }
0x613: {  	[tilespmem:$0x1E4F0] =	vst v9;
	v20 =	vmov v9;
	v9 =	vld [tilespmem:$0x1DF90];
	v0 =	vsel vm0, $0xFFFFFFFF, v0  }
0x614: {  	v22 =	vld [tilespmem:$0x1DFA0];
	vm0 =	vgt.s32 v26, v17;
	[tilespmem:$0x1E3E0] =	vst v0;
	v0 =	vimm.s32 $0x0  }
0x615: {  	[tilespmem:$0x1E270] =	vst v11;
	v11 =	vld [tilespmem:$0x1DFB0];
	v0 =	vsel vm0, $0xFFFFFFFF, v0  }
0x616: {  	vm0 =	vgt.s32 v38, v25;
	[tilespmem:$0x1E410] =	vst v0;
	v0 =	vimm.s32 $0x0  }
0x617: {  	[tilespmem:$0x1E1F0] =	vst v43;
	v0 =	vsel vm0, $0xFFFFFFFF, v0  }
0x618: {  	vm1 =	vgt.s32 v23, v9;
	[tilespmem:$0x1E420] =	vst v0;
	v0 =	vimm.s32 $0x0  }
0x619: {  	v35 =	vld [tilespmem:s13+$0x680];
	v31 =	vmov v8;
	[tilespmem:$0x1E4A0] =	vst v8;
	v8 =	vmov v3;
	v0 =	vsel vm1, $0xFFFFFFFF, v0  }
0x61a: {  	vm15 =	vgt.s32 v8, v4;
	v43 =	vld [tilespmem:s13+$0x600];
	vm1 =	vgt.s32 v22, v11;
	[tilespmem:$0x1E440] =	vst v0;
	v0 =	vimm.s32 $0x0  }
0x61b: {  	[tilespmem:$0x1E500] =	vst v4;
	v4 =	vimm.s32 $0x0;
	v0 =	vsel vm1, $0xFFFFFFFF, v0;
	vm1 =	vgt.s32 v5, v6  }
0x61c: {  	v4 =	vsel vm1, $0xFFFFFFFF, v4  }
0x61d: {  	vm1 =	vgt.s32 v7, v62;
	[tilespmem:$0x1E510] =	vst v4;
	v4 =	vimm.s32 $0x0  }
0x61e: {  	v4 =	vsel vm1, $0xFFFFFFFF, v4  }
0x61f: {  	vm1 =	vgt.s32 v43, v35;
	[tilespmem:$0x1E540] =	vst v4;
	v4 =	vimm.s32 $0x0  }
0x620: {  	v4 =	vsel vm1, $0xFFFFFFFF, v4  }
0x621: {  	[tilespmem:$0x1E560] =	vst v4;
	v4 =	vld [tilespmem:$0x1E070];
	_ =	sdelay $0x3  }
0x622: {  	[tilespmem:$0x1E530] =	vst v5;
	v5 =	vld [tilespmem:$0x1E090]  }
0x623: {  	vm1 =	vnez.u8 v4;
	v4 =	vld [tilespmem:$0x1E080];
	_ =	sdelay $0x4  }
0x624: {  	v4 =	vsel vm1, v5, v4  }
0x625: {  	[tilespmem:$0x1E570] =	vst v4;
	v4 =	vld [tilespmem:$0x1E0A0];
	_ =	sdelay $0x1  }
0x626: {  	v46 =	vld [tilespmem:s13+$0x700]  }
0x627: {  	[tilespmem:$0x1E120] =	vst v30;
	v30 =	vld [tilespmem:s13+$0x780]  }
0x628: {  	v5 =	vld [tilespmem:$0x1E0C0]  }
0x629: {  	vm1 =	vnez.u8 v4;
	v4 =	vld [tilespmem:$0x1E0B0];
	_ =	sdelay $0x4  }
0x62a: {  	v5 =	vsel vm1, v5, v4;
	vm1 =	vgt.s32 v46, v30;
	v4 =	vimm.s32 $0x0  }
0x62b: {  	v4 =	vsel vm1, $0xFFFFFFFF, v4  }
0x62c: {  	[tilespmem:$0x1E580] =	vst v4;
	v4 =	vld [tilespmem:$0x1E0D0];
	_ =	sdelay $0x3  }
0x62d: {  	[tilespmem:$0x1E520] =	vst v6;
	v6 =	vld [tilespmem:$0x1E0F0]  }
0x62e: {  	vm1 =	vnez.u8 v4;
	v4 =	vld [tilespmem:$0x1E0E0];
	_ =	sdelay $0x4  }
0x62f: {  	[tilespmem:$0x1E490] =	vst v50;
	vm10 =	vgt.s32 v50, v33;
	v50 =	vsel vm1, v6, v4;
	v4 =	vld [tilespmem:$0x1E100];
	_ =	sdelay $0x2  }
0x630: {  	[tilespmem:$0x1E200] =	vst v18;
	v18 =	vld [tilespmem:$0x1DFE0]  }
0x631: {  	v6 =	vld [tilespmem:$0x1E120]  }
0x632: {  	vm1 =	vnez.u8 v4;
	v4 =	vld [tilespmem:$0x1E110];
	_ =	sdelay $0x4  }
0x633: {  	[tilespmem:$0x1E460] =	vst v49;
	vm3 =	vgt.s32 v18, v49;
	v49 =	vsel vm1, v6, v4;
	v4 =	vld [tilespmem:$0x1E130];
	_ =	sdelay $0x4  }
0x634: {  	vm1 =	vnez.u8 v4;
	v4 =	vld [tilespmem:$0x1E140];
	_ =	sdelay $0x4  }
0x635: {  	v42 =	vsel vm1, v42, v4;
	v4 =	vld [tilespmem:$0x1E150];
	_ =	sdelay $0x4  }
0x636: {  	vm1 =	vnez.u8 v4;
	v4 =	vld [tilespmem:$0x1E160];
	_ =	sdelay $0x4  }
0x637: {  	v51 =	vsel vm1, v4, v51;
	v4 =	vld [tilespmem:$0x1E170];
	_ =	sdelay $0x3  }
0x638: {  	[tilespmem:$0x1E180] =	vst v37  }
0x639: {  	vm1 =	vnez.u8 v4;
	v4 =	vld [tilespmem:$0x1E180];
	_ =	sdelay $0x3  }
0x63a: {  	v37 =	vmov v55  }
0x63b: {  	v37 =	vsel vm1, v37, v4;
	v4 =	vld [tilespmem:$0x1E190];
	_ =	sdelay $0x2  }
0x63c: {  	[tilespmem:$0x1E300] =	vst v1;
	v1 =	vld [tilespmem:$0x1E010]  }
0x63d: {  	v6 =	vld [tilespmem:$0x1E1B0]  }
0x63e: {  	vm1 =	vnez.u8 v4;
	v4 =	vld [tilespmem:$0x1E1A0];
	_ =	sdelay $0x4  }
0x63f: {  	[tilespmem:$0x1E3D0] =	vst v57;
	vm5 =	vgt.s32 v1, v36;
	v57 =	vmov v36;
	v36 =	vsel vm1, v6, v4;
	v4 =	vld [tilespmem:$0x1E1C0];
	_ =	sdelay $0x4  }
0x640: {  	vm1 =	vnez.u8 v4;
	v4 =	vld [tilespmem:$0x1E1D0];
	_ =	sdelay $0x4  }
0x641: {  	v40 =	vsel vm1, v4, v40;
	v4 =	vld [tilespmem:$0x1E1E0];
	_ =	sdelay $0x3  }
0x642: {  	v6 =	vld [tilespmem:$0x1E200]  }
0x643: {  	vm1 =	vnez.u8 v4;
	v4 =	vld [tilespmem:$0x1E1F0];
	_ =	sdelay $0x4  }
0x644: {  	v6 =	vsel vm1, v6, v4;
	v4 =	vld [tilespmem:$0x1E210];
	_ =	sdelay $0x2  }
0x645: {  	[tilespmem:$0x1E230] =	vst v21  }
0x646: {  	[tilespmem:$0x1E550] =	vst v7;
	v7 =	vld [tilespmem:$0x1E230]  }
0x647: {  	vm1 =	vnez.u8 v4;
	v4 =	vld [tilespmem:$0x1E220];
	_ =	sdelay $0x4  }
0x648: {  	vm12 =	vgt.s32 v61, v31;
	v31 =	vmov v8;
	v8 =	vsel vm1, v7, v4;
	v4 =	vld [tilespmem:$0x1E240];
	_ =	sdelay $0x4  }
0x649: {  	vm1 =	vnez.u8 v4;
	v4 =	vld [tilespmem:$0x1E250];
	_ =	sdelay $0x3  }
0x64a: {  	[tilespmem:$0x1E260] =	vst v2  }
0x64b: {  	v63 =	vsel vm1, v4, v63;
	v4 =	vld [tilespmem:$0x1E260];
	_ =	sdelay $0x3  }
0x64c: {  	v7 =	vld [tilespmem:$0x1E280]  }
0x64d: {  	vm1 =	vnez.u8 v4;
	v4 =	vld [tilespmem:$0x1E270];
	_ =	sdelay $0x4  }
0x64e: {  	v33 =	vsel vm1, v7, v4;
	v4 =	vld [tilespmem:$0x1E290];
	_ =	sdelay $0x4  }
0x64f: {  	vm1 =	vnez.u8 v4;
	v4 =	vld [tilespmem:$0x1E2A0];
	_ =	sdelay $0x4  }
0x650: {  	v48 =	vsel vm1, v4, v48;
	v4 =	vld [tilespmem:$0x1E2B0];
	_ =	sdelay $0x3  }
0x651: {  	[tilespmem:$0x1E2C0] =	vst v19  }
0x652: {  	vm1 =	vnez.u8 v4;
	v4 =	vld [tilespmem:$0x1E2C0];
	_ =	sdelay $0x4  }
0x653: {  	v44 =	vsel vm1, v4, v44;
	v4 =	vld [tilespmem:$0x1E2D0];
	_ =	sdelay $0x2  }
0x654: {  	[tilespmem:$0x1E2F0] =	vst v53  }
0x655: {  	[tilespmem:$0x1E2E0] =	vst v13;
	v7 =	vld [tilespmem:$0x1E2F0]  }
0x656: {  	vm1 =	vnez.u8 v4;
	v4 =	vld [tilespmem:$0x1E2E0];
	_ =	sdelay $0x4  }
0x657: {  	v7 =	vsel vm1, v7, v4;
	v4 =	vld [tilespmem:$0x1E300];
	_ =	sdelay $0x1  }
0x658: {  	[tilespmem:$0x1E4E0] =	vst v10  }
0x659: {  	[tilespmem:$0x1E320] =	vst v59  }
0x65a: {  	vm14 =	vgt.s32 v20, v10;
	v10 =	vld [tilespmem:$0x1E320];
	[tilespmem:$0x1E310] =	vst v14  }
0x65b: {  	vm1 =	vnez.u8 v4;
	v4 =	vld [tilespmem:$0x1E310];
	_ =	sdelay $0x4  }
0x65c: {  	[tilespmem:$0x1E4D0] =	vst v32;
	vm13 =	vgt.s32 v32, v24;
	v32 =	vsel vm1, v10, v4;
	v4 =	vld [tilespmem:$0x1E330];
	_ =	sdelay $0x3  }
0x65d: {  	v10 =	vld [tilespmem:$0x1E350]  }
0x65e: {  	vm1 =	vnez.u8 v4;
	v4 =	vld [tilespmem:$0x1E340];
	_ =	sdelay $0x4  }
0x65f: {  	v38 =	vsel vm1, v10, v4;
	v4 =	vld [tilespmem:$0x1E360];
	_ =	sdelay $0x4  }
0x660: {  	vm1 =	vnez.u8 v4;
	v4 =	vld [tilespmem:$0x1E370];
	_ =	sdelay $0x4  }
0x661: {  	v52 =	vsel vm1, v58, v52;
	vm1 =	vnez.u8 v4;
	v4 =	vld [tilespmem:$0x1E380];
	_ =	sdelay $0x4  }
0x662: {  	v39 =	vsel vm1, v47, v39;
	vm1 =	vnez.u8 v4;
	v4 =	vld [tilespmem:$0x1E390];
	_ =	sdelay $0x4  }
0x663: {  	v10 =	vsel vm1, v34, v28;
	vm1 =	vnez.u8 v4;
	v4 =	vld [tilespmem:$0x1E3A0];
	_ =	sdelay $0x4  }
0x664: {  	v16 =	vsel vm1, v27, v16;
	vm1 =	vnez.u8 v4;
	v4 =	vld [tilespmem:$0x1E3B0];
	_ =	sdelay $0x4  }
0x665: {  	v20 =	vsel vm1, v29, v4;
	v4 =	vld [tilespmem:$0x1E3C0];
	_ =	sdelay $0x4  }
0x666: {  	vm1 =	vnez.u8 v4;
	v4 =	vld [tilespmem:$0x1E3D0];
	_ =	sdelay $0x3  }
0x667: {  	v55 =	vmov v12  }
0x668: {  	[tilespmem:$0x1E4C0] =	vst v24;
	v24 =	vsel vm1, v55, v4;
	v4 =	vld [tilespmem:$0x1E3E0];
	_ =	sdelay $0x2  }
0x669: {  	[tilespmem:$0x1E400] =	vst v60;
	v21 =	vshll.u32 v46, $0x10;
	v60 =	vshll.u32 v30, $0x10  }
0x66a: {  	[tilespmem:$0x1E3F0] =	vst v54;
	vm0 =	vgt.s32 v21, v60;
	v27 =	vld [tilespmem:$0x1E400]  }
0x66b: {  	v21 =	vsel vm0, v21, v60;
	vm0 =	vnez.u8 v4;
	v4 =	vld [tilespmem:$0x1E3F0];
	_ =	sdelay $0x3  }
0x66c: {  	v19 =	vld [tilespmem:$0x1E020]  }
0x66d: {  	v34 =	vsel vm0, v27, v4;
	v4 =	vld [tilespmem:$0x1E410]  }
0x66e: {  	[tilespmem:$0x1E450] =	vst v0;
	v0 =	vld [tilespmem:$0x1E030]  }
0x66f: {  	v2 =	vld [tilespmem:$0x1E000]  }
0x670: {  	v14 =	vld [tilespmem:$0x1DFC0]  }
0x671: {  	v12 =	vld [tilespmem:$0x1DFD0]  }
0x672: {  	v53 =	vshll.u32 v35, $0x10;
	v59 =	vshll.u32 v43, $0x10;
	vm0 =	vnez.u8 v4;
	v4 =	vld [tilespmem:$0x1E420]  }
0x673: {  	[tilespmem:$0x1E470] =	vst v56;
	vm11 =	vgt.s32 v59, v53;
	v54 =	vld [tilespmem:$0x1E050];
	vm6 =	vgt.s32 v19, v0  }
0x674: {  	v47 =	vsel vm11, v59, v53;
	v53 =	vsel vm5, v1, v57;
	v57 =	vsel vm6, v19, v0;
	v0 =	vld [tilespmem:$0x1E470]  }
0x675: {  	v13 =	vld [tilespmem:$0x1DFF0]  }
0x676: {  	v15 =	vld [tilespmem:$0x1E060]  }
0x677: {  	v58 =	vsel vm0, v26, v17;
	vm0 =	vnez.u8 v4;
	v4 =	vld [tilespmem:$0x1E430]  }
0x678: {  	vm2 =	vgt.s32 v14, v12;
	vm8 =	vgt.s32 v54, v56;
	v1 =	vld [tilespmem:$0x1E490]  }
0x679: {  	v59 =	vsel vm2, v14, v12;
	v14 =	vsel vm8, v54, v0;
	v0 =	vld [tilespmem:$0x1E480];
	_ =	sdelay $0x2  }
0x67a: {  	v17 =	vsel vm0, v4, v25;
	v4 =	vld [tilespmem:$0x1E440]  }
0x67b: {  	[tilespmem:$0x1E4B0] =	vst v61;
	v3 =	vld [tilespmem:$0x1E040];
	vm4 =	vgt.s32 v13, v2;
	vm9 =	vgt.s32 v15, v41  }
0x67c: {  	v56 =	vsel vm4, v13, v2;
	v13 =	vsel vm9, v15, v41;
	v15 =	vmovc v17;
	v17 =	vsel vm10, v1, v0;
	v0 =	vld [tilespmem:$0x1E4A0]  }
0x67d: {  	v1 =	vld [tilespmem:$0x1E4B0];
	_ =	sdelay $0x1  }
0x67e: {  	vm0 =	vnez.u8 v4;
	v4 =	vld [tilespmem:$0x1E450];
	_ =	sdelay $0x1  }
0x67f: {  	vm7 =	vgt.s32 v3, v45  }
0x680: {  	v12 =	vsel vm7, v3, v45;
	v45 =	vsel vm12, v1, v0;
	v0 =	vld [tilespmem:$0x1E4C0]  }
0x681: {  	v1 =	vld [tilespmem:$0x1E4D0]  }
0x682: {  	v9 =	vsel vm0, v23, v9;
	vm0 =	vnez.u8 v4;
	v4 =	vld [tilespmem:$0x1E460];
	_ =	sdelay $0x4  }
0x683: {  	v61 =	vsel vm3, v18, v4;
	v18 =	vsel vm13, v1, v0;
	v0 =	vld [tilespmem:$0x1E4E0]  }
0x684: {  	v1 =	vld [tilespmem:$0x1E4F0];
	_ =	sdelay $0x4  }
0x685: {  	v4 =	vmov v21;
	v21 =	vsel vm14, v1, v0;
	v0 =	vld [tilespmem:$0x1E500];
	_ =	sdelay $0x4  }
0x686: {  	v55 =	vsel vm0, v22, v11;
	v11 =	vmov v24;
	v24 =	vsel vm15, v31, v0;
	v0 =	vld [tilespmem:$0x1E510];
	_ =	sdelay $0x3  }
0x687: {  	v1 =	vld [tilespmem:$0x1E530]  }
0x688: {  	vm0 =	vnez.u8 v0;
	v0 =	vld [tilespmem:$0x1E520];
	_ =	sdelay $0x4  }
0x689: {  	v29 =	vsel vm0, v1, v0;
	v0 =	vld [tilespmem:$0x1E540];
	_ =	sdelay $0x4  }
0x68a: {  	vm0 =	vnez.u8 v0;
	v0 =	vld [tilespmem:$0x1E550];
	_ =	sdelay $0x4  }
0x68b: {  	v31 =	vsel vm0, v0, v62;
	v0 =	vld [tilespmem:$0x1E560]  }
0x68c: {  	v19 =	vld [tilespmem:$0x1E570];
	_ =	sdelay $0x2  }
0x68d: {  	vm4 =	vgt.s32 v37, v36  }
0x68e: {  	vm5 =	vgt.s32 v40, v6;
	vm11 =	vgt.s32 v53, v57;
	vm0 =	vnez.u8 v0  }
0x68f: {  	vm7 =	vgt.s32 v19, v5;
	v60 =	vmovc v10;
	v26 =	vsel vm0, v43, v35;
	v43 =	vmov v9  }
0x690: {  	v2 =	vmovc v37;
	vm15 =	vgt.s32 v60, v16;
	v1 =	vmovc v16;
	v16 =	vimm.s32 $0x0;
	vm6 =	vgt.s32 v15, v43  }
0x691: {  	v37 =	vmovc v38;
	v3 =	vmovc v36;
	v0 =	vimm.s32 $0x0;
	vm0 =	vgt.s32 v50, v49;
	v16 =	vsel vm6, $0xFFFFFFFF, v16  }
0x692: {  	v27 =	vmovc v7;
	v7 =	vmovc v44;
	v0 =	vsel vm0, $0xFFFFFFFF, v0;
	vm6 =	vgt.s32 v55, v59;
	[tilespmem:$0x1E6F0] =	vst v16;
	v16 =	vimm.s32 $0x0  }
0x693: {  	v36 =	vsel vm7, v19, v5;
	v38 =	vmovc v34;
	vm2 =	vgt.s32 v7, v27;
	[tilespmem:$0x1E590] =	vst v0;
	v16 =	vsel vm6, $0xFFFFFFFF, v16  }
0x694: {  	vm9 =	vgt.s32 v38, v58;
	vm8 =	vgt.s32 v20, v11;
	v0 =	vld [tilespmem:$0x1E580];
	[tilespmem:$0x1E700] =	vst v16;
	v16 =	vimm.s32 $0x0  }
0x695: {  	vm3 =	vgt.s32 v42, v51;
	vm13 =	vgt.s32 v32, v37;
	v16 =	vsel vm11, $0xFFFFFFFF, v16  }
0x696: {  	vm10 =	vgt.s32 v47, v4;
	v5 =	vld [tilespmem:$0x1E590];
	vm11 =	vgt.s32 v12, v14;
	[tilespmem:$0x1E710] =	vst v16;
	v16 =	vimm.s32 $0x0  }
0x697: {  	p0 =	slt.u32 s29, $0x3C;
	vm14 =	vgt.s32 v52, v39;
	vm12 =	vgt.s32 v29, v31;
	v35 =	vmovc v33;
	v16 =	vsel vm11, $0xFFFFFFFF, v16  }
.Ltmp6:
0x698: {  	v10 =	vmovc v51;
	v44 =	vmovc v39;
	vm1 =	vgt.s32 v35, v48;
	vm11 =	vgt.s32 v13, v17;
	[tilespmem:$0x1E720] =	vst v16;
	v16 =	vimm.s32 $0x0;
	(pc) =	sbr.rel @p0 .LBB2_13-.Ltmp6, $4  }
0x699: {  	v34 =	vmovc v40;
	v40 =	vmovc v48;
	vm6 =	vgt.s32 v61, v56;
	vm0 =	vnez.u8 v0;
	v16 =	vsel vm11, $0xFFFFFFFF, v16  }
0x69a: {  	v51 =	vmovc v52;
	v62 =	vmovc v20;
	v33 =	vsel vm0, v46, v30;
	vm11 =	vgt.s32 v45, v18;
	[tilespmem:$0x1E730] =	vst v16;
	v16 =	vimm.s32 $0x0  }
0x69b: {  	v9 =	vmovc v63;
	v0 =	vmovc v42;
	vm0 =	vgt.s32 v8, v63;
	vm7 =	vnez.u8 v5;
	v16 =	vsel vm11, $0xFFFFFFFF, v16  }
0x69c: {  	s12 =	sor.u32 s14, s31;
	s0 =	sor.u32 s24, s31;
	s1 =	sor.u32 s8, s31;
	v39 =	vsel vm7, v50, v49;
	vm7 =	vgt.s32 v26, v33;
	vm11 =	vgt.s32 v21, v24;
	[tilespmem:$0x1E740] =	vst v16  }
0x69d: {  	v0 =	vsel vm3, v0, v10;
	v3 =	vsel vm4, v2, v3;
	v6 =	vsel vm5, v34, v6  }
0x69e: {  	v8 =	vsel vm0, v8, v9;
	v35 =	vsel vm1, v35, v40;
	v19 =	vsel vm2, v7, v27  }
0x69f: {  	v20 =	vsel vm13, v32, v37;
	v22 =	vsel vm14, v51, v44;
	v23 =	vsel vm15, v60, v1;
	v41 =	vld [tilespmem:$0x1E6F0]  }
0x6a0: {  	v37 =	vsel vm8, v62, v11;
	v38 =	vsel vm9, v38, v58;
	v40 =	vsel vm10, v47, v4;
	v42 =	vld [tilespmem:$0x1E700]  }
0x6a1: {  	v5 =	vsel vm6, v61, v56;
	v44 =	vld [tilespmem:$0x1E720];
	v48 =	vsel vm11, v21, v24;
	v49 =	vsel vm12, v29, v31  }
0x6a2: {  	v46 =	vld [tilespmem:$0x1E730];
	vm10 =	vgt.s32 v36, v39;
	v16 =	vsel vm7, v26, v33;
	vm11 =	vgt.s32 v0, v3  }
0x6a3: {  	v47 =	vld [tilespmem:$0x1E740];
	v50 =	vsel vm10, v36, v39;
	vm12 =	vgt.s32 v6, v8;
	vm13 =	vgt.s32 v35, v19  }
0x6a4: {  	v0 =	vsel vm11, v0, v3;
	v51 =	vsel vm12, v6, v8;
	v52 =	vsel vm13, v35, v19  }
0x6a5: {  	vm14 =	vgt.s32 v20, v22;
	vm10 =	vgt.s32 v50, v0;
	vm11 =	vgt.s32 v51, v52  }
0x6a6: {  	v0 =	vsel vm10, v50, v0;
	v3 =	vsel vm11, v51, v52;
	vm15 =	vnez.u8 v41  }
0x6a7: {  	vm4 =	vnez.u8 v42;
	vm6 =	vnez.u8 v44;
	vm8 =	vnez.u8 v46  }
0x6a8: {  	vm9 =	vnez.u8 v47;
	v0 =	vshrl.u32 v0, $0x10;
	v25 =	vsel vm15, v15, v43;
	v43 =	vld [tilespmem:$0x1E710]  }
0x6a9: {  	v4 =	vsel vm4, v55, v59;
	v11 =	vsel vm6, v12, v14;
	v12 =	vsel vm8, v13, v17  }
0x6aa: {  	v13 =	vsel vm9, v45, v18;
	vm15 =	vgt.s32 v37, v38;
	vm4 =	vgt.s32 v25, v4  }
0x6ab: {  	vm9 =	vgt.s32 v49, v16;
	v1 =	vsel vm15, v37, v38;
	v54 =	vsel vm4, v25, v4  }
0x6ac: {  	vm7 =	vgt.s32 v11, v12;
	vm8 =	vgt.s32 v13, v48;
	vm12 =	vgt.s32 v1, v54  }
0x6ad: {  	v58 =	vsel vm9, v49, v16;
	v1 =	vsel vm12, v1, v54;
	vm5 =	vnez.u8 v43  }
0x6ae: {  	v56 =	vsel vm7, v11, v12;
	v1 =	vand.u32 $0xFFFF0000, v1;
	v7 =	vsel vm5, v53, v57  }
0x6af: {  	v53 =	vsel vm14, v20, v22;
	vm5 =	vgt.s32 v23, v40;
	v57 =	vsel vm8, v13, v48  }
0x6b0: {  	v0 =	vor.u32 v1, v0;
	vm6 =	vgt.s32 v5, v7;
	v55 =	vsel vm5, v23, v40  }
0x6b1: {  	s25 =	sadd.s32 $0x1, s25;
	vm15 =	vgt.s32 v57, v58;
	v5 =	vsel vm6, v5, v7;
	vm14 =	vgt.s32 v53, v55  }
0x6b2: {  	p0 =	sne.s32 s25, $0x8;
	v60 =	vsel vm15, v57, v58;
	vm13 =	vgt.s32 v5, v56;
	v4 =	vsel vm14, v53, v55  }
.Ltmp7:
0x6b3: {  	v62 =	vand.u32 $0xFFFF0000, v60;
	v59 =	vsel vm13, v5, v56;
	v61 =	vshrl.u32 v4, $0x10;
	(pc) =	sbr.rel @p0 .LBB2_2-.Ltmp7, $4  }
0x6b4: {  	v3 =	vshrl.u32 v3, $0x10;
	[tilespmem:s12+$0x0] =	vst v0;
	v2 =	vand.u32 $0xFFFF0000, v59;
	v63 =	vor.u32 v62, v61  }
0x6b5: {  	v2 =	vor.u32 v2, v3;
	[tilespmem:s1+$0x0] =	vst v63  }
0x6b6: {  	s31 =	sadd.s32 s26, s7;
	[tilespmem:s0+$0x0] =	vst v2  }
0x6b7: {  	[hbm4b:s31+s3] =	stream.linear.scatter [tilespmem:s20], [sflag:$0x6], $0x400, $0x38;
	[tilespmem:$0x11800] =	vst v63  }
0x6b8: {  	_ =	swait.ge [sflag:s22], $0x400  }
0x6b9: {  	[sflag:s22] =	ssyncset.done $0x0  }
0x6ba: {  	[sflag:s22] =	ssyncadd.s32 $0xFFFFFC00  }
0x6bb: {  	_ =	swait.ge [sflag:s19], $0x400  }
0x6bc: {  	s1 =	rddreg [dreg:$0x5]  }
0x6bd: {  	s0 =	rddreg [dreg:$0x4];
	s1 =	sadd.s32 $0x1, s1  }
0x6be: {  	p0 =	sne.s32 s1, s0  }
.Ltmp8:
0x6bf: {  	_ = 	snop;
	(pc) =	sbr.rel @p0 .LBB2_1-.Ltmp8, $3  }
0x6c0: {  	_ =	sdelay $0x1  }
0x6c1: {  	[sflag:s19] =	ssyncset.done $0x0  }
0x6c2: {  	[sflag:s19] =	ssyncadd.s32 $0xFFFFFC00  }
0x6c3: {  	_ =	sfence.sel $0x180000  }
0x6c4: {  	[bflag:$0x0] =	sbarrier.arrive $0xFFFF  }
0x6c5: {  	_ =	strace $0x90000047  }
0x6c6: {  	s0 =	stileid.u32;
	[bflag:$0x2] =	sbarrier.arrive $0xFFFF  }
0x6c7: {  	p0 =	sne.s32 s0, $0x0;
	s0 =	rddreg [dreg:$0x2]  }
0x6c8: {  	s0 =	sadd.s32 @!p0 $0x100000, s0  }
0x6c9: {  	[sflag:s0] =	ssyncadd.tile.s32 @!p0 $0x1;
	_ =	shalt  }
.Lfunc_end2:
_tile_overlayer_lowered:
.L_overlay_start_2:
0x6ca: {  	(tag) =	ssettag $0x2  }
0x6cb: {  	s0 =	rddreg [dreg:$0x0];
	s2 =	stileid.u32  }
0x6cc: {  	s1 =	rddreg [dreg:$0x1];
	p0 =	sne.s32 s2, $0x0  }
0x6cd: {  	s3 =	rddreg [dreg:$0x2];
	[bflag:$0x3] =	sbarrier.arrive $0xFFFF;
	s2 =	simm.s32 @!p0 $0x1C07  }
0x6ce: {  	[timem:s3], [sflag:s2] =	dma.local @!p0 [hbm:s0], s1  }
0x6cf: {  	s0 =	simm.s32 @!p0 $0x7  }
0x6d0: {  	_ =	swait.ge @!p0 [sflag:s0], s1  }
0x6d1: {  	s1 =	ssub.s32 @!p0 $0x0, s1;
	[sflag:s0] =	ssyncset.done @!p0 $0x0  }
0x6d2: {  	[sflag:s0] =	ssyncadd.s32 @!p0 s1  }
0x6d3: {  	[bflag:$0x3] =	sbarrier.arrive $0xFFFF  }
0x6d4: {  	_ =	shalt  }

</sc_bundles>
